<compile_context>
chip_gen: v7x
topology: tpu7x:2x2x1
jax: 0.10.2.dev20260603
libtpu: 0.0.44.dev20260713+nightly
codegen_flags: <defaults>
</compile_context>

<pallas_src>
import functools

import jax
import jax.numpy as jnp
from jax import lax
from jax.experimental import pallas as pl
from jax.experimental.pallas import tpu as pltpu
from jax.experimental.pallas import tpu_sc as plsc

E = 64
TOPK = 2
D = 1024
FF = 768
CAP = 16
ALPHA = 1.702
LIMIT = 7.0
T = 128

NC = 1
NS = 16
L = 16
NW = NC * NS
TPW = T // NW


def _sc_routing(logits_hbm, table_hbm, logits_v, out_v, cnt_v, all_v, shared):
    wid = lax.axis_index("s") * NC + lax.axis_index("c")
    base = wid * TPW
    pltpu.sync_copy(logits_hbm.at[pl.ds(base, TPW)], logits_v)

    def bmaxf(x):
        return jnp.full((L,), plsc.cummax(x)[L - 1], jnp.float32)

    def bsumf(x):
        return jnp.full((L,), plsc.cumsum(x)[L - 1], jnp.float32)

    def bmini(x):
        return jnp.full((L,), -plsc.cummax(-x)[L - 1], jnp.int32)

    iotas = [lax.iota(jnp.int32, L) + L * j for j in range(E // L)]
    cnts = [jnp.zeros((L,), jnp.float32) for _ in range(E // L)]
    results = []
    for t in range(TPW):
        ls = [logits_v[t, pl.ds(L * j, L)] for j in range(E // L)]
        w1 = bmaxf(jnp.maximum(jnp.maximum(ls[0], ls[1]),
                               jnp.maximum(ls[2], ls[3])))
        c1 = [jnp.where(ls[j] >= w1, iotas[j], E) for j in range(4)]
        i1 = bmini(jnp.minimum(jnp.minimum(c1[0], c1[1]),
                               jnp.minimum(c1[2], c1[3])))
        ls2 = [jnp.where(iotas[j] == i1, -1e30, ls[j]) for j in range(4)]
        w2 = bmaxf(jnp.maximum(jnp.maximum(ls2[0], ls2[1]),
                               jnp.maximum(ls2[2], ls2[3])))
        c2 = [jnp.where(ls2[j] >= w2, iotas[j], E) for j in range(4)]
        i2 = bmini(jnp.minimum(jnp.minimum(c2[0], c2[1]),
                               jnp.minimum(c2[2], c2[3])))
        w1n = 1.0 / (1.0 + jnp.exp(w2 - w1))
        m1 = jnp.where(iotas[0] == i1, cnts[0], 0.0)
        for j in range(1, 4):
            m1 = m1 + jnp.where(iotas[j] == i1, cnts[j], 0.0)
        lpos1 = bsumf(m1)
        cnts = [cnts[j] + (iotas[j] == i1).astype(jnp.float32)
                for j in range(4)]
        m2 = jnp.where(iotas[0] == i2, cnts[0], 0.0)
        for j in range(1, 4):
            m2 = m2 + jnp.where(iotas[j] == i2, cnts[j], 0.0)
        lpos2 = bsumf(m2)
        cnts = [cnts[j] + (iotas[j] == i2).astype(jnp.float32)
                for j in range(4)]
        results.append((i1, i2, lpos1, lpos2, w1n))

    for j in range(4):
        cnt_v[pl.ds(L * j, L)] = cnts[j]
    pltpu.sync_copy(cnt_v, shared.at[pl.ds(wid * E, E)])
    plsc.subcore_barrier()
    pltpu.sync_copy(shared, all_v)
    pre = [jnp.zeros((L,), jnp.float32) for _ in range(4)]
    for w in range(NW):
        scale = (w < wid).astype(jnp.float32)
        for j in range(4):
            pre[j] = pre[j] + all_v[pl.ds(w * E + L * j, L)] * scale

    lane = lax.iota(jnp.int32, L)
    for t in range(TPW):
        i1, i2, lpos1, lpos2, w1n = results[t]
        g1 = jnp.where(iotas[0] == i1, pre[0], 0.0)
        g2 = jnp.where(iotas[0] == i2, pre[0], 0.0)
        for j in range(1, 4):
            g1 = g1 + jnp.where(iotas[j] == i1, pre[j], 0.0)
            g2 = g2 + jnp.where(iotas[j] == i2, pre[j], 0.0)
        p1 = lpos1 + bsumf(g1)
        p2 = lpos2 + bsumf(g2)
        p1 = jnp.where(p1 < CAP, p1, 255.0)
        p2 = jnp.where(p2 < CAP, p2, 255.0)
        vals = [i1.astype(jnp.float32), i2.astype(jnp.float32),
                p1, p2, w1n, 1.0 - w1n]
        row = jnp.zeros((L,), jnp.float32)
        for k, v in enumerate(vals):
            row = jnp.where(lane == k, v, row)
        out_v[t, :] = row
    pltpu.sync_copy(out_v, table_hbm.at[pl.ds(base, TPW)])


def _route_table(router_logits):
    return pl.kernel(
        _sc_routing,
        out_type=jax.ShapeDtypeStruct((T, L), jnp.float32),
        mesh=plsc.VectorSubcoreMesh(core_axis_name="c", subcore_axis_name="s",
                                    num_cores=NC),
        compiler_params=pltpu.CompilerParams(needs_layout_passes=False),
        scratch_types=[
            pltpu.VMEM((TPW, E), jnp.float32),
            pltpu.VMEM((TPW, L), jnp.float32),
            pltpu.VMEM((E,), jnp.float32),
            pltpu.VMEM((NW * E,), jnp.float32),
            pltpu.VMEM_SHARED((NW * E,), jnp.float32),
        ],
    )(router_logits)


def _moe_kernel(hid_ref, tab_ref, gu_ref, dp_ref, out_ref):
    e = pl.program_id(0)
    ef = e.astype(jnp.float32)
    i1f = tab_ref[:, 0:1]
    i2f = tab_ref[:, 1:2]
    pos1f = tab_ref[:, 2:3]
    pos2f = tab_ref[:, 3:4]
    w1f = tab_ref[:, 4:5]
    w2f = tab_ref[:, 5:6]
    capcol = jax.lax.broadcasted_iota(jnp.int32, (T, CAP), 1).astype(jnp.float32)
    sel1 = ((i1f == ef) & (pos1f == capcol)).astype(jnp.float32)
    sel2 = ((i2f == ef) & (pos2f == capcol)).astype(jnp.float32)
    sel = sel1 + sel2
    selw = sel1 * w1f + sel2 * w2f

    hid = hid_ref[...]
    xe = jax.lax.dot_general(sel, hid, (((0,), (0,)), ((), ())),
                             preferred_element_type=jnp.float32)
    gu = jnp.dot(xe.astype(jnp.bfloat16), gu_ref[0].astype(jnp.bfloat16),
                 preferred_element_type=jnp.float32)
    gate = jnp.minimum(gu[:, :FF], LIMIT)
    up = jnp.clip(gu[:, FF:], -LIMIT, LIMIT)
    glu = gate * jax.nn.sigmoid(gate * ALPHA)
    act = (up + 1.0) * glu
    out_b = jnp.dot(act.astype(jnp.bfloat16), dp_ref[0].astype(jnp.bfloat16),
                    preferred_element_type=jnp.float32)
    contrib = jnp.dot(selw, out_b, preferred_element_type=jnp.float32)

    @pl.when(e == 0)
    def _init():
        out_ref[...] = contrib

    @pl.when(e > 0)
    def _acc():
        out_ref[...] += contrib


def kernel(hidden_states, router_logits, gate_up_proj, down_proj):
    table = _route_table(router_logits)
    return pl.pallas_call(
        _moe_kernel,
        grid=(E,),
        in_specs=[
            pl.BlockSpec((T, D), lambda e: (0, 0)),
            pl.BlockSpec((T, L), lambda e: (0, 0)),
            pl.BlockSpec((1, D, 2 * FF), lambda e: (e, 0, 0)),
            pl.BlockSpec((1, FF, D), lambda e: (e, 0, 0)),
        ],
        out_specs=pl.BlockSpec((T, D), lambda e: (0, 0)),
        out_shape=jax.ShapeDtypeStruct((T, D), jnp.float32),
        compiler_params=pltpu.CompilerParams(
            dimension_semantics=("arbitrary",),
        ),
    )(hidden_states, table, gate_up_proj, down_proj)

# --- scband reference (transcript-rebuilt; emitter-appended) ---
"""Pipeline reference for scband-fused-mo-eadapter-44220983280318 (READ-ONLY COPY).

The authoritative reference and input builder live on the scoring server;
editing this copy changes nothing except your own understanding.
"""

import jax, jax.numpy as jnp
import numpy as np

E = 64
TOPK = 2
D = 1024
FF = 768
CAP = 16  # expert capacity; avg load = 128*2/64 = 4 tokens/expert
ALPHA = 1.702
LIMIT = 7.0


def setup_inputs(seed: int = 0) -> dict:
    key = jax.random.key(seed)
    k1, k2, k3, k4 = jax.random.split(key, 4)
    hidden_states = jax.random.normal(k1, (128, D), dtype=jnp.float32)
    router_logits = jax.random.normal(k2, (128, E), dtype=jnp.float32)
    gate_up_proj = jax.random.normal(k3, (E, D, 2 * FF), dtype=jnp.float32) * 0.02
    down_proj = jax.random.normal(k4, (E, FF, D), dtype=jnp.float32) * 0.02
    return {
        "hidden_states": hidden_states,
        "router_logits": router_logits,
        "gate_up_proj": gate_up_proj,
        "down_proj": down_proj,
    }


def reference(hidden_states, router_logits, gate_up_proj, down_proj):
    T = hidden_states.shape[0]
    # --- router: softmax -> top-k -> renormalize (vLLM FusedMoE semantics) ---
    probs = jax.nn.softmax(router_logits.astype(jnp.float32), axis=-1)
    topw, topi = jax.lax.top_k(probs, TOPK)                      # [T, K]
    topw = topw / jnp.sum(topw, axis=-1, keepdims=True)
    flat_e = topi.reshape(-1)                                    # [T*K] int
    flat_w = topw.reshape(-1)                                    # [T*K]
    token_idx = jnp.repeat(jnp.arange(T), TOPK)                  # [T*K]
    # --- capacity-based dispatch (fused MoE style) ---
    onehot = jax.nn.one_hot(flat_e, E, dtype=jnp.int32)          # [A, E]
    pos = jnp.sum(jnp.cumsum(onehot, axis=0) * onehot - onehot, axis=-1)  # [A]
    keep = pos < CAP
    keepf = keep.astype(jnp.float32)
    slot = jnp.where(keep, flat_e * CAP + pos, E * CAP)          # overflow row at end
    buf = jnp.zeros((E * CAP + 1, D), dtype=hidden_states.dtype)
    buf = buf.at[slot].add(hidden_states[token_idx] * keepf[:, None])
    xe = buf[: E * CAP].reshape(E, CAP, D)                       # [E, C, D]
    # --- expert MLP: clamped gated SwiGLU (alpha=1.702, limit=7.0) ---
    gu = jnp.einsum("ecd,edf->ecf", xe, gate_up_proj)            # [E, C, 2*FF]
    gate = jnp.minimum(gu[..., :FF], LIMIT)
    up = jnp.maximum(jnp.minimum(gu[..., FF:], LIMIT), -LIMIT)
    glu = gate * jax.nn.sigmoid(gate * ALPHA)
    act = (up + 1.0) * glu                                        # [E, C, FF]
    out_e = jnp.einsum("ecf,efd->ecd", act, down_proj).reshape(E * CAP, D)
    # --- combine: gather back to tokens, weight, scatter-add ---
    gidx = jnp.where(keep, flat_e * CAP + pos, 0)
    gathered = out_e[gidx] * keepf[:, None]                      # [A, D]
    combined = jnp.zeros((T, D), dtype=hidden_states.dtype)
    combined = combined.at[token_idx].add(gathered * flat_w[:, None])
    return combined


if False:  # reference __main__ guard neutralized (emitter)
    out = reference(**setup_inputs())
    print(out.shape, out.dtype)

if __name__ == "__main__":
    import jax
    _d = setup_inputs()
    print(jax.jit(kernel)(*tuple(_d.values())))

</pallas_src>

<mosaic_0001>
#map = affine_map<(d0, d1) -> (0, 0)>
module attributes {stable_mosaic.version = 14 : i64} {
  func.func @_sc_routing(%arg0: i32, %arg1: i32, %arg2: memref<128x64xf32, #tpu.memory_space<hbm>>, %arg3: memref<128x16xf32, #tpu.memory_space<hbm>>, %arg4: memref<8x64xf32, #tpu.memory_space<vmem>>, %arg5: memref<8x16xf32, #tpu.memory_space<vmem>>, %arg6: memref<64xf32, #tpu.memory_space<vmem>>, %arg7: memref<1024xf32, #tpu.memory_space<vmem>>, %arg8: memref<1024xf32, #tpu.memory_space<vmem_shared>>) attributes {dimension_semantics = [#tpu.dimension_semantics<core_parallel>, #tpu.dimension_semantics<subcore_parallel>], iteration_bounds = array<i64: 1, 16>, scalar_prefetch = 0 : i64, scratch_operands = 5 : i64, tpu.core_type = #tpu.core_type<sc_vector_subcore>, window_params = [{transform_indices = #map}, {transform_indices = #map}]} {
    %mul3A = arith.constant 1 : i32
    %mul3A_0 = arith.muli %arg1, %mul3A : i32
    %add3A = arith.addi %mul3A_0, %arg0 : i32
    %mul3A_1 = arith.constant 8 : i32
    %mul3A_2 = arith.muli %add3A, %mul3A_1 : i32
    "tpu.region"() ({
      %run_scoped3A = tpu.sem_alloc : memref<!tpu.dma_semaphore, #tpu.memory_space<semaphore_mem>>
      %dma_start3A = arith.constant 0 : i32
      %dma_start3A_2865 = tpu.memref_slice %arg2[%mul3A_2, %dma_start3A] : memref<128x64xf32, #tpu.memory_space<hbm>> -> memref<8x64xf32, #tpu.memory_space<hbm>>
      %dma_start3A_2866 = arith.constant 0 : i32
      %dma_start3A_2867 = tpu.memref_slice %arg2[%mul3A_2, %dma_start3A_2866] : memref<128x64xf32, #tpu.memory_space<hbm>> -> memref<8x64xf32, #tpu.memory_space<hbm>>
      tpu.enqueue_dma source(%dma_start3A_2867 : memref<8x64xf32, #tpu.memory_space<hbm>>) target(%arg4 : memref<8x64xf32, #tpu.memory_space<vmem>>) target_semaphore(%run_scoped3A : memref<!tpu.dma_semaphore, #tpu.memory_space<semaphore_mem>>)
      %dma_wait3A = arith.constant 0 : i32
      %dma_wait3A_2868 = tpu.memref_slice %arg2[%mul3A_2, %dma_wait3A] : memref<128x64xf32, #tpu.memory_space<hbm>> -> memref<8x64xf32, #tpu.memory_space<hbm>>
      %dma_wait3A_2869 = arith.constant 0 : i32
      %dma_wait3A_2870 = tpu.memref_slice %arg2[%mul3A_2, %dma_wait3A_2869] : memref<128x64xf32, #tpu.memory_space<hbm>> -> memref<8x64xf32, #tpu.memory_space<hbm>>
      tpu.wait_dma2 semaphore(%run_scoped3A : memref<!tpu.dma_semaphore, #tpu.memory_space<semaphore_mem>>) src(%dma_wait3A_2870 : memref<8x64xf32, #tpu.memory_space<hbm>>) dst(%arg4 : memref<8x64xf32, #tpu.memory_space<vmem>>)
      tpu.yield
    }) : () -> ()
    %iota3A = tpu.iota {dimensions = array<i32: 0>} : vector<16xi32>
    %add3A_3 = arith.constant 0 : i32
    %add3A_4 = vector.broadcast %add3A_3 : i32 to vector<16xi32>
    %add3A_5 = arith.addi %iota3A, %add3A_4 : vector<16xi32>
    %iota3A_6 = tpu.iota {dimensions = array<i32: 0>} : vector<16xi32>
    %add3A_7 = arith.constant 16 : i32
    %add3A_8 = vector.broadcast %add3A_7 : i32 to vector<16xi32>
    %add3A_9 = arith.addi %iota3A_6, %add3A_8 : vector<16xi32>
    %iota3A_10 = tpu.iota {dimensions = array<i32: 0>} : vector<16xi32>
    %add3A_11 = arith.constant 32 : i32
    %add3A_12 = vector.broadcast %add3A_11 : i32 to vector<16xi32>
    %add3A_13 = arith.addi %iota3A_10, %add3A_12 : vector<16xi32>
    %iota3A_14 = tpu.iota {dimensions = array<i32: 0>} : vector<16xi32>
    %add3A_15 = arith.constant 48 : i32
    %add3A_16 = vector.broadcast %add3A_15 : i32 to vector<16xi32>
    %add3A_17 = arith.addi %iota3A_14, %add3A_16 : vector<16xi32>
    %broadcast_in_dim3A = arith.constant 0.000000e+00 : f32
    %broadcast_in_dim3A_18 = vector.broadcast %broadcast_in_dim3A : f32 to vector<16xf32>
    %broadcast_in_dim3A_19 = arith.constant 0.000000e+00 : f32
    %broadcast_in_dim3A_20 = vector.broadcast %broadcast_in_dim3A_19 : f32 to vector<16xf32>
    %broadcast_in_dim3A_21 = arith.constant 0.000000e+00 : f32
    %broadcast_in_dim3A_22 = vector.broadcast %broadcast_in_dim3A_21 : f32 to vector<16xf32>
    %broadcast_in_dim3A_23 = arith.constant 0.000000e+00 : f32
    %broadcast_in_dim3A_24 = vector.broadcast %broadcast_in_dim3A_23 : f32 to vector<16xf32>
    %get3A = arith.constant 0 : i32
    %get3A_25 = arith.index_cast %get3A : i32 to index
    %get3A_26 = arith.constant 0 : index
    %get3A_27 = tpu.vector_load %arg4[%get3A_25, %get3A_26] {strides = array<i32>} : memref<8x64xf32, #tpu.memory_space<vmem>>, vector<16xf32>,
    %get3A_28 = arith.constant 0 : i32
    %get3A_29 = arith.index_cast %get3A_28 : i32 to index
    %get3A_30 = arith.constant 16 : index
    %get3A_31 = tpu.vector_load %arg4[%get3A_29, %get3A_30] {strides = array<i32>} : memref<8x64xf32, #tpu.memory_space<vmem>>, vector<16xf32>,
    %get3A_32 = arith.constant 0 : i32
    %get3A_33 = arith.index_cast %get3A_32 : i32 to index
    %get3A_34 = arith.constant 32 : index
    %get3A_35 = tpu.vector_load %arg4[%get3A_33, %get3A_34] {strides = array<i32>} : memref<8x64xf32, #tpu.memory_space<vmem>>, vector<16xf32>,
    %get3A_36 = arith.constant 0 : i32
    %get3A_37 = arith.index_cast %get3A_36 : i32 to index
    %get3A_38 = arith.constant 48 : index
    %get3A_39 = tpu.vector_load %arg4[%get3A_37, %get3A_38] {strides = array<i32>} : memref<8x64xf32, #tpu.memory_space<vmem>>, vector<16xf32>,
    %max3A = arith.maximumf %get3A_27, %get3A_31 : vector<16xf32>
    %max3A_40 = arith.maximumf %get3A_35, %get3A_39 : vector<16xf32>
    %max3A_41 = arith.maximumf %max3A, %max3A_40 : vector<16xf32>
    %broadcast_in_dim3A_42 = arith.constant true
    %broadcast_in_dim3A_43 = vector.broadcast %broadcast_in_dim3A_42 : i1 to vector<16xi1>
    %masked_cummax3A = tpu.scan <max>, %max3A_41 masked %broadcast_in_dim3A_43 : vector<16xf32>, vector<16xi1> -> vector<16xf32>
    %slice3A = vector.extract_strided_slice %masked_cummax3A {offsets = [15], sizes = [1], strides = [1]} : vector<16xf32> to vector<1xf32>
    %squeeze3A = vector.extract %slice3A[0] : f32 from vector<1xf32>
    %broadcast_in_dim3A_44 = vector.broadcast %squeeze3A : f32 to vector<16xf32>
    %ge3A = arith.cmpf oge, %get3A_27, %broadcast_in_dim3A_44 : vector<16xf32>
    %jit3A = arith.constant 64 : i32
    %broadcast_in_dim3A_45 = vector.broadcast %jit3A : i32 to vector<16xi32>
    %select_n3A = arith.select %ge3A, %add3A_5, %broadcast_in_dim3A_45 : vector<16xi1>, vector<16xi32>
    %ge3A_46 = arith.cmpf oge, %get3A_31, %broadcast_in_dim3A_44 : vector<16xf32>
    %jit3A_47 = arith.constant 64 : i32
    %broadcast_in_dim3A_48 = vector.broadcast %jit3A_47 : i32 to vector<16xi32>
    %select_n3A_49 = arith.select %ge3A_46, %add3A_9, %broadcast_in_dim3A_48 : vector<16xi1>, vector<16xi32>
    %ge3A_50 = arith.cmpf oge, %get3A_35, %broadcast_in_dim3A_44 : vector<16xf32>
    %jit3A_51 = arith.constant 64 : i32
    %broadcast_in_dim3A_52 = vector.broadcast %jit3A_51 : i32 to vector<16xi32>
    %select_n3A_53 = arith.select %ge3A_50, %add3A_13, %broadcast_in_dim3A_52 : vector<16xi1>, vector<16xi32>
    %ge3A_54 = arith.cmpf oge, %get3A_39, %broadcast_in_dim3A_44 : vector<16xf32>
    %jit3A_55 = arith.constant 64 : i32
    %broadcast_in_dim3A_56 = vector.broadcast %jit3A_55 : i32 to vector<16xi32>
    %select_n3A_57 = arith.select %ge3A_54, %add3A_17, %broadcast_in_dim3A_56 : vector<16xi1>, vector<16xi32>
    %min3A = arith.minsi %select_n3A, %select_n3A_49 : vector<16xi32>
    %min3A_58 = arith.minsi %select_n3A_53, %select_n3A_57 : vector<16xi32>
    %min3A_59 = arith.minsi %min3A, %min3A_58 : vector<16xi32>
    %neg3A = arith.constant 0 : i32
    %neg3A_60 = vector.broadcast %neg3A : i32 to vector<16xi32>
    %neg3A_61 = arith.subi %neg3A_60, %min3A_59 : vector<16xi32>
    %broadcast_in_dim3A_62 = arith.constant true
    %broadcast_in_dim3A_63 = vector.broadcast %broadcast_in_dim3A_62 : i1 to vector<16xi1>
    %masked_cummax3A_64 = arith.constant -2147483648 : i32
    %masked_cummax3A_65 = vector.broadcast %masked_cummax3A_64 : i32 to vector<16xi32>
    %masked_cummax3A_66 = arith.xori %neg3A_61, %masked_cummax3A_65 : vector<16xi32>
    %masked_cummax3A_67 = tpu.scan <max>, %masked_cummax3A_66 masked %broadcast_in_dim3A_63 : vector<16xi32>, vector<16xi1> -> vector<16xi32>
    %masked_cummax3A_68 = arith.xori %masked_cummax3A_67, %masked_cummax3A_65 : vector<16xi32>
    %slice3A_69 = vector.extract_strided_slice %masked_cummax3A_68 {offsets = [15], sizes = [1], strides = [1]} : vector<16xi32> to vector<1xi32>
    %squeeze3A_70 = vector.extract %slice3A_69[0] : i32 from vector<1xi32>
    %neg3A_71 = arith.constant 0 : i32
    %neg3A_72 = arith.subi %neg3A_71, %squeeze3A_70 : i32
    %broadcast_in_dim3A_73 = vector.broadcast %neg3A_72 : i32 to vector<16xi32>
    %eq3A = arith.cmpi eq, %add3A_5, %broadcast_in_dim3A_73 : vector<16xi32>
    %jit3A_74 = arith.constant -1.000000e+30 : f32
    %broadcast_in_dim3A_75 = vector.broadcast %jit3A_74 : f32 to vector<16xf32>
    %select_n3A_76 = arith.select %eq3A, %broadcast_in_dim3A_75, %get3A_27 : vector<16xi1>, vector<16xf32>
    %eq3A_77 = arith.cmpi eq, %add3A_9, %broadcast_in_dim3A_73 : vector<16xi32>
    %jit3A_78 = arith.constant -1.000000e+30 : f32
    %broadcast_in_dim3A_79 = vector.broadcast %jit3A_78 : f32 to vector<16xf32>
    %select_n3A_80 = arith.select %eq3A_77, %broadcast_in_dim3A_79, %get3A_31 : vector<16xi1>, vector<16xf32>
    %eq3A_81 = arith.cmpi eq, %add3A_13, %broadcast_in_dim3A_73 : vector<16xi32>
    %jit3A_82 = arith.constant -1.000000e+30 : f32
    %broadcast_in_dim3A_83 = vector.broadcast %jit3A_82 : f32 to vector<16xf32>
    %select_n3A_84 = arith.select %eq3A_81, %broadcast_in_dim3A_83, %get3A_35 : vector<16xi1>, vector<16xf32>
    %eq3A_85 = arith.cmpi eq, %add3A_17, %broadcast_in_dim3A_73 : vector<16xi32>
    %jit3A_86 = arith.constant -1.000000e+30 : f32
    %broadcast_in_dim3A_87 = vector.broadcast %jit3A_86 : f32 to vector<16xf32>
    %select_n3A_88 = arith.select %eq3A_85, %broadcast_in_dim3A_87, %get3A_39 : vector<16xi1>, vector<16xf32>
    %max3A_89 = arith.maximumf %select_n3A_76, %select_n3A_80 : vector<16xf32>
    %max3A_90 = arith.maximumf %select_n3A_84, %select_n3A_88 : vector<16xf32>
    %max3A_91 = arith.maximumf %max3A_89, %max3A_90 : vector<16xf32>
    %broadcast_in_dim3A_92 = arith.constant true
    %broadcast_in_dim3A_93 = vector.broadcast %broadcast_in_dim3A_92 : i1 to vector<16xi1>
    %masked_cummax3A_94 = tpu.scan <max>, %max3A_91 masked %broadcast_in_dim3A_93 : vector<16xf32>, vector<16xi1> -> vector<16xf32>
    %slice3A_95 = vector.extract_strided_slice %masked_cummax3A_94 {offsets = [15], sizes = [1], strides = [1]} : vector<16xf32> to vector<1xf32>
    %squeeze3A_96 = vector.extract %slice3A_95[0] : f32 from vector<1xf32>
    %broadcast_in_dim3A_97 = vector.broadcast %squeeze3A_96 : f32 to vector<16xf32>
    %ge3A_98 = arith.cmpf oge, %select_n3A_76, %broadcast_in_dim3A_97 : vector<16xf32>
    %jit3A_99 = arith.constant 64 : i32
    %broadcast_in_dim3A_100 = vector.broadcast %jit3A_99 : i32 to vector<16xi32>
    %select_n3A_101 = arith.select %ge3A_98, %add3A_5, %broadcast_in_dim3A_100 : vector<16xi1>, vector<16xi32>
    %ge3A_102 = arith.cmpf oge, %select_n3A_80, %broadcast_in_dim3A_97 : vector<16xf32>
    %jit3A_103 = arith.constant 64 : i32
    %broadcast_in_dim3A_104 = vector.broadcast %jit3A_103 : i32 to vector<16xi32>
    %select_n3A_105 = arith.select %ge3A_102, %add3A_9, %broadcast_in_dim3A_104 : vector<16xi1>, vector<16xi32>
    %ge3A_106 = arith.cmpf oge, %select_n3A_84, %broadcast_in_dim3A_97 : vector<16xf32>
    %jit3A_107 = arith.constant 64 : i32
    %broadcast_in_dim3A_108 = vector.broadcast %jit3A_107 : i32 to vector<16xi32>
    %select_n3A_109 = arith.select %ge3A_106, %add3A_13, %broadcast_in_dim3A_108 : vector<16xi1>, vector<16xi32>
    %ge3A_110 = arith.cmpf oge, %select_n3A_88, %broadcast_in_dim3A_97 : vector<16xf32>
    %jit3A_111 = arith.constant 64 : i32
    %broadcast_in_dim3A_112 = vector.broadcast %jit3A_111 : i32 to vector<16xi32>
    %select_n3A_113 = arith.select %ge3A_110, %add3A_17, %broadcast_in_dim3A_112 : vector<16xi1>, vector<16xi32>
    %min3A_114 = arith.minsi %select_n3A_101, %select_n3A_105 : vector<16xi32>
    %min3A_115 = arith.minsi %select_n3A_109, %select_n3A_113 : vector<16xi32>
    %min3A_116 = arith.minsi %min3A_114, %min3A_115 : vector<16xi32>
    %neg3A_117 = arith.constant 0 : i32
    %neg3A_118 = vector.broadcast %neg3A_117 : i32 to vector<16xi32>
    %neg3A_119 = arith.subi %neg3A_118, %min3A_116 : vector<16xi32>
    %broadcast_in_dim3A_120 = arith.constant true
    %broadcast_in_dim3A_121 = vector.broadcast %broadcast_in_dim3A_120 : i1 to vector<16xi1>
    %masked_cummax3A_122 = arith.constant -2147483648 : i32
    %masked_cummax3A_123 = vector.broadcast %masked_cummax3A_122 : i32 to vector<16xi32>
    %masked_cummax3A_124 = arith.xori %neg3A_119, %masked_cummax3A_123 : vector<16xi32>
    %masked_cummax3A_125 = tpu.scan <max>, %masked_cummax3A_124 masked %broadcast_in_dim3A_121 : vector<16xi32>, vector<16xi1> -> vector<16xi32>
    %masked_cummax3A_126 = arith.xori %masked_cummax3A_125, %masked_cummax3A_123 : vector<16xi32>
    %slice3A_127 = vector.extract_strided_slice %masked_cummax3A_126 {offsets = [15], sizes = [1], strides = [1]} : vector<16xi32> to vector<1xi32>
    %squeeze3A_128 = vector.extract %slice3A_127[0] : i32 from vector<1xi32>
    %neg3A_129 = arith.constant 0 : i32
    %neg3A_130 = arith.subi %neg3A_129, %squeeze3A_128 : i32
    %broadcast_in_dim3A_131 = vector.broadcast %neg3A_130 : i32 to vector<16xi32>
    %sub3A = arith.subf %broadcast_in_dim3A_97, %broadcast_in_dim3A_44 : vector<16xf32>
    %exp3A = math.exp %sub3A : vector<16xf32>
    %add3A_132 = arith.constant 1.000000e+00 : f32
    %add3A_133 = vector.broadcast %add3A_132 : f32 to vector<16xf32>
    %add3A_134 = arith.addf %add3A_133, %exp3A : vector<16xf32>
    %div3A = arith.constant 1.000000e+00 : f32
    %div3A_135 = vector.broadcast %div3A : f32 to vector<16xf32>
    %div3A_136 = arith.divf %div3A_135, %add3A_134 : vector<16xf32>
    %eq3A_137 = arith.cmpi eq, %add3A_5, %broadcast_in_dim3A_73 : vector<16xi32>
    %jit3A_138 = arith.constant 0.000000e+00 : f32
    %broadcast_in_dim3A_139 = vector.broadcast %jit3A_138 : f32 to vector<16xf32>
    %select_n3A_140 = arith.select %eq3A_137, %broadcast_in_dim3A_18, %broadcast_in_dim3A_139 : vector<16xi1>, vector<16xf32>
    %eq3A_141 = arith.cmpi eq, %add3A_9, %broadcast_in_dim3A_73 : vector<16xi32>
    %jit3A_142 = arith.constant 0.000000e+00 : f32
    %broadcast_in_dim3A_143 = vector.broadcast %jit3A_142 : f32 to vector<16xf32>
    %select_n3A_144 = arith.select %eq3A_141, %broadcast_in_dim3A_20, %broadcast_in_dim3A_143 : vector<16xi1>, vector<16xf32>
    %add3A_145 = arith.addf %select_n3A_140, %select_n3A_144 : vector<16xf32>
    %eq3A_146 = arith.cmpi eq, %add3A_13, %broadcast_in_dim3A_73 : vector<16xi32>
    %jit3A_147 = arith.constant 0.000000e+00 : f32
    %broadcast_in_dim3A_148 = vector.broadcast %jit3A_147 : f32 to vector<16xf32>
    %select_n3A_149 = arith.select %eq3A_146, %broadcast_in_dim3A_22, %broadcast_in_dim3A_148 : vector<16xi1>, vector<16xf32>
    %add3A_150 = arith.addf %add3A_145, %select_n3A_149 : vector<16xf32>
    %eq3A_151 = arith.cmpi eq, %add3A_17, %broadcast_in_dim3A_73 : vector<16xi32>
    %jit3A_152 = arith.constant 0.000000e+00 : f32
    %broadcast_in_dim3A_153 = vector.broadcast %jit3A_152 : f32 to vector<16xf32>
    %select_n3A_154 = arith.select %eq3A_151, %broadcast_in_dim3A_24, %broadcast_in_dim3A_153 : vector<16xi1>, vector<16xf32>
    %add3A_155 = arith.addf %add3A_150, %select_n3A_154 : vector<16xf32>
    %broadcast_in_dim3A_156 = arith.constant true
    %broadcast_in_dim3A_157 = vector.broadcast %broadcast_in_dim3A_156 : i1 to vector<16xi1>
    %masked_cumsum3A = tpu.scan <sum>, %add3A_155 masked %broadcast_in_dim3A_157 : vector<16xf32>, vector<16xi1> -> vector<16xf32>
    %slice3A_158 = vector.extract_strided_slice %masked_cumsum3A {offsets = [15], sizes = [1], strides = [1]} : vector<16xf32> to vector<1xf32>
    %squeeze3A_159 = vector.extract %slice3A_158[0] : f32 from vector<1xf32>
    %broadcast_in_dim3A_160 = vector.broadcast %squeeze3A_159 : f32 to vector<16xf32>
    %eq3A_161 = arith.cmpi eq, %add3A_5, %broadcast_in_dim3A_73 : vector<16xi32>
    %convert_element_type3A = arith.extui %eq3A_161 : vector<16xi1> to vector<16xi32>
    %convert_element_type3A_162 = arith.sitofp %convert_element_type3A : vector<16xi32> to vector<16xf32>
    %add3A_163 = arith.addf %broadcast_in_dim3A_18, %convert_element_type3A_162 : vector<16xf32>
    %eq3A_164 = arith.cmpi eq, %add3A_9, %broadcast_in_dim3A_73 : vector<16xi32>
    %convert_element_type3A_165 = arith.extui %eq3A_164 : vector<16xi1> to vector<16xi32>
    %convert_element_type3A_166 = arith.sitofp %convert_element_type3A_165 : vector<16xi32> to vector<16xf32>
    %add3A_167 = arith.addf %broadcast_in_dim3A_20, %convert_element_type3A_166 : vector<16xf32>
    %eq3A_168 = arith.cmpi eq, %add3A_13, %broadcast_in_dim3A_73 : vector<16xi32>
    %convert_element_type3A_169 = arith.extui %eq3A_168 : vector<16xi1> to vector<16xi32>
    %convert_element_type3A_170 = arith.sitofp %convert_element_type3A_169 : vector<16xi32> to vector<16xf32>
    %add3A_171 = arith.addf %broadcast_in_dim3A_22, %convert_element_type3A_170 : vector<16xf32>
    %eq3A_172 = arith.cmpi eq, %add3A_17, %broadcast_in_dim3A_73 : vector<16xi32>
    %convert_element_type3A_173 = arith.extui %eq3A_172 : vector<16xi1> to vector<16xi32>
    %convert_element_type3A_174 = arith.sitofp %convert_element_type3A_173 : vector<16xi32> to vector<16xf32>
    %add3A_175 = arith.addf %broadcast_in_dim3A_24, %convert_element_type3A_174 : vector<16xf32>
    %eq3A_176 = arith.cmpi eq, %add3A_5, %broadcast_in_dim3A_131 : vector<16xi32>
    %jit3A_177 = arith.constant 0.000000e+00 : f32
    %broadcast_in_dim3A_178 = vector.broadcast %jit3A_177 : f32 to vector<16xf32>
    %select_n3A_179 = arith.select %eq3A_176, %add3A_163, %broadcast_in_dim3A_178 : vector<16xi1>, vector<16xf32>
    %eq3A_180 = arith.cmpi eq, %add3A_9, %broadcast_in_dim3A_131 : vector<16xi32>
    %jit3A_181 = arith.constant 0.000000e+00 : f32
    %broadcast_in_dim3A_182 = vector.broadcast %jit3A_181 : f32 to vector<16xf32>
    %select_n3A_183 = arith.select %eq3A_180, %add3A_167, %broadcast_in_dim3A_182 : vector<16xi1>, vector<16xf32>
    %add3A_184 = arith.addf %select_n3A_179, %select_n3A_183 : vector<16xf32>
    %eq3A_185 = arith.cmpi eq, %add3A_13, %broadcast_in_dim3A_131 : vector<16xi32>
    %jit3A_186 = arith.constant 0.000000e+00 : f32
    %broadcast_in_dim3A_187 = vector.broadcast %jit3A_186 : f32 to vector<16xf32>
    %select_n3A_188 = arith.select %eq3A_185, %add3A_171, %broadcast_in_dim3A_187 : vector<16xi1>, vector<16xf32>
    %add3A_189 = arith.addf %add3A_184, %select_n3A_188 : vector<16xf32>
    %eq3A_190 = arith.cmpi eq, %add3A_17, %broadcast_in_dim3A_131 : vector<16xi32>
    %jit3A_191 = arith.constant 0.000000e+00 : f32
    %broadcast_in_dim3A_192 = vector.broadcast %jit3A_191 : f32 to vector<16xf32>
    %select_n3A_193 = arith.select %eq3A_190, %add3A_175, %broadcast_in_dim3A_192 : vector<16xi1>, vector<16xf32>
    %add3A_194 = arith.addf %add3A_189, %select_n3A_193 : vector<16xf32>
    %broadcast_in_dim3A_195 = arith.constant true
    %broadcast_in_dim3A_196 = vector.broadcast %broadcast_in_dim3A_195 : i1 to vector<16xi1>
    %masked_cumsum3A_197 = tpu.scan <sum>, %add3A_194 masked %broadcast_in_dim3A_196 : vector<16xf32>, vector<16xi1> -> vector<16xf32>
    %slice3A_198 = vector.extract_strided_slice %masked_cumsum3A_197 {offsets = [15], sizes = [1], strides = [1]} : vector<16xf32> to vector<1xf32>
    %squeeze3A_199 = vector.extract %slice3A_198[0] : f32 from vector<1xf32>
    %broadcast_in_dim3A_200 = vector.broadcast %squeeze3A_199 : f32 to vector<16xf32>
    %eq3A_201 = arith.cmpi eq, %add3A_5, %broadcast_in_dim3A_131 : vector<16xi32>
    %convert_element_type3A_202 = arith.extui %eq3A_201 : vector<16xi1> to vector<16xi32>
    %convert_element_type3A_203 = arith.sitofp %convert_element_type3A_202 : vector<16xi32> to vector<16xf32>
    %add3A_204 = arith.addf %add3A_163, %convert_element_type3A_203 : vector<16xf32>
    %eq3A_205 = arith.cmpi eq, %add3A_9, %broadcast_in_dim3A_131 : vector<16xi32>
    %convert_element_type3A_206 = arith.extui %eq3A_205 : vector<16xi1> to vector<16xi32>
    %convert_element_type3A_207 = arith.sitofp %convert_element_type3A_206 : vector<16xi32> to vector<16xf32>
    %add3A_208 = arith.addf %add3A_167, %convert_element_type3A_207 : vector<16xf32>
    %eq3A_209 = arith.cmpi eq, %add3A_13, %broadcast_in_dim3A_131 : vector<16xi32>
    %convert_element_type3A_210 = arith.extui %eq3A_209 : vector<16xi1> to vector<16xi32>
    %convert_element_type3A_211 = arith.sitofp %convert_element_type3A_210 : vector<16xi32> to vector<16xf32>
    %add3A_212 = arith.addf %add3A_171, %convert_element_type3A_211 : vector<16xf32>
    %eq3A_213 = arith.cmpi eq, %add3A_17, %broadcast_in_dim3A_131 : vector<16xi32>
    %convert_element_type3A_214 = arith.extui %eq3A_213 : vector<16xi1> to vector<16xi32>
    %convert_element_type3A_215 = arith.sitofp %convert_element_type3A_214 : vector<16xi32> to vector<16xf32>
    %add3A_216 = arith.addf %add3A_175, %convert_element_type3A_215 : vector<16xf32>
    %get3A_217 = arith.constant 1 : i32
    %get3A_218 = arith.index_cast %get3A_217 : i32 to index
    %get3A_219 = arith.constant 0 : index
    %get3A_220 = tpu.vector_load %arg4[%get3A_218, %get3A_219] {strides = array<i32>} : memref<8x64xf32, #tpu.memory_space<vmem>>, vector<16xf32>,
    %get3A_221 = arith.constant 1 : i32
    %get3A_222 = arith.index_cast %get3A_221 : i32 to index
    %get3A_223 = arith.constant 16 : index
    %get3A_224 = tpu.vector_load %arg4[%get3A_222, %get3A_223] {strides = array<i32>} : memref<8x64xf32, #tpu.memory_space<vmem>>, vector<16xf32>,
    %get3A_225 = arith.constant 1 : i32
    %get3A_226 = arith.index_cast %get3A_225 : i32 to index
    %get3A_227 = arith.constant 32 : index
    %get3A_228 = tpu.vector_load %arg4[%get3A_226, %get3A_227] {strides = array<i32>} : memref<8x64xf32, #tpu.memory_space<vmem>>, vector<16xf32>,
    %get3A_229 = arith.constant 1 : i32
    %get3A_230 = arith.index_cast %get3A_229 : i32 to index
    %get3A_231 = arith.constant 48 : index
    %get3A_232 = tpu.vector_load %arg4[%get3A_230, %get3A_231] {strides = array<i32>} : memref<8x64xf32, #tpu.memory_space<vmem>>, vector<16xf32>,
    %max3A_233 = arith.maximumf %get3A_220, %get3A_224 : vector<16xf32>
    %max3A_234 = arith.maximumf %get3A_228, %get3A_232 : vector<16xf32>
    %max3A_235 = arith.maximumf %max3A_233, %max3A_234 : vector<16xf32>
    %broadcast_in_dim3A_236 = arith.constant true
    %broadcast_in_dim3A_237 = vector.broadcast %broadcast_in_dim3A_236 : i1 to vector<16xi1>
    %masked_cummax3A_238 = tpu.scan <max>, %max3A_235 masked %broadcast_in_dim3A_237 : vector<16xf32>, vector<16xi1> -> vector<16xf32>
    %slice3A_239 = vector.extract_strided_slice %masked_cummax3A_238 {offsets = [15], sizes = [1], strides = [1]} : vector<16xf32> to vector<1xf32>
    %squeeze3A_240 = vector.extract %slice3A_239[0] : f32 from vector<1xf32>
    %broadcast_in_dim3A_241 = vector.broadcast %squeeze3A_240 : f32 to vector<16xf32>
    %ge3A_242 = arith.cmpf oge, %get3A_220, %broadcast_in_dim3A_241 : vector<16xf32>
    %jit3A_243 = arith.constant 64 : i32
    %broadcast_in_dim3A_244 = vector.broadcast %jit3A_243 : i32 to vector<16xi32>
    %select_n3A_245 = arith.select %ge3A_242, %add3A_5, %broadcast_in_dim3A_244 : vector<16xi1>, vector<16xi32>
    %ge3A_246 = arith.cmpf oge, %get3A_224, %broadcast_in_dim3A_241 : vector<16xf32>
    %jit3A_247 = arith.constant 64 : i32
    %broadcast_in_dim3A_248 = vector.broadcast %jit3A_247 : i32 to vector<16xi32>
    %select_n3A_249 = arith.select %ge3A_246, %add3A_9, %broadcast_in_dim3A_248 : vector<16xi1>, vector<16xi32>
    %ge3A_250 = arith.cmpf oge, %get3A_228, %broadcast_in_dim3A_241 : vector<16xf32>
    %jit3A_251 = arith.constant 64 : i32
    %broadcast_in_dim3A_252 = vector.broadcast %jit3A_251 : i32 to vector<16xi32>
    %select_n3A_253 = arith.select %ge3A_250, %add3A_13, %broadcast_in_dim3A_252 : vector<16xi1>, vector<16xi32>
    %ge3A_254 = arith.cmpf oge, %get3A_232, %broadcast_in_dim3A_241 : vector<16xf32>
    %jit3A_255 = arith.constant 64 : i32
    %broadcast_in_dim3A_256 = vector.broadcast %jit3A_255 : i32 to vector<16xi32>
    %select_n3A_257 = arith.select %ge3A_254, %add3A_17, %broadcast_in_dim3A_256 : vector<16xi1>, vector<16xi32>
    %min3A_258 = arith.minsi %select_n3A_245, %select_n3A_249 : vector<16xi32>
    %min3A_259 = arith.minsi %select_n3A_253, %select_n3A_257 : vector<16xi32>
    %min3A_260 = arith.minsi %min3A_258, %min3A_259 : vector<16xi32>
    %neg3A_261 = arith.constant 0 : i32
    %neg3A_262 = vector.broadcast %neg3A_261 : i32 to vector<16xi32>
    %neg3A_263 = arith.subi %neg3A_262, %min3A_260 : vector<16xi32>
    %broadcast_in_dim3A_264 = arith.constant true
    %broadcast_in_dim3A_265 = vector.broadcast %broadcast_in_dim3A_264 : i1 to vector<16xi1>
    %masked_cummax3A_266 = arith.constant -2147483648 : i32
    %masked_cummax3A_267 = vector.broadcast %masked_cummax3A_266 : i32 to vector<16xi32>
    %masked_cummax3A_268 = arith.xori %neg3A_263, %masked_cummax3A_267 : vector<16xi32>
    %masked_cummax3A_269 = tpu.scan <max>, %masked_cummax3A_268 masked %broadcast_in_dim3A_265 : vector<16xi32>, vector<16xi1> -> vector<16xi32>
    %masked_cummax3A_270 = arith.xori %masked_cummax3A_269, %masked_cummax3A_267 : vector<16xi32>
    %slice3A_271 = vector.extract_strided_slice %masked_cummax3A_270 {offsets = [15], sizes = [1], strides = [1]} : vector<16xi32> to vector<1xi32>
    %squeeze3A_272 = vector.extract %slice3A_271[0] : i32 from vector<1xi32>
    %neg3A_273 = arith.constant 0 : i32
    %neg3A_274 = arith.subi %neg3A_273, %squeeze3A_272 : i32
    %broadcast_in_dim3A_275 = vector.broadcast %neg3A_274 : i32 to vector<16xi32>
    %eq3A_276 = arith.cmpi eq, %add3A_5, %broadcast_in_dim3A_275 : vector<16xi32>
    %jit3A_277 = arith.constant -1.000000e+30 : f32
    %broadcast_in_dim3A_278 = vector.broadcast %jit3A_277 : f32 to vector<16xf32>
    %select_n3A_279 = arith.select %eq3A_276, %broadcast_in_dim3A_278, %get3A_220 : vector<16xi1>, vector<16xf32>
    %eq3A_280 = arith.cmpi eq, %add3A_9, %broadcast_in_dim3A_275 : vector<16xi32>
    %jit3A_281 = arith.constant -1.000000e+30 : f32
    %broadcast_in_dim3A_282 = vector.broadcast %jit3A_281 : f32 to vector<16xf32>
    %select_n3A_283 = arith.select %eq3A_280, %broadcast_in_dim3A_282, %get3A_224 : vector<16xi1>, vector<16xf32>
    %eq3A_284 = arith.cmpi eq, %add3A_13, %broadcast_in_dim3A_275 : vector<16xi32>
    %jit3A_285 = arith.constant -1.000000e+30 : f32
    %broadcast_in_dim3A_286 = vector.broadcast %jit3A_285 : f32 to vector<16xf32>
    %select_n3A_287 = arith.select %eq3A_284, %broadcast_in_dim3A_286, %get3A_228 : vector<16xi1>, vector<16xf32>
    %eq3A_288 = arith.cmpi eq, %add3A_17, %broadcast_in_dim3A_275 : vector<16xi32>
    %jit3A_289 = arith.constant -1.000000e+30 : f32
    %broadcast_in_dim3A_290 = vector.broadcast %jit3A_289 : f32 to vector<16xf32>
    %select_n3A_291 = arith.select %eq3A_288, %broadcast_in_dim3A_290, %get3A_232 : vector<16xi1>, vector<16xf32>
    %max3A_292 = arith.maximumf %select_n3A_279, %select_n3A_283 : vector<16xf32>
    %max3A_293 = arith.maximumf %select_n3A_287, %select_n3A_291 : vector<16xf32>
    %max3A_294 = arith.maximumf %max3A_292, %max3A_293 : vector<16xf32>
    %broadcast_in_dim3A_295 = arith.constant true
    %broadcast_in_dim3A_296 = vector.broadcast %broadcast_in_dim3A_295 : i1 to vector<16xi1>
    %masked_cummax3A_297 = tpu.scan <max>, %max3A_294 masked %broadcast_in_dim3A_296 : vector<16xf32>, vector<16xi1> -> vector<16xf32>
    %slice3A_298 = vector.extract_strided_slice %masked_cummax3A_297 {offsets = [15], sizes = [1], strides = [1]} : vector<16xf32> to vector<1xf32>
    %squeeze3A_299 = vector.extract %slice3A_298[0] : f32 from vector<1xf32>
    %broadcast_in_dim3A_300 = vector.broadcast %squeeze3A_299 : f32 to vector<16xf32>
    %ge3A_301 = arith.cmpf oge, %select_n3A_279, %broadcast_in_dim3A_300 : vector<16xf32>
    %jit3A_302 = arith.constant 64 : i32
    %broadcast_in_dim3A_303 = vector.broadcast %jit3A_302 : i32 to vector<16xi32>
    %select_n3A_304 = arith.select %ge3A_301, %add3A_5, %broadcast_in_dim3A_303 : vector<16xi1>, vector<16xi32>
    %ge3A_305 = arith.cmpf oge, %select_n3A_283, %broadcast_in_dim3A_300 : vector<16xf32>
    %jit3A_306 = arith.constant 64 : i32
    %broadcast_in_dim3A_307 = vector.broadcast %jit3A_306 : i32 to vector<16xi32>
    %select_n3A_308 = arith.select %ge3A_305, %add3A_9, %broadcast_in_dim3A_307 : vector<16xi1>, vector<16xi32>
    %ge3A_309 = arith.cmpf oge, %select_n3A_287, %broadcast_in_dim3A_300 : vector<16xf32>
    %jit3A_310 = arith.constant 64 : i32
    %broadcast_in_dim3A_311 = vector.broadcast %jit3A_310 : i32 to vector<16xi32>
    %select_n3A_312 = arith.select %ge3A_309, %add3A_13, %broadcast_in_dim3A_311 : vector<16xi1>, vector<16xi32>
    %ge3A_313 = arith.cmpf oge, %select_n3A_291, %broadcast_in_dim3A_300 : vector<16xf32>
    %jit3A_314 = arith.constant 64 : i32
    %broadcast_in_dim3A_315 = vector.broadcast %jit3A_314 : i32 to vector<16xi32>
    %select_n3A_316 = arith.select %ge3A_313, %add3A_17, %broadcast_in_dim3A_315 : vector<16xi1>, vector<16xi32>
    %min3A_317 = arith.minsi %select_n3A_304, %select_n3A_308 : vector<16xi32>
    %min3A_318 = arith.minsi %select_n3A_312, %select_n3A_316 : vector<16xi32>
    %min3A_319 = arith.minsi %min3A_317, %min3A_318 : vector<16xi32>
    %neg3A_320 = arith.constant 0 : i32
    %neg3A_321 = vector.broadcast %neg3A_320 : i32 to vector<16xi32>
    %neg3A_322 = arith.subi %neg3A_321, %min3A_319 : vector<16xi32>
    %broadcast_in_dim3A_323 = arith.constant true
    %broadcast_in_dim3A_324 = vector.broadcast %broadcast_in_dim3A_323 : i1 to vector<16xi1>
    %masked_cummax3A_325 = arith.constant -2147483648 : i32
    %masked_cummax3A_326 = vector.broadcast %masked_cummax3A_325 : i32 to vector<16xi32>
    %masked_cummax3A_327 = arith.xori %neg3A_322, %masked_cummax3A_326 : vector<16xi32>
    %masked_cummax3A_328 = tpu.scan <max>, %masked_cummax3A_327 masked %broadcast_in_dim3A_324 : vector<16xi32>, vector<16xi1> -> vector<16xi32>
    %masked_cummax3A_329 = arith.xori %masked_cummax3A_328, %masked_cummax3A_326 : vector<16xi32>
    %slice3A_330 = vector.extract_strided_slice %masked_cummax3A_329 {offsets = [15], sizes = [1], strides = [1]} : vector<16xi32> to vector<1xi32>
    %squeeze3A_331 = vector.extract %slice3A_330[0] : i32 from vector<1xi32>
    %neg3A_332 = arith.constant 0 : i32
    %neg3A_333 = arith.subi %neg3A_332, %squeeze3A_331 : i32
    %broadcast_in_dim3A_334 = vector.broadcast %neg3A_333 : i32 to vector<16xi32>
    %sub3A_335 = arith.subf %broadcast_in_dim3A_300, %broadcast_in_dim3A_241 : vector<16xf32>
    %exp3A_336 = math.exp %sub3A_335 : vector<16xf32>
    %add3A_337 = arith.constant 1.000000e+00 : f32
    %add3A_338 = vector.broadcast %add3A_337 : f32 to vector<16xf32>
    %add3A_339 = arith.addf %add3A_338, %exp3A_336 : vector<16xf32>
    %div3A_340 = arith.constant 1.000000e+00 : f32
    %div3A_341 = vector.broadcast %div3A_340 : f32 to vector<16xf32>
    %div3A_342 = arith.divf %div3A_341, %add3A_339 : vector<16xf32>
    %eq3A_343 = arith.cmpi eq, %add3A_5, %broadcast_in_dim3A_275 : vector<16xi32>
    %jit3A_344 = arith.constant 0.000000e+00 : f32
    %broadcast_in_dim3A_345 = vector.broadcast %jit3A_344 : f32 to vector<16xf32>
    %select_n3A_346 = arith.select %eq3A_343, %add3A_204, %broadcast_in_dim3A_345 : vector<16xi1>, vector<16xf32>
    %eq3A_347 = arith.cmpi eq, %add3A_9, %broadcast_in_dim3A_275 : vector<16xi32>
    %jit3A_348 = arith.constant 0.000000e+00 : f32
    %broadcast_in_dim3A_349 = vector.broadcast %jit3A_348 : f32 to vector<16xf32>
    %select_n3A_350 = arith.select %eq3A_347, %add3A_208, %broadcast_in_dim3A_349 : vector<16xi1>, vector<16xf32>
    %add3A_351 = arith.addf %select_n3A_346, %select_n3A_350 : vector<16xf32>
    %eq3A_352 = arith.cmpi eq, %add3A_13, %broadcast_in_dim3A_275 : vector<16xi32>
    %jit3A_353 = arith.constant 0.000000e+00 : f32
    %broadcast_in_dim3A_354 = vector.broadcast %jit3A_353 : f32 to vector<16xf32>
    %select_n3A_355 = arith.select %eq3A_352, %add3A_212, %broadcast_in_dim3A_354 : vector<16xi1>, vector<16xf32>
    %add3A_356 = arith.addf %add3A_351, %select_n3A_355 : vector<16xf32>
    %eq3A_357 = arith.cmpi eq, %add3A_17, %broadcast_in_dim3A_275 : vector<16xi32>
    %jit3A_358 = arith.constant 0.000000e+00 : f32
    %broadcast_in_dim3A_359 = vector.broadcast %jit3A_358 : f32 to vector<16xf32>
    %select_n3A_360 = arith.select %eq3A_357, %add3A_216, %broadcast_in_dim3A_359 : vector<16xi1>, vector<16xf32>
    %add3A_361 = arith.addf %add3A_356, %select_n3A_360 : vector<16xf32>
    %broadcast_in_dim3A_362 = arith.constant true
    %broadcast_in_dim3A_363 = vector.broadcast %broadcast_in_dim3A_362 : i1 to vector<16xi1>
    %masked_cumsum3A_364 = tpu.scan <sum>, %add3A_361 masked %broadcast_in_dim3A_363 : vector<16xf32>, vector<16xi1> -> vector<16xf32>
    %slice3A_365 = vector.extract_strided_slice %masked_cumsum3A_364 {offsets = [15], sizes = [1], strides = [1]} : vector<16xf32> to vector<1xf32>
    %squeeze3A_366 = vector.extract %slice3A_365[0] : f32 from vector<1xf32>
    %broadcast_in_dim3A_367 = vector.broadcast %squeeze3A_366 : f32 to vector<16xf32>
    %eq3A_368 = arith.cmpi eq, %add3A_5, %broadcast_in_dim3A_275 : vector<16xi32>
    %convert_element_type3A_369 = arith.extui %eq3A_368 : vector<16xi1> to vector<16xi32>
    %convert_element_type3A_370 = arith.sitofp %convert_element_type3A_369 : vector<16xi32> to vector<16xf32>
    %add3A_371 = arith.addf %add3A_204, %convert_element_type3A_370 : vector<16xf32>
    %eq3A_372 = arith.cmpi eq, %add3A_9, %broadcast_in_dim3A_275 : vector<16xi32>
    %convert_element_type3A_373 = arith.extui %eq3A_372 : vector<16xi1> to vector<16xi32>
    %convert_element_type3A_374 = arith.sitofp %convert_element_type3A_373 : vector<16xi32> to vector<16xf32>
    %add3A_375 = arith.addf %add3A_208, %convert_element_type3A_374 : vector<16xf32>
    %eq3A_376 = arith.cmpi eq, %add3A_13, %broadcast_in_dim3A_275 : vector<16xi32>
    %convert_element_type3A_377 = arith.extui %eq3A_376 : vector<16xi1> to vector<16xi32>
    %convert_element_type3A_378 = arith.sitofp %convert_element_type3A_377 : vector<16xi32> to vector<16xf32>
    %add3A_379 = arith.addf %add3A_212, %convert_element_type3A_378 : vector<16xf32>
    %eq3A_380 = arith.cmpi eq, %add3A_17, %broadcast_in_dim3A_275 : vector<16xi32>
    %convert_element_type3A_381 = arith.extui %eq3A_380 : vector<16xi1> to vector<16xi32>
    %convert_element_type3A_382 = arith.sitofp %convert_element_type3A_381 : vector<16xi32> to vector<16xf32>
    %add3A_383 = arith.addf %add3A_216, %convert_element_type3A_382 : vector<16xf32>
    %eq3A_384 = arith.cmpi eq, %add3A_5, %broadcast_in_dim3A_334 : vector<16xi32>
    %jit3A_385 = arith.constant 0.000000e+00 : f32
    %broadcast_in_dim3A_386 = vector.broadcast %jit3A_385 : f32 to vector<16xf32>
    %select_n3A_387 = arith.select %eq3A_384, %add3A_371, %broadcast_in_dim3A_386 : vector<16xi1>, vector<16xf32>
    %eq3A_388 = arith.cmpi eq, %add3A_9, %broadcast_in_dim3A_334 : vector<16xi32>
    %jit3A_389 = arith.constant 0.000000e+00 : f32
    %broadcast_in_dim3A_390 = vector.broadcast %jit3A_389 : f32 to vector<16xf32>
    %select_n3A_391 = arith.select %eq3A_388, %add3A_375, %broadcast_in_dim3A_390 : vector<16xi1>, vector<16xf32>
    %add3A_392 = arith.addf %select_n3A_387, %select_n3A_391 : vector<16xf32>
    %eq3A_393 = arith.cmpi eq, %add3A_13, %broadcast_in_dim3A_334 : vector<16xi32>
    %jit3A_394 = arith.constant 0.000000e+00 : f32
    %broadcast_in_dim3A_395 = vector.broadcast %jit3A_394 : f32 to vector<16xf32>
    %select_n3A_396 = arith.select %eq3A_393, %add3A_379, %broadcast_in_dim3A_395 : vector<16xi1>, vector<16xf32>
    %add3A_397 = arith.addf %add3A_392, %select_n3A_396 : vector<16xf32>
    %eq3A_398 = arith.cmpi eq, %add3A_17, %broadcast_in_dim3A_334 : vector<16xi32>
    %jit3A_399 = arith.constant 0.000000e+00 : f32
    %broadcast_in_dim3A_400 = vector.broadcast %jit3A_399 : f32 to vector<16xf32>
    %select_n3A_401 = arith.select %eq3A_398, %add3A_383, %broadcast_in_dim3A_400 : vector<16xi1>, vector<16xf32>
    %add3A_402 = arith.addf %add3A_397, %select_n3A_401 : vector<16xf32>
    %broadcast_in_dim3A_403 = arith.constant true
    %broadcast_in_dim3A_404 = vector.broadcast %broadcast_in_dim3A_403 : i1 to vector<16xi1>
    %masked_cumsum3A_405 = tpu.scan <sum>, %add3A_402 masked %broadcast_in_dim3A_404 : vector<16xf32>, vector<16xi1> -> vector<16xf32>
    %slice3A_406 = vector.extract_strided_slice %masked_cumsum3A_405 {offsets = [15], sizes = [1], strides = [1]} : vector<16xf32> to vector<1xf32>
    %squeeze3A_407 = vector.extract %slice3A_406[0] : f32 from vector<1xf32>
    %broadcast_in_dim3A_408 = vector.broadcast %squeeze3A_407 : f32 to vector<16xf32>
    %eq3A_409 = arith.cmpi eq, %add3A_5, %broadcast_in_dim3A_334 : vector<16xi32>
    %convert_element_type3A_410 = arith.extui %eq3A_409 : vector<16xi1> to vector<16xi32>
    %convert_element_type3A_411 = arith.sitofp %convert_element_type3A_410 : vector<16xi32> to vector<16xf32>
    %add3A_412 = arith.addf %add3A_371, %convert_element_type3A_411 : vector<16xf32>
    %eq3A_413 = arith.cmpi eq, %add3A_9, %broadcast_in_dim3A_334 : vector<16xi32>
    %convert_element_type3A_414 = arith.extui %eq3A_413 : vector<16xi1> to vector<16xi32>
    %convert_element_type3A_415 = arith.sitofp %convert_element_type3A_414 : vector<16xi32> to vector<16xf32>
    %add3A_416 = arith.addf %add3A_375, %convert_element_type3A_415 : vector<16xf32>
    %eq3A_417 = arith.cmpi eq, %add3A_13, %broadcast_in_dim3A_334 : vector<16xi32>
    %convert_element_type3A_418 = arith.extui %eq3A_417 : vector<16xi1> to vector<16xi32>
    %convert_element_type3A_419 = arith.sitofp %convert_element_type3A_418 : vector<16xi32> to vector<16xf32>
    %add3A_420 = arith.addf %add3A_379, %convert_element_type3A_419 : vector<16xf32>
    %eq3A_421 = arith.cmpi eq, %add3A_17, %broadcast_in_dim3A_334 : vector<16xi32>
    %convert_element_type3A_422 = arith.extui %eq3A_421 : vector<16xi1> to vector<16xi32>
    %convert_element_type3A_423 = arith.sitofp %convert_element_type3A_422 : vector<16xi32> to vector<16xf32>
    %add3A_424 = arith.addf %add3A_383, %convert_element_type3A_423 : vector<16xf32>
    %get3A_425 = arith.constant 2 : i32
    %get3A_426 = arith.index_cast %get3A_425 : i32 to index
    %get3A_427 = arith.constant 0 : index
    %get3A_428 = tpu.vector_load %arg4[%get3A_426, %get3A_427] {strides = array<i32>} : memref<8x64xf32, #tpu.memory_space<vmem>>, vector<16xf32>,
    %get3A_429 = arith.constant 2 : i32
    %get3A_430 = arith.index_cast %get3A_429 : i32 to index
    %get3A_431 = arith.constant 16 : index
    %get3A_432 = tpu.vector_load %arg4[%get3A_430, %get3A_431] {strides = array<i32>} : memref<8x64xf32, #tpu.memory_space<vmem>>, vector<16xf32>,
    %get3A_433 = arith.constant 2 : i32
    %get3A_434 = arith.index_cast %get3A_433 : i32 to index
    %get3A_435 = arith.constant 32 : index
    %get3A_436 = tpu.vector_load %arg4[%get3A_434, %get3A_435] {strides = array<i32>} : memref<8x64xf32, #tpu.memory_space<vmem>>, vector<16xf32>,
    %get3A_437 = arith.constant 2 : i32
    %get3A_438 = arith.index_cast %get3A_437 : i32 to index
    %get3A_439 = arith.constant 48 : index
    %get3A_440 = tpu.vector_load %arg4[%get3A_438, %get3A_439] {strides = array<i32>} : memref<8x64xf32, #tpu.memory_space<vmem>>, vector<16xf32>,
    %max3A_441 = arith.maximumf %get3A_428, %get3A_432 : vector<16xf32>
    %max3A_442 = arith.maximumf %get3A_436, %get3A_440 : vector<16xf32>
    %max3A_443 = arith.maximumf %max3A_441, %max3A_442 : vector<16xf32>
    %broadcast_in_dim3A_444 = arith.constant true
    %broadcast_in_dim3A_445 = vector.broadcast %broadcast_in_dim3A_444 : i1 to vector<16xi1>
    %masked_cummax3A_446 = tpu.scan <max>, %max3A_443 masked %broadcast_in_dim3A_445 : vector<16xf32>, vector<16xi1> -> vector<16xf32>
    %slice3A_447 = vector.extract_strided_slice %masked_cummax3A_446 {offsets = [15], sizes = [1], strides = [1]} : vector<16xf32> to vector<1xf32>
    %squeeze3A_448 = vector.extract %slice3A_447[0] : f32 from vector<1xf32>
    %broadcast_in_dim3A_449 = vector.broadcast %squeeze3A_448 : f32 to vector<16xf32>
    %ge3A_450 = arith.cmpf oge, %get3A_428, %broadcast_in_dim3A_449 : vector<16xf32>
    %jit3A_451 = arith.constant 64 : i32
    %broadcast_in_dim3A_452 = vector.broadcast %jit3A_451 : i32 to vector<16xi32>
    %select_n3A_453 = arith.select %ge3A_450, %add3A_5, %broadcast_in_dim3A_452 : vector<16xi1>, vector<16xi32>
    %ge3A_454 = arith.cmpf oge, %get3A_432, %broadcast_in_dim3A_449 : vector<16xf32>
    %jit3A_455 = arith.constant 64 : i32
    %broadcast_in_dim3A_456 = vector.broadcast %jit3A_455 : i32 to vector<16xi32>
    %select_n3A_457 = arith.select %ge3A_454, %add3A_9, %broadcast_in_dim3A_456 : vector<16xi1>, vector<16xi32>
    %ge3A_458 = arith.cmpf oge, %get3A_436, %broadcast_in_dim3A_449 : vector<16xf32>
    %jit3A_459 = arith.constant 64 : i32
    %broadcast_in_dim3A_460 = vector.broadcast %jit3A_459 : i32 to vector<16xi32>
    %select_n3A_461 = arith.select %ge3A_458, %add3A_13, %broadcast_in_dim3A_460 : vector<16xi1>, vector<16xi32>
    %ge3A_462 = arith.cmpf oge, %get3A_440, %broadcast_in_dim3A_449 : vector<16xf32>
    %jit3A_463 = arith.constant 64 : i32
    %broadcast_in_dim3A_464 = vector.broadcast %jit3A_463 : i32 to vector<16xi32>
    %select_n3A_465 = arith.select %ge3A_462, %add3A_17, %broadcast_in_dim3A_464 : vector<16xi1>, vector<16xi32>
    %min3A_466 = arith.minsi %select_n3A_453, %select_n3A_457 : vector<16xi32>
    %min3A_467 = arith.minsi %select_n3A_461, %select_n3A_465 : vector<16xi32>
    %min3A_468 = arith.minsi %min3A_466, %min3A_467 : vector<16xi32>
    %neg3A_469 = arith.constant 0 : i32
    %neg3A_470 = vector.broadcast %neg3A_469 : i32 to vector<16xi32>
    %neg3A_471 = arith.subi %neg3A_470, %min3A_468 : vector<16xi32>
    %broadcast_in_dim3A_472 = arith.constant true
    %broadcast_in_dim3A_473 = vector.broadcast %broadcast_in_dim3A_472 : i1 to vector<16xi1>
    %masked_cummax3A_474 = arith.constant -2147483648 : i32
    %masked_cummax3A_475 = vector.broadcast %masked_cummax3A_474 : i32 to vector<16xi32>
    %masked_cummax3A_476 = arith.xori %neg3A_471, %masked_cummax3A_475 : vector<16xi32>
    %masked_cummax3A_477 = tpu.scan <max>, %masked_cummax3A_476 masked %broadcast_in_dim3A_473 : vector<16xi32>, vector<16xi1> -> vector<16xi32>
    %masked_cummax3A_478 = arith.xori %masked_cummax3A_477, %masked_cummax3A_475 : vector<16xi32>
    %slice3A_479 = vector.extract_strided_slice %masked_cummax3A_478 {offsets = [15], sizes = [1], strides = [1]} : vector<16xi32> to vector<1xi32>
    %squeeze3A_480 = vector.extract %slice3A_479[0] : i32 from vector<1xi32>
    %neg3A_481 = arith.constant 0 : i32
    %neg3A_482 = arith.subi %neg3A_481, %squeeze3A_480 : i32
    %broadcast_in_dim3A_483 = vector.broadcast %neg3A_482 : i32 to vector<16xi32>
    %eq3A_484 = arith.cmpi eq, %add3A_5, %broadcast_in_dim3A_483 : vector<16xi32>
    %jit3A_485 = arith.constant -1.000000e+30 : f32
    %broadcast_in_dim3A_486 = vector.broadcast %jit3A_485 : f32 to vector<16xf32>
    %select_n3A_487 = arith.select %eq3A_484, %broadcast_in_dim3A_486, %get3A_428 : vector<16xi1>, vector<16xf32>
    %eq3A_488 = arith.cmpi eq, %add3A_9, %broadcast_in_dim3A_483 : vector<16xi32>
    %jit3A_489 = arith.constant -1.000000e+30 : f32
    %broadcast_in_dim3A_490 = vector.broadcast %jit3A_489 : f32 to vector<16xf32>
    %select_n3A_491 = arith.select %eq3A_488, %broadcast_in_dim3A_490, %get3A_432 : vector<16xi1>, vector<16xf32>
    %eq3A_492 = arith.cmpi eq, %add3A_13, %broadcast_in_dim3A_483 : vector<16xi32>
    %jit3A_493 = arith.constant -1.000000e+30 : f32
    %broadcast_in_dim3A_494 = vector.broadcast %jit3A_493 : f32 to vector<16xf32>
    %select_n3A_495 = arith.select %eq3A_492, %broadcast_in_dim3A_494, %get3A_436 : vector<16xi1>, vector<16xf32>
    %eq3A_496 = arith.cmpi eq, %add3A_17, %broadcast_in_dim3A_483 : vector<16xi32>
    %jit3A_497 = arith.constant -1.000000e+30 : f32
    %broadcast_in_dim3A_498 = vector.broadcast %jit3A_497 : f32 to vector<16xf32>
    %select_n3A_499 = arith.select %eq3A_496, %broadcast_in_dim3A_498, %get3A_440 : vector<16xi1>, vector<16xf32>
    %max3A_500 = arith.maximumf %select_n3A_487, %select_n3A_491 : vector<16xf32>
    %max3A_501 = arith.maximumf %select_n3A_495, %select_n3A_499 : vector<16xf32>
    %max3A_502 = arith.maximumf %max3A_500, %max3A_501 : vector<16xf32>
    %broadcast_in_dim3A_503 = arith.constant true
    %broadcast_in_dim3A_504 = vector.broadcast %broadcast_in_dim3A_503 : i1 to vector<16xi1>
    %masked_cummax3A_505 = tpu.scan <max>, %max3A_502 masked %broadcast_in_dim3A_504 : vector<16xf32>, vector<16xi1> -> vector<16xf32>
    %slice3A_506 = vector.extract_strided_slice %masked_cummax3A_505 {offsets = [15], sizes = [1], strides = [1]} : vector<16xf32> to vector<1xf32>
    %squeeze3A_507 = vector.extract %slice3A_506[0] : f32 from vector<1xf32>
    %broadcast_in_dim3A_508 = vector.broadcast %squeeze3A_507 : f32 to vector<16xf32>
    %ge3A_509 = arith.cmpf oge, %select_n3A_487, %broadcast_in_dim3A_508 : vector<16xf32>
    %jit3A_510 = arith.constant 64 : i32
    %broadcast_in_dim3A_511 = vector.broadcast %jit3A_510 : i32 to vector<16xi32>
    %select_n3A_512 = arith.select %ge3A_509, %add3A_5, %broadcast_in_dim3A_511 : vector<16xi1>, vector<16xi32>
    %ge3A_513 = arith.cmpf oge, %select_n3A_491, %broadcast_in_dim3A_508 : vector<16xf32>
    %jit3A_514 = arith.constant 64 : i32
    %broadcast_in_dim3A_515 = vector.broadcast %jit3A_514 : i32 to vector<16xi32>
    %select_n3A_516 = arith.select %ge3A_513, %add3A_9, %broadcast_in_dim3A_515 : vector<16xi1>, vector<16xi32>
    %ge3A_517 = arith.cmpf oge, %select_n3A_495, %broadcast_in_dim3A_508 : vector<16xf32>
    %jit3A_518 = arith.constant 64 : i32
    %broadcast_in_dim3A_519 = vector.broadcast %jit3A_518 : i32 to vector<16xi32>
    %select_n3A_520 = arith.select %ge3A_517, %add3A_13, %broadcast_in_dim3A_519 : vector<16xi1>, vector<16xi32>
    %ge3A_521 = arith.cmpf oge, %select_n3A_499, %broadcast_in_dim3A_508 : vector<16xf32>
    %jit3A_522 = arith.constant 64 : i32
    %broadcast_in_dim3A_523 = vector.broadcast %jit3A_522 : i32 to vector<16xi32>
    %select_n3A_524 = arith.select %ge3A_521, %add3A_17, %broadcast_in_dim3A_523 : vector<16xi1>, vector<16xi32>
    %min3A_525 = arith.minsi %select_n3A_512, %select_n3A_516 : vector<16xi32>
    %min3A_526 = arith.minsi %select_n3A_520, %select_n3A_524 : vector<16xi32>
    %min3A_527 = arith.minsi %min3A_525, %min3A_526 : vector<16xi32>
    %neg3A_528 = arith.constant 0 : i32
    %neg3A_529 = vector.broadcast %neg3A_528 : i32 to vector<16xi32>
    %neg3A_530 = arith.subi %neg3A_529, %min3A_527 : vector<16xi32>
    %broadcast_in_dim3A_531 = arith.constant true
    %broadcast_in_dim3A_532 = vector.broadcast %broadcast_in_dim3A_531 : i1 to vector<16xi1>
    %masked_cummax3A_533 = arith.constant -2147483648 : i32
    %masked_cummax3A_534 = vector.broadcast %masked_cummax3A_533 : i32 to vector<16xi32>
    %masked_cummax3A_535 = arith.xori %neg3A_530, %masked_cummax3A_534 : vector<16xi32>
    %masked_cummax3A_536 = tpu.scan <max>, %masked_cummax3A_535 masked %broadcast_in_dim3A_532 : vector<16xi32>, vector<16xi1> -> vector<16xi32>
    %masked_cummax3A_537 = arith.xori %masked_cummax3A_536, %masked_cummax3A_534 : vector<16xi32>
    %slice3A_538 = vector.extract_strided_slice %masked_cummax3A_537 {offsets = [15], sizes = [1], strides = [1]} : vector<16xi32> to vector<1xi32>
    %squeeze3A_539 = vector.extract %slice3A_538[0] : i32 from vector<1xi32>
    %neg3A_540 = arith.constant 0 : i32
    %neg3A_541 = arith.subi %neg3A_540, %squeeze3A_539 : i32
    %broadcast_in_dim3A_542 = vector.broadcast %neg3A_541 : i32 to vector<16xi32>
    %sub3A_543 = arith.subf %broadcast_in_dim3A_508, %broadcast_in_dim3A_449 : vector<16xf32>
    %exp3A_544 = math.exp %sub3A_543 : vector<16xf32>
    %add3A_545 = arith.constant 1.000000e+00 : f32
    %add3A_546 = vector.broadcast %add3A_545 : f32 to vector<16xf32>
    %add3A_547 = arith.addf %add3A_546, %exp3A_544 : vector<16xf32>
    %div3A_548 = arith.constant 1.000000e+00 : f32
    %div3A_549 = vector.broadcast %div3A_548 : f32 to vector<16xf32>
    %div3A_550 = arith.divf %div3A_549, %add3A_547 : vector<16xf32>
    %eq3A_551 = arith.cmpi eq, %add3A_5, %broadcast_in_dim3A_483 : vector<16xi32>
    %jit3A_552 = arith.constant 0.000000e+00 : f32
    %broadcast_in_dim3A_553 = vector.broadcast %jit3A_552 : f32 to vector<16xf32>
    %select_n3A_554 = arith.select %eq3A_551, %add3A_412, %broadcast_in_dim3A_553 : vector<16xi1>, vector<16xf32>
    %eq3A_555 = arith.cmpi eq, %add3A_9, %broadcast_in_dim3A_483 : vector<16xi32>
    %jit3A_556 = arith.constant 0.000000e+00 : f32
    %broadcast_in_dim3A_557 = vector.broadcast %jit3A_556 : f32 to vector<16xf32>
    %select_n3A_558 = arith.select %eq3A_555, %add3A_416, %broadcast_in_dim3A_557 : vector<16xi1>, vector<16xf32>
    %add3A_559 = arith.addf %select_n3A_554, %select_n3A_558 : vector<16xf32>
    %eq3A_560 = arith.cmpi eq, %add3A_13, %broadcast_in_dim3A_483 : vector<16xi32>
    %jit3A_561 = arith.constant 0.000000e+00 : f32
    %broadcast_in_dim3A_562 = vector.broadcast %jit3A_561 : f32 to vector<16xf32>
    %select_n3A_563 = arith.select %eq3A_560, %add3A_420, %broadcast_in_dim3A_562 : vector<16xi1>, vector<16xf32>
    %add3A_564 = arith.addf %add3A_559, %select_n3A_563 : vector<16xf32>
    %eq3A_565 = arith.cmpi eq, %add3A_17, %broadcast_in_dim3A_483 : vector<16xi32>
    %jit3A_566 = arith.constant 0.000000e+00 : f32
    %broadcast_in_dim3A_567 = vector.broadcast %jit3A_566 : f32 to vector<16xf32>
    %select_n3A_568 = arith.select %eq3A_565, %add3A_424, %broadcast_in_dim3A_567 : vector<16xi1>, vector<16xf32>
    %add3A_569 = arith.addf %add3A_564, %select_n3A_568 : vector<16xf32>
    %broadcast_in_dim3A_570 = arith.constant true
    %broadcast_in_dim3A_571 = vector.broadcast %broadcast_in_dim3A_570 : i1 to vector<16xi1>
    %masked_cumsum3A_572 = tpu.scan <sum>, %add3A_569 masked %broadcast_in_dim3A_571 : vector<16xf32>, vector<16xi1> -> vector<16xf32>
    %slice3A_573 = vector.extract_strided_slice %masked_cumsum3A_572 {offsets = [15], sizes = [1], strides = [1]} : vector<16xf32> to vector<1xf32>
    %squeeze3A_574 = vector.extract %slice3A_573[0] : f32 from vector<1xf32>
    %broadcast_in_dim3A_575 = vector.broadcast %squeeze3A_574 : f32 to vector<16xf32>
    %eq3A_576 = arith.cmpi eq, %add3A_5, %broadcast_in_dim3A_483 : vector<16xi32>
    %convert_element_type3A_577 = arith.extui %eq3A_576 : vector<16xi1> to vector<16xi32>
    %convert_element_type3A_578 = arith.sitofp %convert_element_type3A_577 : vector<16xi32> to vector<16xf32>
    %add3A_579 = arith.addf %add3A_412, %convert_element_type3A_578 : vector<16xf32>
    %eq3A_580 = arith.cmpi eq, %add3A_9, %broadcast_in_dim3A_483 : vector<16xi32>
    %convert_element_type3A_581 = arith.extui %eq3A_580 : vector<16xi1> to vector<16xi32>
    %convert_element_type3A_582 = arith.sitofp %convert_element_type3A_581 : vector<16xi32> to vector<16xf32>
    %add3A_583 = arith.addf %add3A_416, %convert_element_type3A_582 : vector<16xf32>
    %eq3A_584 = arith.cmpi eq, %add3A_13, %broadcast_in_dim3A_483 : vector<16xi32>
    %convert_element_type3A_585 = arith.extui %eq3A_584 : vector<16xi1> to vector<16xi32>
    %convert_element_type3A_586 = arith.sitofp %convert_element_type3A_585 : vector<16xi32> to vector<16xf32>
    %add3A_587 = arith.addf %add3A_420, %convert_element_type3A_586 : vector<16xf32>
    %eq3A_588 = arith.cmpi eq, %add3A_17, %broadcast_in_dim3A_483 : vector<16xi32>
    %convert_element_type3A_589 = arith.extui %eq3A_588 : vector<16xi1> to vector<16xi32>
    %convert_element_type3A_590 = arith.sitofp %convert_element_type3A_589 : vector<16xi32> to vector<16xf32>
    %add3A_591 = arith.addf %add3A_424, %convert_element_type3A_590 : vector<16xf32>
    %eq3A_592 = arith.cmpi eq, %add3A_5, %broadcast_in_dim3A_542 : vector<16xi32>
    %jit3A_593 = arith.constant 0.000000e+00 : f32
    %broadcast_in_dim3A_594 = vector.broadcast %jit3A_593 : f32 to vector<16xf32>
    %select_n3A_595 = arith.select %eq3A_592, %add3A_579, %broadcast_in_dim3A_594 : vector<16xi1>, vector<16xf32>
    %eq3A_596 = arith.cmpi eq, %add3A_9, %broadcast_in_dim3A_542 : vector<16xi32>
    %jit3A_597 = arith.constant 0.000000e+00 : f32
    %broadcast_in_dim3A_598 = vector.broadcast %jit3A_597 : f32 to vector<16xf32>
    %select_n3A_599 = arith.select %eq3A_596, %add3A_583, %broadcast_in_dim3A_598 : vector<16xi1>, vector<16xf32>
    %add3A_600 = arith.addf %select_n3A_595, %select_n3A_599 : vector<16xf32>
    %eq3A_601 = arith.cmpi eq, %add3A_13, %broadcast_in_dim3A_542 : vector<16xi32>
    %jit3A_602 = arith.constant 0.000000e+00 : f32
    %broadcast_in_dim3A_603 = vector.broadcast %jit3A_602 : f32 to vector<16xf32>
    %select_n3A_604 = arith.select %eq3A_601, %add3A_587, %broadcast_in_dim3A_603 : vector<16xi1>, vector<16xf32>
    %add3A_605 = arith.addf %add3A_600, %select_n3A_604 : vector<16xf32>
    %eq3A_606 = arith.cmpi eq, %add3A_17, %broadcast_in_dim3A_542 : vector<16xi32>
    %jit3A_607 = arith.constant 0.000000e+00 : f32
    %broadcast_in_dim3A_608 = vector.broadcast %jit3A_607 : f32 to vector<16xf32>
    %select_n3A_609 = arith.select %eq3A_606, %add3A_591, %broadcast_in_dim3A_608 : vector<16xi1>, vector<16xf32>
    %add3A_610 = arith.addf %add3A_605, %select_n3A_609 : vector<16xf32>
    %broadcast_in_dim3A_611 = arith.constant true
    %broadcast_in_dim3A_612 = vector.broadcast %broadcast_in_dim3A_611 : i1 to vector<16xi1>
    %masked_cumsum3A_613 = tpu.scan <sum>, %add3A_610 masked %broadcast_in_dim3A_612 : vector<16xf32>, vector<16xi1> -> vector<16xf32>
    %slice3A_614 = vector.extract_strided_slice %masked_cumsum3A_613 {offsets = [15], sizes = [1], strides = [1]} : vector<16xf32> to vector<1xf32>
    %squeeze3A_615 = vector.extract %slice3A_614[0] : f32 from vector<1xf32>
    %broadcast_in_dim3A_616 = vector.broadcast %squeeze3A_615 : f32 to vector<16xf32>
    %eq3A_617 = arith.cmpi eq, %add3A_5, %broadcast_in_dim3A_542 : vector<16xi32>
    %convert_element_type3A_618 = arith.extui %eq3A_617 : vector<16xi1> to vector<16xi32>
    %convert_element_type3A_619 = arith.sitofp %convert_element_type3A_618 : vector<16xi32> to vector<16xf32>
    %add3A_620 = arith.addf %add3A_579, %convert_element_type3A_619 : vector<16xf32>
    %eq3A_621 = arith.cmpi eq, %add3A_9, %broadcast_in_dim3A_542 : vector<16xi32>
    %convert_element_type3A_622 = arith.extui %eq3A_621 : vector<16xi1> to vector<16xi32>
    %convert_element_type3A_623 = arith.sitofp %convert_element_type3A_622 : vector<16xi32> to vector<16xf32>
    %add3A_624 = arith.addf %add3A_583, %convert_element_type3A_623 : vector<16xf32>
    %eq3A_625 = arith.cmpi eq, %add3A_13, %broadcast_in_dim3A_542 : vector<16xi32>
    %convert_element_type3A_626 = arith.extui %eq3A_625 : vector<16xi1> to vector<16xi32>
    %convert_element_type3A_627 = arith.sitofp %convert_element_type3A_626 : vector<16xi32> to vector<16xf32>
    %add3A_628 = arith.addf %add3A_587, %convert_element_type3A_627 : vector<16xf32>
    %eq3A_629 = arith.cmpi eq, %add3A_17, %broadcast_in_dim3A_542 : vector<16xi32>
    %convert_element_type3A_630 = arith.extui %eq3A_629 : vector<16xi1> to vector<16xi32>
    %convert_element_type3A_631 = arith.sitofp %convert_element_type3A_630 : vector<16xi32> to vector<16xf32>
    %add3A_632 = arith.addf %add3A_591, %convert_element_type3A_631 : vector<16xf32>
    %get3A_633 = arith.constant 3 : i32
    %get3A_634 = arith.index_cast %get3A_633 : i32 to index
    %get3A_635 = arith.constant 0 : index
    %get3A_636 = tpu.vector_load %arg4[%get3A_634, %get3A_635] {strides = array<i32>} : memref<8x64xf32, #tpu.memory_space<vmem>>, vector<16xf32>,
    %get3A_637 = arith.constant 3 : i32
    %get3A_638 = arith.index_cast %get3A_637 : i32 to index
    %get3A_639 = arith.constant 16 : index
    %get3A_640 = tpu.vector_load %arg4[%get3A_638, %get3A_639] {strides = array<i32>} : memref<8x64xf32, #tpu.memory_space<vmem>>, vector<16xf32>,
    %get3A_641 = arith.constant 3 : i32
    %get3A_642 = arith.index_cast %get3A_641 : i32 to index
    %get3A_643 = arith.constant 32 : index
    %get3A_644 = tpu.vector_load %arg4[%get3A_642, %get3A_643] {strides = array<i32>} : memref<8x64xf32, #tpu.memory_space<vmem>>, vector<16xf32>,
    %get3A_645 = arith.constant 3 : i32
    %get3A_646 = arith.index_cast %get3A_645 : i32 to index
    %get3A_647 = arith.constant 48 : index
    %get3A_648 = tpu.vector_load %arg4[%get3A_646, %get3A_647] {strides = array<i32>} : memref<8x64xf32, #tpu.memory_space<vmem>>, vector<16xf32>,
    %max3A_649 = arith.maximumf %get3A_636, %get3A_640 : vector<16xf32>
    %max3A_650 = arith.maximumf %get3A_644, %get3A_648 : vector<16xf32>
    %max3A_651 = arith.maximumf %max3A_649, %max3A_650 : vector<16xf32>
    %broadcast_in_dim3A_652 = arith.constant true
    %broadcast_in_dim3A_653 = vector.broadcast %broadcast_in_dim3A_652 : i1 to vector<16xi1>
    %masked_cummax3A_654 = tpu.scan <max>, %max3A_651 masked %broadcast_in_dim3A_653 : vector<16xf32>, vector<16xi1> -> vector<16xf32>
    %slice3A_655 = vector.extract_strided_slice %masked_cummax3A_654 {offsets = [15], sizes = [1], strides = [1]} : vector<16xf32> to vector<1xf32>
    %squeeze3A_656 = vector.extract %slice3A_655[0] : f32 from vector<1xf32>
    %broadcast_in_dim3A_657 = vector.broadcast %squeeze3A_656 : f32 to vector<16xf32>
    %ge3A_658 = arith.cmpf oge, %get3A_636, %broadcast_in_dim3A_657 : vector<16xf32>
    %jit3A_659 = arith.constant 64 : i32
    %broadcast_in_dim3A_660 = vector.broadcast %jit3A_659 : i32 to vector<16xi32>
    %select_n3A_661 = arith.select %ge3A_658, %add3A_5, %broadcast_in_dim3A_660 : vector<16xi1>, vector<16xi32>
    %ge3A_662 = arith.cmpf oge, %get3A_640, %broadcast_in_dim3A_657 : vector<16xf32>
    %jit3A_663 = arith.constant 64 : i32
    %broadcast_in_dim3A_664 = vector.broadcast %jit3A_663 : i32 to vector<16xi32>
    %select_n3A_665 = arith.select %ge3A_662, %add3A_9, %broadcast_in_dim3A_664 : vector<16xi1>, vector<16xi32>
    %ge3A_666 = arith.cmpf oge, %get3A_644, %broadcast_in_dim3A_657 : vector<16xf32>
    %jit3A_667 = arith.constant 64 : i32
    %broadcast_in_dim3A_668 = vector.broadcast %jit3A_667 : i32 to vector<16xi32>
    %select_n3A_669 = arith.select %ge3A_666, %add3A_13, %broadcast_in_dim3A_668 : vector<16xi1>, vector<16xi32>
    %ge3A_670 = arith.cmpf oge, %get3A_648, %broadcast_in_dim3A_657 : vector<16xf32>
    %jit3A_671 = arith.constant 64 : i32
    %broadcast_in_dim3A_672 = vector.broadcast %jit3A_671 : i32 to vector<16xi32>
    %select_n3A_673 = arith.select %ge3A_670, %add3A_17, %broadcast_in_dim3A_672 : vector<16xi1>, vector<16xi32>
    %min3A_674 = arith.minsi %select_n3A_661, %select_n3A_665 : vector<16xi32>
    %min3A_675 = arith.minsi %select_n3A_669, %select_n3A_673 : vector<16xi32>
    %min3A_676 = arith.minsi %min3A_674, %min3A_675 : vector<16xi32>
    %neg3A_677 = arith.constant 0 : i32
    %neg3A_678 = vector.broadcast %neg3A_677 : i32 to vector<16xi32>
    %neg3A_679 = arith.subi %neg3A_678, %min3A_676 : vector<16xi32>
    %broadcast_in_dim3A_680 = arith.constant true
    %broadcast_in_dim3A_681 = vector.broadcast %broadcast_in_dim3A_680 : i1 to vector<16xi1>
    %masked_cummax3A_682 = arith.constant -2147483648 : i32
    %masked_cummax3A_683 = vector.broadcast %masked_cummax3A_682 : i32 to vector<16xi32>
    %masked_cummax3A_684 = arith.xori %neg3A_679, %masked_cummax3A_683 : vector<16xi32>
    %masked_cummax3A_685 = tpu.scan <max>, %masked_cummax3A_684 masked %broadcast_in_dim3A_681 : vector<16xi32>, vector<16xi1> -> vector<16xi32>
    %masked_cummax3A_686 = arith.xori %masked_cummax3A_685, %masked_cummax3A_683 : vector<16xi32>
    %slice3A_687 = vector.extract_strided_slice %masked_cummax3A_686 {offsets = [15], sizes = [1], strides = [1]} : vector<16xi32> to vector<1xi32>
    %squeeze3A_688 = vector.extract %slice3A_687[0] : i32 from vector<1xi32>
    %neg3A_689 = arith.constant 0 : i32
    %neg3A_690 = arith.subi %neg3A_689, %squeeze3A_688 : i32
    %broadcast_in_dim3A_691 = vector.broadcast %neg3A_690 : i32 to vector<16xi32>
    %eq3A_692 = arith.cmpi eq, %add3A_5, %broadcast_in_dim3A_691 : vector<16xi32>
    %jit3A_693 = arith.constant -1.000000e+30 : f32
    %broadcast_in_dim3A_694 = vector.broadcast %jit3A_693 : f32 to vector<16xf32>
    %select_n3A_695 = arith.select %eq3A_692, %broadcast_in_dim3A_694, %get3A_636 : vector<16xi1>, vector<16xf32>
    %eq3A_696 = arith.cmpi eq, %add3A_9, %broadcast_in_dim3A_691 : vector<16xi32>
    %jit3A_697 = arith.constant -1.000000e+30 : f32
    %broadcast_in_dim3A_698 = vector.broadcast %jit3A_697 : f32 to vector<16xf32>
    %select_n3A_699 = arith.select %eq3A_696, %broadcast_in_dim3A_698, %get3A_640 : vector<16xi1>, vector<16xf32>
    %eq3A_700 = arith.cmpi eq, %add3A_13, %broadcast_in_dim3A_691 : vector<16xi32>
    %jit3A_701 = arith.constant -1.000000e+30 : f32
    %broadcast_in_dim3A_702 = vector.broadcast %jit3A_701 : f32 to vector<16xf32>
    %select_n3A_703 = arith.select %eq3A_700, %broadcast_in_dim3A_702, %get3A_644 : vector<16xi1>, vector<16xf32>
    %eq3A_704 = arith.cmpi eq, %add3A_17, %broadcast_in_dim3A_691 : vector<16xi32>
    %jit3A_705 = arith.constant -1.000000e+30 : f32
    %broadcast_in_dim3A_706 = vector.broadcast %jit3A_705 : f32 to vector<16xf32>
    %select_n3A_707 = arith.select %eq3A_704, %broadcast_in_dim3A_706, %get3A_648 : vector<16xi1>, vector<16xf32>
    %max3A_708 = arith.maximumf %select_n3A_695, %select_n3A_699 : vector<16xf32>
    %max3A_709 = arith.maximumf %select_n3A_703, %select_n3A_707 : vector<16xf32>
    %max3A_710 = arith.maximumf %max3A_708, %max3A_709 : vector<16xf32>
    %broadcast_in_dim3A_711 = arith.constant true
    %broadcast_in_dim3A_712 = vector.broadcast %broadcast_in_dim3A_711 : i1 to vector<16xi1>
    %masked_cummax3A_713 = tpu.scan <max>, %max3A_710 masked %broadcast_in_dim3A_712 : vector<16xf32>, vector<16xi1> -> vector<16xf32>
    %slice3A_714 = vector.extract_strided_slice %masked_cummax3A_713 {offsets = [15], sizes = [1], strides = [1]} : vector<16xf32> to vector<1xf32>
    %squeeze3A_715 = vector.extract %slice3A_714[0] : f32 from vector<1xf32>
    %broadcast_in_dim3A_716 = vector.broadcast %squeeze3A_715 : f32 to vector<16xf32>
    %ge3A_717 = arith.cmpf oge, %select_n3A_695, %broadcast_in_dim3A_716 : vector<16xf32>
    %jit3A_718 = arith.constant 64 : i32
    %broadcast_in_dim3A_719 = vector.broadcast %jit3A_718 : i32 to vector<16xi32>
    %select_n3A_720 = arith.select %ge3A_717, %add3A_5, %broadcast_in_dim3A_719 : vector<16xi1>, vector<16xi32>
    %ge3A_721 = arith.cmpf oge, %select_n3A_699, %broadcast_in_dim3A_716 : vector<16xf32>
    %jit3A_722 = arith.constant 64 : i32
    %broadcast_in_dim3A_723 = vector.broadcast %jit3A_722 : i32 to vector<16xi32>
    %select_n3A_724 = arith.select %ge3A_721, %add3A_9, %broadcast_in_dim3A_723 : vector<16xi1>, vector<16xi32>
    %ge3A_725 = arith.cmpf oge, %select_n3A_703, %broadcast_in_dim3A_716 : vector<16xf32>
    %jit3A_726 = arith.constant 64 : i32
    %broadcast_in_dim3A_727 = vector.broadcast %jit3A_726 : i32 to vector<16xi32>
    %select_n3A_728 = arith.select %ge3A_725, %add3A_13, %broadcast_in_dim3A_727 : vector<16xi1>, vector<16xi32>
    %ge3A_729 = arith.cmpf oge, %select_n3A_707, %broadcast_in_dim3A_716 : vector<16xf32>
    %jit3A_730 = arith.constant 64 : i32
    %broadcast_in_dim3A_731 = vector.broadcast %jit3A_730 : i32 to vector<16xi32>
    %select_n3A_732 = arith.select %ge3A_729, %add3A_17, %broadcast_in_dim3A_731 : vector<16xi1>, vector<16xi32>
    %min3A_733 = arith.minsi %select_n3A_720, %select_n3A_724 : vector<16xi32>
    %min3A_734 = arith.minsi %select_n3A_728, %select_n3A_732 : vector<16xi32>
    %min3A_735 = arith.minsi %min3A_733, %min3A_734 : vector<16xi32>
    %neg3A_736 = arith.constant 0 : i32
    %neg3A_737 = vector.broadcast %neg3A_736 : i32 to vector<16xi32>
    %neg3A_738 = arith.subi %neg3A_737, %min3A_735 : vector<16xi32>
    %broadcast_in_dim3A_739 = arith.constant true
    %broadcast_in_dim3A_740 = vector.broadcast %broadcast_in_dim3A_739 : i1 to vector<16xi1>
    %masked_cummax3A_741 = arith.constant -2147483648 : i32
    %masked_cummax3A_742 = vector.broadcast %masked_cummax3A_741 : i32 to vector<16xi32>
    %masked_cummax3A_743 = arith.xori %neg3A_738, %masked_cummax3A_742 : vector<16xi32>
    %masked_cummax3A_744 = tpu.scan <max>, %masked_cummax3A_743 masked %broadcast_in_dim3A_740 : vector<16xi32>, vector<16xi1> -> vector<16xi32>
    %masked_cummax3A_745 = arith.xori %masked_cummax3A_744, %masked_cummax3A_742 : vector<16xi32>
    %slice3A_746 = vector.extract_strided_slice %masked_cummax3A_745 {offsets = [15], sizes = [1], strides = [1]} : vector<16xi32> to vector<1xi32>
    %squeeze3A_747 = vector.extract %slice3A_746[0] : i32 from vector<1xi32>
    %neg3A_748 = arith.constant 0 : i32
    %neg3A_749 = arith.subi %neg3A_748, %squeeze3A_747 : i32
    %broadcast_in_dim3A_750 = vector.broadcast %neg3A_749 : i32 to vector<16xi32>
    %sub3A_751 = arith.subf %broadcast_in_dim3A_716, %broadcast_in_dim3A_657 : vector<16xf32>
    %exp3A_752 = math.exp %sub3A_751 : vector<16xf32>
    %add3A_753 = arith.constant 1.000000e+00 : f32
    %add3A_754 = vector.broadcast %add3A_753 : f32 to vector<16xf32>
    %add3A_755 = arith.addf %add3A_754, %exp3A_752 : vector<16xf32>
    %div3A_756 = arith.constant 1.000000e+00 : f32
    %div3A_757 = vector.broadcast %div3A_756 : f32 to vector<16xf32>
    %div3A_758 = arith.divf %div3A_757, %add3A_755 : vector<16xf32>
    %eq3A_759 = arith.cmpi eq, %add3A_5, %broadcast_in_dim3A_691 : vector<16xi32>
    %jit3A_760 = arith.constant 0.000000e+00 : f32
    %broadcast_in_dim3A_761 = vector.broadcast %jit3A_760 : f32 to vector<16xf32>
    %select_n3A_762 = arith.select %eq3A_759, %add3A_620, %broadcast_in_dim3A_761 : vector<16xi1>, vector<16xf32>
    %eq3A_763 = arith.cmpi eq, %add3A_9, %broadcast_in_dim3A_691 : vector<16xi32>
    %jit3A_764 = arith.constant 0.000000e+00 : f32
    %broadcast_in_dim3A_765 = vector.broadcast %jit3A_764 : f32 to vector<16xf32>
    %select_n3A_766 = arith.select %eq3A_763, %add3A_624, %broadcast_in_dim3A_765 : vector<16xi1>, vector<16xf32>
    %add3A_767 = arith.addf %select_n3A_762, %select_n3A_766 : vector<16xf32>
    %eq3A_768 = arith.cmpi eq, %add3A_13, %broadcast_in_dim3A_691 : vector<16xi32>
    %jit3A_769 = arith.constant 0.000000e+00 : f32
    %broadcast_in_dim3A_770 = vector.broadcast %jit3A_769 : f32 to vector<16xf32>
    %select_n3A_771 = arith.select %eq3A_768, %add3A_628, %broadcast_in_dim3A_770 : vector<16xi1>, vector<16xf32>
    %add3A_772 = arith.addf %add3A_767, %select_n3A_771 : vector<16xf32>
    %eq3A_773 = arith.cmpi eq, %add3A_17, %broadcast_in_dim3A_691 : vector<16xi32>
    %jit3A_774 = arith.constant 0.000000e+00 : f32
    %broadcast_in_dim3A_775 = vector.broadcast %jit3A_774 : f32 to vector<16xf32>
    %select_n3A_776 = arith.select %eq3A_773, %add3A_632, %broadcast_in_dim3A_775 : vector<16xi1>, vector<16xf32>
    %add3A_777 = arith.addf %add3A_772, %select_n3A_776 : vector<16xf32>
    %broadcast_in_dim3A_778 = arith.constant true
    %broadcast_in_dim3A_779 = vector.broadcast %broadcast_in_dim3A_778 : i1 to vector<16xi1>
    %masked_cumsum3A_780 = tpu.scan <sum>, %add3A_777 masked %broadcast_in_dim3A_779 : vector<16xf32>, vector<16xi1> -> vector<16xf32>
    %slice3A_781 = vector.extract_strided_slice %masked_cumsum3A_780 {offsets = [15], sizes = [1], strides = [1]} : vector<16xf32> to vector<1xf32>
    %squeeze3A_782 = vector.extract %slice3A_781[0] : f32 from vector<1xf32>
    %broadcast_in_dim3A_783 = vector.broadcast %squeeze3A_782 : f32 to vector<16xf32>
    %eq3A_784 = arith.cmpi eq, %add3A_5, %broadcast_in_dim3A_691 : vector<16xi32>
    %convert_element_type3A_785 = arith.extui %eq3A_784 : vector<16xi1> to vector<16xi32>
    %convert_element_type3A_786 = arith.sitofp %convert_element_type3A_785 : vector<16xi32> to vector<16xf32>
    %add3A_787 = arith.addf %add3A_620, %convert_element_type3A_786 : vector<16xf32>
    %eq3A_788 = arith.cmpi eq, %add3A_9, %broadcast_in_dim3A_691 : vector<16xi32>
    %convert_element_type3A_789 = arith.extui %eq3A_788 : vector<16xi1> to vector<16xi32>
    %convert_element_type3A_790 = arith.sitofp %convert_element_type3A_789 : vector<16xi32> to vector<16xf32>
    %add3A_791 = arith.addf %add3A_624, %convert_element_type3A_790 : vector<16xf32>
    %eq3A_792 = arith.cmpi eq, %add3A_13, %broadcast_in_dim3A_691 : vector<16xi32>
    %convert_element_type3A_793 = arith.extui %eq3A_792 : vector<16xi1> to vector<16xi32>
    %convert_element_type3A_794 = arith.sitofp %convert_element_type3A_793 : vector<16xi32> to vector<16xf32>
    %add3A_795 = arith.addf %add3A_628, %convert_element_type3A_794 : vector<16xf32>
    %eq3A_796 = arith.cmpi eq, %add3A_17, %broadcast_in_dim3A_691 : vector<16xi32>
    %convert_element_type3A_797 = arith.extui %eq3A_796 : vector<16xi1> to vector<16xi32>
    %convert_element_type3A_798 = arith.sitofp %convert_element_type3A_797 : vector<16xi32> to vector<16xf32>
    %add3A_799 = arith.addf %add3A_632, %convert_element_type3A_798 : vector<16xf32>
    %eq3A_800 = arith.cmpi eq, %add3A_5, %broadcast_in_dim3A_750 : vector<16xi32>
    %jit3A_801 = arith.constant 0.000000e+00 : f32
    %broadcast_in_dim3A_802 = vector.broadcast %jit3A_801 : f32 to vector<16xf32>
    %select_n3A_803 = arith.select %eq3A_800, %add3A_787, %broadcast_in_dim3A_802 : vector<16xi1>, vector<16xf32>
    %eq3A_804 = arith.cmpi eq, %add3A_9, %broadcast_in_dim3A_750 : vector<16xi32>
    %jit3A_805 = arith.constant 0.000000e+00 : f32
    %broadcast_in_dim3A_806 = vector.broadcast %jit3A_805 : f32 to vector<16xf32>
    %select_n3A_807 = arith.select %eq3A_804, %add3A_791, %broadcast_in_dim3A_806 : vector<16xi1>, vector<16xf32>
    %add3A_808 = arith.addf %select_n3A_803, %select_n3A_807 : vector<16xf32>
    %eq3A_809 = arith.cmpi eq, %add3A_13, %broadcast_in_dim3A_750 : vector<16xi32>
    %jit3A_810 = arith.constant 0.000000e+00 : f32
    %broadcast_in_dim3A_811 = vector.broadcast %jit3A_810 : f32 to vector<16xf32>
    %select_n3A_812 = arith.select %eq3A_809, %add3A_795, %broadcast_in_dim3A_811 : vector<16xi1>, vector<16xf32>
    %add3A_813 = arith.addf %add3A_808, %select_n3A_812 : vector<16xf32>
    %eq3A_814 = arith.cmpi eq, %add3A_17, %broadcast_in_dim3A_750 : vector<16xi32>
    %jit3A_815 = arith.constant 0.000000e+00 : f32
    %broadcast_in_dim3A_816 = vector.broadcast %jit3A_815 : f32 to vector<16xf32>
    %select_n3A_817 = arith.select %eq3A_814, %add3A_799, %broadcast_in_dim3A_816 : vector<16xi1>, vector<16xf32>
    %add3A_818 = arith.addf %add3A_813, %select_n3A_817 : vector<16xf32>
    %broadcast_in_dim3A_819 = arith.constant true
    %broadcast_in_dim3A_820 = vector.broadcast %broadcast_in_dim3A_819 : i1 to vector<16xi1>
    %masked_cumsum3A_821 = tpu.scan <sum>, %add3A_818 masked %broadcast_in_dim3A_820 : vector<16xf32>, vector<16xi1> -> vector<16xf32>
    %slice3A_822 = vector.extract_strided_slice %masked_cumsum3A_821 {offsets = [15], sizes = [1], strides = [1]} : vector<16xf32> to vector<1xf32>
    %squeeze3A_823 = vector.extract %slice3A_822[0] : f32 from vector<1xf32>
    %broadcast_in_dim3A_824 = vector.broadcast %squeeze3A_823 : f32 to vector<16xf32>
    %eq3A_825 = arith.cmpi eq, %add3A_5, %broadcast_in_dim3A_750 : vector<16xi32>
    %convert_element_type3A_826 = arith.extui %eq3A_825 : vector<16xi1> to vector<16xi32>
    %convert_element_type3A_827 = arith.sitofp %convert_element_type3A_826 : vector<16xi32> to vector<16xf32>
    %add3A_828 = arith.addf %add3A_787, %convert_element_type3A_827 : vector<16xf32>
    %eq3A_829 = arith.cmpi eq, %add3A_9, %broadcast_in_dim3A_750 : vector<16xi32>
    %convert_element_type3A_830 = arith.extui %eq3A_829 : vector<16xi1> to vector<16xi32>
    %convert_element_type3A_831 = arith.sitofp %convert_element_type3A_830 : vector<16xi32> to vector<16xf32>
    %add3A_832 = arith.addf %add3A_791, %convert_element_type3A_831 : vector<16xf32>
    %eq3A_833 = arith.cmpi eq, %add3A_13, %broadcast_in_dim3A_750 : vector<16xi32>
    %convert_element_type3A_834 = arith.extui %eq3A_833 : vector<16xi1> to vector<16xi32>
    %convert_element_type3A_835 = arith.sitofp %convert_element_type3A_834 : vector<16xi32> to vector<16xf32>
    %add3A_836 = arith.addf %add3A_795, %convert_element_type3A_835 : vector<16xf32>
    %eq3A_837 = arith.cmpi eq, %add3A_17, %broadcast_in_dim3A_750 : vector<16xi32>
    %convert_element_type3A_838 = arith.extui %eq3A_837 : vector<16xi1> to vector<16xi32>
    %convert_element_type3A_839 = arith.sitofp %convert_element_type3A_838 : vector<16xi32> to vector<16xf32>
    %add3A_840 = arith.addf %add3A_799, %convert_element_type3A_839 : vector<16xf32>
    %get3A_841 = arith.constant 4 : i32
    %get3A_842 = arith.index_cast %get3A_841 : i32 to index
    %get3A_843 = arith.constant 0 : index
    %get3A_844 = tpu.vector_load %arg4[%get3A_842, %get3A_843] {strides = array<i32>} : memref<8x64xf32, #tpu.memory_space<vmem>>, vector<16xf32>,
    %get3A_845 = arith.constant 4 : i32
    %get3A_846 = arith.index_cast %get3A_845 : i32 to index
    %get3A_847 = arith.constant 16 : index
    %get3A_848 = tpu.vector_load %arg4[%get3A_846, %get3A_847] {strides = array<i32>} : memref<8x64xf32, #tpu.memory_space<vmem>>, vector<16xf32>,
    %get3A_849 = arith.constant 4 : i32
    %get3A_850 = arith.index_cast %get3A_849 : i32 to index
    %get3A_851 = arith.constant 32 : index
    %get3A_852 = tpu.vector_load %arg4[%get3A_850, %get3A_851] {strides = array<i32>} : memref<8x64xf32, #tpu.memory_space<vmem>>, vector<16xf32>,
    %get3A_853 = arith.constant 4 : i32
    %get3A_854 = arith.index_cast %get3A_853 : i32 to index
    %get3A_855 = arith.constant 48 : index
    %get3A_856 = tpu.vector_load %arg4[%get3A_854, %get3A_855] {strides = array<i32>} : memref<8x64xf32, #tpu.memory_space<vmem>>, vector<16xf32>,
    %max3A_857 = arith.maximumf %get3A_844, %get3A_848 : vector<16xf32>
    %max3A_858 = arith.maximumf %get3A_852, %get3A_856 : vector<16xf32>
    %max3A_859 = arith.maximumf %max3A_857, %max3A_858 : vector<16xf32>
    %broadcast_in_dim3A_860 = arith.constant true
    %broadcast_in_dim3A_861 = vector.broadcast %broadcast_in_dim3A_860 : i1 to vector<16xi1>
    %masked_cummax3A_862 = tpu.scan <max>, %max3A_859 masked %broadcast_in_dim3A_861 : vector<16xf32>, vector<16xi1> -> vector<16xf32>
    %slice3A_863 = vector.extract_strided_slice %masked_cummax3A_862 {offsets = [15], sizes = [1], strides = [1]} : vector<16xf32> to vector<1xf32>
    %squeeze3A_864 = vector.extract %slice3A_863[0] : f32 from vector<1xf32>
    %broadcast_in_dim3A_865 = vector.broadcast %squeeze3A_864 : f32 to vector<16xf32>
    %ge3A_866 = arith.cmpf oge, %get3A_844, %broadcast_in_dim3A_865 : vector<16xf32>
    %jit3A_867 = arith.constant 64 : i32
    %broadcast_in_dim3A_868 = vector.broadcast %jit3A_867 : i32 to vector<16xi32>
    %select_n3A_869 = arith.select %ge3A_866, %add3A_5, %broadcast_in_dim3A_868 : vector<16xi1>, vector<16xi32>
    %ge3A_870 = arith.cmpf oge, %get3A_848, %broadcast_in_dim3A_865 : vector<16xf32>
    %jit3A_871 = arith.constant 64 : i32
    %broadcast_in_dim3A_872 = vector.broadcast %jit3A_871 : i32 to vector<16xi32>
    %select_n3A_873 = arith.select %ge3A_870, %add3A_9, %broadcast_in_dim3A_872 : vector<16xi1>, vector<16xi32>
    %ge3A_874 = arith.cmpf oge, %get3A_852, %broadcast_in_dim3A_865 : vector<16xf32>
    %jit3A_875 = arith.constant 64 : i32
    %broadcast_in_dim3A_876 = vector.broadcast %jit3A_875 : i32 to vector<16xi32>
    %select_n3A_877 = arith.select %ge3A_874, %add3A_13, %broadcast_in_dim3A_876 : vector<16xi1>, vector<16xi32>
    %ge3A_878 = arith.cmpf oge, %get3A_856, %broadcast_in_dim3A_865 : vector<16xf32>
    %jit3A_879 = arith.constant 64 : i32
    %broadcast_in_dim3A_880 = vector.broadcast %jit3A_879 : i32 to vector<16xi32>
    %select_n3A_881 = arith.select %ge3A_878, %add3A_17, %broadcast_in_dim3A_880 : vector<16xi1>, vector<16xi32>
    %min3A_882 = arith.minsi %select_n3A_869, %select_n3A_873 : vector<16xi32>
    %min3A_883 = arith.minsi %select_n3A_877, %select_n3A_881 : vector<16xi32>
    %min3A_884 = arith.minsi %min3A_882, %min3A_883 : vector<16xi32>
    %neg3A_885 = arith.constant 0 : i32
    %neg3A_886 = vector.broadcast %neg3A_885 : i32 to vector<16xi32>
    %neg3A_887 = arith.subi %neg3A_886, %min3A_884 : vector<16xi32>
    %broadcast_in_dim3A_888 = arith.constant true
    %broadcast_in_dim3A_889 = vector.broadcast %broadcast_in_dim3A_888 : i1 to vector<16xi1>
    %masked_cummax3A_890 = arith.constant -2147483648 : i32
    %masked_cummax3A_891 = vector.broadcast %masked_cummax3A_890 : i32 to vector<16xi32>
    %masked_cummax3A_892 = arith.xori %neg3A_887, %masked_cummax3A_891 : vector<16xi32>
    %masked_cummax3A_893 = tpu.scan <max>, %masked_cummax3A_892 masked %broadcast_in_dim3A_889 : vector<16xi32>, vector<16xi1> -> vector<16xi32>
    %masked_cummax3A_894 = arith.xori %masked_cummax3A_893, %masked_cummax3A_891 : vector<16xi32>
    %slice3A_895 = vector.extract_strided_slice %masked_cummax3A_894 {offsets = [15], sizes = [1], strides = [1]} : vector<16xi32> to vector<1xi32>
    %squeeze3A_896 = vector.extract %slice3A_895[0] : i32 from vector<1xi32>
    %neg3A_897 = arith.constant 0 : i32
    %neg3A_898 = arith.subi %neg3A_897, %squeeze3A_896 : i32
    %broadcast_in_dim3A_899 = vector.broadcast %neg3A_898 : i32 to vector<16xi32>
    %eq3A_900 = arith.cmpi eq, %add3A_5, %broadcast_in_dim3A_899 : vector<16xi32>
    %jit3A_901 = arith.constant -1.000000e+30 : f32
    %broadcast_in_dim3A_902 = vector.broadcast %jit3A_901 : f32 to vector<16xf32>
    %select_n3A_903 = arith.select %eq3A_900, %broadcast_in_dim3A_902, %get3A_844 : vector<16xi1>, vector<16xf32>
    %eq3A_904 = arith.cmpi eq, %add3A_9, %broadcast_in_dim3A_899 : vector<16xi32>
    %jit3A_905 = arith.constant -1.000000e+30 : f32
    %broadcast_in_dim3A_906 = vector.broadcast %jit3A_905 : f32 to vector<16xf32>
    %select_n3A_907 = arith.select %eq3A_904, %broadcast_in_dim3A_906, %get3A_848 : vector<16xi1>, vector<16xf32>
    %eq3A_908 = arith.cmpi eq, %add3A_13, %broadcast_in_dim3A_899 : vector<16xi32>
    %jit3A_909 = arith.constant -1.000000e+30 : f32
    %broadcast_in_dim3A_910 = vector.broadcast %jit3A_909 : f32 to vector<16xf32>
    %select_n3A_911 = arith.select %eq3A_908, %broadcast_in_dim3A_910, %get3A_852 : vector<16xi1>, vector<16xf32>
    %eq3A_912 = arith.cmpi eq, %add3A_17, %broadcast_in_dim3A_899 : vector<16xi32>
    %jit3A_913 = arith.constant -1.000000e+30 : f32
    %broadcast_in_dim3A_914 = vector.broadcast %jit3A_913 : f32 to vector<16xf32>
    %select_n3A_915 = arith.select %eq3A_912, %broadcast_in_dim3A_914, %get3A_856 : vector<16xi1>, vector<16xf32>
    %max3A_916 = arith.maximumf %select_n3A_903, %select_n3A_907 : vector<16xf32>
    %max3A_917 = arith.maximumf %select_n3A_911, %select_n3A_915 : vector<16xf32>
    %max3A_918 = arith.maximumf %max3A_916, %max3A_917 : vector<16xf32>
    %broadcast_in_dim3A_919 = arith.constant true
    %broadcast_in_dim3A_920 = vector.broadcast %broadcast_in_dim3A_919 : i1 to vector<16xi1>
    %masked_cummax3A_921 = tpu.scan <max>, %max3A_918 masked %broadcast_in_dim3A_920 : vector<16xf32>, vector<16xi1> -> vector<16xf32>
    %slice3A_922 = vector.extract_strided_slice %masked_cummax3A_921 {offsets = [15], sizes = [1], strides = [1]} : vector<16xf32> to vector<1xf32>
    %squeeze3A_923 = vector.extract %slice3A_922[0] : f32 from vector<1xf32>
    %broadcast_in_dim3A_924 = vector.broadcast %squeeze3A_923 : f32 to vector<16xf32>
    %ge3A_925 = arith.cmpf oge, %select_n3A_903, %broadcast_in_dim3A_924 : vector<16xf32>
    %jit3A_926 = arith.constant 64 : i32
    %broadcast_in_dim3A_927 = vector.broadcast %jit3A_926 : i32 to vector<16xi32>
    %select_n3A_928 = arith.select %ge3A_925, %add3A_5, %broadcast_in_dim3A_927 : vector<16xi1>, vector<16xi32>
    %ge3A_929 = arith.cmpf oge, %select_n3A_907, %broadcast_in_dim3A_924 : vector<16xf32>
    %jit3A_930 = arith.constant 64 : i32
    %broadcast_in_dim3A_931 = vector.broadcast %jit3A_930 : i32 to vector<16xi32>
    %select_n3A_932 = arith.select %ge3A_929, %add3A_9, %broadcast_in_dim3A_931 : vector<16xi1>, vector<16xi32>
    %ge3A_933 = arith.cmpf oge, %select_n3A_911, %broadcast_in_dim3A_924 : vector<16xf32>
    %jit3A_934 = arith.constant 64 : i32
    %broadcast_in_dim3A_935 = vector.broadcast %jit3A_934 : i32 to vector<16xi32>
    %select_n3A_936 = arith.select %ge3A_933, %add3A_13, %broadcast_in_dim3A_935 : vector<16xi1>, vector<16xi32>
    %ge3A_937 = arith.cmpf oge, %select_n3A_915, %broadcast_in_dim3A_924 : vector<16xf32>
    %jit3A_938 = arith.constant 64 : i32
    %broadcast_in_dim3A_939 = vector.broadcast %jit3A_938 : i32 to vector<16xi32>
    %select_n3A_940 = arith.select %ge3A_937, %add3A_17, %broadcast_in_dim3A_939 : vector<16xi1>, vector<16xi32>
    %min3A_941 = arith.minsi %select_n3A_928, %select_n3A_932 : vector<16xi32>
    %min3A_942 = arith.minsi %select_n3A_936, %select_n3A_940 : vector<16xi32>
    %min3A_943 = arith.minsi %min3A_941, %min3A_942 : vector<16xi32>
    %neg3A_944 = arith.constant 0 : i32
    %neg3A_945 = vector.broadcast %neg3A_944 : i32 to vector<16xi32>
    %neg3A_946 = arith.subi %neg3A_945, %min3A_943 : vector<16xi32>
    %broadcast_in_dim3A_947 = arith.constant true
    %broadcast_in_dim3A_948 = vector.broadcast %broadcast_in_dim3A_947 : i1 to vector<16xi1>
    %masked_cummax3A_949 = arith.constant -2147483648 : i32
    %masked_cummax3A_950 = vector.broadcast %masked_cummax3A_949 : i32 to vector<16xi32>
    %masked_cummax3A_951 = arith.xori %neg3A_946, %masked_cummax3A_950 : vector<16xi32>
    %masked_cummax3A_952 = tpu.scan <max>, %masked_cummax3A_951 masked %broadcast_in_dim3A_948 : vector<16xi32>, vector<16xi1> -> vector<16xi32>
    %masked_cummax3A_953 = arith.xori %masked_cummax3A_952, %masked_cummax3A_950 : vector<16xi32>
    %slice3A_954 = vector.extract_strided_slice %masked_cummax3A_953 {offsets = [15], sizes = [1], strides = [1]} : vector<16xi32> to vector<1xi32>
    %squeeze3A_955 = vector.extract %slice3A_954[0] : i32 from vector<1xi32>
    %neg3A_956 = arith.constant 0 : i32
    %neg3A_957 = arith.subi %neg3A_956, %squeeze3A_955 : i32
    %broadcast_in_dim3A_958 = vector.broadcast %neg3A_957 : i32 to vector<16xi32>
    %sub3A_959 = arith.subf %broadcast_in_dim3A_924, %broadcast_in_dim3A_865 : vector<16xf32>
    %exp3A_960 = math.exp %sub3A_959 : vector<16xf32>
    %add3A_961 = arith.constant 1.000000e+00 : f32
    %add3A_962 = vector.broadcast %add3A_961 : f32 to vector<16xf32>
    %add3A_963 = arith.addf %add3A_962, %exp3A_960 : vector<16xf32>
    %div3A_964 = arith.constant 1.000000e+00 : f32
    %div3A_965 = vector.broadcast %div3A_964 : f32 to vector<16xf32>
    %div3A_966 = arith.divf %div3A_965, %add3A_963 : vector<16xf32>
    %eq3A_967 = arith.cmpi eq, %add3A_5, %broadcast_in_dim3A_899 : vector<16xi32>
    %jit3A_968 = arith.constant 0.000000e+00 : f32
    %broadcast_in_dim3A_969 = vector.broadcast %jit3A_968 : f32 to vector<16xf32>
    %select_n3A_970 = arith.select %eq3A_967, %add3A_828, %broadcast_in_dim3A_969 : vector<16xi1>, vector<16xf32>
    %eq3A_971 = arith.cmpi eq, %add3A_9, %broadcast_in_dim3A_899 : vector<16xi32>
    %jit3A_972 = arith.constant 0.000000e+00 : f32
    %broadcast_in_dim3A_973 = vector.broadcast %jit3A_972 : f32 to vector<16xf32>
    %select_n3A_974 = arith.select %eq3A_971, %add3A_832, %broadcast_in_dim3A_973 : vector<16xi1>, vector<16xf32>
    %add3A_975 = arith.addf %select_n3A_970, %select_n3A_974 : vector<16xf32>
    %eq3A_976 = arith.cmpi eq, %add3A_13, %broadcast_in_dim3A_899 : vector<16xi32>
    %jit3A_977 = arith.constant 0.000000e+00 : f32
    %broadcast_in_dim3A_978 = vector.broadcast %jit3A_977 : f32 to vector<16xf32>
    %select_n3A_979 = arith.select %eq3A_976, %add3A_836, %broadcast_in_dim3A_978 : vector<16xi1>, vector<16xf32>
    %add3A_980 = arith.addf %add3A_975, %select_n3A_979 : vector<16xf32>
    %eq3A_981 = arith.cmpi eq, %add3A_17, %broadcast_in_dim3A_899 : vector<16xi32>
    %jit3A_982 = arith.constant 0.000000e+00 : f32
    %broadcast_in_dim3A_983 = vector.broadcast %jit3A_982 : f32 to vector<16xf32>
    %select_n3A_984 = arith.select %eq3A_981, %add3A_840, %broadcast_in_dim3A_983 : vector<16xi1>, vector<16xf32>
    %add3A_985 = arith.addf %add3A_980, %select_n3A_984 : vector<16xf32>
    %broadcast_in_dim3A_986 = arith.constant true
    %broadcast_in_dim3A_987 = vector.broadcast %broadcast_in_dim3A_986 : i1 to vector<16xi1>
    %masked_cumsum3A_988 = tpu.scan <sum>, %add3A_985 masked %broadcast_in_dim3A_987 : vector<16xf32>, vector<16xi1> -> vector<16xf32>
    %slice3A_989 = vector.extract_strided_slice %masked_cumsum3A_988 {offsets = [15], sizes = [1], strides = [1]} : vector<16xf32> to vector<1xf32>
    %squeeze3A_990 = vector.extract %slice3A_989[0] : f32 from vector<1xf32>
    %broadcast_in_dim3A_991 = vector.broadcast %squeeze3A_990 : f32 to vector<16xf32>
    %eq3A_992 = arith.cmpi eq, %add3A_5, %broadcast_in_dim3A_899 : vector<16xi32>
    %convert_element_type3A_993 = arith.extui %eq3A_992 : vector<16xi1> to vector<16xi32>
    %convert_element_type3A_994 = arith.sitofp %convert_element_type3A_993 : vector<16xi32> to vector<16xf32>
    %add3A_995 = arith.addf %add3A_828, %convert_element_type3A_994 : vector<16xf32>
    %eq3A_996 = arith.cmpi eq, %add3A_9, %broadcast_in_dim3A_899 : vector<16xi32>
    %convert_element_type3A_997 = arith.extui %eq3A_996 : vector<16xi1> to vector<16xi32>
    %convert_element_type3A_998 = arith.sitofp %convert_element_type3A_997 : vector<16xi32> to vector<16xf32>
    %add3A_999 = arith.addf %add3A_832, %convert_element_type3A_998 : vector<16xf32>
    %eq3A_1000 = arith.cmpi eq, %add3A_13, %broadcast_in_dim3A_899 : vector<16xi32>
    %convert_element_type3A_1001 = arith.extui %eq3A_1000 : vector<16xi1> to vector<16xi32>
    %convert_element_type3A_1002 = arith.sitofp %convert_element_type3A_1001 : vector<16xi32> to vector<16xf32>
    %add3A_1003 = arith.addf %add3A_836, %convert_element_type3A_1002 : vector<16xf32>
    %eq3A_1004 = arith.cmpi eq, %add3A_17, %broadcast_in_dim3A_899 : vector<16xi32>
    %convert_element_type3A_1005 = arith.extui %eq3A_1004 : vector<16xi1> to vector<16xi32>
    %convert_element_type3A_1006 = arith.sitofp %convert_element_type3A_1005 : vector<16xi32> to vector<16xf32>
    %add3A_1007 = arith.addf %add3A_840, %convert_element_type3A_1006 : vector<16xf32>
    %eq3A_1008 = arith.cmpi eq, %add3A_5, %broadcast_in_dim3A_958 : vector<16xi32>
    %jit3A_1009 = arith.constant 0.000000e+00 : f32
    %broadcast_in_dim3A_1010 = vector.broadcast %jit3A_1009 : f32 to vector<16xf32>
    %select_n3A_1011 = arith.select %eq3A_1008, %add3A_995, %broadcast_in_dim3A_1010 : vector<16xi1>, vector<16xf32>
    %eq3A_1012 = arith.cmpi eq, %add3A_9, %broadcast_in_dim3A_958 : vector<16xi32>
    %jit3A_1013 = arith.constant 0.000000e+00 : f32
    %broadcast_in_dim3A_1014 = vector.broadcast %jit3A_1013 : f32 to vector<16xf32>
    %select_n3A_1015 = arith.select %eq3A_1012, %add3A_999, %broadcast_in_dim3A_1014 : vector<16xi1>, vector<16xf32>
    %add3A_1016 = arith.addf %select_n3A_1011, %select_n3A_1015 : vector<16xf32>
    %eq3A_1017 = arith.cmpi eq, %add3A_13, %broadcast_in_dim3A_958 : vector<16xi32>
    %jit3A_1018 = arith.constant 0.000000e+00 : f32
    %broadcast_in_dim3A_1019 = vector.broadcast %jit3A_1018 : f32 to vector<16xf32>
    %select_n3A_1020 = arith.select %eq3A_1017, %add3A_1003, %broadcast_in_dim3A_1019 : vector<16xi1>, vector<16xf32>
    %add3A_1021 = arith.addf %add3A_1016, %select_n3A_1020 : vector<16xf32>
    %eq3A_1022 = arith.cmpi eq, %add3A_17, %broadcast_in_dim3A_958 : vector<16xi32>
    %jit3A_1023 = arith.constant 0.000000e+00 : f32
    %broadcast_in_dim3A_1024 = vector.broadcast %jit3A_1023 : f32 to vector<16xf32>
    %select_n3A_1025 = arith.select %eq3A_1022, %add3A_1007, %broadcast_in_dim3A_1024 : vector<16xi1>, vector<16xf32>
    %add3A_1026 = arith.addf %add3A_1021, %select_n3A_1025 : vector<16xf32>
    %broadcast_in_dim3A_1027 = arith.constant true
    %broadcast_in_dim3A_1028 = vector.broadcast %broadcast_in_dim3A_1027 : i1 to vector<16xi1>
    %masked_cumsum3A_1029 = tpu.scan <sum>, %add3A_1026 masked %broadcast_in_dim3A_1028 : vector<16xf32>, vector<16xi1> -> vector<16xf32>
    %slice3A_1030 = vector.extract_strided_slice %masked_cumsum3A_1029 {offsets = [15], sizes = [1], strides = [1]} : vector<16xf32> to vector<1xf32>
    %squeeze3A_1031 = vector.extract %slice3A_1030[0] : f32 from vector<1xf32>
    %broadcast_in_dim3A_1032 = vector.broadcast %squeeze3A_1031 : f32 to vector<16xf32>
    %eq3A_1033 = arith.cmpi eq, %add3A_5, %broadcast_in_dim3A_958 : vector<16xi32>
    %convert_element_type3A_1034 = arith.extui %eq3A_1033 : vector<16xi1> to vector<16xi32>
    %convert_element_type3A_1035 = arith.sitofp %convert_element_type3A_1034 : vector<16xi32> to vector<16xf32>
    %add3A_1036 = arith.addf %add3A_995, %convert_element_type3A_1035 : vector<16xf32>
    %eq3A_1037 = arith.cmpi eq, %add3A_9, %broadcast_in_dim3A_958 : vector<16xi32>
    %convert_element_type3A_1038 = arith.extui %eq3A_1037 : vector<16xi1> to vector<16xi32>
    %convert_element_type3A_1039 = arith.sitofp %convert_element_type3A_1038 : vector<16xi32> to vector<16xf32>
    %add3A_1040 = arith.addf %add3A_999, %convert_element_type3A_1039 : vector<16xf32>
    %eq3A_1041 = arith.cmpi eq, %add3A_13, %broadcast_in_dim3A_958 : vector<16xi32>
    %convert_element_type3A_1042 = arith.extui %eq3A_1041 : vector<16xi1> to vector<16xi32>
    %convert_element_type3A_1043 = arith.sitofp %convert_element_type3A_1042 : vector<16xi32> to vector<16xf32>
    %add3A_1044 = arith.addf %add3A_1003, %convert_element_type3A_1043 : vector<16xf32>
    %eq3A_1045 = arith.cmpi eq, %add3A_17, %broadcast_in_dim3A_958 : vector<16xi32>
    %convert_element_type3A_1046 = arith.extui %eq3A_1045 : vector<16xi1> to vector<16xi32>
    %convert_element_type3A_1047 = arith.sitofp %convert_element_type3A_1046 : vector<16xi32> to vector<16xf32>
    %add3A_1048 = arith.addf %add3A_1007, %convert_element_type3A_1047 : vector<16xf32>
    %get3A_1049 = arith.constant 5 : i32
    %get3A_1050 = arith.index_cast %get3A_1049 : i32 to index
    %get3A_1051 = arith.constant 0 : index
    %get3A_1052 = tpu.vector_load %arg4[%get3A_1050, %get3A_1051] {strides = array<i32>} : memref<8x64xf32, #tpu.memory_space<vmem>>, vector<16xf32>,
    %get3A_1053 = arith.constant 5 : i32
    %get3A_1054 = arith.index_cast %get3A_1053 : i32 to index
    %get3A_1055 = arith.constant 16 : index
    %get3A_1056 = tpu.vector_load %arg4[%get3A_1054, %get3A_1055] {strides = array<i32>} : memref<8x64xf32, #tpu.memory_space<vmem>>, vector<16xf32>,
    %get3A_1057 = arith.constant 5 : i32
    %get3A_1058 = arith.index_cast %get3A_1057 : i32 to index
    %get3A_1059 = arith.constant 32 : index
    %get3A_1060 = tpu.vector_load %arg4[%get3A_1058, %get3A_1059] {strides = array<i32>} : memref<8x64xf32, #tpu.memory_space<vmem>>, vector<16xf32>,
    %get3A_1061 = arith.constant 5 : i32
    %get3A_1062 = arith.index_cast %get3A_1061 : i32 to index
    %get3A_1063 = arith.constant 48 : index
    %get3A_1064 = tpu.vector_load %arg4[%get3A_1062, %get3A_1063] {strides = array<i32>} : memref<8x64xf32, #tpu.memory_space<vmem>>, vector<16xf32>,
    %max3A_1065 = arith.maximumf %get3A_1052, %get3A_1056 : vector<16xf32>
    %max3A_1066 = arith.maximumf %get3A_1060, %get3A_1064 : vector<16xf32>
    %max3A_1067 = arith.maximumf %max3A_1065, %max3A_1066 : vector<16xf32>
    %broadcast_in_dim3A_1068 = arith.constant true
    %broadcast_in_dim3A_1069 = vector.broadcast %broadcast_in_dim3A_1068 : i1 to vector<16xi1>
    %masked_cummax3A_1070 = tpu.scan <max>, %max3A_1067 masked %broadcast_in_dim3A_1069 : vector<16xf32>, vector<16xi1> -> vector<16xf32>
    %slice3A_1071 = vector.extract_strided_slice %masked_cummax3A_1070 {offsets = [15], sizes = [1], strides = [1]} : vector<16xf32> to vector<1xf32>
    %squeeze3A_1072 = vector.extract %slice3A_1071[0] : f32 from vector<1xf32>
    %broadcast_in_dim3A_1073 = vector.broadcast %squeeze3A_1072 : f32 to vector<16xf32>
    %ge3A_1074 = arith.cmpf oge, %get3A_1052, %broadcast_in_dim3A_1073 : vector<16xf32>
    %jit3A_1075 = arith.constant 64 : i32
    %broadcast_in_dim3A_1076 = vector.broadcast %jit3A_1075 : i32 to vector<16xi32>
    %select_n3A_1077 = arith.select %ge3A_1074, %add3A_5, %broadcast_in_dim3A_1076 : vector<16xi1>, vector<16xi32>
    %ge3A_1078 = arith.cmpf oge, %get3A_1056, %broadcast_in_dim3A_1073 : vector<16xf32>
    %jit3A_1079 = arith.constant 64 : i32
    %broadcast_in_dim3A_1080 = vector.broadcast %jit3A_1079 : i32 to vector<16xi32>
    %select_n3A_1081 = arith.select %ge3A_1078, %add3A_9, %broadcast_in_dim3A_1080 : vector<16xi1>, vector<16xi32>
    %ge3A_1082 = arith.cmpf oge, %get3A_1060, %broadcast_in_dim3A_1073 : vector<16xf32>
    %jit3A_1083 = arith.constant 64 : i32
    %broadcast_in_dim3A_1084 = vector.broadcast %jit3A_1083 : i32 to vector<16xi32>
    %select_n3A_1085 = arith.select %ge3A_1082, %add3A_13, %broadcast_in_dim3A_1084 : vector<16xi1>, vector<16xi32>
    %ge3A_1086 = arith.cmpf oge, %get3A_1064, %broadcast_in_dim3A_1073 : vector<16xf32>
    %jit3A_1087 = arith.constant 64 : i32
    %broadcast_in_dim3A_1088 = vector.broadcast %jit3A_1087 : i32 to vector<16xi32>
    %select_n3A_1089 = arith.select %ge3A_1086, %add3A_17, %broadcast_in_dim3A_1088 : vector<16xi1>, vector<16xi32>
    %min3A_1090 = arith.minsi %select_n3A_1077, %select_n3A_1081 : vector<16xi32>
    %min3A_1091 = arith.minsi %select_n3A_1085, %select_n3A_1089 : vector<16xi32>
    %min3A_1092 = arith.minsi %min3A_1090, %min3A_1091 : vector<16xi32>
    %neg3A_1093 = arith.constant 0 : i32
    %neg3A_1094 = vector.broadcast %neg3A_1093 : i32 to vector<16xi32>
    %neg3A_1095 = arith.subi %neg3A_1094, %min3A_1092 : vector<16xi32>
    %broadcast_in_dim3A_1096 = arith.constant true
    %broadcast_in_dim3A_1097 = vector.broadcast %broadcast_in_dim3A_1096 : i1 to vector<16xi1>
    %masked_cummax3A_1098 = arith.constant -2147483648 : i32
    %masked_cummax3A_1099 = vector.broadcast %masked_cummax3A_1098 : i32 to vector<16xi32>
    %masked_cummax3A_1100 = arith.xori %neg3A_1095, %masked_cummax3A_1099 : vector<16xi32>
    %masked_cummax3A_1101 = tpu.scan <max>, %masked_cummax3A_1100 masked %broadcast_in_dim3A_1097 : vector<16xi32>, vector<16xi1> -> vector<16xi32>
    %masked_cummax3A_1102 = arith.xori %masked_cummax3A_1101, %masked_cummax3A_1099 : vector<16xi32>
    %slice3A_1103 = vector.extract_strided_slice %masked_cummax3A_1102 {offsets = [15], sizes = [1], strides = [1]} : vector<16xi32> to vector<1xi32>
    %squeeze3A_1104 = vector.extract %slice3A_1103[0] : i32 from vector<1xi32>
    %neg3A_1105 = arith.constant 0 : i32
    %neg3A_1106 = arith.subi %neg3A_1105, %squeeze3A_1104 : i32
    %broadcast_in_dim3A_1107 = vector.broadcast %neg3A_1106 : i32 to vector<16xi32>
    %eq3A_1108 = arith.cmpi eq, %add3A_5, %broadcast_in_dim3A_1107 : vector<16xi32>
    %jit3A_1109 = arith.constant -1.000000e+30 : f32
    %broadcast_in_dim3A_1110 = vector.broadcast %jit3A_1109 : f32 to vector<16xf32>
    %select_n3A_1111 = arith.select %eq3A_1108, %broadcast_in_dim3A_1110, %get3A_1052 : vector<16xi1>, vector<16xf32>
    %eq3A_1112 = arith.cmpi eq, %add3A_9, %broadcast_in_dim3A_1107 : vector<16xi32>
    %jit3A_1113 = arith.constant -1.000000e+30 : f32
    %broadcast_in_dim3A_1114 = vector.broadcast %jit3A_1113 : f32 to vector<16xf32>
    %select_n3A_1115 = arith.select %eq3A_1112, %broadcast_in_dim3A_1114, %get3A_1056 : vector<16xi1>, vector<16xf32>
    %eq3A_1116 = arith.cmpi eq, %add3A_13, %broadcast_in_dim3A_1107 : vector<16xi32>
    %jit3A_1117 = arith.constant -1.000000e+30 : f32
    %broadcast_in_dim3A_1118 = vector.broadcast %jit3A_1117 : f32 to vector<16xf32>
    %select_n3A_1119 = arith.select %eq3A_1116, %broadcast_in_dim3A_1118, %get3A_1060 : vector<16xi1>, vector<16xf32>
    %eq3A_1120 = arith.cmpi eq, %add3A_17, %broadcast_in_dim3A_1107 : vector<16xi32>
    %jit3A_1121 = arith.constant -1.000000e+30 : f32
    %broadcast_in_dim3A_1122 = vector.broadcast %jit3A_1121 : f32 to vector<16xf32>
    %select_n3A_1123 = arith.select %eq3A_1120, %broadcast_in_dim3A_1122, %get3A_1064 : vector<16xi1>, vector<16xf32>
    %max3A_1124 = arith.maximumf %select_n3A_1111, %select_n3A_1115 : vector<16xf32>
    %max3A_1125 = arith.maximumf %select_n3A_1119, %select_n3A_1123 : vector<16xf32>
    %max3A_1126 = arith.maximumf %max3A_1124, %max3A_1125 : vector<16xf32>
    %broadcast_in_dim3A_1127 = arith.constant true
    %broadcast_in_dim3A_1128 = vector.broadcast %broadcast_in_dim3A_1127 : i1 to vector<16xi1>
    %masked_cummax3A_1129 = tpu.scan <max>, %max3A_1126 masked %broadcast_in_dim3A_1128 : vector<16xf32>, vector<16xi1> -> vector<16xf32>
    %slice3A_1130 = vector.extract_strided_slice %masked_cummax3A_1129 {offsets = [15], sizes = [1], strides = [1]} : vector<16xf32> to vector<1xf32>
    %squeeze3A_1131 = vector.extract %slice3A_1130[0] : f32 from vector<1xf32>
    %broadcast_in_dim3A_1132 = vector.broadcast %squeeze3A_1131 : f32 to vector<16xf32>
    %ge3A_1133 = arith.cmpf oge, %select_n3A_1111, %broadcast_in_dim3A_1132 : vector<16xf32>
    %jit3A_1134 = arith.constant 64 : i32
    %broadcast_in_dim3A_1135 = vector.broadcast %jit3A_1134 : i32 to vector<16xi32>
    %select_n3A_1136 = arith.select %ge3A_1133, %add3A_5, %broadcast_in_dim3A_1135 : vector<16xi1>, vector<16xi32>
    %ge3A_1137 = arith.cmpf oge, %select_n3A_1115, %broadcast_in_dim3A_1132 : vector<16xf32>
    %jit3A_1138 = arith.constant 64 : i32
    %broadcast_in_dim3A_1139 = vector.broadcast %jit3A_1138 : i32 to vector<16xi32>
    %select_n3A_1140 = arith.select %ge3A_1137, %add3A_9, %broadcast_in_dim3A_1139 : vector<16xi1>, vector<16xi32>
    %ge3A_1141 = arith.cmpf oge, %select_n3A_1119, %broadcast_in_dim3A_1132 : vector<16xf32>
    %jit3A_1142 = arith.constant 64 : i32
    %broadcast_in_dim3A_1143 = vector.broadcast %jit3A_1142 : i32 to vector<16xi32>
    %select_n3A_1144 = arith.select %ge3A_1141, %add3A_13, %broadcast_in_dim3A_1143 : vector<16xi1>, vector<16xi32>
    %ge3A_1145 = arith.cmpf oge, %select_n3A_1123, %broadcast_in_dim3A_1132 : vector<16xf32>
    %jit3A_1146 = arith.constant 64 : i32
    %broadcast_in_dim3A_1147 = vector.broadcast %jit3A_1146 : i32 to vector<16xi32>
    %select_n3A_1148 = arith.select %ge3A_1145, %add3A_17, %broadcast_in_dim3A_1147 : vector<16xi1>, vector<16xi32>
    %min3A_1149 = arith.minsi %select_n3A_1136, %select_n3A_1140 : vector<16xi32>
    %min3A_1150 = arith.minsi %select_n3A_1144, %select_n3A_1148 : vector<16xi32>
    %min3A_1151 = arith.minsi %min3A_1149, %min3A_1150 : vector<16xi32>
    %neg3A_1152 = arith.constant 0 : i32
    %neg3A_1153 = vector.broadcast %neg3A_1152 : i32 to vector<16xi32>
    %neg3A_1154 = arith.subi %neg3A_1153, %min3A_1151 : vector<16xi32>
    %broadcast_in_dim3A_1155 = arith.constant true
    %broadcast_in_dim3A_1156 = vector.broadcast %broadcast_in_dim3A_1155 : i1 to vector<16xi1>
    %masked_cummax3A_1157 = arith.constant -2147483648 : i32
    %masked_cummax3A_1158 = vector.broadcast %masked_cummax3A_1157 : i32 to vector<16xi32>
    %masked_cummax3A_1159 = arith.xori %neg3A_1154, %masked_cummax3A_1158 : vector<16xi32>
    %masked_cummax3A_1160 = tpu.scan <max>, %masked_cummax3A_1159 masked %broadcast_in_dim3A_1156 : vector<16xi32>, vector<16xi1> -> vector<16xi32>
    %masked_cummax3A_1161 = arith.xori %masked_cummax3A_1160, %masked_cummax3A_1158 : vector<16xi32>
    %slice3A_1162 = vector.extract_strided_slice %masked_cummax3A_1161 {offsets = [15], sizes = [1], strides = [1]} : vector<16xi32> to vector<1xi32>
    %squeeze3A_1163 = vector.extract %slice3A_1162[0] : i32 from vector<1xi32>
    %neg3A_1164 = arith.constant 0 : i32
    %neg3A_1165 = arith.subi %neg3A_1164, %squeeze3A_1163 : i32
    %broadcast_in_dim3A_1166 = vector.broadcast %neg3A_1165 : i32 to vector<16xi32>
    %sub3A_1167 = arith.subf %broadcast_in_dim3A_1132, %broadcast_in_dim3A_1073 : vector<16xf32>
    %exp3A_1168 = math.exp %sub3A_1167 : vector<16xf32>
    %add3A_1169 = arith.constant 1.000000e+00 : f32
    %add3A_1170 = vector.broadcast %add3A_1169 : f32 to vector<16xf32>
    %add3A_1171 = arith.addf %add3A_1170, %exp3A_1168 : vector<16xf32>
    %div3A_1172 = arith.constant 1.000000e+00 : f32
    %div3A_1173 = vector.broadcast %div3A_1172 : f32 to vector<16xf32>
    %div3A_1174 = arith.divf %div3A_1173, %add3A_1171 : vector<16xf32>
    %eq3A_1175 = arith.cmpi eq, %add3A_5, %broadcast_in_dim3A_1107 : vector<16xi32>
    %jit3A_1176 = arith.constant 0.000000e+00 : f32
    %broadcast_in_dim3A_1177 = vector.broadcast %jit3A_1176 : f32 to vector<16xf32>
    %select_n3A_1178 = arith.select %eq3A_1175, %add3A_1036, %broadcast_in_dim3A_1177 : vector<16xi1>, vector<16xf32>
    %eq3A_1179 = arith.cmpi eq, %add3A_9, %broadcast_in_dim3A_1107 : vector<16xi32>
    %jit3A_1180 = arith.constant 0.000000e+00 : f32
    %broadcast_in_dim3A_1181 = vector.broadcast %jit3A_1180 : f32 to vector<16xf32>
    %select_n3A_1182 = arith.select %eq3A_1179, %add3A_1040, %broadcast_in_dim3A_1181 : vector<16xi1>, vector<16xf32>
    %add3A_1183 = arith.addf %select_n3A_1178, %select_n3A_1182 : vector<16xf32>
    %eq3A_1184 = arith.cmpi eq, %add3A_13, %broadcast_in_dim3A_1107 : vector<16xi32>
    %jit3A_1185 = arith.constant 0.000000e+00 : f32
    %broadcast_in_dim3A_1186 = vector.broadcast %jit3A_1185 : f32 to vector<16xf32>
    %select_n3A_1187 = arith.select %eq3A_1184, %add3A_1044, %broadcast_in_dim3A_1186 : vector<16xi1>, vector<16xf32>
    %add3A_1188 = arith.addf %add3A_1183, %select_n3A_1187 : vector<16xf32>
    %eq3A_1189 = arith.cmpi eq, %add3A_17, %broadcast_in_dim3A_1107 : vector<16xi32>
    %jit3A_1190 = arith.constant 0.000000e+00 : f32
    %broadcast_in_dim3A_1191 = vector.broadcast %jit3A_1190 : f32 to vector<16xf32>
    %select_n3A_1192 = arith.select %eq3A_1189, %add3A_1048, %broadcast_in_dim3A_1191 : vector<16xi1>, vector<16xf32>
    %add3A_1193 = arith.addf %add3A_1188, %select_n3A_1192 : vector<16xf32>
    %broadcast_in_dim3A_1194 = arith.constant true
    %broadcast_in_dim3A_1195 = vector.broadcast %broadcast_in_dim3A_1194 : i1 to vector<16xi1>
    %masked_cumsum3A_1196 = tpu.scan <sum>, %add3A_1193 masked %broadcast_in_dim3A_1195 : vector<16xf32>, vector<16xi1> -> vector<16xf32>
    %slice3A_1197 = vector.extract_strided_slice %masked_cumsum3A_1196 {offsets = [15], sizes = [1], strides = [1]} : vector<16xf32> to vector<1xf32>
    %squeeze3A_1198 = vector.extract %slice3A_1197[0] : f32 from vector<1xf32>
    %broadcast_in_dim3A_1199 = vector.broadcast %squeeze3A_1198 : f32 to vector<16xf32>
    %eq3A_1200 = arith.cmpi eq, %add3A_5, %broadcast_in_dim3A_1107 : vector<16xi32>
    %convert_element_type3A_1201 = arith.extui %eq3A_1200 : vector<16xi1> to vector<16xi32>
    %convert_element_type3A_1202 = arith.sitofp %convert_element_type3A_1201 : vector<16xi32> to vector<16xf32>
    %add3A_1203 = arith.addf %add3A_1036, %convert_element_type3A_1202 : vector<16xf32>
    %eq3A_1204 = arith.cmpi eq, %add3A_9, %broadcast_in_dim3A_1107 : vector<16xi32>
    %convert_element_type3A_1205 = arith.extui %eq3A_1204 : vector<16xi1> to vector<16xi32>
    %convert_element_type3A_1206 = arith.sitofp %convert_element_type3A_1205 : vector<16xi32> to vector<16xf32>
    %add3A_1207 = arith.addf %add3A_1040, %convert_element_type3A_1206 : vector<16xf32>
    %eq3A_1208 = arith.cmpi eq, %add3A_13, %broadcast_in_dim3A_1107 : vector<16xi32>
    %convert_element_type3A_1209 = arith.extui %eq3A_1208 : vector<16xi1> to vector<16xi32>
    %convert_element_type3A_1210 = arith.sitofp %convert_element_type3A_1209 : vector<16xi32> to vector<16xf32>
    %add3A_1211 = arith.addf %add3A_1044, %convert_element_type3A_1210 : vector<16xf32>
    %eq3A_1212 = arith.cmpi eq, %add3A_17, %broadcast_in_dim3A_1107 : vector<16xi32>
    %convert_element_type3A_1213 = arith.extui %eq3A_1212 : vector<16xi1> to vector<16xi32>
    %convert_element_type3A_1214 = arith.sitofp %convert_element_type3A_1213 : vector<16xi32> to vector<16xf32>
    %add3A_1215 = arith.addf %add3A_1048, %convert_element_type3A_1214 : vector<16xf32>
    %eq3A_1216 = arith.cmpi eq, %add3A_5, %broadcast_in_dim3A_1166 : vector<16xi32>
    %jit3A_1217 = arith.constant 0.000000e+00 : f32
    %broadcast_in_dim3A_1218 = vector.broadcast %jit3A_1217 : f32 to vector<16xf32>
    %select_n3A_1219 = arith.select %eq3A_1216, %add3A_1203, %broadcast_in_dim3A_1218 : vector<16xi1>, vector<16xf32>
    %eq3A_1220 = arith.cmpi eq, %add3A_9, %broadcast_in_dim3A_1166 : vector<16xi32>
    %jit3A_1221 = arith.constant 0.000000e+00 : f32
    %broadcast_in_dim3A_1222 = vector.broadcast %jit3A_1221 : f32 to vector<16xf32>
    %select_n3A_1223 = arith.select %eq3A_1220, %add3A_1207, %broadcast_in_dim3A_1222 : vector<16xi1>, vector<16xf32>
    %add3A_1224 = arith.addf %select_n3A_1219, %select_n3A_1223 : vector<16xf32>
    %eq3A_1225 = arith.cmpi eq, %add3A_13, %broadcast_in_dim3A_1166 : vector<16xi32>
    %jit3A_1226 = arith.constant 0.000000e+00 : f32
    %broadcast_in_dim3A_1227 = vector.broadcast %jit3A_1226 : f32 to vector<16xf32>
    %select_n3A_1228 = arith.select %eq3A_1225, %add3A_1211, %broadcast_in_dim3A_1227 : vector<16xi1>, vector<16xf32>
    %add3A_1229 = arith.addf %add3A_1224, %select_n3A_1228 : vector<16xf32>
    %eq3A_1230 = arith.cmpi eq, %add3A_17, %broadcast_in_dim3A_1166 : vector<16xi32>
    %jit3A_1231 = arith.constant 0.000000e+00 : f32
    %broadcast_in_dim3A_1232 = vector.broadcast %jit3A_1231 : f32 to vector<16xf32>
    %select_n3A_1233 = arith.select %eq3A_1230, %add3A_1215, %broadcast_in_dim3A_1232 : vector<16xi1>, vector<16xf32>
    %add3A_1234 = arith.addf %add3A_1229, %select_n3A_1233 : vector<16xf32>
    %broadcast_in_dim3A_1235 = arith.constant true
    %broadcast_in_dim3A_1236 = vector.broadcast %broadcast_in_dim3A_1235 : i1 to vector<16xi1>
    %masked_cumsum3A_1237 = tpu.scan <sum>, %add3A_1234 masked %broadcast_in_dim3A_1236 : vector<16xf32>, vector<16xi1> -> vector<16xf32>
    %slice3A_1238 = vector.extract_strided_slice %masked_cumsum3A_1237 {offsets = [15], sizes = [1], strides = [1]} : vector<16xf32> to vector<1xf32>
    %squeeze3A_1239 = vector.extract %slice3A_1238[0] : f32 from vector<1xf32>
    %broadcast_in_dim3A_1240 = vector.broadcast %squeeze3A_1239 : f32 to vector<16xf32>
    %eq3A_1241 = arith.cmpi eq, %add3A_5, %broadcast_in_dim3A_1166 : vector<16xi32>
    %convert_element_type3A_1242 = arith.extui %eq3A_1241 : vector<16xi1> to vector<16xi32>
    %convert_element_type3A_1243 = arith.sitofp %convert_element_type3A_1242 : vector<16xi32> to vector<16xf32>
    %add3A_1244 = arith.addf %add3A_1203, %convert_element_type3A_1243 : vector<16xf32>
    %eq3A_1245 = arith.cmpi eq, %add3A_9, %broadcast_in_dim3A_1166 : vector<16xi32>
    %convert_element_type3A_1246 = arith.extui %eq3A_1245 : vector<16xi1> to vector<16xi32>
    %convert_element_type3A_1247 = arith.sitofp %convert_element_type3A_1246 : vector<16xi32> to vector<16xf32>
    %add3A_1248 = arith.addf %add3A_1207, %convert_element_type3A_1247 : vector<16xf32>
    %eq3A_1249 = arith.cmpi eq, %add3A_13, %broadcast_in_dim3A_1166 : vector<16xi32>
    %convert_element_type3A_1250 = arith.extui %eq3A_1249 : vector<16xi1> to vector<16xi32>
    %convert_element_type3A_1251 = arith.sitofp %convert_element_type3A_1250 : vector<16xi32> to vector<16xf32>
    %add3A_1252 = arith.addf %add3A_1211, %convert_element_type3A_1251 : vector<16xf32>
    %eq3A_1253 = arith.cmpi eq, %add3A_17, %broadcast_in_dim3A_1166 : vector<16xi32>
    %convert_element_type3A_1254 = arith.extui %eq3A_1253 : vector<16xi1> to vector<16xi32>
    %convert_element_type3A_1255 = arith.sitofp %convert_element_type3A_1254 : vector<16xi32> to vector<16xf32>
    %add3A_1256 = arith.addf %add3A_1215, %convert_element_type3A_1255 : vector<16xf32>
    %get3A_1257 = arith.constant 6 : i32
    %get3A_1258 = arith.index_cast %get3A_1257 : i32 to index
    %get3A_1259 = arith.constant 0 : index
    %get3A_1260 = tpu.vector_load %arg4[%get3A_1258, %get3A_1259] {strides = array<i32>} : memref<8x64xf32, #tpu.memory_space<vmem>>, vector<16xf32>,
    %get3A_1261 = arith.constant 6 : i32
    %get3A_1262 = arith.index_cast %get3A_1261 : i32 to index
    %get3A_1263 = arith.constant 16 : index
    %get3A_1264 = tpu.vector_load %arg4[%get3A_1262, %get3A_1263] {strides = array<i32>} : memref<8x64xf32, #tpu.memory_space<vmem>>, vector<16xf32>,
    %get3A_1265 = arith.constant 6 : i32
    %get3A_1266 = arith.index_cast %get3A_1265 : i32 to index
    %get3A_1267 = arith.constant 32 : index
    %get3A_1268 = tpu.vector_load %arg4[%get3A_1266, %get3A_1267] {strides = array<i32>} : memref<8x64xf32, #tpu.memory_space<vmem>>, vector<16xf32>,
    %get3A_1269 = arith.constant 6 : i32
    %get3A_1270 = arith.index_cast %get3A_1269 : i32 to index
    %get3A_1271 = arith.constant 48 : index
    %get3A_1272 = tpu.vector_load %arg4[%get3A_1270, %get3A_1271] {strides = array<i32>} : memref<8x64xf32, #tpu.memory_space<vmem>>, vector<16xf32>,
    %max3A_1273 = arith.maximumf %get3A_1260, %get3A_1264 : vector<16xf32>
    %max3A_1274 = arith.maximumf %get3A_1268, %get3A_1272 : vector<16xf32>
    %max3A_1275 = arith.maximumf %max3A_1273, %max3A_1274 : vector<16xf32>
    %broadcast_in_dim3A_1276 = arith.constant true
    %broadcast_in_dim3A_1277 = vector.broadcast %broadcast_in_dim3A_1276 : i1 to vector<16xi1>
    %masked_cummax3A_1278 = tpu.scan <max>, %max3A_1275 masked %broadcast_in_dim3A_1277 : vector<16xf32>, vector<16xi1> -> vector<16xf32>
    %slice3A_1279 = vector.extract_strided_slice %masked_cummax3A_1278 {offsets = [15], sizes = [1], strides = [1]} : vector<16xf32> to vector<1xf32>
    %squeeze3A_1280 = vector.extract %slice3A_1279[0] : f32 from vector<1xf32>
    %broadcast_in_dim3A_1281 = vector.broadcast %squeeze3A_1280 : f32 to vector<16xf32>
    %ge3A_1282 = arith.cmpf oge, %get3A_1260, %broadcast_in_dim3A_1281 : vector<16xf32>
    %jit3A_1283 = arith.constant 64 : i32
    %broadcast_in_dim3A_1284 = vector.broadcast %jit3A_1283 : i32 to vector<16xi32>
    %select_n3A_1285 = arith.select %ge3A_1282, %add3A_5, %broadcast_in_dim3A_1284 : vector<16xi1>, vector<16xi32>
    %ge3A_1286 = arith.cmpf oge, %get3A_1264, %broadcast_in_dim3A_1281 : vector<16xf32>
    %jit3A_1287 = arith.constant 64 : i32
    %broadcast_in_dim3A_1288 = vector.broadcast %jit3A_1287 : i32 to vector<16xi32>
    %select_n3A_1289 = arith.select %ge3A_1286, %add3A_9, %broadcast_in_dim3A_1288 : vector<16xi1>, vector<16xi32>
    %ge3A_1290 = arith.cmpf oge, %get3A_1268, %broadcast_in_dim3A_1281 : vector<16xf32>
    %jit3A_1291 = arith.constant 64 : i32
    %broadcast_in_dim3A_1292 = vector.broadcast %jit3A_1291 : i32 to vector<16xi32>
    %select_n3A_1293 = arith.select %ge3A_1290, %add3A_13, %broadcast_in_dim3A_1292 : vector<16xi1>, vector<16xi32>
    %ge3A_1294 = arith.cmpf oge, %get3A_1272, %broadcast_in_dim3A_1281 : vector<16xf32>
    %jit3A_1295 = arith.constant 64 : i32
    %broadcast_in_dim3A_1296 = vector.broadcast %jit3A_1295 : i32 to vector<16xi32>
    %select_n3A_1297 = arith.select %ge3A_1294, %add3A_17, %broadcast_in_dim3A_1296 : vector<16xi1>, vector<16xi32>
    %min3A_1298 = arith.minsi %select_n3A_1285, %select_n3A_1289 : vector<16xi32>
    %min3A_1299 = arith.minsi %select_n3A_1293, %select_n3A_1297 : vector<16xi32>
    %min3A_1300 = arith.minsi %min3A_1298, %min3A_1299 : vector<16xi32>
    %neg3A_1301 = arith.constant 0 : i32
    %neg3A_1302 = vector.broadcast %neg3A_1301 : i32 to vector<16xi32>
    %neg3A_1303 = arith.subi %neg3A_1302, %min3A_1300 : vector<16xi32>
    %broadcast_in_dim3A_1304 = arith.constant true
    %broadcast_in_dim3A_1305 = vector.broadcast %broadcast_in_dim3A_1304 : i1 to vector<16xi1>
    %masked_cummax3A_1306 = arith.constant -2147483648 : i32
    %masked_cummax3A_1307 = vector.broadcast %masked_cummax3A_1306 : i32 to vector<16xi32>
    %masked_cummax3A_1308 = arith.xori %neg3A_1303, %masked_cummax3A_1307 : vector<16xi32>
    %masked_cummax3A_1309 = tpu.scan <max>, %masked_cummax3A_1308 masked %broadcast_in_dim3A_1305 : vector<16xi32>, vector<16xi1> -> vector<16xi32>
    %masked_cummax3A_1310 = arith.xori %masked_cummax3A_1309, %masked_cummax3A_1307 : vector<16xi32>
    %slice3A_1311 = vector.extract_strided_slice %masked_cummax3A_1310 {offsets = [15], sizes = [1], strides = [1]} : vector<16xi32> to vector<1xi32>
    %squeeze3A_1312 = vector.extract %slice3A_1311[0] : i32 from vector<1xi32>
    %neg3A_1313 = arith.constant 0 : i32
    %neg3A_1314 = arith.subi %neg3A_1313, %squeeze3A_1312 : i32
    %broadcast_in_dim3A_1315 = vector.broadcast %neg3A_1314 : i32 to vector<16xi32>
    %eq3A_1316 = arith.cmpi eq, %add3A_5, %broadcast_in_dim3A_1315 : vector<16xi32>
    %jit3A_1317 = arith.constant -1.000000e+30 : f32
    %broadcast_in_dim3A_1318 = vector.broadcast %jit3A_1317 : f32 to vector<16xf32>
    %select_n3A_1319 = arith.select %eq3A_1316, %broadcast_in_dim3A_1318, %get3A_1260 : vector<16xi1>, vector<16xf32>
    %eq3A_1320 = arith.cmpi eq, %add3A_9, %broadcast_in_dim3A_1315 : vector<16xi32>
    %jit3A_1321 = arith.constant -1.000000e+30 : f32
    %broadcast_in_dim3A_1322 = vector.broadcast %jit3A_1321 : f32 to vector<16xf32>
    %select_n3A_1323 = arith.select %eq3A_1320, %broadcast_in_dim3A_1322, %get3A_1264 : vector<16xi1>, vector<16xf32>
    %eq3A_1324 = arith.cmpi eq, %add3A_13, %broadcast_in_dim3A_1315 : vector<16xi32>
    %jit3A_1325 = arith.constant -1.000000e+30 : f32
    %broadcast_in_dim3A_1326 = vector.broadcast %jit3A_1325 : f32 to vector<16xf32>
    %select_n3A_1327 = arith.select %eq3A_1324, %broadcast_in_dim3A_1326, %get3A_1268 : vector<16xi1>, vector<16xf32>
    %eq3A_1328 = arith.cmpi eq, %add3A_17, %broadcast_in_dim3A_1315 : vector<16xi32>
    %jit3A_1329 = arith.constant -1.000000e+30 : f32
    %broadcast_in_dim3A_1330 = vector.broadcast %jit3A_1329 : f32 to vector<16xf32>
    %select_n3A_1331 = arith.select %eq3A_1328, %broadcast_in_dim3A_1330, %get3A_1272 : vector<16xi1>, vector<16xf32>
    %max3A_1332 = arith.maximumf %select_n3A_1319, %select_n3A_1323 : vector<16xf32>
    %max3A_1333 = arith.maximumf %select_n3A_1327, %select_n3A_1331 : vector<16xf32>
    %max3A_1334 = arith.maximumf %max3A_1332, %max3A_1333 : vector<16xf32>
    %broadcast_in_dim3A_1335 = arith.constant true
    %broadcast_in_dim3A_1336 = vector.broadcast %broadcast_in_dim3A_1335 : i1 to vector<16xi1>
    %masked_cummax3A_1337 = tpu.scan <max>, %max3A_1334 masked %broadcast_in_dim3A_1336 : vector<16xf32>, vector<16xi1> -> vector<16xf32>
    %slice3A_1338 = vector.extract_strided_slice %masked_cummax3A_1337 {offsets = [15], sizes = [1], strides = [1]} : vector<16xf32> to vector<1xf32>
    %squeeze3A_1339 = vector.extract %slice3A_1338[0] : f32 from vector<1xf32>
    %broadcast_in_dim3A_1340 = vector.broadcast %squeeze3A_1339 : f32 to vector<16xf32>
    %ge3A_1341 = arith.cmpf oge, %select_n3A_1319, %broadcast_in_dim3A_1340 : vector<16xf32>
    %jit3A_1342 = arith.constant 64 : i32
    %broadcast_in_dim3A_1343 = vector.broadcast %jit3A_1342 : i32 to vector<16xi32>
    %select_n3A_1344 = arith.select %ge3A_1341, %add3A_5, %broadcast_in_dim3A_1343 : vector<16xi1>, vector<16xi32>
    %ge3A_1345 = arith.cmpf oge, %select_n3A_1323, %broadcast_in_dim3A_1340 : vector<16xf32>
    %jit3A_1346 = arith.constant 64 : i32
    %broadcast_in_dim3A_1347 = vector.broadcast %jit3A_1346 : i32 to vector<16xi32>
    %select_n3A_1348 = arith.select %ge3A_1345, %add3A_9, %broadcast_in_dim3A_1347 : vector<16xi1>, vector<16xi32>
    %ge3A_1349 = arith.cmpf oge, %select_n3A_1327, %broadcast_in_dim3A_1340 : vector<16xf32>
    %jit3A_1350 = arith.constant 64 : i32
    %broadcast_in_dim3A_1351 = vector.broadcast %jit3A_1350 : i32 to vector<16xi32>
    %select_n3A_1352 = arith.select %ge3A_1349, %add3A_13, %broadcast_in_dim3A_1351 : vector<16xi1>, vector<16xi32>
    %ge3A_1353 = arith.cmpf oge, %select_n3A_1331, %broadcast_in_dim3A_1340 : vector<16xf32>
    %jit3A_1354 = arith.constant 64 : i32
    %broadcast_in_dim3A_1355 = vector.broadcast %jit3A_1354 : i32 to vector<16xi32>
    %select_n3A_1356 = arith.select %ge3A_1353, %add3A_17, %broadcast_in_dim3A_1355 : vector<16xi1>, vector<16xi32>
    %min3A_1357 = arith.minsi %select_n3A_1344, %select_n3A_1348 : vector<16xi32>
    %min3A_1358 = arith.minsi %select_n3A_1352, %select_n3A_1356 : vector<16xi32>
    %min3A_1359 = arith.minsi %min3A_1357, %min3A_1358 : vector<16xi32>
    %neg3A_1360 = arith.constant 0 : i32
    %neg3A_1361 = vector.broadcast %neg3A_1360 : i32 to vector<16xi32>
    %neg3A_1362 = arith.subi %neg3A_1361, %min3A_1359 : vector<16xi32>
    %broadcast_in_dim3A_1363 = arith.constant true
    %broadcast_in_dim3A_1364 = vector.broadcast %broadcast_in_dim3A_1363 : i1 to vector<16xi1>
    %masked_cummax3A_1365 = arith.constant -2147483648 : i32
    %masked_cummax3A_1366 = vector.broadcast %masked_cummax3A_1365 : i32 to vector<16xi32>
    %masked_cummax3A_1367 = arith.xori %neg3A_1362, %masked_cummax3A_1366 : vector<16xi32>
    %masked_cummax3A_1368 = tpu.scan <max>, %masked_cummax3A_1367 masked %broadcast_in_dim3A_1364 : vector<16xi32>, vector<16xi1> -> vector<16xi32>
    %masked_cummax3A_1369 = arith.xori %masked_cummax3A_1368, %masked_cummax3A_1366 : vector<16xi32>
    %slice3A_1370 = vector.extract_strided_slice %masked_cummax3A_1369 {offsets = [15], sizes = [1], strides = [1]} : vector<16xi32> to vector<1xi32>
    %squeeze3A_1371 = vector.extract %slice3A_1370[0] : i32 from vector<1xi32>
    %neg3A_1372 = arith.constant 0 : i32
    %neg3A_1373 = arith.subi %neg3A_1372, %squeeze3A_1371 : i32
    %broadcast_in_dim3A_1374 = vector.broadcast %neg3A_1373 : i32 to vector<16xi32>
    %sub3A_1375 = arith.subf %broadcast_in_dim3A_1340, %broadcast_in_dim3A_1281 : vector<16xf32>
    %exp3A_1376 = math.exp %sub3A_1375 : vector<16xf32>
    %add3A_1377 = arith.constant 1.000000e+00 : f32
    %add3A_1378 = vector.broadcast %add3A_1377 : f32 to vector<16xf32>
    %add3A_1379 = arith.addf %add3A_1378, %exp3A_1376 : vector<16xf32>
    %div3A_1380 = arith.constant 1.000000e+00 : f32
    %div3A_1381 = vector.broadcast %div3A_1380 : f32 to vector<16xf32>
    %div3A_1382 = arith.divf %div3A_1381, %add3A_1379 : vector<16xf32>
    %eq3A_1383 = arith.cmpi eq, %add3A_5, %broadcast_in_dim3A_1315 : vector<16xi32>
    %jit3A_1384 = arith.constant 0.000000e+00 : f32
    %broadcast_in_dim3A_1385 = vector.broadcast %jit3A_1384 : f32 to vector<16xf32>
    %select_n3A_1386 = arith.select %eq3A_1383, %add3A_1244, %broadcast_in_dim3A_1385 : vector<16xi1>, vector<16xf32>
    %eq3A_1387 = arith.cmpi eq, %add3A_9, %broadcast_in_dim3A_1315 : vector<16xi32>
    %jit3A_1388 = arith.constant 0.000000e+00 : f32
    %broadcast_in_dim3A_1389 = vector.broadcast %jit3A_1388 : f32 to vector<16xf32>
    %select_n3A_1390 = arith.select %eq3A_1387, %add3A_1248, %broadcast_in_dim3A_1389 : vector<16xi1>, vector<16xf32>
    %add3A_1391 = arith.addf %select_n3A_1386, %select_n3A_1390 : vector<16xf32>
    %eq3A_1392 = arith.cmpi eq, %add3A_13, %broadcast_in_dim3A_1315 : vector<16xi32>
    %jit3A_1393 = arith.constant 0.000000e+00 : f32
    %broadcast_in_dim3A_1394 = vector.broadcast %jit3A_1393 : f32 to vector<16xf32>
    %select_n3A_1395 = arith.select %eq3A_1392, %add3A_1252, %broadcast_in_dim3A_1394 : vector<16xi1>, vector<16xf32>
    %add3A_1396 = arith.addf %add3A_1391, %select_n3A_1395 : vector<16xf32>
    %eq3A_1397 = arith.cmpi eq, %add3A_17, %broadcast_in_dim3A_1315 : vector<16xi32>
    %jit3A_1398 = arith.constant 0.000000e+00 : f32
    %broadcast_in_dim3A_1399 = vector.broadcast %jit3A_1398 : f32 to vector<16xf32>
    %select_n3A_1400 = arith.select %eq3A_1397, %add3A_1256, %broadcast_in_dim3A_1399 : vector<16xi1>, vector<16xf32>
    %add3A_1401 = arith.addf %add3A_1396, %select_n3A_1400 : vector<16xf32>
    %broadcast_in_dim3A_1402 = arith.constant true
    %broadcast_in_dim3A_1403 = vector.broadcast %broadcast_in_dim3A_1402 : i1 to vector<16xi1>
    %masked_cumsum3A_1404 = tpu.scan <sum>, %add3A_1401 masked %broadcast_in_dim3A_1403 : vector<16xf32>, vector<16xi1> -> vector<16xf32>
    %slice3A_1405 = vector.extract_strided_slice %masked_cumsum3A_1404 {offsets = [15], sizes = [1], strides = [1]} : vector<16xf32> to vector<1xf32>
    %squeeze3A_1406 = vector.extract %slice3A_1405[0] : f32 from vector<1xf32>
    %broadcast_in_dim3A_1407 = vector.broadcast %squeeze3A_1406 : f32 to vector<16xf32>
    %eq3A_1408 = arith.cmpi eq, %add3A_5, %broadcast_in_dim3A_1315 : vector<16xi32>
    %convert_element_type3A_1409 = arith.extui %eq3A_1408 : vector<16xi1> to vector<16xi32>
    %convert_element_type3A_1410 = arith.sitofp %convert_element_type3A_1409 : vector<16xi32> to vector<16xf32>
    %add3A_1411 = arith.addf %add3A_1244, %convert_element_type3A_1410 : vector<16xf32>
    %eq3A_1412 = arith.cmpi eq, %add3A_9, %broadcast_in_dim3A_1315 : vector<16xi32>
    %convert_element_type3A_1413 = arith.extui %eq3A_1412 : vector<16xi1> to vector<16xi32>
    %convert_element_type3A_1414 = arith.sitofp %convert_element_type3A_1413 : vector<16xi32> to vector<16xf32>
    %add3A_1415 = arith.addf %add3A_1248, %convert_element_type3A_1414 : vector<16xf32>
    %eq3A_1416 = arith.cmpi eq, %add3A_13, %broadcast_in_dim3A_1315 : vector<16xi32>
    %convert_element_type3A_1417 = arith.extui %eq3A_1416 : vector<16xi1> to vector<16xi32>
    %convert_element_type3A_1418 = arith.sitofp %convert_element_type3A_1417 : vector<16xi32> to vector<16xf32>
    %add3A_1419 = arith.addf %add3A_1252, %convert_element_type3A_1418 : vector<16xf32>
    %eq3A_1420 = arith.cmpi eq, %add3A_17, %broadcast_in_dim3A_1315 : vector<16xi32>
    %convert_element_type3A_1421 = arith.extui %eq3A_1420 : vector<16xi1> to vector<16xi32>
    %convert_element_type3A_1422 = arith.sitofp %convert_element_type3A_1421 : vector<16xi32> to vector<16xf32>
    %add3A_1423 = arith.addf %add3A_1256, %convert_element_type3A_1422 : vector<16xf32>
    %eq3A_1424 = arith.cmpi eq, %add3A_5, %broadcast_in_dim3A_1374 : vector<16xi32>
    %jit3A_1425 = arith.constant 0.000000e+00 : f32
    %broadcast_in_dim3A_1426 = vector.broadcast %jit3A_1425 : f32 to vector<16xf32>
    %select_n3A_1427 = arith.select %eq3A_1424, %add3A_1411, %broadcast_in_dim3A_1426 : vector<16xi1>, vector<16xf32>
    %eq3A_1428 = arith.cmpi eq, %add3A_9, %broadcast_in_dim3A_1374 : vector<16xi32>
    %jit3A_1429 = arith.constant 0.000000e+00 : f32
    %broadcast_in_dim3A_1430 = vector.broadcast %jit3A_1429 : f32 to vector<16xf32>
    %select_n3A_1431 = arith.select %eq3A_1428, %add3A_1415, %broadcast_in_dim3A_1430 : vector<16xi1>, vector<16xf32>
    %add3A_1432 = arith.addf %select_n3A_1427, %select_n3A_1431 : vector<16xf32>
    %eq3A_1433 = arith.cmpi eq, %add3A_13, %broadcast_in_dim3A_1374 : vector<16xi32>
    %jit3A_1434 = arith.constant 0.000000e+00 : f32
    %broadcast_in_dim3A_1435 = vector.broadcast %jit3A_1434 : f32 to vector<16xf32>
    %select_n3A_1436 = arith.select %eq3A_1433, %add3A_1419, %broadcast_in_dim3A_1435 : vector<16xi1>, vector<16xf32>
    %add3A_1437 = arith.addf %add3A_1432, %select_n3A_1436 : vector<16xf32>
    %eq3A_1438 = arith.cmpi eq, %add3A_17, %broadcast_in_dim3A_1374 : vector<16xi32>
    %jit3A_1439 = arith.constant 0.000000e+00 : f32
    %broadcast_in_dim3A_1440 = vector.broadcast %jit3A_1439 : f32 to vector<16xf32>
    %select_n3A_1441 = arith.select %eq3A_1438, %add3A_1423, %broadcast_in_dim3A_1440 : vector<16xi1>, vector<16xf32>
    %add3A_1442 = arith.addf %add3A_1437, %select_n3A_1441 : vector<16xf32>
    %broadcast_in_dim3A_1443 = arith.constant true
    %broadcast_in_dim3A_1444 = vector.broadcast %broadcast_in_dim3A_1443 : i1 to vector<16xi1>
    %masked_cumsum3A_1445 = tpu.scan <sum>, %add3A_1442 masked %broadcast_in_dim3A_1444 : vector<16xf32>, vector<16xi1> -> vector<16xf32>
    %slice3A_1446 = vector.extract_strided_slice %masked_cumsum3A_1445 {offsets = [15], sizes = [1], strides = [1]} : vector<16xf32> to vector<1xf32>
    %squeeze3A_1447 = vector.extract %slice3A_1446[0] : f32 from vector<1xf32>
    %broadcast_in_dim3A_1448 = vector.broadcast %squeeze3A_1447 : f32 to vector<16xf32>
    %eq3A_1449 = arith.cmpi eq, %add3A_5, %broadcast_in_dim3A_1374 : vector<16xi32>
    %convert_element_type3A_1450 = arith.extui %eq3A_1449 : vector<16xi1> to vector<16xi32>
    %convert_element_type3A_1451 = arith.sitofp %convert_element_type3A_1450 : vector<16xi32> to vector<16xf32>
    %add3A_1452 = arith.addf %add3A_1411, %convert_element_type3A_1451 : vector<16xf32>
    %eq3A_1453 = arith.cmpi eq, %add3A_9, %broadcast_in_dim3A_1374 : vector<16xi32>
    %convert_element_type3A_1454 = arith.extui %eq3A_1453 : vector<16xi1> to vector<16xi32>
    %convert_element_type3A_1455 = arith.sitofp %convert_element_type3A_1454 : vector<16xi32> to vector<16xf32>
    %add3A_1456 = arith.addf %add3A_1415, %convert_element_type3A_1455 : vector<16xf32>
    %eq3A_1457 = arith.cmpi eq, %add3A_13, %broadcast_in_dim3A_1374 : vector<16xi32>
    %convert_element_type3A_1458 = arith.extui %eq3A_1457 : vector<16xi1> to vector<16xi32>
    %convert_element_type3A_1459 = arith.sitofp %convert_element_type3A_1458 : vector<16xi32> to vector<16xf32>
    %add3A_1460 = arith.addf %add3A_1419, %convert_element_type3A_1459 : vector<16xf32>
    %eq3A_1461 = arith.cmpi eq, %add3A_17, %broadcast_in_dim3A_1374 : vector<16xi32>
    %convert_element_type3A_1462 = arith.extui %eq3A_1461 : vector<16xi1> to vector<16xi32>
    %convert_element_type3A_1463 = arith.sitofp %convert_element_type3A_1462 : vector<16xi32> to vector<16xf32>
    %add3A_1464 = arith.addf %add3A_1423, %convert_element_type3A_1463 : vector<16xf32>
    %get3A_1465 = arith.constant 7 : i32
    %get3A_1466 = arith.index_cast %get3A_1465 : i32 to index
    %get3A_1467 = arith.constant 0 : index
    %get3A_1468 = tpu.vector_load %arg4[%get3A_1466, %get3A_1467] {strides = array<i32>} : memref<8x64xf32, #tpu.memory_space<vmem>>, vector<16xf32>,
    %get3A_1469 = arith.constant 7 : i32
    %get3A_1470 = arith.index_cast %get3A_1469 : i32 to index
    %get3A_1471 = arith.constant 16 : index
    %get3A_1472 = tpu.vector_load %arg4[%get3A_1470, %get3A_1471] {strides = array<i32>} : memref<8x64xf32, #tpu.memory_space<vmem>>, vector<16xf32>,
    %get3A_1473 = arith.constant 7 : i32
    %get3A_1474 = arith.index_cast %get3A_1473 : i32 to index
    %get3A_1475 = arith.constant 32 : index
    %get3A_1476 = tpu.vector_load %arg4[%get3A_1474, %get3A_1475] {strides = array<i32>} : memref<8x64xf32, #tpu.memory_space<vmem>>, vector<16xf32>,
    %get3A_1477 = arith.constant 7 : i32
    %get3A_1478 = arith.index_cast %get3A_1477 : i32 to index
    %get3A_1479 = arith.constant 48 : index
    %get3A_1480 = tpu.vector_load %arg4[%get3A_1478, %get3A_1479] {strides = array<i32>} : memref<8x64xf32, #tpu.memory_space<vmem>>, vector<16xf32>,
    %max3A_1481 = arith.maximumf %get3A_1468, %get3A_1472 : vector<16xf32>
    %max3A_1482 = arith.maximumf %get3A_1476, %get3A_1480 : vector<16xf32>
    %max3A_1483 = arith.maximumf %max3A_1481, %max3A_1482 : vector<16xf32>
    %broadcast_in_dim3A_1484 = arith.constant true
    %broadcast_in_dim3A_1485 = vector.broadcast %broadcast_in_dim3A_1484 : i1 to vector<16xi1>
    %masked_cummax3A_1486 = tpu.scan <max>, %max3A_1483 masked %broadcast_in_dim3A_1485 : vector<16xf32>, vector<16xi1> -> vector<16xf32>
    %slice3A_1487 = vector.extract_strided_slice %masked_cummax3A_1486 {offsets = [15], sizes = [1], strides = [1]} : vector<16xf32> to vector<1xf32>
    %squeeze3A_1488 = vector.extract %slice3A_1487[0] : f32 from vector<1xf32>
    %broadcast_in_dim3A_1489 = vector.broadcast %squeeze3A_1488 : f32 to vector<16xf32>
    %ge3A_1490 = arith.cmpf oge, %get3A_1468, %broadcast_in_dim3A_1489 : vector<16xf32>
    %jit3A_1491 = arith.constant 64 : i32
    %broadcast_in_dim3A_1492 = vector.broadcast %jit3A_1491 : i32 to vector<16xi32>
    %select_n3A_1493 = arith.select %ge3A_1490, %add3A_5, %broadcast_in_dim3A_1492 : vector<16xi1>, vector<16xi32>
    %ge3A_1494 = arith.cmpf oge, %get3A_1472, %broadcast_in_dim3A_1489 : vector<16xf32>
    %jit3A_1495 = arith.constant 64 : i32
    %broadcast_in_dim3A_1496 = vector.broadcast %jit3A_1495 : i32 to vector<16xi32>
    %select_n3A_1497 = arith.select %ge3A_1494, %add3A_9, %broadcast_in_dim3A_1496 : vector<16xi1>, vector<16xi32>
    %ge3A_1498 = arith.cmpf oge, %get3A_1476, %broadcast_in_dim3A_1489 : vector<16xf32>
    %jit3A_1499 = arith.constant 64 : i32
    %broadcast_in_dim3A_1500 = vector.broadcast %jit3A_1499 : i32 to vector<16xi32>
    %select_n3A_1501 = arith.select %ge3A_1498, %add3A_13, %broadcast_in_dim3A_1500 : vector<16xi1>, vector<16xi32>
    %ge3A_1502 = arith.cmpf oge, %get3A_1480, %broadcast_in_dim3A_1489 : vector<16xf32>
    %jit3A_1503 = arith.constant 64 : i32
    %broadcast_in_dim3A_1504 = vector.broadcast %jit3A_1503 : i32 to vector<16xi32>
    %select_n3A_1505 = arith.select %ge3A_1502, %add3A_17, %broadcast_in_dim3A_1504 : vector<16xi1>, vector<16xi32>
    %min3A_1506 = arith.minsi %select_n3A_1493, %select_n3A_1497 : vector<16xi32>
    %min3A_1507 = arith.minsi %select_n3A_1501, %select_n3A_1505 : vector<16xi32>
    %min3A_1508 = arith.minsi %min3A_1506, %min3A_1507 : vector<16xi32>
    %neg3A_1509 = arith.constant 0 : i32
    %neg3A_1510 = vector.broadcast %neg3A_1509 : i32 to vector<16xi32>
    %neg3A_1511 = arith.subi %neg3A_1510, %min3A_1508 : vector<16xi32>
    %broadcast_in_dim3A_1512 = arith.constant true
    %broadcast_in_dim3A_1513 = vector.broadcast %broadcast_in_dim3A_1512 : i1 to vector<16xi1>
    %masked_cummax3A_1514 = arith.constant -2147483648 : i32
    %masked_cummax3A_1515 = vector.broadcast %masked_cummax3A_1514 : i32 to vector<16xi32>
    %masked_cummax3A_1516 = arith.xori %neg3A_1511, %masked_cummax3A_1515 : vector<16xi32>
    %masked_cummax3A_1517 = tpu.scan <max>, %masked_cummax3A_1516 masked %broadcast_in_dim3A_1513 : vector<16xi32>, vector<16xi1> -> vector<16xi32>
    %masked_cummax3A_1518 = arith.xori %masked_cummax3A_1517, %masked_cummax3A_1515 : vector<16xi32>
    %slice3A_1519 = vector.extract_strided_slice %masked_cummax3A_1518 {offsets = [15], sizes = [1], strides = [1]} : vector<16xi32> to vector<1xi32>
    %squeeze3A_1520 = vector.extract %slice3A_1519[0] : i32 from vector<1xi32>
    %neg3A_1521 = arith.constant 0 : i32
    %neg3A_1522 = arith.subi %neg3A_1521, %squeeze3A_1520 : i32
    %broadcast_in_dim3A_1523 = vector.broadcast %neg3A_1522 : i32 to vector<16xi32>
    %eq3A_1524 = arith.cmpi eq, %add3A_5, %broadcast_in_dim3A_1523 : vector<16xi32>
    %jit3A_1525 = arith.constant -1.000000e+30 : f32
    %broadcast_in_dim3A_1526 = vector.broadcast %jit3A_1525 : f32 to vector<16xf32>
    %select_n3A_1527 = arith.select %eq3A_1524, %broadcast_in_dim3A_1526, %get3A_1468 : vector<16xi1>, vector<16xf32>
    %eq3A_1528 = arith.cmpi eq, %add3A_9, %broadcast_in_dim3A_1523 : vector<16xi32>
    %jit3A_1529 = arith.constant -1.000000e+30 : f32
    %broadcast_in_dim3A_1530 = vector.broadcast %jit3A_1529 : f32 to vector<16xf32>
    %select_n3A_1531 = arith.select %eq3A_1528, %broadcast_in_dim3A_1530, %get3A_1472 : vector<16xi1>, vector<16xf32>
    %eq3A_1532 = arith.cmpi eq, %add3A_13, %broadcast_in_dim3A_1523 : vector<16xi32>
    %jit3A_1533 = arith.constant -1.000000e+30 : f32
    %broadcast_in_dim3A_1534 = vector.broadcast %jit3A_1533 : f32 to vector<16xf32>
    %select_n3A_1535 = arith.select %eq3A_1532, %broadcast_in_dim3A_1534, %get3A_1476 : vector<16xi1>, vector<16xf32>
    %eq3A_1536 = arith.cmpi eq, %add3A_17, %broadcast_in_dim3A_1523 : vector<16xi32>
    %jit3A_1537 = arith.constant -1.000000e+30 : f32
    %broadcast_in_dim3A_1538 = vector.broadcast %jit3A_1537 : f32 to vector<16xf32>
    %select_n3A_1539 = arith.select %eq3A_1536, %broadcast_in_dim3A_1538, %get3A_1480 : vector<16xi1>, vector<16xf32>
    %max3A_1540 = arith.maximumf %select_n3A_1527, %select_n3A_1531 : vector<16xf32>
    %max3A_1541 = arith.maximumf %select_n3A_1535, %select_n3A_1539 : vector<16xf32>
    %max3A_1542 = arith.maximumf %max3A_1540, %max3A_1541 : vector<16xf32>
    %broadcast_in_dim3A_1543 = arith.constant true
    %broadcast_in_dim3A_1544 = vector.broadcast %broadcast_in_dim3A_1543 : i1 to vector<16xi1>
    %masked_cummax3A_1545 = tpu.scan <max>, %max3A_1542 masked %broadcast_in_dim3A_1544 : vector<16xf32>, vector<16xi1> -> vector<16xf32>
    %slice3A_1546 = vector.extract_strided_slice %masked_cummax3A_1545 {offsets = [15], sizes = [1], strides = [1]} : vector<16xf32> to vector<1xf32>
    %squeeze3A_1547 = vector.extract %slice3A_1546[0] : f32 from vector<1xf32>
    %broadcast_in_dim3A_1548 = vector.broadcast %squeeze3A_1547 : f32 to vector<16xf32>
    %ge3A_1549 = arith.cmpf oge, %select_n3A_1527, %broadcast_in_dim3A_1548 : vector<16xf32>
    %jit3A_1550 = arith.constant 64 : i32
    %broadcast_in_dim3A_1551 = vector.broadcast %jit3A_1550 : i32 to vector<16xi32>
    %select_n3A_1552 = arith.select %ge3A_1549, %add3A_5, %broadcast_in_dim3A_1551 : vector<16xi1>, vector<16xi32>
    %ge3A_1553 = arith.cmpf oge, %select_n3A_1531, %broadcast_in_dim3A_1548 : vector<16xf32>
    %jit3A_1554 = arith.constant 64 : i32
    %broadcast_in_dim3A_1555 = vector.broadcast %jit3A_1554 : i32 to vector<16xi32>
    %select_n3A_1556 = arith.select %ge3A_1553, %add3A_9, %broadcast_in_dim3A_1555 : vector<16xi1>, vector<16xi32>
    %ge3A_1557 = arith.cmpf oge, %select_n3A_1535, %broadcast_in_dim3A_1548 : vector<16xf32>
    %jit3A_1558 = arith.constant 64 : i32
    %broadcast_in_dim3A_1559 = vector.broadcast %jit3A_1558 : i32 to vector<16xi32>
    %select_n3A_1560 = arith.select %ge3A_1557, %add3A_13, %broadcast_in_dim3A_1559 : vector<16xi1>, vector<16xi32>
    %ge3A_1561 = arith.cmpf oge, %select_n3A_1539, %broadcast_in_dim3A_1548 : vector<16xf32>
    %jit3A_1562 = arith.constant 64 : i32
    %broadcast_in_dim3A_1563 = vector.broadcast %jit3A_1562 : i32 to vector<16xi32>
    %select_n3A_1564 = arith.select %ge3A_1561, %add3A_17, %broadcast_in_dim3A_1563 : vector<16xi1>, vector<16xi32>
    %min3A_1565 = arith.minsi %select_n3A_1552, %select_n3A_1556 : vector<16xi32>
    %min3A_1566 = arith.minsi %select_n3A_1560, %select_n3A_1564 : vector<16xi32>
    %min3A_1567 = arith.minsi %min3A_1565, %min3A_1566 : vector<16xi32>
    %neg3A_1568 = arith.constant 0 : i32
    %neg3A_1569 = vector.broadcast %neg3A_1568 : i32 to vector<16xi32>
    %neg3A_1570 = arith.subi %neg3A_1569, %min3A_1567 : vector<16xi32>
    %broadcast_in_dim3A_1571 = arith.constant true
    %broadcast_in_dim3A_1572 = vector.broadcast %broadcast_in_dim3A_1571 : i1 to vector<16xi1>
    %masked_cummax3A_1573 = arith.constant -2147483648 : i32
    %masked_cummax3A_1574 = vector.broadcast %masked_cummax3A_1573 : i32 to vector<16xi32>
    %masked_cummax3A_1575 = arith.xori %neg3A_1570, %masked_cummax3A_1574 : vector<16xi32>
    %masked_cummax3A_1576 = tpu.scan <max>, %masked_cummax3A_1575 masked %broadcast_in_dim3A_1572 : vector<16xi32>, vector<16xi1> -> vector<16xi32>
    %masked_cummax3A_1577 = arith.xori %masked_cummax3A_1576, %masked_cummax3A_1574 : vector<16xi32>
    %slice3A_1578 = vector.extract_strided_slice %masked_cummax3A_1577 {offsets = [15], sizes = [1], strides = [1]} : vector<16xi32> to vector<1xi32>
    %squeeze3A_1579 = vector.extract %slice3A_1578[0] : i32 from vector<1xi32>
    %neg3A_1580 = arith.constant 0 : i32
    %neg3A_1581 = arith.subi %neg3A_1580, %squeeze3A_1579 : i32
    %broadcast_in_dim3A_1582 = vector.broadcast %neg3A_1581 : i32 to vector<16xi32>
    %sub3A_1583 = arith.subf %broadcast_in_dim3A_1548, %broadcast_in_dim3A_1489 : vector<16xf32>
    %exp3A_1584 = math.exp %sub3A_1583 : vector<16xf32>
    %add3A_1585 = arith.constant 1.000000e+00 : f32
    %add3A_1586 = vector.broadcast %add3A_1585 : f32 to vector<16xf32>
    %add3A_1587 = arith.addf %add3A_1586, %exp3A_1584 : vector<16xf32>
    %div3A_1588 = arith.constant 1.000000e+00 : f32
    %div3A_1589 = vector.broadcast %div3A_1588 : f32 to vector<16xf32>
    %div3A_1590 = arith.divf %div3A_1589, %add3A_1587 : vector<16xf32>
    %eq3A_1591 = arith.cmpi eq, %add3A_5, %broadcast_in_dim3A_1523 : vector<16xi32>
    %jit3A_1592 = arith.constant 0.000000e+00 : f32
    %broadcast_in_dim3A_1593 = vector.broadcast %jit3A_1592 : f32 to vector<16xf32>
    %select_n3A_1594 = arith.select %eq3A_1591, %add3A_1452, %broadcast_in_dim3A_1593 : vector<16xi1>, vector<16xf32>
    %eq3A_1595 = arith.cmpi eq, %add3A_9, %broadcast_in_dim3A_1523 : vector<16xi32>
    %jit3A_1596 = arith.constant 0.000000e+00 : f32
    %broadcast_in_dim3A_1597 = vector.broadcast %jit3A_1596 : f32 to vector<16xf32>
    %select_n3A_1598 = arith.select %eq3A_1595, %add3A_1456, %broadcast_in_dim3A_1597 : vector<16xi1>, vector<16xf32>
    %add3A_1599 = arith.addf %select_n3A_1594, %select_n3A_1598 : vector<16xf32>
    %eq3A_1600 = arith.cmpi eq, %add3A_13, %broadcast_in_dim3A_1523 : vector<16xi32>
    %jit3A_1601 = arith.constant 0.000000e+00 : f32
    %broadcast_in_dim3A_1602 = vector.broadcast %jit3A_1601 : f32 to vector<16xf32>
    %select_n3A_1603 = arith.select %eq3A_1600, %add3A_1460, %broadcast_in_dim3A_1602 : vector<16xi1>, vector<16xf32>
    %add3A_1604 = arith.addf %add3A_1599, %select_n3A_1603 : vector<16xf32>
    %eq3A_1605 = arith.cmpi eq, %add3A_17, %broadcast_in_dim3A_1523 : vector<16xi32>
    %jit3A_1606 = arith.constant 0.000000e+00 : f32
    %broadcast_in_dim3A_1607 = vector.broadcast %jit3A_1606 : f32 to vector<16xf32>
    %select_n3A_1608 = arith.select %eq3A_1605, %add3A_1464, %broadcast_in_dim3A_1607 : vector<16xi1>, vector<16xf32>
    %add3A_1609 = arith.addf %add3A_1604, %select_n3A_1608 : vector<16xf32>
    %broadcast_in_dim3A_1610 = arith.constant true
    %broadcast_in_dim3A_1611 = vector.broadcast %broadcast_in_dim3A_1610 : i1 to vector<16xi1>
    %masked_cumsum3A_1612 = tpu.scan <sum>, %add3A_1609 masked %broadcast_in_dim3A_1611 : vector<16xf32>, vector<16xi1> -> vector<16xf32>
    %slice3A_1613 = vector.extract_strided_slice %masked_cumsum3A_1612 {offsets = [15], sizes = [1], strides = [1]} : vector<16xf32> to vector<1xf32>
    %squeeze3A_1614 = vector.extract %slice3A_1613[0] : f32 from vector<1xf32>
    %broadcast_in_dim3A_1615 = vector.broadcast %squeeze3A_1614 : f32 to vector<16xf32>
    %eq3A_1616 = arith.cmpi eq, %add3A_5, %broadcast_in_dim3A_1523 : vector<16xi32>
    %convert_element_type3A_1617 = arith.extui %eq3A_1616 : vector<16xi1> to vector<16xi32>
    %convert_element_type3A_1618 = arith.sitofp %convert_element_type3A_1617 : vector<16xi32> to vector<16xf32>
    %add3A_1619 = arith.addf %add3A_1452, %convert_element_type3A_1618 : vector<16xf32>
    %eq3A_1620 = arith.cmpi eq, %add3A_9, %broadcast_in_dim3A_1523 : vector<16xi32>
    %convert_element_type3A_1621 = arith.extui %eq3A_1620 : vector<16xi1> to vector<16xi32>
    %convert_element_type3A_1622 = arith.sitofp %convert_element_type3A_1621 : vector<16xi32> to vector<16xf32>
    %add3A_1623 = arith.addf %add3A_1456, %convert_element_type3A_1622 : vector<16xf32>
    %eq3A_1624 = arith.cmpi eq, %add3A_13, %broadcast_in_dim3A_1523 : vector<16xi32>
    %convert_element_type3A_1625 = arith.extui %eq3A_1624 : vector<16xi1> to vector<16xi32>
    %convert_element_type3A_1626 = arith.sitofp %convert_element_type3A_1625 : vector<16xi32> to vector<16xf32>
    %add3A_1627 = arith.addf %add3A_1460, %convert_element_type3A_1626 : vector<16xf32>
    %eq3A_1628 = arith.cmpi eq, %add3A_17, %broadcast_in_dim3A_1523 : vector<16xi32>
    %convert_element_type3A_1629 = arith.extui %eq3A_1628 : vector<16xi1> to vector<16xi32>
    %convert_element_type3A_1630 = arith.sitofp %convert_element_type3A_1629 : vector<16xi32> to vector<16xf32>
    %add3A_1631 = arith.addf %add3A_1464, %convert_element_type3A_1630 : vector<16xf32>
    %eq3A_1632 = arith.cmpi eq, %add3A_5, %broadcast_in_dim3A_1582 : vector<16xi32>
    %jit3A_1633 = arith.constant 0.000000e+00 : f32
    %broadcast_in_dim3A_1634 = vector.broadcast %jit3A_1633 : f32 to vector<16xf32>
    %select_n3A_1635 = arith.select %eq3A_1632, %add3A_1619, %broadcast_in_dim3A_1634 : vector<16xi1>, vector<16xf32>
    %eq3A_1636 = arith.cmpi eq, %add3A_9, %broadcast_in_dim3A_1582 : vector<16xi32>
    %jit3A_1637 = arith.constant 0.000000e+00 : f32
    %broadcast_in_dim3A_1638 = vector.broadcast %jit3A_1637 : f32 to vector<16xf32>
    %select_n3A_1639 = arith.select %eq3A_1636, %add3A_1623, %broadcast_in_dim3A_1638 : vector<16xi1>, vector<16xf32>
    %add3A_1640 = arith.addf %select_n3A_1635, %select_n3A_1639 : vector<16xf32>
    %eq3A_1641 = arith.cmpi eq, %add3A_13, %broadcast_in_dim3A_1582 : vector<16xi32>
    %jit3A_1642 = arith.constant 0.000000e+00 : f32
    %broadcast_in_dim3A_1643 = vector.broadcast %jit3A_1642 : f32 to vector<16xf32>
    %select_n3A_1644 = arith.select %eq3A_1641, %add3A_1627, %broadcast_in_dim3A_1643 : vector<16xi1>, vector<16xf32>
    %add3A_1645 = arith.addf %add3A_1640, %select_n3A_1644 : vector<16xf32>
    %eq3A_1646 = arith.cmpi eq, %add3A_17, %broadcast_in_dim3A_1582 : vector<16xi32>
    %jit3A_1647 = arith.constant 0.000000e+00 : f32
    %broadcast_in_dim3A_1648 = vector.broadcast %jit3A_1647 : f32 to vector<16xf32>
    %select_n3A_1649 = arith.select %eq3A_1646, %add3A_1631, %broadcast_in_dim3A_1648 : vector<16xi1>, vector<16xf32>
    %add3A_1650 = arith.addf %add3A_1645, %select_n3A_1649 : vector<16xf32>
    %broadcast_in_dim3A_1651 = arith.constant true
    %broadcast_in_dim3A_1652 = vector.broadcast %broadcast_in_dim3A_1651 : i1 to vector<16xi1>
    %masked_cumsum3A_1653 = tpu.scan <sum>, %add3A_1650 masked %broadcast_in_dim3A_1652 : vector<16xf32>, vector<16xi1> -> vector<16xf32>
    %slice3A_1654 = vector.extract_strided_slice %masked_cumsum3A_1653 {offsets = [15], sizes = [1], strides = [1]} : vector<16xf32> to vector<1xf32>
    %squeeze3A_1655 = vector.extract %slice3A_1654[0] : f32 from vector<1xf32>
    %broadcast_in_dim3A_1656 = vector.broadcast %squeeze3A_1655 : f32 to vector<16xf32>
    %eq3A_1657 = arith.cmpi eq, %add3A_5, %broadcast_in_dim3A_1582 : vector<16xi32>
    %convert_element_type3A_1658 = arith.extui %eq3A_1657 : vector<16xi1> to vector<16xi32>
    %convert_element_type3A_1659 = arith.sitofp %convert_element_type3A_1658 : vector<16xi32> to vector<16xf32>
    %add3A_1660 = arith.addf %add3A_1619, %convert_element_type3A_1659 : vector<16xf32>
    %eq3A_1661 = arith.cmpi eq, %add3A_9, %broadcast_in_dim3A_1582 : vector<16xi32>
    %convert_element_type3A_1662 = arith.extui %eq3A_1661 : vector<16xi1> to vector<16xi32>
    %convert_element_type3A_1663 = arith.sitofp %convert_element_type3A_1662 : vector<16xi32> to vector<16xf32>
    %add3A_1664 = arith.addf %add3A_1623, %convert_element_type3A_1663 : vector<16xf32>
    %eq3A_1665 = arith.cmpi eq, %add3A_13, %broadcast_in_dim3A_1582 : vector<16xi32>
    %convert_element_type3A_1666 = arith.extui %eq3A_1665 : vector<16xi1> to vector<16xi32>
    %convert_element_type3A_1667 = arith.sitofp %convert_element_type3A_1666 : vector<16xi32> to vector<16xf32>
    %add3A_1668 = arith.addf %add3A_1627, %convert_element_type3A_1667 : vector<16xf32>
    %eq3A_1669 = arith.cmpi eq, %add3A_17, %broadcast_in_dim3A_1582 : vector<16xi32>
    %convert_element_type3A_1670 = arith.extui %eq3A_1669 : vector<16xi1> to vector<16xi32>
    %convert_element_type3A_1671 = arith.sitofp %convert_element_type3A_1670 : vector<16xi32> to vector<16xf32>
    %add3A_1672 = arith.addf %add3A_1631, %convert_element_type3A_1671 : vector<16xf32>
    %swap3A = arith.constant 0 : index
    %swap3A_1673 = tpu.vector_load %arg6[%swap3A] {strides = array<i32>} : memref<64xf32, #tpu.memory_space<vmem>>, vector<16xf32>,
    tpu.vector_store %arg6[%swap3A], %add3A_1660 {strides = array<i32>} : memref<64xf32, #tpu.memory_space<vmem>>, vector<16xf32>,
    %swap3A_1674 = arith.constant 16 : index
    %swap3A_1675 = tpu.vector_load %arg6[%swap3A_1674] {strides = array<i32>} : memref<64xf32, #tpu.memory_space<vmem>>, vector<16xf32>,
    tpu.vector_store %arg6[%swap3A_1674], %add3A_1664 {strides = array<i32>} : memref<64xf32, #tpu.memory_space<vmem>>, vector<16xf32>,
    %swap3A_1676 = arith.constant 32 : index
    %swap3A_1677 = tpu.vector_load %arg6[%swap3A_1676] {strides = array<i32>} : memref<64xf32, #tpu.memory_space<vmem>>, vector<16xf32>,
    tpu.vector_store %arg6[%swap3A_1676], %add3A_1668 {strides = array<i32>} : memref<64xf32, #tpu.memory_space<vmem>>, vector<16xf32>,
    %swap3A_1678 = arith.constant 48 : index
    %swap3A_1679 = tpu.vector_load %arg6[%swap3A_1678] {strides = array<i32>} : memref<64xf32, #tpu.memory_space<vmem>>, vector<16xf32>,
    tpu.vector_store %arg6[%swap3A_1678], %add3A_1672 {strides = array<i32>} : memref<64xf32, #tpu.memory_space<vmem>>, vector<16xf32>,
    %mul3A_1680 = arith.constant 64 : i32
    %mul3A_1681 = arith.muli %add3A, %mul3A_1680 : i32
    "tpu.region"() ({
      %run_scoped3A = tpu.sem_alloc : memref<!tpu.dma_semaphore, #tpu.memory_space<semaphore_mem>>
      %dma_start3A = tpu.memref_slice %arg8[%mul3A_1681] : memref<1024xf32, #tpu.memory_space<vmem_shared>> -> memref<64xf32, #tpu.memory_space<vmem_shared>>
      %dma_start3A_2865 = tpu.memref_slice %arg8[%mul3A_1681] : memref<1024xf32, #tpu.memory_space<vmem_shared>> -> memref<64xf32, #tpu.memory_space<vmem_shared>>
      tpu.enqueue_dma source(%arg6 : memref<64xf32, #tpu.memory_space<vmem>>) target(%dma_start3A_2865 : memref<64xf32, #tpu.memory_space<vmem_shared>>) target_semaphore(%run_scoped3A : memref<!tpu.dma_semaphore, #tpu.memory_space<semaphore_mem>>)
      %dma_wait3A = tpu.memref_slice %arg8[%mul3A_1681] : memref<1024xf32, #tpu.memory_space<vmem_shared>> -> memref<64xf32, #tpu.memory_space<vmem_shared>>
      %dma_wait3A_2866 = tpu.memref_slice %arg8[%mul3A_1681] : memref<1024xf32, #tpu.memory_space<vmem_shared>> -> memref<64xf32, #tpu.memory_space<vmem_shared>>
      tpu.wait_dma2 semaphore(%run_scoped3A : memref<!tpu.dma_semaphore, #tpu.memory_space<semaphore_mem>>) src(%arg6 : memref<64xf32, #tpu.memory_space<vmem>>) dst(%dma_wait3A_2866 : memref<64xf32, #tpu.memory_space<vmem_shared>>)
      tpu.yield
    }) : () -> ()
    %barrier3A = arith.constant 0 : index
    tpu.barrier barrier_id(%barrier3A)
    "tpu.region"() ({
      %run_scoped3A = tpu.sem_alloc : memref<!tpu.dma_semaphore, #tpu.memory_space<semaphore_mem>>
      tpu.enqueue_dma source(%arg8 : memref<1024xf32, #tpu.memory_space<vmem_shared>>) target(%arg7 : memref<1024xf32, #tpu.memory_space<vmem>>) target_semaphore(%run_scoped3A : memref<!tpu.dma_semaphore, #tpu.memory_space<semaphore_mem>>)
      tpu.wait_dma2 semaphore(%run_scoped3A : memref<!tpu.dma_semaphore, #tpu.memory_space<semaphore_mem>>) src(%arg8 : memref<1024xf32, #tpu.memory_space<vmem_shared>>) dst(%arg7 : memref<1024xf32, #tpu.memory_space<vmem>>)
      tpu.yield
    }) : () -> ()
    %broadcast_in_dim3A_1682 = arith.constant 0.000000e+00 : f32
    %broadcast_in_dim3A_1683 = vector.broadcast %broadcast_in_dim3A_1682 : f32 to vector<16xf32>
    %broadcast_in_dim3A_1684 = arith.constant 0.000000e+00 : f32
    %broadcast_in_dim3A_1685 = vector.broadcast %broadcast_in_dim3A_1684 : f32 to vector<16xf32>
    %broadcast_in_dim3A_1686 = arith.constant 0.000000e+00 : f32
    %broadcast_in_dim3A_1687 = vector.broadcast %broadcast_in_dim3A_1686 : f32 to vector<16xf32>
    %broadcast_in_dim3A_1688 = arith.constant 0.000000e+00 : f32
    %broadcast_in_dim3A_1689 = vector.broadcast %broadcast_in_dim3A_1688 : f32 to vector<16xf32>
    %gt3A = arith.constant 0 : i32
    %gt3A_1690 = arith.cmpi sgt, %add3A, %gt3A : i32
    %convert_element_type3A_1691 = arith.extui %gt3A_1690 : i1 to i32
    %convert_element_type3A_1692 = arith.sitofp %convert_element_type3A_1691 : i32 to f32
    %get3A_1693 = arith.constant 0 : index
    %get3A_1694 = tpu.vector_load %arg7[%get3A_1693] {strides = array<i32>} : memref<1024xf32, #tpu.memory_space<vmem>>, vector<16xf32>,
    %mul3A_1695 = vector.broadcast %convert_element_type3A_1692 : f32 to vector<16xf32>
    %mul3A_1696 = arith.mulf %get3A_1694, %mul3A_1695 : vector<16xf32>
    %add3A_1697 = arith.addf %broadcast_in_dim3A_1683, %mul3A_1696 : vector<16xf32>
    %get3A_1698 = arith.constant 16 : index
    %get3A_1699 = tpu.vector_load %arg7[%get3A_1698] {strides = array<i32>} : memref<1024xf32, #tpu.memory_space<vmem>>, vector<16xf32>,
    %mul3A_1700 = vector.broadcast %convert_element_type3A_1692 : f32 to vector<16xf32>
    %mul3A_1701 = arith.mulf %get3A_1699, %mul3A_1700 : vector<16xf32>
    %add3A_1702 = arith.addf %broadcast_in_dim3A_1685, %mul3A_1701 : vector<16xf32>
    %get3A_1703 = arith.constant 32 : index
    %get3A_1704 = tpu.vector_load %arg7[%get3A_1703] {strides = array<i32>} : memref<1024xf32, #tpu.memory_space<vmem>>, vector<16xf32>,
    %mul3A_1705 = vector.broadcast %convert_element_type3A_1692 : f32 to vector<16xf32>
    %mul3A_1706 = arith.mulf %get3A_1704, %mul3A_1705 : vector<16xf32>
    %add3A_1707 = arith.addf %broadcast_in_dim3A_1687, %mul3A_1706 : vector<16xf32>
    %get3A_1708 = arith.constant 48 : index
    %get3A_1709 = tpu.vector_load %arg7[%get3A_1708] {strides = array<i32>} : memref<1024xf32, #tpu.memory_space<vmem>>, vector<16xf32>,
    %mul3A_1710 = vector.broadcast %convert_element_type3A_1692 : f32 to vector<16xf32>
    %mul3A_1711 = arith.mulf %get3A_1709, %mul3A_1710 : vector<16xf32>
    %add3A_1712 = arith.addf %broadcast_in_dim3A_1689, %mul3A_1711 : vector<16xf32>
    %gt3A_1713 = arith.constant 1 : i32
    %gt3A_1714 = arith.cmpi sgt, %add3A, %gt3A_1713 : i32
    %convert_element_type3A_1715 = arith.extui %gt3A_1714 : i1 to i32
    %convert_element_type3A_1716 = arith.sitofp %convert_element_type3A_1715 : i32 to f32
    %get3A_1717 = arith.constant 64 : index
    %get3A_1718 = tpu.vector_load %arg7[%get3A_1717] {strides = array<i32>} : memref<1024xf32, #tpu.memory_space<vmem>>, vector<16xf32>,
    %mul3A_1719 = vector.broadcast %convert_element_type3A_1716 : f32 to vector<16xf32>
    %mul3A_1720 = arith.mulf %get3A_1718, %mul3A_1719 : vector<16xf32>
    %add3A_1721 = arith.addf %add3A_1697, %mul3A_1720 : vector<16xf32>
    %get3A_1722 = arith.constant 80 : index
    %get3A_1723 = tpu.vector_load %arg7[%get3A_1722] {strides = array<i32>} : memref<1024xf32, #tpu.memory_space<vmem>>, vector<16xf32>,
    %mul3A_1724 = vector.broadcast %convert_element_type3A_1716 : f32 to vector<16xf32>
    %mul3A_1725 = arith.mulf %get3A_1723, %mul3A_1724 : vector<16xf32>
    %add3A_1726 = arith.addf %add3A_1702, %mul3A_1725 : vector<16xf32>
    %get3A_1727 = arith.constant 96 : index
    %get3A_1728 = tpu.vector_load %arg7[%get3A_1727] {strides = array<i32>} : memref<1024xf32, #tpu.memory_space<vmem>>, vector<16xf32>,
    %mul3A_1729 = vector.broadcast %convert_element_type3A_1716 : f32 to vector<16xf32>
    %mul3A_1730 = arith.mulf %get3A_1728, %mul3A_1729 : vector<16xf32>
    %add3A_1731 = arith.addf %add3A_1707, %mul3A_1730 : vector<16xf32>
    %get3A_1732 = arith.constant 112 : index
    %get3A_1733 = tpu.vector_load %arg7[%get3A_1732] {strides = array<i32>} : memref<1024xf32, #tpu.memory_space<vmem>>, vector<16xf32>,
    %mul3A_1734 = vector.broadcast %convert_element_type3A_1716 : f32 to vector<16xf32>
    %mul3A_1735 = arith.mulf %get3A_1733, %mul3A_1734 : vector<16xf32>
    %add3A_1736 = arith.addf %add3A_1712, %mul3A_1735 : vector<16xf32>
    %gt3A_1737 = arith.constant 2 : i32
    %gt3A_1738 = arith.cmpi sgt, %add3A, %gt3A_1737 : i32
    %convert_element_type3A_1739 = arith.extui %gt3A_1738 : i1 to i32
    %convert_element_type3A_1740 = arith.sitofp %convert_element_type3A_1739 : i32 to f32
    %get3A_1741 = arith.constant 128 : index
    %get3A_1742 = tpu.vector_load %arg7[%get3A_1741] {strides = array<i32>} : memref<1024xf32, #tpu.memory_space<vmem>>, vector<16xf32>,
    %mul3A_1743 = vector.broadcast %convert_element_type3A_1740 : f32 to vector<16xf32>
    %mul3A_1744 = arith.mulf %get3A_1742, %mul3A_1743 : vector<16xf32>
    %add3A_1745 = arith.addf %add3A_1721, %mul3A_1744 : vector<16xf32>
    %get3A_1746 = arith.constant 144 : index
    %get3A_1747 = tpu.vector_load %arg7[%get3A_1746] {strides = array<i32>} : memref<1024xf32, #tpu.memory_space<vmem>>, vector<16xf32>,
    %mul3A_1748 = vector.broadcast %convert_element_type3A_1740 : f32 to vector<16xf32>
    %mul3A_1749 = arith.mulf %get3A_1747, %mul3A_1748 : vector<16xf32>
    %add3A_1750 = arith.addf %add3A_1726, %mul3A_1749 : vector<16xf32>
    %get3A_1751 = arith.constant 160 : index
    %get3A_1752 = tpu.vector_load %arg7[%get3A_1751] {strides = array<i32>} : memref<1024xf32, #tpu.memory_space<vmem>>, vector<16xf32>,
    %mul3A_1753 = vector.broadcast %convert_element_type3A_1740 : f32 to vector<16xf32>
    %mul3A_1754 = arith.mulf %get3A_1752, %mul3A_1753 : vector<16xf32>
    %add3A_1755 = arith.addf %add3A_1731, %mul3A_1754 : vector<16xf32>
    %get3A_1756 = arith.constant 176 : index
    %get3A_1757 = tpu.vector_load %arg7[%get3A_1756] {strides = array<i32>} : memref<1024xf32, #tpu.memory_space<vmem>>, vector<16xf32>,
    %mul3A_1758 = vector.broadcast %convert_element_type3A_1740 : f32 to vector<16xf32>
    %mul3A_1759 = arith.mulf %get3A_1757, %mul3A_1758 : vector<16xf32>
    %add3A_1760 = arith.addf %add3A_1736, %mul3A_1759 : vector<16xf32>
    %gt3A_1761 = arith.constant 3 : i32
    %gt3A_1762 = arith.cmpi sgt, %add3A, %gt3A_1761 : i32
    %convert_element_type3A_1763 = arith.extui %gt3A_1762 : i1 to i32
    %convert_element_type3A_1764 = arith.sitofp %convert_element_type3A_1763 : i32 to f32
    %get3A_1765 = arith.constant 192 : index
    %get3A_1766 = tpu.vector_load %arg7[%get3A_1765] {strides = array<i32>} : memref<1024xf32, #tpu.memory_space<vmem>>, vector<16xf32>,
    %mul3A_1767 = vector.broadcast %convert_element_type3A_1764 : f32 to vector<16xf32>
    %mul3A_1768 = arith.mulf %get3A_1766, %mul3A_1767 : vector<16xf32>
    %add3A_1769 = arith.addf %add3A_1745, %mul3A_1768 : vector<16xf32>
    %get3A_1770 = arith.constant 208 : index
    %get3A_1771 = tpu.vector_load %arg7[%get3A_1770] {strides = array<i32>} : memref<1024xf32, #tpu.memory_space<vmem>>, vector<16xf32>,
    %mul3A_1772 = vector.broadcast %convert_element_type3A_1764 : f32 to vector<16xf32>
    %mul3A_1773 = arith.mulf %get3A_1771, %mul3A_1772 : vector<16xf32>
    %add3A_1774 = arith.addf %add3A_1750, %mul3A_1773 : vector<16xf32>
    %get3A_1775 = arith.constant 224 : index
    %get3A_1776 = tpu.vector_load %arg7[%get3A_1775] {strides = array<i32>} : memref<1024xf32, #tpu.memory_space<vmem>>, vector<16xf32>,
    %mul3A_1777 = vector.broadcast %convert_element_type3A_1764 : f32 to vector<16xf32>
    %mul3A_1778 = arith.mulf %get3A_1776, %mul3A_1777 : vector<16xf32>
    %add3A_1779 = arith.addf %add3A_1755, %mul3A_1778 : vector<16xf32>
    %get3A_1780 = arith.constant 240 : index
    %get3A_1781 = tpu.vector_load %arg7[%get3A_1780] {strides = array<i32>} : memref<1024xf32, #tpu.memory_space<vmem>>, vector<16xf32>,
    %mul3A_1782 = vector.broadcast %convert_element_type3A_1764 : f32 to vector<16xf32>
    %mul3A_1783 = arith.mulf %get3A_1781, %mul3A_1782 : vector<16xf32>
    %add3A_1784 = arith.addf %add3A_1760, %mul3A_1783 : vector<16xf32>
    %gt3A_1785 = arith.constant 4 : i32
    %gt3A_1786 = arith.cmpi sgt, %add3A, %gt3A_1785 : i32
    %convert_element_type3A_1787 = arith.extui %gt3A_1786 : i1 to i32
    %convert_element_type3A_1788 = arith.sitofp %convert_element_type3A_1787 : i32 to f32
    %get3A_1789 = arith.constant 256 : index
    %get3A_1790 = tpu.vector_load %arg7[%get3A_1789] {strides = array<i32>} : memref<1024xf32, #tpu.memory_space<vmem>>, vector<16xf32>,
    %mul3A_1791 = vector.broadcast %convert_element_type3A_1788 : f32 to vector<16xf32>
    %mul3A_1792 = arith.mulf %get3A_1790, %mul3A_1791 : vector<16xf32>
    %add3A_1793 = arith.addf %add3A_1769, %mul3A_1792 : vector<16xf32>
    %get3A_1794 = arith.constant 272 : index
    %get3A_1795 = tpu.vector_load %arg7[%get3A_1794] {strides = array<i32>} : memref<1024xf32, #tpu.memory_space<vmem>>, vector<16xf32>,
    %mul3A_1796 = vector.broadcast %convert_element_type3A_1788 : f32 to vector<16xf32>
    %mul3A_1797 = arith.mulf %get3A_1795, %mul3A_1796 : vector<16xf32>
    %add3A_1798 = arith.addf %add3A_1774, %mul3A_1797 : vector<16xf32>
    %get3A_1799 = arith.constant 288 : index
    %get3A_1800 = tpu.vector_load %arg7[%get3A_1799] {strides = array<i32>} : memref<1024xf32, #tpu.memory_space<vmem>>, vector<16xf32>,
    %mul3A_1801 = vector.broadcast %convert_element_type3A_1788 : f32 to vector<16xf32>
    %mul3A_1802 = arith.mulf %get3A_1800, %mul3A_1801 : vector<16xf32>
    %add3A_1803 = arith.addf %add3A_1779, %mul3A_1802 : vector<16xf32>
    %get3A_1804 = arith.constant 304 : index
    %get3A_1805 = tpu.vector_load %arg7[%get3A_1804] {strides = array<i32>} : memref<1024xf32, #tpu.memory_space<vmem>>, vector<16xf32>,
    %mul3A_1806 = vector.broadcast %convert_element_type3A_1788 : f32 to vector<16xf32>
    %mul3A_1807 = arith.mulf %get3A_1805, %mul3A_1806 : vector<16xf32>
    %add3A_1808 = arith.addf %add3A_1784, %mul3A_1807 : vector<16xf32>
    %gt3A_1809 = arith.constant 5 : i32
    %gt3A_1810 = arith.cmpi sgt, %add3A, %gt3A_1809 : i32
    %convert_element_type3A_1811 = arith.extui %gt3A_1810 : i1 to i32
    %convert_element_type3A_1812 = arith.sitofp %convert_element_type3A_1811 : i32 to f32
    %get3A_1813 = arith.constant 320 : index
    %get3A_1814 = tpu.vector_load %arg7[%get3A_1813] {strides = array<i32>} : memref<1024xf32, #tpu.memory_space<vmem>>, vector<16xf32>,
    %mul3A_1815 = vector.broadcast %convert_element_type3A_1812 : f32 to vector<16xf32>
    %mul3A_1816 = arith.mulf %get3A_1814, %mul3A_1815 : vector<16xf32>
    %add3A_1817 = arith.addf %add3A_1793, %mul3A_1816 : vector<16xf32>
    %get3A_1818 = arith.constant 336 : index
    %get3A_1819 = tpu.vector_load %arg7[%get3A_1818] {strides = array<i32>} : memref<1024xf32, #tpu.memory_space<vmem>>, vector<16xf32>,
    %mul3A_1820 = vector.broadcast %convert_element_type3A_1812 : f32 to vector<16xf32>
    %mul3A_1821 = arith.mulf %get3A_1819, %mul3A_1820 : vector<16xf32>
    %add3A_1822 = arith.addf %add3A_1798, %mul3A_1821 : vector<16xf32>
    %get3A_1823 = arith.constant 352 : index
    %get3A_1824 = tpu.vector_load %arg7[%get3A_1823] {strides = array<i32>} : memref<1024xf32, #tpu.memory_space<vmem>>, vector<16xf32>,
    %mul3A_1825 = vector.broadcast %convert_element_type3A_1812 : f32 to vector<16xf32>
    %mul3A_1826 = arith.mulf %get3A_1824, %mul3A_1825 : vector<16xf32>
    %add3A_1827 = arith.addf %add3A_1803, %mul3A_1826 : vector<16xf32>
    %get3A_1828 = arith.constant 368 : index
    %get3A_1829 = tpu.vector_load %arg7[%get3A_1828] {strides = array<i32>} : memref<1024xf32, #tpu.memory_space<vmem>>, vector<16xf32>,
    %mul3A_1830 = vector.broadcast %convert_element_type3A_1812 : f32 to vector<16xf32>
    %mul3A_1831 = arith.mulf %get3A_1829, %mul3A_1830 : vector<16xf32>
    %add3A_1832 = arith.addf %add3A_1808, %mul3A_1831 : vector<16xf32>
    %gt3A_1833 = arith.constant 6 : i32
    %gt3A_1834 = arith.cmpi sgt, %add3A, %gt3A_1833 : i32
    %convert_element_type3A_1835 = arith.extui %gt3A_1834 : i1 to i32
    %convert_element_type3A_1836 = arith.sitofp %convert_element_type3A_1835 : i32 to f32
    %get3A_1837 = arith.constant 384 : index
    %get3A_1838 = tpu.vector_load %arg7[%get3A_1837] {strides = array<i32>} : memref<1024xf32, #tpu.memory_space<vmem>>, vector<16xf32>,
    %mul3A_1839 = vector.broadcast %convert_element_type3A_1836 : f32 to vector<16xf32>
    %mul3A_1840 = arith.mulf %get3A_1838, %mul3A_1839 : vector<16xf32>
    %add3A_1841 = arith.addf %add3A_1817, %mul3A_1840 : vector<16xf32>
    %get3A_1842 = arith.constant 400 : index
    %get3A_1843 = tpu.vector_load %arg7[%get3A_1842] {strides = array<i32>} : memref<1024xf32, #tpu.memory_space<vmem>>, vector<16xf32>,
    %mul3A_1844 = vector.broadcast %convert_element_type3A_1836 : f32 to vector<16xf32>
    %mul3A_1845 = arith.mulf %get3A_1843, %mul3A_1844 : vector<16xf32>
    %add3A_1846 = arith.addf %add3A_1822, %mul3A_1845 : vector<16xf32>
    %get3A_1847 = arith.constant 416 : index
    %get3A_1848 = tpu.vector_load %arg7[%get3A_1847] {strides = array<i32>} : memref<1024xf32, #tpu.memory_space<vmem>>, vector<16xf32>,
    %mul3A_1849 = vector.broadcast %convert_element_type3A_1836 : f32 to vector<16xf32>
    %mul3A_1850 = arith.mulf %get3A_1848, %mul3A_1849 : vector<16xf32>
    %add3A_1851 = arith.addf %add3A_1827, %mul3A_1850 : vector<16xf32>
    %get3A_1852 = arith.constant 432 : index
    %get3A_1853 = tpu.vector_load %arg7[%get3A_1852] {strides = array<i32>} : memref<1024xf32, #tpu.memory_space<vmem>>, vector<16xf32>,
    %mul3A_1854 = vector.broadcast %convert_element_type3A_1836 : f32 to vector<16xf32>
    %mul3A_1855 = arith.mulf %get3A_1853, %mul3A_1854 : vector<16xf32>
    %add3A_1856 = arith.addf %add3A_1832, %mul3A_1855 : vector<16xf32>
    %gt3A_1857 = arith.constant 7 : i32
    %gt3A_1858 = arith.cmpi sgt, %add3A, %gt3A_1857 : i32
    %convert_element_type3A_1859 = arith.extui %gt3A_1858 : i1 to i32
    %convert_element_type3A_1860 = arith.sitofp %convert_element_type3A_1859 : i32 to f32
    %get3A_1861 = arith.constant 448 : index
    %get3A_1862 = tpu.vector_load %arg7[%get3A_1861] {strides = array<i32>} : memref<1024xf32, #tpu.memory_space<vmem>>, vector<16xf32>,
    %mul3A_1863 = vector.broadcast %convert_element_type3A_1860 : f32 to vector<16xf32>
    %mul3A_1864 = arith.mulf %get3A_1862, %mul3A_1863 : vector<16xf32>
    %add3A_1865 = arith.addf %add3A_1841, %mul3A_1864 : vector<16xf32>
    %get3A_1866 = arith.constant 464 : index
    %get3A_1867 = tpu.vector_load %arg7[%get3A_1866] {strides = array<i32>} : memref<1024xf32, #tpu.memory_space<vmem>>, vector<16xf32>,
    %mul3A_1868 = vector.broadcast %convert_element_type3A_1860 : f32 to vector<16xf32>
    %mul3A_1869 = arith.mulf %get3A_1867, %mul3A_1868 : vector<16xf32>
    %add3A_1870 = arith.addf %add3A_1846, %mul3A_1869 : vector<16xf32>
    %get3A_1871 = arith.constant 480 : index
    %get3A_1872 = tpu.vector_load %arg7[%get3A_1871] {strides = array<i32>} : memref<1024xf32, #tpu.memory_space<vmem>>, vector<16xf32>,
    %mul3A_1873 = vector.broadcast %convert_element_type3A_1860 : f32 to vector<16xf32>
    %mul3A_1874 = arith.mulf %get3A_1872, %mul3A_1873 : vector<16xf32>
    %add3A_1875 = arith.addf %add3A_1851, %mul3A_1874 : vector<16xf32>
    %get3A_1876 = arith.constant 496 : index
    %get3A_1877 = tpu.vector_load %arg7[%get3A_1876] {strides = array<i32>} : memref<1024xf32, #tpu.memory_space<vmem>>, vector<16xf32>,
    %mul3A_1878 = vector.broadcast %convert_element_type3A_1860 : f32 to vector<16xf32>
    %mul3A_1879 = arith.mulf %get3A_1877, %mul3A_1878 : vector<16xf32>
    %add3A_1880 = arith.addf %add3A_1856, %mul3A_1879 : vector<16xf32>
    %gt3A_1881 = arith.constant 8 : i32
    %gt3A_1882 = arith.cmpi sgt, %add3A, %gt3A_1881 : i32
    %convert_element_type3A_1883 = arith.extui %gt3A_1882 : i1 to i32
    %convert_element_type3A_1884 = arith.sitofp %convert_element_type3A_1883 : i32 to f32
    %get3A_1885 = arith.constant 512 : index
    %get3A_1886 = tpu.vector_load %arg7[%get3A_1885] {strides = array<i32>} : memref<1024xf32, #tpu.memory_space<vmem>>, vector<16xf32>,
    %mul3A_1887 = vector.broadcast %convert_element_type3A_1884 : f32 to vector<16xf32>
    %mul3A_1888 = arith.mulf %get3A_1886, %mul3A_1887 : vector<16xf32>
    %add3A_1889 = arith.addf %add3A_1865, %mul3A_1888 : vector<16xf32>
    %get3A_1890 = arith.constant 528 : index
    %get3A_1891 = tpu.vector_load %arg7[%get3A_1890] {strides = array<i32>} : memref<1024xf32, #tpu.memory_space<vmem>>, vector<16xf32>,
    %mul3A_1892 = vector.broadcast %convert_element_type3A_1884 : f32 to vector<16xf32>
    %mul3A_1893 = arith.mulf %get3A_1891, %mul3A_1892 : vector<16xf32>
    %add3A_1894 = arith.addf %add3A_1870, %mul3A_1893 : vector<16xf32>
    %get3A_1895 = arith.constant 544 : index
    %get3A_1896 = tpu.vector_load %arg7[%get3A_1895] {strides = array<i32>} : memref<1024xf32, #tpu.memory_space<vmem>>, vector<16xf32>,
    %mul3A_1897 = vector.broadcast %convert_element_type3A_1884 : f32 to vector<16xf32>
    %mul3A_1898 = arith.mulf %get3A_1896, %mul3A_1897 : vector<16xf32>
    %add3A_1899 = arith.addf %add3A_1875, %mul3A_1898 : vector<16xf32>
    %get3A_1900 = arith.constant 560 : index
    %get3A_1901 = tpu.vector_load %arg7[%get3A_1900] {strides = array<i32>} : memref<1024xf32, #tpu.memory_space<vmem>>, vector<16xf32>,
    %mul3A_1902 = vector.broadcast %convert_element_type3A_1884 : f32 to vector<16xf32>
    %mul3A_1903 = arith.mulf %get3A_1901, %mul3A_1902 : vector<16xf32>
    %add3A_1904 = arith.addf %add3A_1880, %mul3A_1903 : vector<16xf32>
    %gt3A_1905 = arith.constant 9 : i32
    %gt3A_1906 = arith.cmpi sgt, %add3A, %gt3A_1905 : i32
    %convert_element_type3A_1907 = arith.extui %gt3A_1906 : i1 to i32
    %convert_element_type3A_1908 = arith.sitofp %convert_element_type3A_1907 : i32 to f32
    %get3A_1909 = arith.constant 576 : index
    %get3A_1910 = tpu.vector_load %arg7[%get3A_1909] {strides = array<i32>} : memref<1024xf32, #tpu.memory_space<vmem>>, vector<16xf32>,
    %mul3A_1911 = vector.broadcast %convert_element_type3A_1908 : f32 to vector<16xf32>
    %mul3A_1912 = arith.mulf %get3A_1910, %mul3A_1911 : vector<16xf32>
    %add3A_1913 = arith.addf %add3A_1889, %mul3A_1912 : vector<16xf32>
    %get3A_1914 = arith.constant 592 : index
    %get3A_1915 = tpu.vector_load %arg7[%get3A_1914] {strides = array<i32>} : memref<1024xf32, #tpu.memory_space<vmem>>, vector<16xf32>,
    %mul3A_1916 = vector.broadcast %convert_element_type3A_1908 : f32 to vector<16xf32>
    %mul3A_1917 = arith.mulf %get3A_1915, %mul3A_1916 : vector<16xf32>
    %add3A_1918 = arith.addf %add3A_1894, %mul3A_1917 : vector<16xf32>
    %get3A_1919 = arith.constant 608 : index
    %get3A_1920 = tpu.vector_load %arg7[%get3A_1919] {strides = array<i32>} : memref<1024xf32, #tpu.memory_space<vmem>>, vector<16xf32>,
    %mul3A_1921 = vector.broadcast %convert_element_type3A_1908 : f32 to vector<16xf32>
    %mul3A_1922 = arith.mulf %get3A_1920, %mul3A_1921 : vector<16xf32>
    %add3A_1923 = arith.addf %add3A_1899, %mul3A_1922 : vector<16xf32>
    %get3A_1924 = arith.constant 624 : index
    %get3A_1925 = tpu.vector_load %arg7[%get3A_1924] {strides = array<i32>} : memref<1024xf32, #tpu.memory_space<vmem>>, vector<16xf32>,
    %mul3A_1926 = vector.broadcast %convert_element_type3A_1908 : f32 to vector<16xf32>
    %mul3A_1927 = arith.mulf %get3A_1925, %mul3A_1926 : vector<16xf32>
    %add3A_1928 = arith.addf %add3A_1904, %mul3A_1927 : vector<16xf32>
    %gt3A_1929 = arith.constant 10 : i32
    %gt3A_1930 = arith.cmpi sgt, %add3A, %gt3A_1929 : i32
    %convert_element_type3A_1931 = arith.extui %gt3A_1930 : i1 to i32
    %convert_element_type3A_1932 = arith.sitofp %convert_element_type3A_1931 : i32 to f32
    %get3A_1933 = arith.constant 640 : index
    %get3A_1934 = tpu.vector_load %arg7[%get3A_1933] {strides = array<i32>} : memref<1024xf32, #tpu.memory_space<vmem>>, vector<16xf32>,
    %mul3A_1935 = vector.broadcast %convert_element_type3A_1932 : f32 to vector<16xf32>
    %mul3A_1936 = arith.mulf %get3A_1934, %mul3A_1935 : vector<16xf32>
    %add3A_1937 = arith.addf %add3A_1913, %mul3A_1936 : vector<16xf32>
    %get3A_1938 = arith.constant 656 : index
    %get3A_1939 = tpu.vector_load %arg7[%get3A_1938] {strides = array<i32>} : memref<1024xf32, #tpu.memory_space<vmem>>, vector<16xf32>,
    %mul3A_1940 = vector.broadcast %convert_element_type3A_1932 : f32 to vector<16xf32>
    %mul3A_1941 = arith.mulf %get3A_1939, %mul3A_1940 : vector<16xf32>
    %add3A_1942 = arith.addf %add3A_1918, %mul3A_1941 : vector<16xf32>
    %get3A_1943 = arith.constant 672 : index
    %get3A_1944 = tpu.vector_load %arg7[%get3A_1943] {strides = array<i32>} : memref<1024xf32, #tpu.memory_space<vmem>>, vector<16xf32>,
    %mul3A_1945 = vector.broadcast %convert_element_type3A_1932 : f32 to vector<16xf32>
    %mul3A_1946 = arith.mulf %get3A_1944, %mul3A_1945 : vector<16xf32>
    %add3A_1947 = arith.addf %add3A_1923, %mul3A_1946 : vector<16xf32>
    %get3A_1948 = arith.constant 688 : index
    %get3A_1949 = tpu.vector_load %arg7[%get3A_1948] {strides = array<i32>} : memref<1024xf32, #tpu.memory_space<vmem>>, vector<16xf32>,
    %mul3A_1950 = vector.broadcast %convert_element_type3A_1932 : f32 to vector<16xf32>
    %mul3A_1951 = arith.mulf %get3A_1949, %mul3A_1950 : vector<16xf32>
    %add3A_1952 = arith.addf %add3A_1928, %mul3A_1951 : vector<16xf32>
    %gt3A_1953 = arith.constant 11 : i32
    %gt3A_1954 = arith.cmpi sgt, %add3A, %gt3A_1953 : i32
    %convert_element_type3A_1955 = arith.extui %gt3A_1954 : i1 to i32
    %convert_element_type3A_1956 = arith.sitofp %convert_element_type3A_1955 : i32 to f32
    %get3A_1957 = arith.constant 704 : index
    %get3A_1958 = tpu.vector_load %arg7[%get3A_1957] {strides = array<i32>} : memref<1024xf32, #tpu.memory_space<vmem>>, vector<16xf32>,
    %mul3A_1959 = vector.broadcast %convert_element_type3A_1956 : f32 to vector<16xf32>
    %mul3A_1960 = arith.mulf %get3A_1958, %mul3A_1959 : vector<16xf32>
    %add3A_1961 = arith.addf %add3A_1937, %mul3A_1960 : vector<16xf32>
    %get3A_1962 = arith.constant 720 : index
    %get3A_1963 = tpu.vector_load %arg7[%get3A_1962] {strides = array<i32>} : memref<1024xf32, #tpu.memory_space<vmem>>, vector<16xf32>,
    %mul3A_1964 = vector.broadcast %convert_element_type3A_1956 : f32 to vector<16xf32>
    %mul3A_1965 = arith.mulf %get3A_1963, %mul3A_1964 : vector<16xf32>
    %add3A_1966 = arith.addf %add3A_1942, %mul3A_1965 : vector<16xf32>
    %get3A_1967 = arith.constant 736 : index
    %get3A_1968 = tpu.vector_load %arg7[%get3A_1967] {strides = array<i32>} : memref<1024xf32, #tpu.memory_space<vmem>>, vector<16xf32>,
    %mul3A_1969 = vector.broadcast %convert_element_type3A_1956 : f32 to vector<16xf32>
    %mul3A_1970 = arith.mulf %get3A_1968, %mul3A_1969 : vector<16xf32>
    %add3A_1971 = arith.addf %add3A_1947, %mul3A_1970 : vector<16xf32>
    %get3A_1972 = arith.constant 752 : index
    %get3A_1973 = tpu.vector_load %arg7[%get3A_1972] {strides = array<i32>} : memref<1024xf32, #tpu.memory_space<vmem>>, vector<16xf32>,
    %mul3A_1974 = vector.broadcast %convert_element_type3A_1956 : f32 to vector<16xf32>
    %mul3A_1975 = arith.mulf %get3A_1973, %mul3A_1974 : vector<16xf32>
    %add3A_1976 = arith.addf %add3A_1952, %mul3A_1975 : vector<16xf32>
    %gt3A_1977 = arith.constant 12 : i32
    %gt3A_1978 = arith.cmpi sgt, %add3A, %gt3A_1977 : i32
    %convert_element_type3A_1979 = arith.extui %gt3A_1978 : i1 to i32
    %convert_element_type3A_1980 = arith.sitofp %convert_element_type3A_1979 : i32 to f32
    %get3A_1981 = arith.constant 768 : index
    %get3A_1982 = tpu.vector_load %arg7[%get3A_1981] {strides = array<i32>} : memref<1024xf32, #tpu.memory_space<vmem>>, vector<16xf32>,
    %mul3A_1983 = vector.broadcast %convert_element_type3A_1980 : f32 to vector<16xf32>
    %mul3A_1984 = arith.mulf %get3A_1982, %mul3A_1983 : vector<16xf32>
    %add3A_1985 = arith.addf %add3A_1961, %mul3A_1984 : vector<16xf32>
    %get3A_1986 = arith.constant 784 : index
    %get3A_1987 = tpu.vector_load %arg7[%get3A_1986] {strides = array<i32>} : memref<1024xf32, #tpu.memory_space<vmem>>, vector<16xf32>,
    %mul3A_1988 = vector.broadcast %convert_element_type3A_1980 : f32 to vector<16xf32>
    %mul3A_1989 = arith.mulf %get3A_1987, %mul3A_1988 : vector<16xf32>
    %add3A_1990 = arith.addf %add3A_1966, %mul3A_1989 : vector<16xf32>
    %get3A_1991 = arith.constant 800 : index
    %get3A_1992 = tpu.vector_load %arg7[%get3A_1991] {strides = array<i32>} : memref<1024xf32, #tpu.memory_space<vmem>>, vector<16xf32>,
    %mul3A_1993 = vector.broadcast %convert_element_type3A_1980 : f32 to vector<16xf32>
    %mul3A_1994 = arith.mulf %get3A_1992, %mul3A_1993 : vector<16xf32>
    %add3A_1995 = arith.addf %add3A_1971, %mul3A_1994 : vector<16xf32>
    %get3A_1996 = arith.constant 816 : index
    %get3A_1997 = tpu.vector_load %arg7[%get3A_1996] {strides = array<i32>} : memref<1024xf32, #tpu.memory_space<vmem>>, vector<16xf32>,
    %mul3A_1998 = vector.broadcast %convert_element_type3A_1980 : f32 to vector<16xf32>
    %mul3A_1999 = arith.mulf %get3A_1997, %mul3A_1998 : vector<16xf32>
    %add3A_2000 = arith.addf %add3A_1976, %mul3A_1999 : vector<16xf32>
    %gt3A_2001 = arith.constant 13 : i32
    %gt3A_2002 = arith.cmpi sgt, %add3A, %gt3A_2001 : i32
    %convert_element_type3A_2003 = arith.extui %gt3A_2002 : i1 to i32
    %convert_element_type3A_2004 = arith.sitofp %convert_element_type3A_2003 : i32 to f32
    %get3A_2005 = arith.constant 832 : index
    %get3A_2006 = tpu.vector_load %arg7[%get3A_2005] {strides = array<i32>} : memref<1024xf32, #tpu.memory_space<vmem>>, vector<16xf32>,
    %mul3A_2007 = vector.broadcast %convert_element_type3A_2004 : f32 to vector<16xf32>
    %mul3A_2008 = arith.mulf %get3A_2006, %mul3A_2007 : vector<16xf32>
    %add3A_2009 = arith.addf %add3A_1985, %mul3A_2008 : vector<16xf32>
    %get3A_2010 = arith.constant 848 : index
    %get3A_2011 = tpu.vector_load %arg7[%get3A_2010] {strides = array<i32>} : memref<1024xf32, #tpu.memory_space<vmem>>, vector<16xf32>,
    %mul3A_2012 = vector.broadcast %convert_element_type3A_2004 : f32 to vector<16xf32>
    %mul3A_2013 = arith.mulf %get3A_2011, %mul3A_2012 : vector<16xf32>
    %add3A_2014 = arith.addf %add3A_1990, %mul3A_2013 : vector<16xf32>
    %get3A_2015 = arith.constant 864 : index
    %get3A_2016 = tpu.vector_load %arg7[%get3A_2015] {strides = array<i32>} : memref<1024xf32, #tpu.memory_space<vmem>>, vector<16xf32>,
    %mul3A_2017 = vector.broadcast %convert_element_type3A_2004 : f32 to vector<16xf32>
    %mul3A_2018 = arith.mulf %get3A_2016, %mul3A_2017 : vector<16xf32>
    %add3A_2019 = arith.addf %add3A_1995, %mul3A_2018 : vector<16xf32>
    %get3A_2020 = arith.constant 880 : index
    %get3A_2021 = tpu.vector_load %arg7[%get3A_2020] {strides = array<i32>} : memref<1024xf32, #tpu.memory_space<vmem>>, vector<16xf32>,
    %mul3A_2022 = vector.broadcast %convert_element_type3A_2004 : f32 to vector<16xf32>
    %mul3A_2023 = arith.mulf %get3A_2021, %mul3A_2022 : vector<16xf32>
    %add3A_2024 = arith.addf %add3A_2000, %mul3A_2023 : vector<16xf32>
    %gt3A_2025 = arith.constant 14 : i32
    %gt3A_2026 = arith.cmpi sgt, %add3A, %gt3A_2025 : i32
    %convert_element_type3A_2027 = arith.extui %gt3A_2026 : i1 to i32
    %convert_element_type3A_2028 = arith.sitofp %convert_element_type3A_2027 : i32 to f32
    %get3A_2029 = arith.constant 896 : index
    %get3A_2030 = tpu.vector_load %arg7[%get3A_2029] {strides = array<i32>} : memref<1024xf32, #tpu.memory_space<vmem>>, vector<16xf32>,
    %mul3A_2031 = vector.broadcast %convert_element_type3A_2028 : f32 to vector<16xf32>
    %mul3A_2032 = arith.mulf %get3A_2030, %mul3A_2031 : vector<16xf32>
    %add3A_2033 = arith.addf %add3A_2009, %mul3A_2032 : vector<16xf32>
    %get3A_2034 = arith.constant 912 : index
    %get3A_2035 = tpu.vector_load %arg7[%get3A_2034] {strides = array<i32>} : memref<1024xf32, #tpu.memory_space<vmem>>, vector<16xf32>,
    %mul3A_2036 = vector.broadcast %convert_element_type3A_2028 : f32 to vector<16xf32>
    %mul3A_2037 = arith.mulf %get3A_2035, %mul3A_2036 : vector<16xf32>
    %add3A_2038 = arith.addf %add3A_2014, %mul3A_2037 : vector<16xf32>
    %get3A_2039 = arith.constant 928 : index
    %get3A_2040 = tpu.vector_load %arg7[%get3A_2039] {strides = array<i32>} : memref<1024xf32, #tpu.memory_space<vmem>>, vector<16xf32>,
    %mul3A_2041 = vector.broadcast %convert_element_type3A_2028 : f32 to vector<16xf32>
    %mul3A_2042 = arith.mulf %get3A_2040, %mul3A_2041 : vector<16xf32>
    %add3A_2043 = arith.addf %add3A_2019, %mul3A_2042 : vector<16xf32>
    %get3A_2044 = arith.constant 944 : index
    %get3A_2045 = tpu.vector_load %arg7[%get3A_2044] {strides = array<i32>} : memref<1024xf32, #tpu.memory_space<vmem>>, vector<16xf32>,
    %mul3A_2046 = vector.broadcast %convert_element_type3A_2028 : f32 to vector<16xf32>
    %mul3A_2047 = arith.mulf %get3A_2045, %mul3A_2046 : vector<16xf32>
    %add3A_2048 = arith.addf %add3A_2024, %mul3A_2047 : vector<16xf32>
    %gt3A_2049 = arith.constant 15 : i32
    %gt3A_2050 = arith.cmpi sgt, %add3A, %gt3A_2049 : i32
    %convert_element_type3A_2051 = arith.extui %gt3A_2050 : i1 to i32
    %convert_element_type3A_2052 = arith.sitofp %convert_element_type3A_2051 : i32 to f32
    %get3A_2053 = arith.constant 960 : index
    %get3A_2054 = tpu.vector_load %arg7[%get3A_2053] {strides = array<i32>} : memref<1024xf32, #tpu.memory_space<vmem>>, vector<16xf32>,
    %mul3A_2055 = vector.broadcast %convert_element_type3A_2052 : f32 to vector<16xf32>
    %mul3A_2056 = arith.mulf %get3A_2054, %mul3A_2055 : vector<16xf32>
    %add3A_2057 = arith.addf %add3A_2033, %mul3A_2056 : vector<16xf32>
    %get3A_2058 = arith.constant 976 : index
    %get3A_2059 = tpu.vector_load %arg7[%get3A_2058] {strides = array<i32>} : memref<1024xf32, #tpu.memory_space<vmem>>, vector<16xf32>,
    %mul3A_2060 = vector.broadcast %convert_element_type3A_2052 : f32 to vector<16xf32>
    %mul3A_2061 = arith.mulf %get3A_2059, %mul3A_2060 : vector<16xf32>
    %add3A_2062 = arith.addf %add3A_2038, %mul3A_2061 : vector<16xf32>
    %get3A_2063 = arith.constant 992 : index
    %get3A_2064 = tpu.vector_load %arg7[%get3A_2063] {strides = array<i32>} : memref<1024xf32, #tpu.memory_space<vmem>>, vector<16xf32>,
    %mul3A_2065 = vector.broadcast %convert_element_type3A_2052 : f32 to vector<16xf32>
    %mul3A_2066 = arith.mulf %get3A_2064, %mul3A_2065 : vector<16xf32>
    %add3A_2067 = arith.addf %add3A_2043, %mul3A_2066 : vector<16xf32>
    %get3A_2068 = arith.constant 1008 : index
    %get3A_2069 = tpu.vector_load %arg7[%get3A_2068] {strides = array<i32>} : memref<1024xf32, #tpu.memory_space<vmem>>, vector<16xf32>,
    %mul3A_2070 = vector.broadcast %convert_element_type3A_2052 : f32 to vector<16xf32>
    %mul3A_2071 = arith.mulf %get3A_2069, %mul3A_2070 : vector<16xf32>
    %add3A_2072 = arith.addf %add3A_2048, %mul3A_2071 : vector<16xf32>
    %iota3A_2073 = tpu.iota {dimensions = array<i32: 0>} : vector<16xi32>
    %eq3A_2074 = arith.cmpi eq, %add3A_5, %broadcast_in_dim3A_73 : vector<16xi32>
    %jit3A_2075 = arith.constant 0.000000e+00 : f32
    %broadcast_in_dim3A_2076 = vector.broadcast %jit3A_2075 : f32 to vector<16xf32>
    %select_n3A_2077 = arith.select %eq3A_2074, %add3A_2057, %broadcast_in_dim3A_2076 : vector<16xi1>, vector<16xf32>
    %eq3A_2078 = arith.cmpi eq, %add3A_5, %broadcast_in_dim3A_131 : vector<16xi32>
    %jit3A_2079 = arith.constant 0.000000e+00 : f32
    %broadcast_in_dim3A_2080 = vector.broadcast %jit3A_2079 : f32 to vector<16xf32>
    %select_n3A_2081 = arith.select %eq3A_2078, %add3A_2057, %broadcast_in_dim3A_2080 : vector<16xi1>, vector<16xf32>
    %eq3A_2082 = arith.cmpi eq, %add3A_9, %broadcast_in_dim3A_73 : vector<16xi32>
    %jit3A_2083 = arith.constant 0.000000e+00 : f32
    %broadcast_in_dim3A_2084 = vector.broadcast %jit3A_2083 : f32 to vector<16xf32>
    %select_n3A_2085 = arith.select %eq3A_2082, %add3A_2062, %broadcast_in_dim3A_2084 : vector<16xi1>, vector<16xf32>
    %add3A_2086 = arith.addf %select_n3A_2077, %select_n3A_2085 : vector<16xf32>
    %eq3A_2087 = arith.cmpi eq, %add3A_9, %broadcast_in_dim3A_131 : vector<16xi32>
    %jit3A_2088 = arith.constant 0.000000e+00 : f32
    %broadcast_in_dim3A_2089 = vector.broadcast %jit3A_2088 : f32 to vector<16xf32>
    %select_n3A_2090 = arith.select %eq3A_2087, %add3A_2062, %broadcast_in_dim3A_2089 : vector<16xi1>, vector<16xf32>
    %add3A_2091 = arith.addf %select_n3A_2081, %select_n3A_2090 : vector<16xf32>
    %eq3A_2092 = arith.cmpi eq, %add3A_13, %broadcast_in_dim3A_73 : vector<16xi32>
    %jit3A_2093 = arith.constant 0.000000e+00 : f32
    %broadcast_in_dim3A_2094 = vector.broadcast %jit3A_2093 : f32 to vector<16xf32>
    %select_n3A_2095 = arith.select %eq3A_2092, %add3A_2067, %broadcast_in_dim3A_2094 : vector<16xi1>, vector<16xf32>
    %add3A_2096 = arith.addf %add3A_2086, %select_n3A_2095 : vector<16xf32>
    %eq3A_2097 = arith.cmpi eq, %add3A_13, %broadcast_in_dim3A_131 : vector<16xi32>
    %jit3A_2098 = arith.constant 0.000000e+00 : f32
    %broadcast_in_dim3A_2099 = vector.broadcast %jit3A_2098 : f32 to vector<16xf32>
    %select_n3A_2100 = arith.select %eq3A_2097, %add3A_2067, %broadcast_in_dim3A_2099 : vector<16xi1>, vector<16xf32>
    %add3A_2101 = arith.addf %add3A_2091, %select_n3A_2100 : vector<16xf32>
    %eq3A_2102 = arith.cmpi eq, %add3A_17, %broadcast_in_dim3A_73 : vector<16xi32>
    %jit3A_2103 = arith.constant 0.000000e+00 : f32
    %broadcast_in_dim3A_2104 = vector.broadcast %jit3A_2103 : f32 to vector<16xf32>
    %select_n3A_2105 = arith.select %eq3A_2102, %add3A_2072, %broadcast_in_dim3A_2104 : vector<16xi1>, vector<16xf32>
    %add3A_2106 = arith.addf %add3A_2096, %select_n3A_2105 : vector<16xf32>
    %eq3A_2107 = arith.cmpi eq, %add3A_17, %broadcast_in_dim3A_131 : vector<16xi32>
    %jit3A_2108 = arith.constant 0.000000e+00 : f32
    %broadcast_in_dim3A_2109 = vector.broadcast %jit3A_2108 : f32 to vector<16xf32>
    %select_n3A_2110 = arith.select %eq3A_2107, %add3A_2072, %broadcast_in_dim3A_2109 : vector<16xi1>, vector<16xf32>
    %add3A_2111 = arith.addf %add3A_2101, %select_n3A_2110 : vector<16xf32>
    %broadcast_in_dim3A_2112 = arith.constant true
    %broadcast_in_dim3A_2113 = vector.broadcast %broadcast_in_dim3A_2112 : i1 to vector<16xi1>
    %masked_cumsum3A_2114 = tpu.scan <sum>, %add3A_2106 masked %broadcast_in_dim3A_2113 : vector<16xf32>, vector<16xi1> -> vector<16xf32>
    %slice3A_2115 = vector.extract_strided_slice %masked_cumsum3A_2114 {offsets = [15], sizes = [1], strides = [1]} : vector<16xf32> to vector<1xf32>
    %squeeze3A_2116 = vector.extract %slice3A_2115[0] : f32 from vector<1xf32>
    %broadcast_in_dim3A_2117 = vector.broadcast %squeeze3A_2116 : f32 to vector<16xf32>
    %add3A_2118 = arith.addf %broadcast_in_dim3A_160, %broadcast_in_dim3A_2117 : vector<16xf32>
    %broadcast_in_dim3A_2119 = arith.constant true
    %broadcast_in_dim3A_2120 = vector.broadcast %broadcast_in_dim3A_2119 : i1 to vector<16xi1>
    %masked_cumsum3A_2121 = tpu.scan <sum>, %add3A_2111 masked %broadcast_in_dim3A_2120 : vector<16xf32>, vector<16xi1> -> vector<16xf32>
    %slice3A_2122 = vector.extract_strided_slice %masked_cumsum3A_2121 {offsets = [15], sizes = [1], strides = [1]} : vector<16xf32> to vector<1xf32>
    %squeeze3A_2123 = vector.extract %slice3A_2122[0] : f32 from vector<1xf32>
    %broadcast_in_dim3A_2124 = vector.broadcast %squeeze3A_2123 : f32 to vector<16xf32>
    %add3A_2125 = arith.addf %broadcast_in_dim3A_200, %broadcast_in_dim3A_2124 : vector<16xf32>
    %lt3A = arith.constant 1.600000e+01 : f32
    %lt3A_2126 = vector.broadcast %lt3A : f32 to vector<16xf32>
    %lt3A_2127 = arith.cmpf olt, %add3A_2118, %lt3A_2126 : vector<16xf32>
    %jit3A_2128 = arith.constant 2.550000e+02 : f32
    %broadcast_in_dim3A_2129 = vector.broadcast %jit3A_2128 : f32 to vector<16xf32>
    %select_n3A_2130 = arith.select %lt3A_2127, %add3A_2118, %broadcast_in_dim3A_2129 : vector<16xi1>, vector<16xf32>
    %lt3A_2131 = arith.constant 1.600000e+01 : f32
    %lt3A_2132 = vector.broadcast %lt3A_2131 : f32 to vector<16xf32>
    %lt3A_2133 = arith.cmpf olt, %add3A_2125, %lt3A_2132 : vector<16xf32>
    %jit3A_2134 = arith.constant 2.550000e+02 : f32
    %broadcast_in_dim3A_2135 = vector.broadcast %jit3A_2134 : f32 to vector<16xf32>
    %select_n3A_2136 = arith.select %lt3A_2133, %add3A_2125, %broadcast_in_dim3A_2135 : vector<16xi1>, vector<16xf32>
    %convert_element_type3A_2137 = arith.sitofp %broadcast_in_dim3A_73 : vector<16xi32> to vector<16xf32>
    %convert_element_type3A_2138 = arith.sitofp %broadcast_in_dim3A_131 : vector<16xi32> to vector<16xf32>
    %sub3A_2139 = arith.constant 1.000000e+00 : f32
    %sub3A_2140 = vector.broadcast %sub3A_2139 : f32 to vector<16xf32>
    %sub3A_2141 = arith.subf %sub3A_2140, %div3A_136 : vector<16xf32>
    %broadcast_in_dim3A_2142 = arith.constant 0.000000e+00 : f32
    %broadcast_in_dim3A_2143 = vector.broadcast %broadcast_in_dim3A_2142 : f32 to vector<16xf32>
    %eq3A_2144 = arith.constant 0 : i32
    %eq3A_2145 = vector.broadcast %eq3A_2144 : i32 to vector<16xi32>
    %eq3A_2146 = arith.cmpi eq, %iota3A_2073, %eq3A_2145 : vector<16xi32>
    %select_n3A_2147 = arith.select %eq3A_2146, %convert_element_type3A_2137, %broadcast_in_dim3A_2143 : vector<16xi1>, vector<16xf32>
    %eq3A_2148 = arith.constant 1 : i32
    %eq3A_2149 = vector.broadcast %eq3A_2148 : i32 to vector<16xi32>
    %eq3A_2150 = arith.cmpi eq, %iota3A_2073, %eq3A_2149 : vector<16xi32>
    %select_n3A_2151 = arith.select %eq3A_2150, %convert_element_type3A_2138, %select_n3A_2147 : vector<16xi1>, vector<16xf32>
    %eq3A_2152 = arith.constant 2 : i32
    %eq3A_2153 = vector.broadcast %eq3A_2152 : i32 to vector<16xi32>
    %eq3A_2154 = arith.cmpi eq, %iota3A_2073, %eq3A_2153 : vector<16xi32>
    %select_n3A_2155 = arith.select %eq3A_2154, %select_n3A_2130, %select_n3A_2151 : vector<16xi1>, vector<16xf32>
    %eq3A_2156 = arith.constant 3 : i32
    %eq3A_2157 = vector.broadcast %eq3A_2156 : i32 to vector<16xi32>
    %eq3A_2158 = arith.cmpi eq, %iota3A_2073, %eq3A_2157 : vector<16xi32>
    %select_n3A_2159 = arith.select %eq3A_2158, %select_n3A_2136, %select_n3A_2155 : vector<16xi1>, vector<16xf32>
    %eq3A_2160 = arith.constant 4 : i32
    %eq3A_2161 = vector.broadcast %eq3A_2160 : i32 to vector<16xi32>
    %eq3A_2162 = arith.cmpi eq, %iota3A_2073, %eq3A_2161 : vector<16xi32>
    %select_n3A_2163 = arith.select %eq3A_2162, %div3A_136, %select_n3A_2159 : vector<16xi1>, vector<16xf32>
    %eq3A_2164 = arith.constant 5 : i32
    %eq3A_2165 = vector.broadcast %eq3A_2164 : i32 to vector<16xi32>
    %eq3A_2166 = arith.cmpi eq, %iota3A_2073, %eq3A_2165 : vector<16xi32>
    %select_n3A_2167 = arith.select %eq3A_2166, %sub3A_2141, %select_n3A_2163 : vector<16xi1>, vector<16xf32>
    %swap3A_2168 = arith.constant 0 : i32
    %swap3A_2169 = arith.index_cast %swap3A_2168 : i32 to index
    %swap3A_2170 = arith.constant 0 : index
    %swap3A_2171 = tpu.vector_load %arg5[%swap3A_2169, %swap3A_2170] {strides = array<i32>} : memref<8x16xf32, #tpu.memory_space<vmem>>, vector<16xf32>,
    tpu.vector_store %arg5[%swap3A_2169, %swap3A_2170], %select_n3A_2167 {strides = array<i32>} : memref<8x16xf32, #tpu.memory_space<vmem>>, vector<16xf32>,
    %eq3A_2172 = arith.cmpi eq, %add3A_5, %broadcast_in_dim3A_275 : vector<16xi32>
    %jit3A_2173 = arith.constant 0.000000e+00 : f32
    %broadcast_in_dim3A_2174 = vector.broadcast %jit3A_2173 : f32 to vector<16xf32>
    %select_n3A_2175 = arith.select %eq3A_2172, %add3A_2057, %broadcast_in_dim3A_2174 : vector<16xi1>, vector<16xf32>
    %eq3A_2176 = arith.cmpi eq, %add3A_5, %broadcast_in_dim3A_334 : vector<16xi32>
    %jit3A_2177 = arith.constant 0.000000e+00 : f32
    %broadcast_in_dim3A_2178 = vector.broadcast %jit3A_2177 : f32 to vector<16xf32>
    %select_n3A_2179 = arith.select %eq3A_2176, %add3A_2057, %broadcast_in_dim3A_2178 : vector<16xi1>, vector<16xf32>
    %eq3A_2180 = arith.cmpi eq, %add3A_9, %broadcast_in_dim3A_275 : vector<16xi32>
    %jit3A_2181 = arith.constant 0.000000e+00 : f32
    %broadcast_in_dim3A_2182 = vector.broadcast %jit3A_2181 : f32 to vector<16xf32>
    %select_n3A_2183 = arith.select %eq3A_2180, %add3A_2062, %broadcast_in_dim3A_2182 : vector<16xi1>, vector<16xf32>
    %add3A_2184 = arith.addf %select_n3A_2175, %select_n3A_2183 : vector<16xf32>
    %eq3A_2185 = arith.cmpi eq, %add3A_9, %broadcast_in_dim3A_334 : vector<16xi32>
    %jit3A_2186 = arith.constant 0.000000e+00 : f32
    %broadcast_in_dim3A_2187 = vector.broadcast %jit3A_2186 : f32 to vector<16xf32>
    %select_n3A_2188 = arith.select %eq3A_2185, %add3A_2062, %broadcast_in_dim3A_2187 : vector<16xi1>, vector<16xf32>
    %add3A_2189 = arith.addf %select_n3A_2179, %select_n3A_2188 : vector<16xf32>
    %eq3A_2190 = arith.cmpi eq, %add3A_13, %broadcast_in_dim3A_275 : vector<16xi32>
    %jit3A_2191 = arith.constant 0.000000e+00 : f32
    %broadcast_in_dim3A_2192 = vector.broadcast %jit3A_2191 : f32 to vector<16xf32>
    %select_n3A_2193 = arith.select %eq3A_2190, %add3A_2067, %broadcast_in_dim3A_2192 : vector<16xi1>, vector<16xf32>
    %add3A_2194 = arith.addf %add3A_2184, %select_n3A_2193 : vector<16xf32>
    %eq3A_2195 = arith.cmpi eq, %add3A_13, %broadcast_in_dim3A_334 : vector<16xi32>
    %jit3A_2196 = arith.constant 0.000000e+00 : f32
    %broadcast_in_dim3A_2197 = vector.broadcast %jit3A_2196 : f32 to vector<16xf32>
    %select_n3A_2198 = arith.select %eq3A_2195, %add3A_2067, %broadcast_in_dim3A_2197 : vector<16xi1>, vector<16xf32>
    %add3A_2199 = arith.addf %add3A_2189, %select_n3A_2198 : vector<16xf32>
    %eq3A_2200 = arith.cmpi eq, %add3A_17, %broadcast_in_dim3A_275 : vector<16xi32>
    %jit3A_2201 = arith.constant 0.000000e+00 : f32
    %broadcast_in_dim3A_2202 = vector.broadcast %jit3A_2201 : f32 to vector<16xf32>
    %select_n3A_2203 = arith.select %eq3A_2200, %add3A_2072, %broadcast_in_dim3A_2202 : vector<16xi1>, vector<16xf32>
    %add3A_2204 = arith.addf %add3A_2194, %select_n3A_2203 : vector<16xf32>
    %eq3A_2205 = arith.cmpi eq, %add3A_17, %broadcast_in_dim3A_334 : vector<16xi32>
    %jit3A_2206 = arith.constant 0.000000e+00 : f32
    %broadcast_in_dim3A_2207 = vector.broadcast %jit3A_2206 : f32 to vector<16xf32>
    %select_n3A_2208 = arith.select %eq3A_2205, %add3A_2072, %broadcast_in_dim3A_2207 : vector<16xi1>, vector<16xf32>
    %add3A_2209 = arith.addf %add3A_2199, %select_n3A_2208 : vector<16xf32>
    %broadcast_in_dim3A_2210 = arith.constant true
    %broadcast_in_dim3A_2211 = vector.broadcast %broadcast_in_dim3A_2210 : i1 to vector<16xi1>
    %masked_cumsum3A_2212 = tpu.scan <sum>, %add3A_2204 masked %broadcast_in_dim3A_2211 : vector<16xf32>, vector<16xi1> -> vector<16xf32>
    %slice3A_2213 = vector.extract_strided_slice %masked_cumsum3A_2212 {offsets = [15], sizes = [1], strides = [1]} : vector<16xf32> to vector<1xf32>
    %squeeze3A_2214 = vector.extract %slice3A_2213[0] : f32 from vector<1xf32>
    %broadcast_in_dim3A_2215 = vector.broadcast %squeeze3A_2214 : f32 to vector<16xf32>
    %add3A_2216 = arith.addf %broadcast_in_dim3A_367, %broadcast_in_dim3A_2215 : vector<16xf32>
    %broadcast_in_dim3A_2217 = arith.constant true
    %broadcast_in_dim3A_2218 = vector.broadcast %broadcast_in_dim3A_2217 : i1 to vector<16xi1>
    %masked_cumsum3A_2219 = tpu.scan <sum>, %add3A_2209 masked %broadcast_in_dim3A_2218 : vector<16xf32>, vector<16xi1> -> vector<16xf32>
    %slice3A_2220 = vector.extract_strided_slice %masked_cumsum3A_2219 {offsets = [15], sizes = [1], strides = [1]} : vector<16xf32> to vector<1xf32>
    %squeeze3A_2221 = vector.extract %slice3A_2220[0] : f32 from vector<1xf32>
    %broadcast_in_dim3A_2222 = vector.broadcast %squeeze3A_2221 : f32 to vector<16xf32>
    %add3A_2223 = arith.addf %broadcast_in_dim3A_408, %broadcast_in_dim3A_2222 : vector<16xf32>
    %lt3A_2224 = arith.constant 1.600000e+01 : f32
    %lt3A_2225 = vector.broadcast %lt3A_2224 : f32 to vector<16xf32>
    %lt3A_2226 = arith.cmpf olt, %add3A_2216, %lt3A_2225 : vector<16xf32>
    %jit3A_2227 = arith.constant 2.550000e+02 : f32
    %broadcast_in_dim3A_2228 = vector.broadcast %jit3A_2227 : f32 to vector<16xf32>
    %select_n3A_2229 = arith.select %lt3A_2226, %add3A_2216, %broadcast_in_dim3A_2228 : vector<16xi1>, vector<16xf32>
    %lt3A_2230 = arith.constant 1.600000e+01 : f32
    %lt3A_2231 = vector.broadcast %lt3A_2230 : f32 to vector<16xf32>
    %lt3A_2232 = arith.cmpf olt, %add3A_2223, %lt3A_2231 : vector<16xf32>
    %jit3A_2233 = arith.constant 2.550000e+02 : f32
    %broadcast_in_dim3A_2234 = vector.broadcast %jit3A_2233 : f32 to vector<16xf32>
    %select_n3A_2235 = arith.select %lt3A_2232, %add3A_2223, %broadcast_in_dim3A_2234 : vector<16xi1>, vector<16xf32>
    %convert_element_type3A_2236 = arith.sitofp %broadcast_in_dim3A_275 : vector<16xi32> to vector<16xf32>
    %convert_element_type3A_2237 = arith.sitofp %broadcast_in_dim3A_334 : vector<16xi32> to vector<16xf32>
    %sub3A_2238 = arith.constant 1.000000e+00 : f32
    %sub3A_2239 = vector.broadcast %sub3A_2238 : f32 to vector<16xf32>
    %sub3A_2240 = arith.subf %sub3A_2239, %div3A_342 : vector<16xf32>
    %broadcast_in_dim3A_2241 = arith.constant 0.000000e+00 : f32
    %broadcast_in_dim3A_2242 = vector.broadcast %broadcast_in_dim3A_2241 : f32 to vector<16xf32>
    %eq3A_2243 = arith.constant 0 : i32
    %eq3A_2244 = vector.broadcast %eq3A_2243 : i32 to vector<16xi32>
    %eq3A_2245 = arith.cmpi eq, %iota3A_2073, %eq3A_2244 : vector<16xi32>
    %select_n3A_2246 = arith.select %eq3A_2245, %convert_element_type3A_2236, %broadcast_in_dim3A_2242 : vector<16xi1>, vector<16xf32>
    %eq3A_2247 = arith.constant 1 : i32
    %eq3A_2248 = vector.broadcast %eq3A_2247 : i32 to vector<16xi32>
    %eq3A_2249 = arith.cmpi eq, %iota3A_2073, %eq3A_2248 : vector<16xi32>
    %select_n3A_2250 = arith.select %eq3A_2249, %convert_element_type3A_2237, %select_n3A_2246 : vector<16xi1>, vector<16xf32>
    %eq3A_2251 = arith.constant 2 : i32
    %eq3A_2252 = vector.broadcast %eq3A_2251 : i32 to vector<16xi32>
    %eq3A_2253 = arith.cmpi eq, %iota3A_2073, %eq3A_2252 : vector<16xi32>
    %select_n3A_2254 = arith.select %eq3A_2253, %select_n3A_2229, %select_n3A_2250 : vector<16xi1>, vector<16xf32>
    %eq3A_2255 = arith.constant 3 : i32
    %eq3A_2256 = vector.broadcast %eq3A_2255 : i32 to vector<16xi32>
    %eq3A_2257 = arith.cmpi eq, %iota3A_2073, %eq3A_2256 : vector<16xi32>
    %select_n3A_2258 = arith.select %eq3A_2257, %select_n3A_2235, %select_n3A_2254 : vector<16xi1>, vector<16xf32>
    %eq3A_2259 = arith.constant 4 : i32
    %eq3A_2260 = vector.broadcast %eq3A_2259 : i32 to vector<16xi32>
    %eq3A_2261 = arith.cmpi eq, %iota3A_2073, %eq3A_2260 : vector<16xi32>
    %select_n3A_2262 = arith.select %eq3A_2261, %div3A_342, %select_n3A_2258 : vector<16xi1>, vector<16xf32>
    %eq3A_2263 = arith.constant 5 : i32
    %eq3A_2264 = vector.broadcast %eq3A_2263 : i32 to vector<16xi32>
    %eq3A_2265 = arith.cmpi eq, %iota3A_2073, %eq3A_2264 : vector<16xi32>
    %select_n3A_2266 = arith.select %eq3A_2265, %sub3A_2240, %select_n3A_2262 : vector<16xi1>, vector<16xf32>
    %swap3A_2267 = arith.constant 1 : i32
    %swap3A_2268 = arith.index_cast %swap3A_2267 : i32 to index
    %swap3A_2269 = arith.constant 0 : index
    %swap3A_2270 = tpu.vector_load %arg5[%swap3A_2268, %swap3A_2269] {strides = array<i32>} : memref<8x16xf32, #tpu.memory_space<vmem>>, vector<16xf32>,
    tpu.vector_store %arg5[%swap3A_2268, %swap3A_2269], %select_n3A_2266 {strides = array<i32>} : memref<8x16xf32, #tpu.memory_space<vmem>>, vector<16xf32>,
    %eq3A_2271 = arith.cmpi eq, %add3A_5, %broadcast_in_dim3A_483 : vector<16xi32>
    %jit3A_2272 = arith.constant 0.000000e+00 : f32
    %broadcast_in_dim3A_2273 = vector.broadcast %jit3A_2272 : f32 to vector<16xf32>
    %select_n3A_2274 = arith.select %eq3A_2271, %add3A_2057, %broadcast_in_dim3A_2273 : vector<16xi1>, vector<16xf32>
    %eq3A_2275 = arith.cmpi eq, %add3A_5, %broadcast_in_dim3A_542 : vector<16xi32>
    %jit3A_2276 = arith.constant 0.000000e+00 : f32
    %broadcast_in_dim3A_2277 = vector.broadcast %jit3A_2276 : f32 to vector<16xf32>
    %select_n3A_2278 = arith.select %eq3A_2275, %add3A_2057, %broadcast_in_dim3A_2277 : vector<16xi1>, vector<16xf32>
    %eq3A_2279 = arith.cmpi eq, %add3A_9, %broadcast_in_dim3A_483 : vector<16xi32>
    %jit3A_2280 = arith.constant 0.000000e+00 : f32
    %broadcast_in_dim3A_2281 = vector.broadcast %jit3A_2280 : f32 to vector<16xf32>
    %select_n3A_2282 = arith.select %eq3A_2279, %add3A_2062, %broadcast_in_dim3A_2281 : vector<16xi1>, vector<16xf32>
    %add3A_2283 = arith.addf %select_n3A_2274, %select_n3A_2282 : vector<16xf32>
    %eq3A_2284 = arith.cmpi eq, %add3A_9, %broadcast_in_dim3A_542 : vector<16xi32>
    %jit3A_2285 = arith.constant 0.000000e+00 : f32
    %broadcast_in_dim3A_2286 = vector.broadcast %jit3A_2285 : f32 to vector<16xf32>
    %select_n3A_2287 = arith.select %eq3A_2284, %add3A_2062, %broadcast_in_dim3A_2286 : vector<16xi1>, vector<16xf32>
    %add3A_2288 = arith.addf %select_n3A_2278, %select_n3A_2287 : vector<16xf32>
    %eq3A_2289 = arith.cmpi eq, %add3A_13, %broadcast_in_dim3A_483 : vector<16xi32>
    %jit3A_2290 = arith.constant 0.000000e+00 : f32
    %broadcast_in_dim3A_2291 = vector.broadcast %jit3A_2290 : f32 to vector<16xf32>
    %select_n3A_2292 = arith.select %eq3A_2289, %add3A_2067, %broadcast_in_dim3A_2291 : vector<16xi1>, vector<16xf32>
    %add3A_2293 = arith.addf %add3A_2283, %select_n3A_2292 : vector<16xf32>
    %eq3A_2294 = arith.cmpi eq, %add3A_13, %broadcast_in_dim3A_542 : vector<16xi32>
    %jit3A_2295 = arith.constant 0.000000e+00 : f32
    %broadcast_in_dim3A_2296 = vector.broadcast %jit3A_2295 : f32 to vector<16xf32>
    %select_n3A_2297 = arith.select %eq3A_2294, %add3A_2067, %broadcast_in_dim3A_2296 : vector<16xi1>, vector<16xf32>
    %add3A_2298 = arith.addf %add3A_2288, %select_n3A_2297 : vector<16xf32>
    %eq3A_2299 = arith.cmpi eq, %add3A_17, %broadcast_in_dim3A_483 : vector<16xi32>
    %jit3A_2300 = arith.constant 0.000000e+00 : f32
    %broadcast_in_dim3A_2301 = vector.broadcast %jit3A_2300 : f32 to vector<16xf32>
    %select_n3A_2302 = arith.select %eq3A_2299, %add3A_2072, %broadcast_in_dim3A_2301 : vector<16xi1>, vector<16xf32>
    %add3A_2303 = arith.addf %add3A_2293, %select_n3A_2302 : vector<16xf32>
    %eq3A_2304 = arith.cmpi eq, %add3A_17, %broadcast_in_dim3A_542 : vector<16xi32>
    %jit3A_2305 = arith.constant 0.000000e+00 : f32
    %broadcast_in_dim3A_2306 = vector.broadcast %jit3A_2305 : f32 to vector<16xf32>
    %select_n3A_2307 = arith.select %eq3A_2304, %add3A_2072, %broadcast_in_dim3A_2306 : vector<16xi1>, vector<16xf32>
    %add3A_2308 = arith.addf %add3A_2298, %select_n3A_2307 : vector<16xf32>
    %broadcast_in_dim3A_2309 = arith.constant true
    %broadcast_in_dim3A_2310 = vector.broadcast %broadcast_in_dim3A_2309 : i1 to vector<16xi1>
    %masked_cumsum3A_2311 = tpu.scan <sum>, %add3A_2303 masked %broadcast_in_dim3A_2310 : vector<16xf32>, vector<16xi1> -> vector<16xf32>
    %slice3A_2312 = vector.extract_strided_slice %masked_cumsum3A_2311 {offsets = [15], sizes = [1], strides = [1]} : vector<16xf32> to vector<1xf32>
    %squeeze3A_2313 = vector.extract %slice3A_2312[0] : f32 from vector<1xf32>
    %broadcast_in_dim3A_2314 = vector.broadcast %squeeze3A_2313 : f32 to vector<16xf32>
    %add3A_2315 = arith.addf %broadcast_in_dim3A_575, %broadcast_in_dim3A_2314 : vector<16xf32>
    %broadcast_in_dim3A_2316 = arith.constant true
    %broadcast_in_dim3A_2317 = vector.broadcast %broadcast_in_dim3A_2316 : i1 to vector<16xi1>
    %masked_cumsum3A_2318 = tpu.scan <sum>, %add3A_2308 masked %broadcast_in_dim3A_2317 : vector<16xf32>, vector<16xi1> -> vector<16xf32>
    %slice3A_2319 = vector.extract_strided_slice %masked_cumsum3A_2318 {offsets = [15], sizes = [1], strides = [1]} : vector<16xf32> to vector<1xf32>
    %squeeze3A_2320 = vector.extract %slice3A_2319[0] : f32 from vector<1xf32>
    %broadcast_in_dim3A_2321 = vector.broadcast %squeeze3A_2320 : f32 to vector<16xf32>
    %add3A_2322 = arith.addf %broadcast_in_dim3A_616, %broadcast_in_dim3A_2321 : vector<16xf32>
    %lt3A_2323 = arith.constant 1.600000e+01 : f32
    %lt3A_2324 = vector.broadcast %lt3A_2323 : f32 to vector<16xf32>
    %lt3A_2325 = arith.cmpf olt, %add3A_2315, %lt3A_2324 : vector<16xf32>
    %jit3A_2326 = arith.constant 2.550000e+02 : f32
    %broadcast_in_dim3A_2327 = vector.broadcast %jit3A_2326 : f32 to vector<16xf32>
    %select_n3A_2328 = arith.select %lt3A_2325, %add3A_2315, %broadcast_in_dim3A_2327 : vector<16xi1>, vector<16xf32>
    %lt3A_2329 = arith.constant 1.600000e+01 : f32
    %lt3A_2330 = vector.broadcast %lt3A_2329 : f32 to vector<16xf32>
    %lt3A_2331 = arith.cmpf olt, %add3A_2322, %lt3A_2330 : vector<16xf32>
    %jit3A_2332 = arith.constant 2.550000e+02 : f32
    %broadcast_in_dim3A_2333 = vector.broadcast %jit3A_2332 : f32 to vector<16xf32>
    %select_n3A_2334 = arith.select %lt3A_2331, %add3A_2322, %broadcast_in_dim3A_2333 : vector<16xi1>, vector<16xf32>
    %convert_element_type3A_2335 = arith.sitofp %broadcast_in_dim3A_483 : vector<16xi32> to vector<16xf32>
    %convert_element_type3A_2336 = arith.sitofp %broadcast_in_dim3A_542 : vector<16xi32> to vector<16xf32>
    %sub3A_2337 = arith.constant 1.000000e+00 : f32
    %sub3A_2338 = vector.broadcast %sub3A_2337 : f32 to vector<16xf32>
    %sub3A_2339 = arith.subf %sub3A_2338, %div3A_550 : vector<16xf32>
    %broadcast_in_dim3A_2340 = arith.constant 0.000000e+00 : f32
    %broadcast_in_dim3A_2341 = vector.broadcast %broadcast_in_dim3A_2340 : f32 to vector<16xf32>
    %eq3A_2342 = arith.constant 0 : i32
    %eq3A_2343 = vector.broadcast %eq3A_2342 : i32 to vector<16xi32>
    %eq3A_2344 = arith.cmpi eq, %iota3A_2073, %eq3A_2343 : vector<16xi32>
    %select_n3A_2345 = arith.select %eq3A_2344, %convert_element_type3A_2335, %broadcast_in_dim3A_2341 : vector<16xi1>, vector<16xf32>
    %eq3A_2346 = arith.constant 1 : i32
    %eq3A_2347 = vector.broadcast %eq3A_2346 : i32 to vector<16xi32>
    %eq3A_2348 = arith.cmpi eq, %iota3A_2073, %eq3A_2347 : vector<16xi32>
    %select_n3A_2349 = arith.select %eq3A_2348, %convert_element_type3A_2336, %select_n3A_2345 : vector<16xi1>, vector<16xf32>
    %eq3A_2350 = arith.constant 2 : i32
    %eq3A_2351 = vector.broadcast %eq3A_2350 : i32 to vector<16xi32>
    %eq3A_2352 = arith.cmpi eq, %iota3A_2073, %eq3A_2351 : vector<16xi32>
    %select_n3A_2353 = arith.select %eq3A_2352, %select_n3A_2328, %select_n3A_2349 : vector<16xi1>, vector<16xf32>
    %eq3A_2354 = arith.constant 3 : i32
    %eq3A_2355 = vector.broadcast %eq3A_2354 : i32 to vector<16xi32>
    %eq3A_2356 = arith.cmpi eq, %iota3A_2073, %eq3A_2355 : vector<16xi32>
    %select_n3A_2357 = arith.select %eq3A_2356, %select_n3A_2334, %select_n3A_2353 : vector<16xi1>, vector<16xf32>
    %eq3A_2358 = arith.constant 4 : i32
    %eq3A_2359 = vector.broadcast %eq3A_2358 : i32 to vector<16xi32>
    %eq3A_2360 = arith.cmpi eq, %iota3A_2073, %eq3A_2359 : vector<16xi32>
    %select_n3A_2361 = arith.select %eq3A_2360, %div3A_550, %select_n3A_2357 : vector<16xi1>, vector<16xf32>
    %eq3A_2362 = arith.constant 5 : i32
    %eq3A_2363 = vector.broadcast %eq3A_2362 : i32 to vector<16xi32>
    %eq3A_2364 = arith.cmpi eq, %iota3A_2073, %eq3A_2363 : vector<16xi32>
    %select_n3A_2365 = arith.select %eq3A_2364, %sub3A_2339, %select_n3A_2361 : vector<16xi1>, vector<16xf32>
    %swap3A_2366 = arith.constant 2 : i32
    %swap3A_2367 = arith.index_cast %swap3A_2366 : i32 to index
    %swap3A_2368 = arith.constant 0 : index
    %swap3A_2369 = tpu.vector_load %arg5[%swap3A_2367, %swap3A_2368] {strides = array<i32>} : memref<8x16xf32, #tpu.memory_space<vmem>>, vector<16xf32>,
    tpu.vector_store %arg5[%swap3A_2367, %swap3A_2368], %select_n3A_2365 {strides = array<i32>} : memref<8x16xf32, #tpu.memory_space<vmem>>, vector<16xf32>,
    %eq3A_2370 = arith.cmpi eq, %add3A_5, %broadcast_in_dim3A_691 : vector<16xi32>
    %jit3A_2371 = arith.constant 0.000000e+00 : f32
    %broadcast_in_dim3A_2372 = vector.broadcast %jit3A_2371 : f32 to vector<16xf32>
    %select_n3A_2373 = arith.select %eq3A_2370, %add3A_2057, %broadcast_in_dim3A_2372 : vector<16xi1>, vector<16xf32>
    %eq3A_2374 = arith.cmpi eq, %add3A_5, %broadcast_in_dim3A_750 : vector<16xi32>
    %jit3A_2375 = arith.constant 0.000000e+00 : f32
    %broadcast_in_dim3A_2376 = vector.broadcast %jit3A_2375 : f32 to vector<16xf32>
    %select_n3A_2377 = arith.select %eq3A_2374, %add3A_2057, %broadcast_in_dim3A_2376 : vector<16xi1>, vector<16xf32>
    %eq3A_2378 = arith.cmpi eq, %add3A_9, %broadcast_in_dim3A_691 : vector<16xi32>
    %jit3A_2379 = arith.constant 0.000000e+00 : f32
    %broadcast_in_dim3A_2380 = vector.broadcast %jit3A_2379 : f32 to vector<16xf32>
    %select_n3A_2381 = arith.select %eq3A_2378, %add3A_2062, %broadcast_in_dim3A_2380 : vector<16xi1>, vector<16xf32>
    %add3A_2382 = arith.addf %select_n3A_2373, %select_n3A_2381 : vector<16xf32>
    %eq3A_2383 = arith.cmpi eq, %add3A_9, %broadcast_in_dim3A_750 : vector<16xi32>
    %jit3A_2384 = arith.constant 0.000000e+00 : f32
    %broadcast_in_dim3A_2385 = vector.broadcast %jit3A_2384 : f32 to vector<16xf32>
    %select_n3A_2386 = arith.select %eq3A_2383, %add3A_2062, %broadcast_in_dim3A_2385 : vector<16xi1>, vector<16xf32>
    %add3A_2387 = arith.addf %select_n3A_2377, %select_n3A_2386 : vector<16xf32>
    %eq3A_2388 = arith.cmpi eq, %add3A_13, %broadcast_in_dim3A_691 : vector<16xi32>
    %jit3A_2389 = arith.constant 0.000000e+00 : f32
    %broadcast_in_dim3A_2390 = vector.broadcast %jit3A_2389 : f32 to vector<16xf32>
    %select_n3A_2391 = arith.select %eq3A_2388, %add3A_2067, %broadcast_in_dim3A_2390 : vector<16xi1>, vector<16xf32>
    %add3A_2392 = arith.addf %add3A_2382, %select_n3A_2391 : vector<16xf32>
    %eq3A_2393 = arith.cmpi eq, %add3A_13, %broadcast_in_dim3A_750 : vector<16xi32>
    %jit3A_2394 = arith.constant 0.000000e+00 : f32
    %broadcast_in_dim3A_2395 = vector.broadcast %jit3A_2394 : f32 to vector<16xf32>
    %select_n3A_2396 = arith.select %eq3A_2393, %add3A_2067, %broadcast_in_dim3A_2395 : vector<16xi1>, vector<16xf32>
    %add3A_2397 = arith.addf %add3A_2387, %select_n3A_2396 : vector<16xf32>
    %eq3A_2398 = arith.cmpi eq, %add3A_17, %broadcast_in_dim3A_691 : vector<16xi32>
    %jit3A_2399 = arith.constant 0.000000e+00 : f32
    %broadcast_in_dim3A_2400 = vector.broadcast %jit3A_2399 : f32 to vector<16xf32>
    %select_n3A_2401 = arith.select %eq3A_2398, %add3A_2072, %broadcast_in_dim3A_2400 : vector<16xi1>, vector<16xf32>
    %add3A_2402 = arith.addf %add3A_2392, %select_n3A_2401 : vector<16xf32>
    %eq3A_2403 = arith.cmpi eq, %add3A_17, %broadcast_in_dim3A_750 : vector<16xi32>
    %jit3A_2404 = arith.constant 0.000000e+00 : f32
    %broadcast_in_dim3A_2405 = vector.broadcast %jit3A_2404 : f32 to vector<16xf32>
    %select_n3A_2406 = arith.select %eq3A_2403, %add3A_2072, %broadcast_in_dim3A_2405 : vector<16xi1>, vector<16xf32>
    %add3A_2407 = arith.addf %add3A_2397, %select_n3A_2406 : vector<16xf32>
    %broadcast_in_dim3A_2408 = arith.constant true
    %broadcast_in_dim3A_2409 = vector.broadcast %broadcast_in_dim3A_2408 : i1 to vector<16xi1>
    %masked_cumsum3A_2410 = tpu.scan <sum>, %add3A_2402 masked %broadcast_in_dim3A_2409 : vector<16xf32>, vector<16xi1> -> vector<16xf32>
    %slice3A_2411 = vector.extract_strided_slice %masked_cumsum3A_2410 {offsets = [15], sizes = [1], strides = [1]} : vector<16xf32> to vector<1xf32>
    %squeeze3A_2412 = vector.extract %slice3A_2411[0] : f32 from vector<1xf32>
    %broadcast_in_dim3A_2413 = vector.broadcast %squeeze3A_2412 : f32 to vector<16xf32>
    %add3A_2414 = arith.addf %broadcast_in_dim3A_783, %broadcast_in_dim3A_2413 : vector<16xf32>
    %broadcast_in_dim3A_2415 = arith.constant true
    %broadcast_in_dim3A_2416 = vector.broadcast %broadcast_in_dim3A_2415 : i1 to vector<16xi1>
    %masked_cumsum3A_2417 = tpu.scan <sum>, %add3A_2407 masked %broadcast_in_dim3A_2416 : vector<16xf32>, vector<16xi1> -> vector<16xf32>
    %slice3A_2418 = vector.extract_strided_slice %masked_cumsum3A_2417 {offsets = [15], sizes = [1], strides = [1]} : vector<16xf32> to vector<1xf32>
    %squeeze3A_2419 = vector.extract %slice3A_2418[0] : f32 from vector<1xf32>
    %broadcast_in_dim3A_2420 = vector.broadcast %squeeze3A_2419 : f32 to vector<16xf32>
    %add3A_2421 = arith.addf %broadcast_in_dim3A_824, %broadcast_in_dim3A_2420 : vector<16xf32>
    %lt3A_2422 = arith.constant 1.600000e+01 : f32
    %lt3A_2423 = vector.broadcast %lt3A_2422 : f32 to vector<16xf32>
    %lt3A_2424 = arith.cmpf olt, %add3A_2414, %lt3A_2423 : vector<16xf32>
    %jit3A_2425 = arith.constant 2.550000e+02 : f32
    %broadcast_in_dim3A_2426 = vector.broadcast %jit3A_2425 : f32 to vector<16xf32>
    %select_n3A_2427 = arith.select %lt3A_2424, %add3A_2414, %broadcast_in_dim3A_2426 : vector<16xi1>, vector<16xf32>
    %lt3A_2428 = arith.constant 1.600000e+01 : f32
    %lt3A_2429 = vector.broadcast %lt3A_2428 : f32 to vector<16xf32>
    %lt3A_2430 = arith.cmpf olt, %add3A_2421, %lt3A_2429 : vector<16xf32>
    %jit3A_2431 = arith.constant 2.550000e+02 : f32
    %broadcast_in_dim3A_2432 = vector.broadcast %jit3A_2431 : f32 to vector<16xf32>
    %select_n3A_2433 = arith.select %lt3A_2430, %add3A_2421, %broadcast_in_dim3A_2432 : vector<16xi1>, vector<16xf32>
    %convert_element_type3A_2434 = arith.sitofp %broadcast_in_dim3A_691 : vector<16xi32> to vector<16xf32>
    %convert_element_type3A_2435 = arith.sitofp %broadcast_in_dim3A_750 : vector<16xi32> to vector<16xf32>
    %sub3A_2436 = arith.constant 1.000000e+00 : f32
    %sub3A_2437 = vector.broadcast %sub3A_2436 : f32 to vector<16xf32>
    %sub3A_2438 = arith.subf %sub3A_2437, %div3A_758 : vector<16xf32>
    %broadcast_in_dim3A_2439 = arith.constant 0.000000e+00 : f32
    %broadcast_in_dim3A_2440 = vector.broadcast %broadcast_in_dim3A_2439 : f32 to vector<16xf32>
    %eq3A_2441 = arith.constant 0 : i32
    %eq3A_2442 = vector.broadcast %eq3A_2441 : i32 to vector<16xi32>
    %eq3A_2443 = arith.cmpi eq, %iota3A_2073, %eq3A_2442 : vector<16xi32>
    %select_n3A_2444 = arith.select %eq3A_2443, %convert_element_type3A_2434, %broadcast_in_dim3A_2440 : vector<16xi1>, vector<16xf32>
    %eq3A_2445 = arith.constant 1 : i32
    %eq3A_2446 = vector.broadcast %eq3A_2445 : i32 to vector<16xi32>
    %eq3A_2447 = arith.cmpi eq, %iota3A_2073, %eq3A_2446 : vector<16xi32>
    %select_n3A_2448 = arith.select %eq3A_2447, %convert_element_type3A_2435, %select_n3A_2444 : vector<16xi1>, vector<16xf32>
    %eq3A_2449 = arith.constant 2 : i32
    %eq3A_2450 = vector.broadcast %eq3A_2449 : i32 to vector<16xi32>
    %eq3A_2451 = arith.cmpi eq, %iota3A_2073, %eq3A_2450 : vector<16xi32>
    %select_n3A_2452 = arith.select %eq3A_2451, %select_n3A_2427, %select_n3A_2448 : vector<16xi1>, vector<16xf32>
    %eq3A_2453 = arith.constant 3 : i32
    %eq3A_2454 = vector.broadcast %eq3A_2453 : i32 to vector<16xi32>
    %eq3A_2455 = arith.cmpi eq, %iota3A_2073, %eq3A_2454 : vector<16xi32>
    %select_n3A_2456 = arith.select %eq3A_2455, %select_n3A_2433, %select_n3A_2452 : vector<16xi1>, vector<16xf32>
    %eq3A_2457 = arith.constant 4 : i32
    %eq3A_2458 = vector.broadcast %eq3A_2457 : i32 to vector<16xi32>
    %eq3A_2459 = arith.cmpi eq, %iota3A_2073, %eq3A_2458 : vector<16xi32>
    %select_n3A_2460 = arith.select %eq3A_2459, %div3A_758, %select_n3A_2456 : vector<16xi1>, vector<16xf32>
    %eq3A_2461 = arith.constant 5 : i32
    %eq3A_2462 = vector.broadcast %eq3A_2461 : i32 to vector<16xi32>
    %eq3A_2463 = arith.cmpi eq, %iota3A_2073, %eq3A_2462 : vector<16xi32>
    %select_n3A_2464 = arith.select %eq3A_2463, %sub3A_2438, %select_n3A_2460 : vector<16xi1>, vector<16xf32>
    %swap3A_2465 = arith.constant 3 : i32
    %swap3A_2466 = arith.index_cast %swap3A_2465 : i32 to index
    %swap3A_2467 = arith.constant 0 : index
    %swap3A_2468 = tpu.vector_load %arg5[%swap3A_2466, %swap3A_2467] {strides = array<i32>} : memref<8x16xf32, #tpu.memory_space<vmem>>, vector<16xf32>,
    tpu.vector_store %arg5[%swap3A_2466, %swap3A_2467], %select_n3A_2464 {strides = array<i32>} : memref<8x16xf32, #tpu.memory_space<vmem>>, vector<16xf32>,
    %eq3A_2469 = arith.cmpi eq, %add3A_5, %broadcast_in_dim3A_899 : vector<16xi32>
    %jit3A_2470 = arith.constant 0.000000e+00 : f32
    %broadcast_in_dim3A_2471 = vector.broadcast %jit3A_2470 : f32 to vector<16xf32>
    %select_n3A_2472 = arith.select %eq3A_2469, %add3A_2057, %broadcast_in_dim3A_2471 : vector<16xi1>, vector<16xf32>
    %eq3A_2473 = arith.cmpi eq, %add3A_5, %broadcast_in_dim3A_958 : vector<16xi32>
    %jit3A_2474 = arith.constant 0.000000e+00 : f32
    %broadcast_in_dim3A_2475 = vector.broadcast %jit3A_2474 : f32 to vector<16xf32>
    %select_n3A_2476 = arith.select %eq3A_2473, %add3A_2057, %broadcast_in_dim3A_2475 : vector<16xi1>, vector<16xf32>
    %eq3A_2477 = arith.cmpi eq, %add3A_9, %broadcast_in_dim3A_899 : vector<16xi32>
    %jit3A_2478 = arith.constant 0.000000e+00 : f32
    %broadcast_in_dim3A_2479 = vector.broadcast %jit3A_2478 : f32 to vector<16xf32>
    %select_n3A_2480 = arith.select %eq3A_2477, %add3A_2062, %broadcast_in_dim3A_2479 : vector<16xi1>, vector<16xf32>
    %add3A_2481 = arith.addf %select_n3A_2472, %select_n3A_2480 : vector<16xf32>
    %eq3A_2482 = arith.cmpi eq, %add3A_9, %broadcast_in_dim3A_958 : vector<16xi32>
    %jit3A_2483 = arith.constant 0.000000e+00 : f32
    %broadcast_in_dim3A_2484 = vector.broadcast %jit3A_2483 : f32 to vector<16xf32>
    %select_n3A_2485 = arith.select %eq3A_2482, %add3A_2062, %broadcast_in_dim3A_2484 : vector<16xi1>, vector<16xf32>
    %add3A_2486 = arith.addf %select_n3A_2476, %select_n3A_2485 : vector<16xf32>
    %eq3A_2487 = arith.cmpi eq, %add3A_13, %broadcast_in_dim3A_899 : vector<16xi32>
    %jit3A_2488 = arith.constant 0.000000e+00 : f32
    %broadcast_in_dim3A_2489 = vector.broadcast %jit3A_2488 : f32 to vector<16xf32>
    %select_n3A_2490 = arith.select %eq3A_2487, %add3A_2067, %broadcast_in_dim3A_2489 : vector<16xi1>, vector<16xf32>
    %add3A_2491 = arith.addf %add3A_2481, %select_n3A_2490 : vector<16xf32>
    %eq3A_2492 = arith.cmpi eq, %add3A_13, %broadcast_in_dim3A_958 : vector<16xi32>
    %jit3A_2493 = arith.constant 0.000000e+00 : f32
    %broadcast_in_dim3A_2494 = vector.broadcast %jit3A_2493 : f32 to vector<16xf32>
    %select_n3A_2495 = arith.select %eq3A_2492, %add3A_2067, %broadcast_in_dim3A_2494 : vector<16xi1>, vector<16xf32>
    %add3A_2496 = arith.addf %add3A_2486, %select_n3A_2495 : vector<16xf32>
    %eq3A_2497 = arith.cmpi eq, %add3A_17, %broadcast_in_dim3A_899 : vector<16xi32>
    %jit3A_2498 = arith.constant 0.000000e+00 : f32
    %broadcast_in_dim3A_2499 = vector.broadcast %jit3A_2498 : f32 to vector<16xf32>
    %select_n3A_2500 = arith.select %eq3A_2497, %add3A_2072, %broadcast_in_dim3A_2499 : vector<16xi1>, vector<16xf32>
    %add3A_2501 = arith.addf %add3A_2491, %select_n3A_2500 : vector<16xf32>
    %eq3A_2502 = arith.cmpi eq, %add3A_17, %broadcast_in_dim3A_958 : vector<16xi32>
    %jit3A_2503 = arith.constant 0.000000e+00 : f32
    %broadcast_in_dim3A_2504 = vector.broadcast %jit3A_2503 : f32 to vector<16xf32>
    %select_n3A_2505 = arith.select %eq3A_2502, %add3A_2072, %broadcast_in_dim3A_2504 : vector<16xi1>, vector<16xf32>
    %add3A_2506 = arith.addf %add3A_2496, %select_n3A_2505 : vector<16xf32>
    %broadcast_in_dim3A_2507 = arith.constant true
    %broadcast_in_dim3A_2508 = vector.broadcast %broadcast_in_dim3A_2507 : i1 to vector<16xi1>
    %masked_cumsum3A_2509 = tpu.scan <sum>, %add3A_2501 masked %broadcast_in_dim3A_2508 : vector<16xf32>, vector<16xi1> -> vector<16xf32>
    %slice3A_2510 = vector.extract_strided_slice %masked_cumsum3A_2509 {offsets = [15], sizes = [1], strides = [1]} : vector<16xf32> to vector<1xf32>
    %squeeze3A_2511 = vector.extract %slice3A_2510[0] : f32 from vector<1xf32>
    %broadcast_in_dim3A_2512 = vector.broadcast %squeeze3A_2511 : f32 to vector<16xf32>
    %add3A_2513 = arith.addf %broadcast_in_dim3A_991, %broadcast_in_dim3A_2512 : vector<16xf32>
    %broadcast_in_dim3A_2514 = arith.constant true
    %broadcast_in_dim3A_2515 = vector.broadcast %broadcast_in_dim3A_2514 : i1 to vector<16xi1>
    %masked_cumsum3A_2516 = tpu.scan <sum>, %add3A_2506 masked %broadcast_in_dim3A_2515 : vector<16xf32>, vector<16xi1> -> vector<16xf32>
    %slice3A_2517 = vector.extract_strided_slice %masked_cumsum3A_2516 {offsets = [15], sizes = [1], strides = [1]} : vector<16xf32> to vector<1xf32>
    %squeeze3A_2518 = vector.extract %slice3A_2517[0] : f32 from vector<1xf32>
    %broadcast_in_dim3A_2519 = vector.broadcast %squeeze3A_2518 : f32 to vector<16xf32>
    %add3A_2520 = arith.addf %broadcast_in_dim3A_1032, %broadcast_in_dim3A_2519 : vector<16xf32>
    %lt3A_2521 = arith.constant 1.600000e+01 : f32
    %lt3A_2522 = vector.broadcast %lt3A_2521 : f32 to vector<16xf32>
    %lt3A_2523 = arith.cmpf olt, %add3A_2513, %lt3A_2522 : vector<16xf32>
    %jit3A_2524 = arith.constant 2.550000e+02 : f32
    %broadcast_in_dim3A_2525 = vector.broadcast %jit3A_2524 : f32 to vector<16xf32>
    %select_n3A_2526 = arith.select %lt3A_2523, %add3A_2513, %broadcast_in_dim3A_2525 : vector<16xi1>, vector<16xf32>
    %lt3A_2527 = arith.constant 1.600000e+01 : f32
    %lt3A_2528 = vector.broadcast %lt3A_2527 : f32 to vector<16xf32>
    %lt3A_2529 = arith.cmpf olt, %add3A_2520, %lt3A_2528 : vector<16xf32>
    %jit3A_2530 = arith.constant 2.550000e+02 : f32
    %broadcast_in_dim3A_2531 = vector.broadcast %jit3A_2530 : f32 to vector<16xf32>
    %select_n3A_2532 = arith.select %lt3A_2529, %add3A_2520, %broadcast_in_dim3A_2531 : vector<16xi1>, vector<16xf32>
    %convert_element_type3A_2533 = arith.sitofp %broadcast_in_dim3A_899 : vector<16xi32> to vector<16xf32>
    %convert_element_type3A_2534 = arith.sitofp %broadcast_in_dim3A_958 : vector<16xi32> to vector<16xf32>
    %sub3A_2535 = arith.constant 1.000000e+00 : f32
    %sub3A_2536 = vector.broadcast %sub3A_2535 : f32 to vector<16xf32>
    %sub3A_2537 = arith.subf %sub3A_2536, %div3A_966 : vector<16xf32>
    %broadcast_in_dim3A_2538 = arith.constant 0.000000e+00 : f32
    %broadcast_in_dim3A_2539 = vector.broadcast %broadcast_in_dim3A_2538 : f32 to vector<16xf32>
    %eq3A_2540 = arith.constant 0 : i32
    %eq3A_2541 = vector.broadcast %eq3A_2540 : i32 to vector<16xi32>
    %eq3A_2542 = arith.cmpi eq, %iota3A_2073, %eq3A_2541 : vector<16xi32>
    %select_n3A_2543 = arith.select %eq3A_2542, %convert_element_type3A_2533, %broadcast_in_dim3A_2539 : vector<16xi1>, vector<16xf32>
    %eq3A_2544 = arith.constant 1 : i32
    %eq3A_2545 = vector.broadcast %eq3A_2544 : i32 to vector<16xi32>
    %eq3A_2546 = arith.cmpi eq, %iota3A_2073, %eq3A_2545 : vector<16xi32>
    %select_n3A_2547 = arith.select %eq3A_2546, %convert_element_type3A_2534, %select_n3A_2543 : vector<16xi1>, vector<16xf32>
    %eq3A_2548 = arith.constant 2 : i32
    %eq3A_2549 = vector.broadcast %eq3A_2548 : i32 to vector<16xi32>
    %eq3A_2550 = arith.cmpi eq, %iota3A_2073, %eq3A_2549 : vector<16xi32>
    %select_n3A_2551 = arith.select %eq3A_2550, %select_n3A_2526, %select_n3A_2547 : vector<16xi1>, vector<16xf32>
    %eq3A_2552 = arith.constant 3 : i32
    %eq3A_2553 = vector.broadcast %eq3A_2552 : i32 to vector<16xi32>
    %eq3A_2554 = arith.cmpi eq, %iota3A_2073, %eq3A_2553 : vector<16xi32>
    %select_n3A_2555 = arith.select %eq3A_2554, %select_n3A_2532, %select_n3A_2551 : vector<16xi1>, vector<16xf32>
    %eq3A_2556 = arith.constant 4 : i32
    %eq3A_2557 = vector.broadcast %eq3A_2556 : i32 to vector<16xi32>
    %eq3A_2558 = arith.cmpi eq, %iota3A_2073, %eq3A_2557 : vector<16xi32>
    %select_n3A_2559 = arith.select %eq3A_2558, %div3A_966, %select_n3A_2555 : vector<16xi1>, vector<16xf32>
    %eq3A_2560 = arith.constant 5 : i32
    %eq3A_2561 = vector.broadcast %eq3A_2560 : i32 to vector<16xi32>
    %eq3A_2562 = arith.cmpi eq, %iota3A_2073, %eq3A_2561 : vector<16xi32>
    %select_n3A_2563 = arith.select %eq3A_2562, %sub3A_2537, %select_n3A_2559 : vector<16xi1>, vector<16xf32>
    %swap3A_2564 = arith.constant 4 : i32
    %swap3A_2565 = arith.index_cast %swap3A_2564 : i32 to index
    %swap3A_2566 = arith.constant 0 : index
    %swap3A_2567 = tpu.vector_load %arg5[%swap3A_2565, %swap3A_2566] {strides = array<i32>} : memref<8x16xf32, #tpu.memory_space<vmem>>, vector<16xf32>,
    tpu.vector_store %arg5[%swap3A_2565, %swap3A_2566], %select_n3A_2563 {strides = array<i32>} : memref<8x16xf32, #tpu.memory_space<vmem>>, vector<16xf32>,
    %eq3A_2568 = arith.cmpi eq, %add3A_5, %broadcast_in_dim3A_1107 : vector<16xi32>
    %jit3A_2569 = arith.constant 0.000000e+00 : f32
    %broadcast_in_dim3A_2570 = vector.broadcast %jit3A_2569 : f32 to vector<16xf32>
    %select_n3A_2571 = arith.select %eq3A_2568, %add3A_2057, %broadcast_in_dim3A_2570 : vector<16xi1>, vector<16xf32>
    %eq3A_2572 = arith.cmpi eq, %add3A_5, %broadcast_in_dim3A_1166 : vector<16xi32>
    %jit3A_2573 = arith.constant 0.000000e+00 : f32
    %broadcast_in_dim3A_2574 = vector.broadcast %jit3A_2573 : f32 to vector<16xf32>
    %select_n3A_2575 = arith.select %eq3A_2572, %add3A_2057, %broadcast_in_dim3A_2574 : vector<16xi1>, vector<16xf32>
    %eq3A_2576 = arith.cmpi eq, %add3A_9, %broadcast_in_dim3A_1107 : vector<16xi32>
    %jit3A_2577 = arith.constant 0.000000e+00 : f32
    %broadcast_in_dim3A_2578 = vector.broadcast %jit3A_2577 : f32 to vector<16xf32>
    %select_n3A_2579 = arith.select %eq3A_2576, %add3A_2062, %broadcast_in_dim3A_2578 : vector<16xi1>, vector<16xf32>
    %add3A_2580 = arith.addf %select_n3A_2571, %select_n3A_2579 : vector<16xf32>
    %eq3A_2581 = arith.cmpi eq, %add3A_9, %broadcast_in_dim3A_1166 : vector<16xi32>
    %jit3A_2582 = arith.constant 0.000000e+00 : f32
    %broadcast_in_dim3A_2583 = vector.broadcast %jit3A_2582 : f32 to vector<16xf32>
    %select_n3A_2584 = arith.select %eq3A_2581, %add3A_2062, %broadcast_in_dim3A_2583 : vector<16xi1>, vector<16xf32>
    %add3A_2585 = arith.addf %select_n3A_2575, %select_n3A_2584 : vector<16xf32>
    %eq3A_2586 = arith.cmpi eq, %add3A_13, %broadcast_in_dim3A_1107 : vector<16xi32>
    %jit3A_2587 = arith.constant 0.000000e+00 : f32
    %broadcast_in_dim3A_2588 = vector.broadcast %jit3A_2587 : f32 to vector<16xf32>
    %select_n3A_2589 = arith.select %eq3A_2586, %add3A_2067, %broadcast_in_dim3A_2588 : vector<16xi1>, vector<16xf32>
    %add3A_2590 = arith.addf %add3A_2580, %select_n3A_2589 : vector<16xf32>
    %eq3A_2591 = arith.cmpi eq, %add3A_13, %broadcast_in_dim3A_1166 : vector<16xi32>
    %jit3A_2592 = arith.constant 0.000000e+00 : f32
    %broadcast_in_dim3A_2593 = vector.broadcast %jit3A_2592 : f32 to vector<16xf32>
    %select_n3A_2594 = arith.select %eq3A_2591, %add3A_2067, %broadcast_in_dim3A_2593 : vector<16xi1>, vector<16xf32>
    %add3A_2595 = arith.addf %add3A_2585, %select_n3A_2594 : vector<16xf32>
    %eq3A_2596 = arith.cmpi eq, %add3A_17, %broadcast_in_dim3A_1107 : vector<16xi32>
    %jit3A_2597 = arith.constant 0.000000e+00 : f32
    %broadcast_in_dim3A_2598 = vector.broadcast %jit3A_2597 : f32 to vector<16xf32>
    %select_n3A_2599 = arith.select %eq3A_2596, %add3A_2072, %broadcast_in_dim3A_2598 : vector<16xi1>, vector<16xf32>
    %add3A_2600 = arith.addf %add3A_2590, %select_n3A_2599 : vector<16xf32>
    %eq3A_2601 = arith.cmpi eq, %add3A_17, %broadcast_in_dim3A_1166 : vector<16xi32>
    %jit3A_2602 = arith.constant 0.000000e+00 : f32
    %broadcast_in_dim3A_2603 = vector.broadcast %jit3A_2602 : f32 to vector<16xf32>
    %select_n3A_2604 = arith.select %eq3A_2601, %add3A_2072, %broadcast_in_dim3A_2603 : vector<16xi1>, vector<16xf32>
    %add3A_2605 = arith.addf %add3A_2595, %select_n3A_2604 : vector<16xf32>
    %broadcast_in_dim3A_2606 = arith.constant true
    %broadcast_in_dim3A_2607 = vector.broadcast %broadcast_in_dim3A_2606 : i1 to vector<16xi1>
    %masked_cumsum3A_2608 = tpu.scan <sum>, %add3A_2600 masked %broadcast_in_dim3A_2607 : vector<16xf32>, vector<16xi1> -> vector<16xf32>
    %slice3A_2609 = vector.extract_strided_slice %masked_cumsum3A_2608 {offsets = [15], sizes = [1], strides = [1]} : vector<16xf32> to vector<1xf32>
    %squeeze3A_2610 = vector.extract %slice3A_2609[0] : f32 from vector<1xf32>
    %broadcast_in_dim3A_2611 = vector.broadcast %squeeze3A_2610 : f32 to vector<16xf32>
    %add3A_2612 = arith.addf %broadcast_in_dim3A_1199, %broadcast_in_dim3A_2611 : vector<16xf32>
    %broadcast_in_dim3A_2613 = arith.constant true
    %broadcast_in_dim3A_2614 = vector.broadcast %broadcast_in_dim3A_2613 : i1 to vector<16xi1>
    %masked_cumsum3A_2615 = tpu.scan <sum>, %add3A_2605 masked %broadcast_in_dim3A_2614 : vector<16xf32>, vector<16xi1> -> vector<16xf32>
    %slice3A_2616 = vector.extract_strided_slice %masked_cumsum3A_2615 {offsets = [15], sizes = [1], strides = [1]} : vector<16xf32> to vector<1xf32>
    %squeeze3A_2617 = vector.extract %slice3A_2616[0] : f32 from vector<1xf32>
    %broadcast_in_dim3A_2618 = vector.broadcast %squeeze3A_2617 : f32 to vector<16xf32>
    %add3A_2619 = arith.addf %broadcast_in_dim3A_1240, %broadcast_in_dim3A_2618 : vector<16xf32>
    %lt3A_2620 = arith.constant 1.600000e+01 : f32
    %lt3A_2621 = vector.broadcast %lt3A_2620 : f32 to vector<16xf32>
    %lt3A_2622 = arith.cmpf olt, %add3A_2612, %lt3A_2621 : vector<16xf32>
    %jit3A_2623 = arith.constant 2.550000e+02 : f32
    %broadcast_in_dim3A_2624 = vector.broadcast %jit3A_2623 : f32 to vector<16xf32>
    %select_n3A_2625 = arith.select %lt3A_2622, %add3A_2612, %broadcast_in_dim3A_2624 : vector<16xi1>, vector<16xf32>
    %lt3A_2626 = arith.constant 1.600000e+01 : f32
    %lt3A_2627 = vector.broadcast %lt3A_2626 : f32 to vector<16xf32>
    %lt3A_2628 = arith.cmpf olt, %add3A_2619, %lt3A_2627 : vector<16xf32>
    %jit3A_2629 = arith.constant 2.550000e+02 : f32
    %broadcast_in_dim3A_2630 = vector.broadcast %jit3A_2629 : f32 to vector<16xf32>
    %select_n3A_2631 = arith.select %lt3A_2628, %add3A_2619, %broadcast_in_dim3A_2630 : vector<16xi1>, vector<16xf32>
    %convert_element_type3A_2632 = arith.sitofp %broadcast_in_dim3A_1107 : vector<16xi32> to vector<16xf32>
    %convert_element_type3A_2633 = arith.sitofp %broadcast_in_dim3A_1166 : vector<16xi32> to vector<16xf32>
    %sub3A_2634 = arith.constant 1.000000e+00 : f32
    %sub3A_2635 = vector.broadcast %sub3A_2634 : f32 to vector<16xf32>
    %sub3A_2636 = arith.subf %sub3A_2635, %div3A_1174 : vector<16xf32>
    %broadcast_in_dim3A_2637 = arith.constant 0.000000e+00 : f32
    %broadcast_in_dim3A_2638 = vector.broadcast %broadcast_in_dim3A_2637 : f32 to vector<16xf32>
    %eq3A_2639 = arith.constant 0 : i32
    %eq3A_2640 = vector.broadcast %eq3A_2639 : i32 to vector<16xi32>
    %eq3A_2641 = arith.cmpi eq, %iota3A_2073, %eq3A_2640 : vector<16xi32>
    %select_n3A_2642 = arith.select %eq3A_2641, %convert_element_type3A_2632, %broadcast_in_dim3A_2638 : vector<16xi1>, vector<16xf32>
    %eq3A_2643 = arith.constant 1 : i32
    %eq3A_2644 = vector.broadcast %eq3A_2643 : i32 to vector<16xi32>
    %eq3A_2645 = arith.cmpi eq, %iota3A_2073, %eq3A_2644 : vector<16xi32>
    %select_n3A_2646 = arith.select %eq3A_2645, %convert_element_type3A_2633, %select_n3A_2642 : vector<16xi1>, vector<16xf32>
    %eq3A_2647 = arith.constant 2 : i32
    %eq3A_2648 = vector.broadcast %eq3A_2647 : i32 to vector<16xi32>
    %eq3A_2649 = arith.cmpi eq, %iota3A_2073, %eq3A_2648 : vector<16xi32>
    %select_n3A_2650 = arith.select %eq3A_2649, %select_n3A_2625, %select_n3A_2646 : vector<16xi1>, vector<16xf32>
    %eq3A_2651 = arith.constant 3 : i32
    %eq3A_2652 = vector.broadcast %eq3A_2651 : i32 to vector<16xi32>
    %eq3A_2653 = arith.cmpi eq, %iota3A_2073, %eq3A_2652 : vector<16xi32>
    %select_n3A_2654 = arith.select %eq3A_2653, %select_n3A_2631, %select_n3A_2650 : vector<16xi1>, vector<16xf32>
    %eq3A_2655 = arith.constant 4 : i32
    %eq3A_2656 = vector.broadcast %eq3A_2655 : i32 to vector<16xi32>
    %eq3A_2657 = arith.cmpi eq, %iota3A_2073, %eq3A_2656 : vector<16xi32>
    %select_n3A_2658 = arith.select %eq3A_2657, %div3A_1174, %select_n3A_2654 : vector<16xi1>, vector<16xf32>
    %eq3A_2659 = arith.constant 5 : i32
    %eq3A_2660 = vector.broadcast %eq3A_2659 : i32 to vector<16xi32>
    %eq3A_2661 = arith.cmpi eq, %iota3A_2073, %eq3A_2660 : vector<16xi32>
    %select_n3A_2662 = arith.select %eq3A_2661, %sub3A_2636, %select_n3A_2658 : vector<16xi1>, vector<16xf32>
    %swap3A_2663 = arith.constant 5 : i32
    %swap3A_2664 = arith.index_cast %swap3A_2663 : i32 to index
    %swap3A_2665 = arith.constant 0 : index
    %swap3A_2666 = tpu.vector_load %arg5[%swap3A_2664, %swap3A_2665] {strides = array<i32>} : memref<8x16xf32, #tpu.memory_space<vmem>>, vector<16xf32>,
    tpu.vector_store %arg5[%swap3A_2664, %swap3A_2665], %select_n3A_2662 {strides = array<i32>} : memref<8x16xf32, #tpu.memory_space<vmem>>, vector<16xf32>,
    %eq3A_2667 = arith.cmpi eq, %add3A_5, %broadcast_in_dim3A_1315 : vector<16xi32>
    %jit3A_2668 = arith.constant 0.000000e+00 : f32
    %broadcast_in_dim3A_2669 = vector.broadcast %jit3A_2668 : f32 to vector<16xf32>
    %select_n3A_2670 = arith.select %eq3A_2667, %add3A_2057, %broadcast_in_dim3A_2669 : vector<16xi1>, vector<16xf32>
    %eq3A_2671 = arith.cmpi eq, %add3A_5, %broadcast_in_dim3A_1374 : vector<16xi32>
    %jit3A_2672 = arith.constant 0.000000e+00 : f32
    %broadcast_in_dim3A_2673 = vector.broadcast %jit3A_2672 : f32 to vector<16xf32>
    %select_n3A_2674 = arith.select %eq3A_2671, %add3A_2057, %broadcast_in_dim3A_2673 : vector<16xi1>, vector<16xf32>
    %eq3A_2675 = arith.cmpi eq, %add3A_9, %broadcast_in_dim3A_1315 : vector<16xi32>
    %jit3A_2676 = arith.constant 0.000000e+00 : f32
    %broadcast_in_dim3A_2677 = vector.broadcast %jit3A_2676 : f32 to vector<16xf32>
    %select_n3A_2678 = arith.select %eq3A_2675, %add3A_2062, %broadcast_in_dim3A_2677 : vector<16xi1>, vector<16xf32>
    %add3A_2679 = arith.addf %select_n3A_2670, %select_n3A_2678 : vector<16xf32>
    %eq3A_2680 = arith.cmpi eq, %add3A_9, %broadcast_in_dim3A_1374 : vector<16xi32>
    %jit3A_2681 = arith.constant 0.000000e+00 : f32
    %broadcast_in_dim3A_2682 = vector.broadcast %jit3A_2681 : f32 to vector<16xf32>
    %select_n3A_2683 = arith.select %eq3A_2680, %add3A_2062, %broadcast_in_dim3A_2682 : vector<16xi1>, vector<16xf32>
    %add3A_2684 = arith.addf %select_n3A_2674, %select_n3A_2683 : vector<16xf32>
    %eq3A_2685 = arith.cmpi eq, %add3A_13, %broadcast_in_dim3A_1315 : vector<16xi32>
    %jit3A_2686 = arith.constant 0.000000e+00 : f32
    %broadcast_in_dim3A_2687 = vector.broadcast %jit3A_2686 : f32 to vector<16xf32>
    %select_n3A_2688 = arith.select %eq3A_2685, %add3A_2067, %broadcast_in_dim3A_2687 : vector<16xi1>, vector<16xf32>
    %add3A_2689 = arith.addf %add3A_2679, %select_n3A_2688 : vector<16xf32>
    %eq3A_2690 = arith.cmpi eq, %add3A_13, %broadcast_in_dim3A_1374 : vector<16xi32>
    %jit3A_2691 = arith.constant 0.000000e+00 : f32
    %broadcast_in_dim3A_2692 = vector.broadcast %jit3A_2691 : f32 to vector<16xf32>
    %select_n3A_2693 = arith.select %eq3A_2690, %add3A_2067, %broadcast_in_dim3A_2692 : vector<16xi1>, vector<16xf32>
    %add3A_2694 = arith.addf %add3A_2684, %select_n3A_2693 : vector<16xf32>
    %eq3A_2695 = arith.cmpi eq, %add3A_17, %broadcast_in_dim3A_1315 : vector<16xi32>
    %jit3A_2696 = arith.constant 0.000000e+00 : f32
    %broadcast_in_dim3A_2697 = vector.broadcast %jit3A_2696 : f32 to vector<16xf32>
    %select_n3A_2698 = arith.select %eq3A_2695, %add3A_2072, %broadcast_in_dim3A_2697 : vector<16xi1>, vector<16xf32>
    %add3A_2699 = arith.addf %add3A_2689, %select_n3A_2698 : vector<16xf32>
    %eq3A_2700 = arith.cmpi eq, %add3A_17, %broadcast_in_dim3A_1374 : vector<16xi32>
    %jit3A_2701 = arith.constant 0.000000e+00 : f32
    %broadcast_in_dim3A_2702 = vector.broadcast %jit3A_2701 : f32 to vector<16xf32>
    %select_n3A_2703 = arith.select %eq3A_2700, %add3A_2072, %broadcast_in_dim3A_2702 : vector<16xi1>, vector<16xf32>
    %add3A_2704 = arith.addf %add3A_2694, %select_n3A_2703 : vector<16xf32>
    %broadcast_in_dim3A_2705 = arith.constant true
    %broadcast_in_dim3A_2706 = vector.broadcast %broadcast_in_dim3A_2705 : i1 to vector<16xi1>
    %masked_cumsum3A_2707 = tpu.scan <sum>, %add3A_2699 masked %broadcast_in_dim3A_2706 : vector<16xf32>, vector<16xi1> -> vector<16xf32>
    %slice3A_2708 = vector.extract_strided_slice %masked_cumsum3A_2707 {offsets = [15], sizes = [1], strides = [1]} : vector<16xf32> to vector<1xf32>
    %squeeze3A_2709 = vector.extract %slice3A_2708[0] : f32 from vector<1xf32>
    %broadcast_in_dim3A_2710 = vector.broadcast %squeeze3A_2709 : f32 to vector<16xf32>
    %add3A_2711 = arith.addf %broadcast_in_dim3A_1407, %broadcast_in_dim3A_2710 : vector<16xf32>
    %broadcast_in_dim3A_2712 = arith.constant true
    %broadcast_in_dim3A_2713 = vector.broadcast %broadcast_in_dim3A_2712 : i1 to vector<16xi1>
    %masked_cumsum3A_2714 = tpu.scan <sum>, %add3A_2704 masked %broadcast_in_dim3A_2713 : vector<16xf32>, vector<16xi1> -> vector<16xf32>
    %slice3A_2715 = vector.extract_strided_slice %masked_cumsum3A_2714 {offsets = [15], sizes = [1], strides = [1]} : vector<16xf32> to vector<1xf32>
    %squeeze3A_2716 = vector.extract %slice3A_2715[0] : f32 from vector<1xf32>
    %broadcast_in_dim3A_2717 = vector.broadcast %squeeze3A_2716 : f32 to vector<16xf32>
    %add3A_2718 = arith.addf %broadcast_in_dim3A_1448, %broadcast_in_dim3A_2717 : vector<16xf32>
    %lt3A_2719 = arith.constant 1.600000e+01 : f32
    %lt3A_2720 = vector.broadcast %lt3A_2719 : f32 to vector<16xf32>
    %lt3A_2721 = arith.cmpf olt, %add3A_2711, %lt3A_2720 : vector<16xf32>
    %jit3A_2722 = arith.constant 2.550000e+02 : f32
    %broadcast_in_dim3A_2723 = vector.broadcast %jit3A_2722 : f32 to vector<16xf32>
    %select_n3A_2724 = arith.select %lt3A_2721, %add3A_2711, %broadcast_in_dim3A_2723 : vector<16xi1>, vector<16xf32>
    %lt3A_2725 = arith.constant 1.600000e+01 : f32
    %lt3A_2726 = vector.broadcast %lt3A_2725 : f32 to vector<16xf32>
    %lt3A_2727 = arith.cmpf olt, %add3A_2718, %lt3A_2726 : vector<16xf32>
    %jit3A_2728 = arith.constant 2.550000e+02 : f32
    %broadcast_in_dim3A_2729 = vector.broadcast %jit3A_2728 : f32 to vector<16xf32>
    %select_n3A_2730 = arith.select %lt3A_2727, %add3A_2718, %broadcast_in_dim3A_2729 : vector<16xi1>, vector<16xf32>
    %convert_element_type3A_2731 = arith.sitofp %broadcast_in_dim3A_1315 : vector<16xi32> to vector<16xf32>
    %convert_element_type3A_2732 = arith.sitofp %broadcast_in_dim3A_1374 : vector<16xi32> to vector<16xf32>
    %sub3A_2733 = arith.constant 1.000000e+00 : f32
    %sub3A_2734 = vector.broadcast %sub3A_2733 : f32 to vector<16xf32>
    %sub3A_2735 = arith.subf %sub3A_2734, %div3A_1382 : vector<16xf32>
    %broadcast_in_dim3A_2736 = arith.constant 0.000000e+00 : f32
    %broadcast_in_dim3A_2737 = vector.broadcast %broadcast_in_dim3A_2736 : f32 to vector<16xf32>
    %eq3A_2738 = arith.constant 0 : i32
    %eq3A_2739 = vector.broadcast %eq3A_2738 : i32 to vector<16xi32>
    %eq3A_2740 = arith.cmpi eq, %iota3A_2073, %eq3A_2739 : vector<16xi32>
    %select_n3A_2741 = arith.select %eq3A_2740, %convert_element_type3A_2731, %broadcast_in_dim3A_2737 : vector<16xi1>, vector<16xf32>
    %eq3A_2742 = arith.constant 1 : i32
    %eq3A_2743 = vector.broadcast %eq3A_2742 : i32 to vector<16xi32>
    %eq3A_2744 = arith.cmpi eq, %iota3A_2073, %eq3A_2743 : vector<16xi32>
    %select_n3A_2745 = arith.select %eq3A_2744, %convert_element_type3A_2732, %select_n3A_2741 : vector<16xi1>, vector<16xf32>
    %eq3A_2746 = arith.constant 2 : i32
    %eq3A_2747 = vector.broadcast %eq3A_2746 : i32 to vector<16xi32>
    %eq3A_2748 = arith.cmpi eq, %iota3A_2073, %eq3A_2747 : vector<16xi32>
    %select_n3A_2749 = arith.select %eq3A_2748, %select_n3A_2724, %select_n3A_2745 : vector<16xi1>, vector<16xf32>
    %eq3A_2750 = arith.constant 3 : i32
    %eq3A_2751 = vector.broadcast %eq3A_2750 : i32 to vector<16xi32>
    %eq3A_2752 = arith.cmpi eq, %iota3A_2073, %eq3A_2751 : vector<16xi32>
    %select_n3A_2753 = arith.select %eq3A_2752, %select_n3A_2730, %select_n3A_2749 : vector<16xi1>, vector<16xf32>
    %eq3A_2754 = arith.constant 4 : i32
    %eq3A_2755 = vector.broadcast %eq3A_2754 : i32 to vector<16xi32>
    %eq3A_2756 = arith.cmpi eq, %iota3A_2073, %eq3A_2755 : vector<16xi32>
    %select_n3A_2757 = arith.select %eq3A_2756, %div3A_1382, %select_n3A_2753 : vector<16xi1>, vector<16xf32>
    %eq3A_2758 = arith.constant 5 : i32
    %eq3A_2759 = vector.broadcast %eq3A_2758 : i32 to vector<16xi32>
    %eq3A_2760 = arith.cmpi eq, %iota3A_2073, %eq3A_2759 : vector<16xi32>
    %select_n3A_2761 = arith.select %eq3A_2760, %sub3A_2735, %select_n3A_2757 : vector<16xi1>, vector<16xf32>
    %swap3A_2762 = arith.constant 6 : i32
    %swap3A_2763 = arith.index_cast %swap3A_2762 : i32 to index
    %swap3A_2764 = arith.constant 0 : index
    %swap3A_2765 = tpu.vector_load %arg5[%swap3A_2763, %swap3A_2764] {strides = array<i32>} : memref<8x16xf32, #tpu.memory_space<vmem>>, vector<16xf32>,
    tpu.vector_store %arg5[%swap3A_2763, %swap3A_2764], %select_n3A_2761 {strides = array<i32>} : memref<8x16xf32, #tpu.memory_space<vmem>>, vector<16xf32>,
    %eq3A_2766 = arith.cmpi eq, %add3A_5, %broadcast_in_dim3A_1523 : vector<16xi32>
    %jit3A_2767 = arith.constant 0.000000e+00 : f32
    %broadcast_in_dim3A_2768 = vector.broadcast %jit3A_2767 : f32 to vector<16xf32>
    %select_n3A_2769 = arith.select %eq3A_2766, %add3A_2057, %broadcast_in_dim3A_2768 : vector<16xi1>, vector<16xf32>
    %eq3A_2770 = arith.cmpi eq, %add3A_5, %broadcast_in_dim3A_1582 : vector<16xi32>
    %jit3A_2771 = arith.constant 0.000000e+00 : f32
    %broadcast_in_dim3A_2772 = vector.broadcast %jit3A_2771 : f32 to vector<16xf32>
    %select_n3A_2773 = arith.select %eq3A_2770, %add3A_2057, %broadcast_in_dim3A_2772 : vector<16xi1>, vector<16xf32>
    %eq3A_2774 = arith.cmpi eq, %add3A_9, %broadcast_in_dim3A_1523 : vector<16xi32>
    %jit3A_2775 = arith.constant 0.000000e+00 : f32
    %broadcast_in_dim3A_2776 = vector.broadcast %jit3A_2775 : f32 to vector<16xf32>
    %select_n3A_2777 = arith.select %eq3A_2774, %add3A_2062, %broadcast_in_dim3A_2776 : vector<16xi1>, vector<16xf32>
    %add3A_2778 = arith.addf %select_n3A_2769, %select_n3A_2777 : vector<16xf32>
    %eq3A_2779 = arith.cmpi eq, %add3A_9, %broadcast_in_dim3A_1582 : vector<16xi32>
    %jit3A_2780 = arith.constant 0.000000e+00 : f32
    %broadcast_in_dim3A_2781 = vector.broadcast %jit3A_2780 : f32 to vector<16xf32>
    %select_n3A_2782 = arith.select %eq3A_2779, %add3A_2062, %broadcast_in_dim3A_2781 : vector<16xi1>, vector<16xf32>
    %add3A_2783 = arith.addf %select_n3A_2773, %select_n3A_2782 : vector<16xf32>
    %eq3A_2784 = arith.cmpi eq, %add3A_13, %broadcast_in_dim3A_1523 : vector<16xi32>
    %jit3A_2785 = arith.constant 0.000000e+00 : f32
    %broadcast_in_dim3A_2786 = vector.broadcast %jit3A_2785 : f32 to vector<16xf32>
    %select_n3A_2787 = arith.select %eq3A_2784, %add3A_2067, %broadcast_in_dim3A_2786 : vector<16xi1>, vector<16xf32>
    %add3A_2788 = arith.addf %add3A_2778, %select_n3A_2787 : vector<16xf32>
    %eq3A_2789 = arith.cmpi eq, %add3A_13, %broadcast_in_dim3A_1582 : vector<16xi32>
    %jit3A_2790 = arith.constant 0.000000e+00 : f32
    %broadcast_in_dim3A_2791 = vector.broadcast %jit3A_2790 : f32 to vector<16xf32>
    %select_n3A_2792 = arith.select %eq3A_2789, %add3A_2067, %broadcast_in_dim3A_2791 : vector<16xi1>, vector<16xf32>
    %add3A_2793 = arith.addf %add3A_2783, %select_n3A_2792 : vector<16xf32>
    %eq3A_2794 = arith.cmpi eq, %add3A_17, %broadcast_in_dim3A_1523 : vector<16xi32>
    %jit3A_2795 = arith.constant 0.000000e+00 : f32
    %broadcast_in_dim3A_2796 = vector.broadcast %jit3A_2795 : f32 to vector<16xf32>
    %select_n3A_2797 = arith.select %eq3A_2794, %add3A_2072, %broadcast_in_dim3A_2796 : vector<16xi1>, vector<16xf32>
    %add3A_2798 = arith.addf %add3A_2788, %select_n3A_2797 : vector<16xf32>
    %eq3A_2799 = arith.cmpi eq, %add3A_17, %broadcast_in_dim3A_1582 : vector<16xi32>
    %jit3A_2800 = arith.constant 0.000000e+00 : f32
    %broadcast_in_dim3A_2801 = vector.broadcast %jit3A_2800 : f32 to vector<16xf32>
    %select_n3A_2802 = arith.select %eq3A_2799, %add3A_2072, %broadcast_in_dim3A_2801 : vector<16xi1>, vector<16xf32>
    %add3A_2803 = arith.addf %add3A_2793, %select_n3A_2802 : vector<16xf32>
    %broadcast_in_dim3A_2804 = arith.constant true
    %broadcast_in_dim3A_2805 = vector.broadcast %broadcast_in_dim3A_2804 : i1 to vector<16xi1>
    %masked_cumsum3A_2806 = tpu.scan <sum>, %add3A_2798 masked %broadcast_in_dim3A_2805 : vector<16xf32>, vector<16xi1> -> vector<16xf32>
    %slice3A_2807 = vector.extract_strided_slice %masked_cumsum3A_2806 {offsets = [15], sizes = [1], strides = [1]} : vector<16xf32> to vector<1xf32>
    %squeeze3A_2808 = vector.extract %slice3A_2807[0] : f32 from vector<1xf32>
    %broadcast_in_dim3A_2809 = vector.broadcast %squeeze3A_2808 : f32 to vector<16xf32>
    %add3A_2810 = arith.addf %broadcast_in_dim3A_1615, %broadcast_in_dim3A_2809 : vector<16xf32>
    %broadcast_in_dim3A_2811 = arith.constant true
    %broadcast_in_dim3A_2812 = vector.broadcast %broadcast_in_dim3A_2811 : i1 to vector<16xi1>
    %masked_cumsum3A_2813 = tpu.scan <sum>, %add3A_2803 masked %broadcast_in_dim3A_2812 : vector<16xf32>, vector<16xi1> -> vector<16xf32>
    %slice3A_2814 = vector.extract_strided_slice %masked_cumsum3A_2813 {offsets = [15], sizes = [1], strides = [1]} : vector<16xf32> to vector<1xf32>
    %squeeze3A_2815 = vector.extract %slice3A_2814[0] : f32 from vector<1xf32>
    %broadcast_in_dim3A_2816 = vector.broadcast %squeeze3A_2815 : f32 to vector<16xf32>
    %add3A_2817 = arith.addf %broadcast_in_dim3A_1656, %broadcast_in_dim3A_2816 : vector<16xf32>
    %lt3A_2818 = arith.constant 1.600000e+01 : f32
    %lt3A_2819 = vector.broadcast %lt3A_2818 : f32 to vector<16xf32>
    %lt3A_2820 = arith.cmpf olt, %add3A_2810, %lt3A_2819 : vector<16xf32>
    %jit3A_2821 = arith.constant 2.550000e+02 : f32
    %broadcast_in_dim3A_2822 = vector.broadcast %jit3A_2821 : f32 to vector<16xf32>
    %select_n3A_2823 = arith.select %lt3A_2820, %add3A_2810, %broadcast_in_dim3A_2822 : vector<16xi1>, vector<16xf32>
    %lt3A_2824 = arith.constant 1.600000e+01 : f32
    %lt3A_2825 = vector.broadcast %lt3A_2824 : f32 to vector<16xf32>
    %lt3A_2826 = arith.cmpf olt, %add3A_2817, %lt3A_2825 : vector<16xf32>
    %jit3A_2827 = arith.constant 2.550000e+02 : f32
    %broadcast_in_dim3A_2828 = vector.broadcast %jit3A_2827 : f32 to vector<16xf32>
    %select_n3A_2829 = arith.select %lt3A_2826, %add3A_2817, %broadcast_in_dim3A_2828 : vector<16xi1>, vector<16xf32>
    %convert_element_type3A_2830 = arith.sitofp %broadcast_in_dim3A_1523 : vector<16xi32> to vector<16xf32>
    %convert_element_type3A_2831 = arith.sitofp %broadcast_in_dim3A_1582 : vector<16xi32> to vector<16xf32>
    %sub3A_2832 = arith.constant 1.000000e+00 : f32
    %sub3A_2833 = vector.broadcast %sub3A_2832 : f32 to vector<16xf32>
    %sub3A_2834 = arith.subf %sub3A_2833, %div3A_1590 : vector<16xf32>
    %broadcast_in_dim3A_2835 = arith.constant 0.000000e+00 : f32
    %broadcast_in_dim3A_2836 = vector.broadcast %broadcast_in_dim3A_2835 : f32 to vector<16xf32>
    %eq3A_2837 = arith.constant 0 : i32
    %eq3A_2838 = vector.broadcast %eq3A_2837 : i32 to vector<16xi32>
    %eq3A_2839 = arith.cmpi eq, %iota3A_2073, %eq3A_2838 : vector<16xi32>
    %select_n3A_2840 = arith.select %eq3A_2839, %convert_element_type3A_2830, %broadcast_in_dim3A_2836 : vector<16xi1>, vector<16xf32>
    %eq3A_2841 = arith.constant 1 : i32
    %eq3A_2842 = vector.broadcast %eq3A_2841 : i32 to vector<16xi32>
    %eq3A_2843 = arith.cmpi eq, %iota3A_2073, %eq3A_2842 : vector<16xi32>
    %select_n3A_2844 = arith.select %eq3A_2843, %convert_element_type3A_2831, %select_n3A_2840 : vector<16xi1>, vector<16xf32>
    %eq3A_2845 = arith.constant 2 : i32
    %eq3A_2846 = vector.broadcast %eq3A_2845 : i32 to vector<16xi32>
    %eq3A_2847 = arith.cmpi eq, %iota3A_2073, %eq3A_2846 : vector<16xi32>
    %select_n3A_2848 = arith.select %eq3A_2847, %select_n3A_2823, %select_n3A_2844 : vector<16xi1>, vector<16xf32>
    %eq3A_2849 = arith.constant 3 : i32
    %eq3A_2850 = vector.broadcast %eq3A_2849 : i32 to vector<16xi32>
    %eq3A_2851 = arith.cmpi eq, %iota3A_2073, %eq3A_2850 : vector<16xi32>
    %select_n3A_2852 = arith.select %eq3A_2851, %select_n3A_2829, %select_n3A_2848 : vector<16xi1>, vector<16xf32>
    %eq3A_2853 = arith.constant 4 : i32
    %eq3A_2854 = vector.broadcast %eq3A_2853 : i32 to vector<16xi32>
    %eq3A_2855 = arith.cmpi eq, %iota3A_2073, %eq3A_2854 : vector<16xi32>
    %select_n3A_2856 = arith.select %eq3A_2855, %div3A_1590, %select_n3A_2852 : vector<16xi1>, vector<16xf32>
    %eq3A_2857 = arith.constant 5 : i32
    %eq3A_2858 = vector.broadcast %eq3A_2857 : i32 to vector<16xi32>
    %eq3A_2859 = arith.cmpi eq, %iota3A_2073, %eq3A_2858 : vector<16xi32>
    %select_n3A_2860 = arith.select %eq3A_2859, %sub3A_2834, %select_n3A_2856 : vector<16xi1>, vector<16xf32>
    %swap3A_2861 = arith.constant 7 : i32
    %swap3A_2862 = arith.index_cast %swap3A_2861 : i32 to index
    %swap3A_2863 = arith.constant 0 : index
    %swap3A_2864 = tpu.vector_load %arg5[%swap3A_2862, %swap3A_2863] {strides = array<i32>} : memref<8x16xf32, #tpu.memory_space<vmem>>, vector<16xf32>,
    tpu.vector_store %arg5[%swap3A_2862, %swap3A_2863], %select_n3A_2860 {strides = array<i32>} : memref<8x16xf32, #tpu.memory_space<vmem>>, vector<16xf32>,
    "tpu.region"() ({
      %run_scoped3A = tpu.sem_alloc : memref<!tpu.dma_semaphore, #tpu.memory_space<semaphore_mem>>
      %dma_start3A = arith.constant 0 : i32
      %dma_start3A_2865 = tpu.memref_slice %arg3[%mul3A_2, %dma_start3A] : memref<128x16xf32, #tpu.memory_space<hbm>> -> memref<8x16xf32, #tpu.memory_space<hbm>>
      %dma_start3A_2866 = arith.constant 0 : i32
      %dma_start3A_2867 = tpu.memref_slice %arg3[%mul3A_2, %dma_start3A_2866] : memref<128x16xf32, #tpu.memory_space<hbm>> -> memref<8x16xf32, #tpu.memory_space<hbm>>
      tpu.enqueue_dma source(%arg5 : memref<8x16xf32, #tpu.memory_space<vmem>>) target(%dma_start3A_2867 : memref<8x16xf32, #tpu.memory_space<hbm>>) target_semaphore(%run_scoped3A : memref<!tpu.dma_semaphore, #tpu.memory_space<semaphore_mem>>)
      %dma_wait3A = arith.constant 0 : i32
      %dma_wait3A_2868 = tpu.memref_slice %arg3[%mul3A_2, %dma_wait3A] : memref<128x16xf32, #tpu.memory_space<hbm>> -> memref<8x16xf32, #tpu.memory_space<hbm>>
      %dma_wait3A_2869 = arith.constant 0 : i32
      %dma_wait3A_2870 = tpu.memref_slice %arg3[%mul3A_2, %dma_wait3A_2869] : memref<128x16xf32, #tpu.memory_space<hbm>> -> memref<8x16xf32, #tpu.memory_space<hbm>>
      tpu.wait_dma2 semaphore(%run_scoped3A : memref<!tpu.dma_semaphore, #tpu.memory_space<semaphore_mem>>) src(%arg5 : memref<8x16xf32, #tpu.memory_space<vmem>>) dst(%dma_wait3A_2870 : memref<8x16xf32, #tpu.memory_space<hbm>>)
      tpu.yield
    }) : () -> ()
    return
  }
}

module attributes {stable_mosaic.version = 14 : i64} {
  func.func @_moe_kernel(%arg0: i32, %arg1: memref<128x1024xf32, #tpu.memory_space<vmem>>, %arg2: memref<128x16xf32, #tpu.memory_space<vmem>>, %arg3: memref<1x1024x1536xf32, #tpu.memory_space<vmem>>, %arg4: memref<1x768x1024xf32, #tpu.memory_space<vmem>>, %arg5: memref<128x1024xf32, #tpu.memory_space<vmem>>) attributes {dimension_semantics = [#tpu.dimension_semantics<arbitrary>], iteration_bounds = array<i64: 64>, scalar_prefetch = 0 : i64, scratch_operands = 0 : i64, tpu.core_type = #tpu.core_type<tc>, window_params = [{pipeline_mode = #tpu.pipeline_mode<synchronous>, transform_indices = @transform_0, window_bounds = array<i64: 128, 1024>}, {pipeline_mode = #tpu.pipeline_mode<synchronous>, transform_indices = @transform_1, window_bounds = array<i64: 128, 16>}, {transform_indices = @transform_2, window_bounds = array<i64: 1, 1024, 1536>}, {transform_indices = @transform_3, window_bounds = array<i64: 1, 768, 1024>}, {pipeline_mode = #tpu.pipeline_mode<synchronous>, transform_indices = @transform_4, window_bounds = array<i64: 128, 1024>}]} {
    %convert_element_type3A = arith.sitofp %arg0 : i32 to f32
    %get3A = arith.constant 0 : index
    %get3A_0 = arith.constant 0 : index
    %get3A_1 = vector.load %arg2[%get3A, %get3A_0] : memref<128x16xf32, #tpu.memory_space<vmem>>, vector<128x1xf32>
    %get3A_2 = arith.constant 0 : index
    %get3A_3 = arith.constant 1 : index
    %get3A_4 = vector.load %arg2[%get3A_2, %get3A_3] : memref<128x16xf32, #tpu.memory_space<vmem>>, vector<128x1xf32>
    %get3A_5 = arith.constant 0 : index
    %get3A_6 = arith.constant 2 : index
    %get3A_7 = vector.load %arg2[%get3A_5, %get3A_6] : memref<128x16xf32, #tpu.memory_space<vmem>>, vector<128x1xf32>
    %get3A_8 = arith.constant 0 : index
    %get3A_9 = arith.constant 3 : index
    %get3A_10 = vector.load %arg2[%get3A_8, %get3A_9] : memref<128x16xf32, #tpu.memory_space<vmem>>, vector<128x1xf32>
    %get3A_11 = arith.constant 0 : index
    %get3A_12 = arith.constant 4 : index
    %get3A_13 = vector.load %arg2[%get3A_11, %get3A_12] : memref<128x16xf32, #tpu.memory_space<vmem>>, vector<128x1xf32>
    %get3A_14 = arith.constant 0 : index
    %get3A_15 = arith.constant 5 : index
    %get3A_16 = vector.load %arg2[%get3A_14, %get3A_15] : memref<128x16xf32, #tpu.memory_space<vmem>>, vector<128x1xf32>
    %iota3A = tpu.iota {dimensions = array<i32: 1>} : vector<128x16xi32>
    %convert_element_type3A_17 = arith.sitofp %iota3A : vector<128x16xi32> to vector<128x16xf32>
    %eq3A = vector.broadcast %convert_element_type3A : f32 to vector<128x1xf32>
    %eq3A_18 = arith.cmpf oeq, %get3A_1, %eq3A : vector<128x1xf32>
    %eq3A_19 = vector.broadcast %get3A_7 : vector<128x1xf32> to vector<128x16xf32>
    %eq3A_20 = arith.cmpf oeq, %eq3A_19, %convert_element_type3A_17 : vector<128x16xf32>
    %and3A = vector.broadcast %eq3A_18 : vector<128x1xi1> to vector<128x16xi1>
    %and3A_21 = arith.andi %and3A, %eq3A_20 : vector<128x16xi1>
    %convert_element_type3A_22 = arith.extui %and3A_21 : vector<128x16xi1> to vector<128x16xi32>
    %convert_element_type3A_23 = arith.sitofp %convert_element_type3A_22 : vector<128x16xi32> to vector<128x16xf32>
    %eq3A_24 = vector.broadcast %convert_element_type3A : f32 to vector<128x1xf32>
    %eq3A_25 = arith.cmpf oeq, %get3A_4, %eq3A_24 : vector<128x1xf32>
    %eq3A_26 = vector.broadcast %get3A_10 : vector<128x1xf32> to vector<128x16xf32>
    %eq3A_27 = arith.cmpf oeq, %eq3A_26, %convert_element_type3A_17 : vector<128x16xf32>
    %and3A_28 = vector.broadcast %eq3A_25 : vector<128x1xi1> to vector<128x16xi1>
    %and3A_29 = arith.andi %and3A_28, %eq3A_27 : vector<128x16xi1>
    %convert_element_type3A_30 = arith.extui %and3A_29 : vector<128x16xi1> to vector<128x16xi32>
    %convert_element_type3A_31 = arith.sitofp %convert_element_type3A_30 : vector<128x16xi32> to vector<128x16xf32>
    %add3A = arith.addf %convert_element_type3A_23, %convert_element_type3A_31 : vector<128x16xf32>
    %mul3A = vector.broadcast %get3A_13 : vector<128x1xf32> to vector<128x16xf32>
    %mul3A_32 = arith.mulf %convert_element_type3A_23, %mul3A : vector<128x16xf32>
    %mul3A_33 = vector.broadcast %get3A_16 : vector<128x1xf32> to vector<128x16xf32>
    %mul3A_34 = arith.mulf %convert_element_type3A_31, %mul3A_33 : vector<128x16xf32>
    %add3A_35 = arith.addf %mul3A_32, %mul3A_34 : vector<128x16xf32>
    %get3A_36 = arith.constant 0 : index
    %get3A_37 = arith.constant 0 : index
    %get3A_38 = vector.load %arg1[%get3A_36, %get3A_37] : memref<128x1024xf32, #tpu.memory_space<vmem>>, vector<128x1024xf32>
    %dot_general3A = arith.constant dense<0.000000e+00> : vector<16x1024xf32>
    %dot_general3A_39 = tpu.matmul %add3A, %get3A_38, %dot_general3A {dimension_numbers = #tpu.dot_dimension_numbers<[0], [0], [1], [1], [0, 1, 1, 1], [], []>, transpose_lhs_hint = false} : vector<128x16xf32>, vector<128x1024xf32>, vector<16x1024xf32> -> vector<16x1024xf32>
    %convert_element_type3A_40 = arith.truncf %dot_general3A_39 : vector<16x1024xf32> to vector<16x1024xbf16>
    %get3A_41 = arith.constant 0 : index
    %get3A_42 = arith.constant 0 : index
    %get3A_43 = arith.constant 0 : index
    %get3A_44 = vector.load %arg3[%get3A_41, %get3A_42, %get3A_43] : memref<1x1024x1536xf32, #tpu.memory_space<vmem>>, vector<1x1024x1536xf32>
    %get3A_45 = vector.shape_cast %get3A_44 : vector<1x1024x1536xf32> to vector<1024x1536xf32>
    %convert_element_type3A_46 = arith.truncf %get3A_45 : vector<1024x1536xf32> to vector<1024x1536xbf16>
    %dot_general3A_47 = arith.constant dense<0.000000e+00> : vector<16x1536xf32>
    %dot_general3A_48 = tpu.matmul %convert_element_type3A_40, %convert_element_type3A_46, %dot_general3A_47 {dimension_numbers = #tpu.dot_dimension_numbers<[1], [0], [0], [1], [0, 0, 1, 1], [], []>, transpose_lhs_hint = false} : vector<16x1024xbf16>, vector<1024x1536xbf16>, vector<16x1536xf32> -> vector<16x1536xf32>
    %slice3A = vector.extract_strided_slice %dot_general3A_48 {offsets = [0, 0], sizes = [16, 768], strides = [1, 1]} : vector<16x1536xf32> to vector<16x768xf32>
    %min3A = arith.constant 7.000000e+00 : f32
    %min3A_49 = vector.broadcast %min3A : f32 to vector<16x768xf32>
    %min3A_50 = arith.minimumf %slice3A, %min3A_49 : vector<16x768xf32>
    %slice3A_51 = vector.extract_strided_slice %dot_general3A_48 {offsets = [0, 768], sizes = [16, 768], strides = [1, 1]} : vector<16x1536xf32> to vector<16x768xf32>
    %jit3A = arith.constant -7.000000e+00 : f32
    %jit3A_52 = arith.constant 7.000000e+00 : f32
    %max3A = vector.broadcast %jit3A : f32 to vector<16x768xf32>
    %max3A_53 = arith.maximumf %max3A, %slice3A_51 : vector<16x768xf32>
    %min3A_54 = vector.broadcast %jit3A_52 : f32 to vector<16x768xf32>
    %min3A_55 = arith.minimumf %min3A_54, %max3A_53 : vector<16x768xf32>
    %mul3A_56 = arith.constant 1.702000e+00 : f32
    %mul3A_57 = vector.broadcast %mul3A_56 : f32 to vector<16x768xf32>
    %mul3A_58 = arith.mulf %min3A_50, %mul3A_57 : vector<16x768xf32>
    %logistic3A = arith.negf %mul3A_58 : vector<16x768xf32>
    %logistic3A_59 = math.exp %logistic3A : vector<16x768xf32>
    %logistic3A_60 = arith.constant 1.000000e+00 : f32
    %logistic3A_61 = vector.broadcast %logistic3A_60 : f32 to vector<16x768xf32>
    %logistic3A_62 = arith.addf %logistic3A_61, %logistic3A_59 : vector<16x768xf32>
    %logistic3A_63 = arith.divf %logistic3A_61, %logistic3A_62 : vector<16x768xf32>
    %mul3A_64 = arith.mulf %min3A_50, %logistic3A_63 : vector<16x768xf32>
    %add3A_65 = arith.constant 1.000000e+00 : f32
    %add3A_66 = vector.broadcast %add3A_65 : f32 to vector<16x768xf32>
    %add3A_67 = arith.addf %min3A_55, %add3A_66 : vector<16x768xf32>
    %mul3A_68 = arith.mulf %add3A_67, %mul3A_64 : vector<16x768xf32>
    %convert_element_type3A_69 = arith.truncf %mul3A_68 : vector<16x768xf32> to vector<16x768xbf16>
    %get3A_70 = arith.constant 0 : index
    %get3A_71 = arith.constant 0 : index
    %get3A_72 = arith.constant 0 : index
    %get3A_73 = vector.load %arg4[%get3A_70, %get3A_71, %get3A_72] : memref<1x768x1024xf32, #tpu.memory_space<vmem>>, vector<1x768x1024xf32>
    %get3A_74 = vector.shape_cast %get3A_73 : vector<1x768x1024xf32> to vector<768x1024xf32>
    %convert_element_type3A_75 = arith.truncf %get3A_74 : vector<768x1024xf32> to vector<768x1024xbf16>
    %dot_general3A_76 = arith.constant dense<0.000000e+00> : vector<16x1024xf32>
    %dot_general3A_77 = tpu.matmul %convert_element_type3A_69, %convert_element_type3A_75, %dot_general3A_76 {dimension_numbers = #tpu.dot_dimension_numbers<[1], [0], [0], [1], [0, 0, 1, 1], [], []>, transpose_lhs_hint = false} : vector<16x768xbf16>, vector<768x1024xbf16>, vector<16x1024xf32> -> vector<16x1024xf32>
    %dot_general3A_78 = arith.constant dense<0.000000e+00> : vector<128x1024xf32>
    %dot_general3A_79 = tpu.matmul %add3A_35, %dot_general3A_77, %dot_general3A_78 {dimension_numbers = #tpu.dot_dimension_numbers<[1], [0], [0], [1], [0, 0, 1, 1], [], []>, transpose_lhs_hint = false} : vector<128x16xf32>, vector<16x1024xf32>, vector<128x1024xf32> -> vector<128x1024xf32>
    %eq3A_80 = arith.constant 0 : i32
    %eq3A_81 = arith.cmpi eq, %arg0, %eq3A_80 : i32
    %convert_element_type3A_82 = arith.extui %eq3A_81 : i1 to i32
    %cond3A = arith.constant 0 : i32
    %cond3A_83 = arith.cmpi ne, %convert_element_type3A_82, %cond3A : i32
    scf.if %cond3A_83 {
      %swap3A = arith.constant 0 : index
      %swap3A_88 = arith.constant 0 : index
      %swap3A_89 = vector.load %arg5[%swap3A, %swap3A_88] : memref<128x1024xf32, #tpu.memory_space<vmem>>, vector<128x1024xf32>
      tpu.vector_store %arg5[%swap3A, %swap3A_88], %dot_general3A_79 {strides = array<i32>} : memref<128x1024xf32, #tpu.memory_space<vmem>>, vector<128x1024xf32>,
    } else {
    }
    %gt3A = arith.constant 0 : i32
    %gt3A_84 = arith.cmpi sgt, %arg0, %gt3A : i32
    %convert_element_type3A_85 = arith.extui %gt3A_84 : i1 to i32
    %cond3A_86 = arith.constant 0 : i32
    %cond3A_87 = arith.cmpi ne, %convert_element_type3A_85, %cond3A_86 : i32
    scf.if %cond3A_87 {
      %get3A_88 = arith.constant 0 : index
      %get3A_89 = arith.constant 0 : index
      %get3A_90 = vector.load %arg5[%get3A_88, %get3A_89] : memref<128x1024xf32, #tpu.memory_space<vmem>>, vector<128x1024xf32>
      %add3A_91 = arith.addf %get3A_90, %dot_general3A_79 : vector<128x1024xf32>
      %swap3A = arith.constant 0 : index
      %swap3A_92 = arith.constant 0 : index
      %swap3A_93 = vector.load %arg5[%swap3A, %swap3A_92] : memref<128x1024xf32, #tpu.memory_space<vmem>>, vector<128x1024xf32>
      tpu.vector_store %arg5[%swap3A, %swap3A_92], %add3A_91 {strides = array<i32>} : memref<128x1024xf32, #tpu.memory_space<vmem>>, vector<128x1024xf32>,
    } else {
    }
    return
  }
  func.func @transform_0(%arg0: i32) -> (i32, i32) {
    %c0_i32 = arith.constant 0 : i32
    %c0_i32_0 = arith.constant 0 : i32
    %c0_i32_1 = arith.constant 0 : i32
    return %c0_i32, %c0_i32_0 : i32, i32
  }
  func.func @transform_1(%arg0: i32) -> (i32, i32) {
    %c0_i32 = arith.constant 0 : i32
    %c0_i32_0 = arith.constant 0 : i32
    %c0_i32_1 = arith.constant 0 : i32
    return %c0_i32, %c0_i32_0 : i32, i32
  }
  func.func @transform_2(%arg0: i32) -> (i32, i32, i32) {
    %c0_i32 = arith.constant 0 : i32
    %c0_i32_0 = arith.constant 0 : i32
    %c0_i32_1 = arith.constant 0 : i32
    return %arg0, %c0_i32, %c0_i32_0 : i32, i32, i32
  }
  func.func @transform_3(%arg0: i32) -> (i32, i32, i32) {
    %c0_i32 = arith.constant 0 : i32
    %c0_i32_0 = arith.constant 0 : i32
    %c0_i32_1 = arith.constant 0 : i32
    return %arg0, %c0_i32, %c0_i32_0 : i32, i32, i32
  }
  func.func @transform_4(%arg0: i32) -> (i32, i32) {
    %c0_i32 = arith.constant 0 : i32
    %c0_i32_0 = arith.constant 0 : i32
    %c0_i32_1 = arith.constant 0 : i32
    return %c0_i32, %c0_i32_0 : i32, i32
  }
}

</mosaic_0001>

<sc_bundles>
// kernel: kernel.4.cloned.1.call-start
scs
__scs_entry_jumppad:
0x0: {  	(pc) =	sbr.rel $0x88, $3  }
0x1: {  	(tag) =	ssettag $0x0;
	lr =	simm.s32 $0x1  }
0x2: {  	[smem:$0x3F9D] =	sst lr;
	_ =	strace $0xD0000000  }
0x3: {  	_ = 	snop  }
0x4: {  	_ = 	snop  }
0x5: {  	_ = 	snop  }
0x6: {  	_ = 	snop  }
0x7: {  	_ = 	snop  }
__scs_overlays_trampoline_lowered:
0x8: {  	[smem:$0x3FAC] =	sst s0  }
0x9: {  	[smem:$0x3FAD] =	sst s1  }
0xa: {  	[smem:$0x3FAE] =	sst s2  }
0xb: {  	[smem:$0x3FAF] =	sst s3  }
0xc: {  	[smem:$0x3FB0] =	sst s4  }
0xd: {  	[smem:$0x3FB1] =	sst s5  }
0xe: {  	[smem:$0x3FB2] =	sst s6  }
0xf: {  	[smem:$0x3FB3] =	sst s7  }
0x10: {  	[smem:$0x3FB4] =	sst s8  }
0x11: {  	[smem:$0x3FB5] =	sst s9;
	s0 =	simm.s32 @!p0 $0x0  }
0x12: {  	s1 =	sld [smem:$0x3F9B];
	s0 =	simm.s32 @p0 $0x1  }
0x13: {  	[smem:$0x3FB6] =	sst s0;
	s0 =	simm.s32 @!p1 $0x0  }
0x14: {  	s2 =	sld [smem:$0x3F9A];
	s0 =	simm.s32 @p1 $0x1  }
0x15: {  	[smem:$0x3FB7] =	sst s0;
	s0 =	simm.s32 @!p2 $0x0  }
0x16: {  	s3 =	sld [smem:$0x3FDB];
	s0 =	simm.s32 @p2 $0x1  }
0x17: {  	s4 =	simm.s32 $0x1BF5;
	[smem:$0x3FB9] =	sst s0  }
0x18: {  	s0 =	sld [smem:$0x3F9C];
	_ =	swait.ge [sflag:s4], $0x0  }
0x19: {  	s7 =	sld [smem:$0x3F9D]  }
0x1a: {  	s8 =	sadd.s32 $0xFFFFE003, lr  }
0x1b: {  	s9 =	sadd.s32 $0xFFFFFEF7, lr;
	s5 =	simm.s32 $0xFFFFFFFF;
	p2 =	slt.u32 s8, $0xFFFFF086  }
0x1c: {  	p1 =	slt.u32 s9, $0xF7A;
	s5 =	simm.s32 @!p2 $0x0  }
0x1d: {  	s5 =	simm.s32 @p1 $0x1;
	p0 =	seq.s32 s7, s2  }
0x1e: {  	s7 =	smul.u32 @!p0 $0xF7A, s2;
	p2 =	seq.s32 @!p0 s5, $0x0  }
0x1f: {  	s9 =	smul.u32 $0xF7A, s1;
	s8 =	simm.s32 @!p0 $0x1BF5;
	p2 =	por !p2, p0  }
0x20: {  	[sflag:s8] =	ssyncset.s32 @!p0 $0xFFFFF086;
	s6 =	sadd.s32 @!p0 s3, s7;
	s7 =	simm.s32 @!p0 $0x108  }
0x21: {  	s3 =	sadd.s32 s3, s9;
	s6 =	sadd.s32 @!p0 $0x88, s6;
	s7 =	simm.s32 @p2 $0x1082  }
0x22: {  	[simem:s7], [sflag:s8] =	dma.local @!p0 [hbm:s6], $0xF7A  }
0x23: {  	s9 =	sor.u32 $0xD0000000, s2;
	s6 =	simm.s32 $0x108;
	_ =	swait.ge @!p0 [sflag:s8], $0x0  }
0x24: {  	s3 =	sadd.s32 $0x88, s3;
	s6 =	simm.s32 @!p1 $0x1082;
	[sflag:s4] =	ssyncset.s32 $0xFFFFF086  }
0x25: {  	[simem:s6], [sflag:s4] =	dma.local [hbm:s3], $0xF7A  }
0x26: {  	[smem:$0x3F9D] =	sst s1;
	(tag) =	ssettag s2;
	_ =	strace s9  }
0x27: {  	s1 =	sld [smem:$0x3FAD]  }
0x28: {  	s2 =	sld [smem:$0x3FAE]  }
0x29: {  	s4 =	sld [smem:$0x3FB0]  }
0x2a: {  	p0 =	seq.s32 s5, $0x0;
	s5 =	sld [smem:$0x3FB1]  }
0x2b: {  	s6 =	sld [smem:$0x3FB2]  }
0x2c: {  	s7 =	sld [smem:$0x3FB3]  }
0x2d: {  	s3 =	simm.s32 $0x108;
	s8 =	sld [smem:$0x3FB4]  }
0x2e: {  	s3 =	simm.s32 @!p0 $0x1082;
	s9 =	sld [smem:$0x3FB5]  }
0x2f: {  	lr =	sadd.s32 s0, s3;
	s0 =	sld [smem:$0x3FAC]  }
0x30: {  	s3 =	sld [smem:$0x3FAF]  }
0x31: {  	[smem:$0x3FB8] =	sst s10  }
0x32: {  	s10 =	sld [smem:$0x3FB6];
	_ =	sdelay $0x3  }
0x33: {  	p0 =	seq.s32 s10, $0x1;
	s10 =	sld [smem:$0x3FB8];
	_ =	sdelay $0x3  }
0x34: {  	[smem:$0x3FB8] =	sst s10  }
0x35: {  	s10 =	sld [smem:$0x3FB7];
	_ =	sdelay $0x3  }
0x36: {  	p1 =	seq.s32 s10, $0x1;
	s10 =	sld [smem:$0x3FB8];
	_ =	sdelay $0x3  }
0x37: {  	[smem:$0x3FB8] =	sst s10  }
0x38: {  	s10 =	sld [smem:$0x3FB9]  }
0x39: {  	_ = 	snop;
	(pc) =	sbr.ind lr, $3  }
0x3a: {  	_ = 	snop  }
0x3b: {  	_ = 	snop  }
0x3c: {  	p2 =	seq.s32 s10, $0x1;
	s10 =	sld [smem:$0x3FB8]  }
0x3d: {  	_ =	shalt  }
0x3e: {  	_ =	shalt  }
0x3f: {  	_ =	shalt  }
0x40: {  	_ =	shalt  }
0x41: {  	_ =	shalt  }
0x42: {  	_ =	shalt  }
0x43: {  	_ =	shalt  }
0x44: {  	_ =	shalt  }
0x45: {  	_ =	shalt  }
0x46: {  	_ =	shalt  }
0x47: {  	_ =	shalt  }
0x48: {  	_ =	shalt  }
0x49: {  	_ =	shalt  }
0x4a: {  	_ =	shalt  }
0x4b: {  	_ =	shalt  }
0x4c: {  	_ =	shalt  }
0x4d: {  	_ =	shalt  }
0x4e: {  	_ =	shalt  }
0x4f: {  	_ =	shalt  }
0x50: {  	_ =	shalt  }
0x51: {  	_ =	shalt  }
0x52: {  	_ =	shalt  }
0x53: {  	_ =	shalt  }
0x54: {  	_ =	shalt  }
0x55: {  	_ =	shalt  }
0x56: {  	_ =	shalt  }
0x57: {  	_ =	shalt  }
0x58: {  	_ =	shalt  }
0x59: {  	_ =	shalt  }
0x5a: {  	_ =	shalt  }
0x5b: {  	_ =	shalt  }
0x5c: {  	_ =	shalt  }
0x5d: {  	_ =	shalt  }
0x5e: {  	_ =	shalt  }
0x5f: {  	_ =	shalt  }
0x60: {  	_ =	shalt  }
0x61: {  	_ =	shalt  }
0x62: {  	_ =	shalt  }
0x63: {  	_ =	shalt  }
0x64: {  	_ =	shalt  }
0x65: {  	_ =	shalt  }
0x66: {  	_ =	shalt  }
0x67: {  	_ =	shalt  }
0x68: {  	_ =	shalt  }
0x69: {  	_ =	shalt  }
0x6a: {  	_ =	shalt  }
0x6b: {  	_ =	shalt  }
0x6c: {  	_ =	shalt  }
0x6d: {  	_ =	shalt  }
0x6e: {  	_ =	shalt  }
0x6f: {  	_ =	shalt  }
0x70: {  	_ =	shalt  }
0x71: {  	_ =	shalt  }
0x72: {  	_ =	shalt  }
0x73: {  	_ =	shalt  }
0x74: {  	_ =	shalt  }
0x75: {  	_ =	shalt  }
0x76: {  	_ =	shalt  }
0x77: {  	_ =	shalt  }
0x78: {  	_ =	shalt  }
0x79: {  	_ =	shalt  }
0x7a: {  	_ =	shalt  }
0x7b: {  	_ =	shalt  }
0x7c: {  	_ =	shalt  }
0x7d: {  	_ =	shalt  }
0x7e: {  	_ =	shalt  }
0x7f: {  	_ =	shalt  }
0x80: {  	_ =	shalt  }
0x81: {  	_ =	shalt  }
0x82: {  	_ =	shalt  }
0x83: {  	_ =	shalt  }
0x84: {  	_ =	shalt  }
0x85: {  	_ =	shalt  }
0x86: {  	_ =	shalt  }
0x87: {  	_ =	shalt  }
.Lfunc_end0:
.L_simem_size_0:
called_computation_lowered:
.L_overlay_start_0:
0x88: {  	s0 =	sld [smem:$0x3FD9]  }
0x89: {  	s1 =	sld [smem:$0x3FFE];
	_ =	sdelay $0x3  }
0x8a: {  	s0 =	sadd.s32 s1, s0  }
0x8b: {  	[smem:$0x3FC4] =	sst s0  }
0x8c: {  	_ = 	snop  }
0x8d: {  	s0 =	sld [smem:$0x3FD0];
	(tm) =	ssettm $0x1  }
0x8e: {  	s16 =	sld [smem:$0x3FFB];
	_ =	sdelay $0x3  }
0x8f: {  	_ =	strace s16  }
0x90: {  	s1 =	sld [smem:$0x3FFC];
	_ =	sdelay $0x3  }
0x91: {  	_ =	strace s1  }
0x92: {  	s1 =	sld [smem:$0x3FFD];
	_ =	sdelay $0x3  }
0x93: {  	_ =	strace s1  }
0x94: {  	_ =	strace $0x8FFFFFFF  }
0x95: {  	s17 =	sld [smem:$0x3FDB];
	_ =	sdelay $0x1  }
0x96: {  	s2 =	simm.s32 $_scs_section_size  }
0x97: {  	s3 =	simm.s32 $_size__tile_overlayer_lowered;
	s4 =	simm.s32 $_tile_overlayer_lowered  }
0x98: {  	s20 =	simm.s32 $0x1BFF;
	s19 =	sshll.u32 s4, $0x1;
	s1 =	sadd.s32 s2, s17  }
0x99: {  	s5 =	simm.s32 $0x0;
	s18 =	sshll.u32 s3, $0x1;
	s3 =	sadd.s32 s19, s1  }
0x9a: {  	[timem:s5], [sflag:s20] =	dma.local [hbm:s3], s18  }
0x9b: {  	_ =	swait.ge [sflag:s20], s18  }
0x9c: {  	s2 =	ssub.s32 $0x0, s18;
	[sflag:s20] =	ssyncset.done $0x0  }
0x9d: {  	[sflag:s20] =	ssyncadd.s32 s2;
	_ =	sdelay $0x1  }
0x9e: {  	s21 =	simm.s32 $0x1B8B  }
0x9f: {  	_ =	swait.ge [sflag:s21], $0x1  }
0xa0: {  	[sflag:s21] =	ssyncset.done $0x0  }
0xa1: {  	s23 =	simm.s32 $0x1B8E;
	s22 =	sld [smem:$0x3FFE];
	[sflag:s21] =	ssyncadd.s32 $0xFFFFFFFF  }
0xa2: {  	s24 =	simm.s32 $execute0_lowered;
	[smem:$0x3FD2] =	sst s23  }
0xa3: {  	s3 =	sshll.u32 s24, $0x1;
	_ =	strace $0x80000046;
	[dreg:$0x1] =	wrdreg $0xFFFFFFFF  }
0xa4: {  	s25 =	simm.s32 $_size_execute0_lowered;
	s1 =	sadd.s32 s1, s3;
	[dreg:$0x0] =	wrdreg $0x0  }
0xa5: {  	s3 =	sshll.u32 s25, $0x1;
	[dreg:$0x2] =	wrdreg s1  }
0xa6: {  	[dreg:$0x3] =	wrdreg s3  }
0xa7: {  	[dreg:$0x4] =	wrdreg $0xC0  }
0xa8: {  	_ =	task [dreg:s5], $0x5FFFF  }
0xa9: {  	[dreg:$0x1] =	wrdreg $0xFFFFFFFF  }
0xaa: {  	[dreg:$0x0] =	wrdreg $0x60  }
0xab: {  	[dreg:$0x2] =	wrdreg s0  }
0xac: {  	[dreg:$0x3] =	wrdreg s22  }
0xad: {  	[dreg:$0x4] =	wrdreg $0xC800  }
0xae: {  	[dreg:$0x5] =	wrdreg $0x9  }
0xaf: {  	_ =	task.clear_ibuf [dreg:s5], $0x6FFFF;
	_ =	strace $0x90000046  }
0xb0: {  	s26 =	simm.s32 $0x9;
	_ =	strace $0x80000048  }
0xb1: {  	_ =	swait.ge [sflag:s26], $0x1  }
0xb2: {  	[sflag:s26] =	ssyncadd.s32 $0xFFFFFFFF  }
0xb3: {  	_ =	strace $0x90000048  }
0xb4: {  	_ =	sfence  }
0xb5: {  	s28 =	sld [smem:$0x0];
	_ =	sdelay $0x1  }
0xb6: {  	s29 =	srdreg.scid  }
0xb7: {  	s30 =	sshll.u32 s29, $0xD;
	s31 =	sshrl.u32 s29, $0x2  }
0xb8: {  	s2 =	sand.u32 $0x4000, s30;
	s1 =	sand.u32 $0x1, s29;
	s0 =	sadd.s32 s31, s28  }
0xb9: {  	s1 =	sor.u32 s2, s1;
	s0 =	sshll.u32 s0, $0x11  }
0xba: {  	s0 =	sor.u32 s0, s1  }
0xbb: {  	s0 =	sadd.s32 $0x8F2B, s0  }
0xbc: {  	[sflag:s0] =	ssyncadd.remote.s32 $0x1  }
0xbd: {  	_ =	sfence.sel $0xFFFF  }
0xbe: {  	[dreg:$0x0] =	wrdreg $0xFFFFFFFF;
	(pc) =	sbr.abs _section_cstart, $3  }
0xbf: {  	[dreg:$0x1] =	wrdreg $0xFFFFFFFF  }
0xc0: {  	_ =	task.clear_ibuf [dreg:s5], $0x2FFFF;
	_ =	strace $0x9FFFFFFF  }
0xc1: {  	(tm) =	ssettm $0x7FFFFFFF  }
tec
execute0_lowered:
.L_overlay_start_1:
0x0: {  	(tag) =	ssettag $0x1  }
0x1: {  	s3 =	rddreg [dreg:$0x0]  }
0x2: {  	s2 =	rddreg [dreg:$0x1]  }
0x3: {  	s6 =	rddreg [dreg:$0x2];
	s1 =	simm.s32 $0x0  }
0x4: {  	[smem:$0x7FF] =	sst s1  }
0x5: {  	s0 =	rddreg [dreg:$0x3];
	v0 =	vimm.f32 $0.0e+00;
	_ =	strace $0x80000047  }
0x6: {  	(xrf2) =	vadd.scan.msk.f32 $0xffff, v0;
	_ =	sdelay $0x6  }
0x7: {  	s5 =	stileid.u32  }
0x8: {  	s4 =	sshll.u32 s5, $0x7  }
0x9: {  	s3 =	sadd.s32 s3, s4  }
0xa: {  	[tilespmem:s1], [sflag:$0x1] =	stream.linear.gather [hbm4b:s3+s1], $0x400, $0x38;
	v0, _, _ =	vpop (xrf2);
	[tilespmem:$0xCC0] =	vst v63  }
0xb: {  	s3 =	simm.s32 $0x1;
	[tilespmem:$0x1FDB0] =	vst v0  }
0xc: {  	_ =	swait.ge [sflag:s3], $0x400  }
0xd: {  	[sflag:s3] =	ssyncset.done $0x0  }
0xe: {  	[sflag:s3] =	ssyncadd.s32 $0xFFFFFC00  }
0xf: {  	v1 =	vld [tilespmem:$0x0]  }
0x10: {  	v3 =	vld [tilespmem:$0x10]  }
0x11: {  	v4 =	vld [tilespmem:$0x20]  }
0x12: {  	v5 =	vld [tilespmem:$0x30];
	_ =	sdelay $0x4  }
0x13: {  	v55 =	vmax.f32 v1, v3;
	v6 =	vmax.f32 v4, v5  }
0x14: {  	v0 =	vmax.f32 v55, v6  }
0x15: {  	(xrf0) =	vmax.scan.msk.f32 $0xffff, v0;
	_ =	sdelay $0x5  }
0x16: {  	v15 =	vlaneseq.u32;
	v0, _, _ =	vpop (xrf0)  }
0x17: {  	v56 =	vmul.u32 $0xFFFFFFFF, v15;
	v10 =	vbroadcast v0, $0xF;
	_ =	sdelay $0x1  }
0x18: {  	v9 =	vadd.s32 $0x7FFFFFD0, v56;
	vm0 =	vge.f32 v5, v10  }
0x19: {  	v11 =	vadd.s32 $0x7FFFFFE0, v56;
	vm1 =	vge.f32 v4, v10;
	v57 =	vnsel vm0, $0x7FFFFFC0, v9  }
0x1a: {  	v7 =	vadd.s32 $0x7FFFFFF0, v56;
	vm15 =	vge.f32 v3, v10;
	v6 =	vsel vm1, v11, v57  }
0x1b: {  	v20 =	vadd.s32 $0x80000000, v56;
	vm4 =	vge.f32 v1, v10;
	v6 =	vsel vm15, v7, v6  }
0x1c: {  	v0 =	vsel vm4, v20, v6  }
0x1d: {  	(xrf0) =	vmax.scan.msk.u32 $0xffff, v0;
	_ =	sdelay $0x5  }
0x1e: {  	v0, _, _ =	vpop (xrf0)  }
0x1f: {  	(v2sf) =	vpush v0, $0xF;
	_ =	sdelay $0xe  }
0x20: {  	s7 =	spop (v2sf)  }
0x21: {  	s7 =	sxor.u32 $0x7FFFFFFF, s7  }
0x22: {  	s7 =	sadd.s32 $0x1, s7  }
0x23: {  	v18 =	vor.u32 $0x10, v15;
	v17 =	vor.u32 $0x20, v15;
	v58 =	vmov s7  }
0x24: {  	v16 =	vor.u32 $0x30, v15;
	vm9 =	veq.s32 v58, v15;
	vm6 =	veq.s32 v58, v18  }
0x25: {  	vm7 =	veq.s32 v58, v17;
	vm8 =	veq.s32 v58, v16;
	v1 =	vsel vm9, $0xF149F2CA, v1  }
0x26: {  	v3 =	vsel vm6, $0xF149F2CA, v3;
	v4 =	vsel vm7, $0xF149F2CA, v4;
	v5 =	vsel vm8, $0xF149F2CA, v5  }
0x27: {  	v62 =	vmax.f32 v1, v3;
	v8 =	vmax.f32 v4, v5  }
0x28: {  	v6 =	vmax.f32 v62, v8  }
0x29: {  	(xrf0) =	vmax.scan.msk.f32 $0xffff, v6;
	_ =	sdelay $0x4  }
0x2a: {  	v63 =	vld [tilespmem:$0x80]  }
0x2b: {  	v14 =	vld [tilespmem:$0x90];
	v19, _, _ =	vpop (xrf0)  }
0x2c: {  	v21 =	vld [tilespmem:$0xA0];
	v12 =	vbroadcast v19, $0xF  }
0x2d: {  	v19 =	vld [tilespmem:$0xB0]  }
0x2e: {  	vm5 =	vge.f32 v5, v12  }
0x2f: {  	vm10 =	vge.f32 v4, v12;
	v22 =	vnsel vm5, $0x7FFFFFC0, v9  }
0x30: {  	vm11 =	vge.f32 v3, v12;
	v23 =	vsel vm10, v11, v22  }
0x31: {  	vm12 =	vge.f32 v1, v12;
	v24 =	vsel vm11, v7, v23  }
0x32: {  	v25 =	vmax.f32 v63, v14;
	v26 =	vmax.f32 v21, v19;
	v1 =	vsel vm12, v20, v24  }
0x33: {  	v27 =	vmax.f32 v25, v26;
	(xrf0) =	vmax.scan.msk.u32 $0xffff, v1  }
0x34: {  	(xrf0) =	vmax.scan.msk.f32 $0xffff, v27;
	_ =	sdelay $0x4  }
0x35: {  	v28, _, _ =	vpop (xrf0)  }
0x36: {  	v29, _, _ =	vpop (xrf0)  }
0x37: {  	v13 =	vbroadcast v29, $0xF;
	_ =	sdelay $0x1  }
0x38: {  	vm13 =	vge.f32 v19, v13  }
0x39: {  	vm14 =	vge.f32 v21, v13;
	v30 =	vnsel vm13, $0x7FFFFFC0, v9  }
0x3a: {  	vm15 =	vge.f32 v14, v13;
	v3 =	vsel vm14, v11, v30  }
0x3b: {  	vm4 =	vge.f32 v63, v13;
	v3 =	vsel vm15, v7, v3  }
0x3c: {  	v3 =	vsel vm4, v20, v3  }
0x3d: {  	(xrf0) =	vmax.scan.msk.u32 $0xffff, v3;
	_ =	sdelay $0x5  }
0x3e: {  	(v2sf) =	vpush v28, $0xF;
	v31, _, _ =	vpop (xrf0)  }
0x3f: {  	(v2sf) =	vpush v31, $0xF;
	_ =	sdelay $0xd  }
0x40: {  	s30 =	spop (v2sf)  }
0x41: {  	s8 =	spop (v2sf)  }
0x42: {  	s8 =	sxor.u32 $0x7FFFFFFF, s8  }
0x43: {  	s8 =	sadd.s32 $0x1, s8  }
0x44: {  	v32 =	vmov s8  }
0x45: {  	vm5 =	veq.s32 v32, v15;
	vm10 =	veq.s32 v32, v18  }
0x46: {  	vm11 =	veq.s32 v32, v17;
	vm2 =	veq.s32 v32, v16;
	v34 =	vsel vm5, $0xF149F2CA, v63  }
0x47: {  	v38 =	vsel vm10, $0xF149F2CA, v14;
	v39 =	vsel vm11, $0xF149F2CA, v21;
	v40 =	vsel vm2, $0xF149F2CA, v19  }
0x48: {  	v41 =	vmax.f32 v34, v38;
	v42 =	vmax.f32 v39, v40  }
0x49: {  	v8 =	vmax.f32 v41, v42  }
0x4a: {  	(xrf0) =	vmax.scan.msk.f32 $0xffff, v8;
	_ =	sdelay $0x4  }
0x4b: {  	v43 =	vld [tilespmem:$0x100]  }
0x4c: {  	v45 =	vld [tilespmem:$0x110];
	v44, _, _ =	vpop (xrf0)  }
0x4d: {  	v22 =	vld [tilespmem:$0x130];
	v23 =	vbroadcast v44, $0xF  }
0x4e: {  	v21 =	vld [tilespmem:$0x120]  }
0x4f: {  	vm12 =	vge.f32 v40, v23  }
0x50: {  	vm13 =	vge.f32 v39, v23;
	v46 =	vnsel vm12, $0x7FFFFFC0, v9  }
0x51: {  	vm14 =	vge.f32 v38, v23;
	v47 =	vsel vm13, v11, v46  }
0x52: {  	vm15 =	vge.f32 v34, v23;
	v48 =	vsel vm14, v7, v47  }
0x53: {  	v49 =	vmax.f32 v43, v45;
	v50 =	vmax.f32 v21, v22;
	v3 =	vsel vm15, v20, v48  }
0x54: {  	v51 =	vmax.f32 v49, v50;
	(xrf0) =	vmax.scan.msk.u32 $0xffff, v3  }
0x55: {  	(xrf0) =	vmax.scan.msk.f32 $0xffff, v51;
	_ =	sdelay $0x4  }
0x56: {  	v52, _, _ =	vpop (xrf0)  }
0x57: {  	v53, _, _ =	vpop (xrf0)  }
0x58: {  	v14 =	vbroadcast v53, $0xF  }
0x59: {  	v33 =	vimm.s32 $0x0  }
0x5a: {  	v35 =	vimm.s32 $0x0;
	v36 =	vimm.s32 $0x0;
	vm4 =	vge.f32 v22, v14  }
0x5b: {  	v1 =	vsel vm5, $0xFFFFFFFF, v33;
	vm5 =	vge.f32 v21, v14;
	v54 =	vnsel vm4, $0x7FFFFFC0, v9  }
0x5c: {  	[tilespmem:$0x1FCF0] =	vst v1;
	v1 =	vsel vm10, $0xFFFFFFFF, v35;
	vm10 =	vge.f32 v45, v14;
	v4 =	vsel vm5, v11, v54  }
0x5d: {  	[tilespmem:$0x1FD10] =	vst v1;
	v1 =	vsel vm11, $0xFFFFFFFF, v36;
	vm11 =	vge.f32 v43, v14;
	v4 =	vsel vm10, v7, v4  }
0x5e: {  	v4 =	vsel vm11, v20, v4  }
0x5f: {  	(xrf0) =	vmax.scan.msk.u32 $0xffff, v4;
	_ =	sdelay $0x5  }
0x60: {  	(v2sf) =	vpush v52, $0xF;
	v55, _, _ =	vpop (xrf0)  }
0x61: {  	(v2sf) =	vpush v55, $0xF;
	_ =	sdelay $0xd  }
0x62: {  	s31 =	spop (v2sf)  }
0x63: {  	s9 =	spop (v2sf)  }
0x64: {  	v59 =	vimm.s32 $0x0;
	s9 =	sxor.u32 $0x7FFFFFFF, s9  }
0x65: {  	v60 =	vimm.s32 $0x0;
	v0 =	vsel vm6, $0xFFFFFFFF, v59;
	s9 =	sadd.s32 $0x1, s9  }
0x66: {  	v61 =	vimm.s32 $0x0;
	[tilespmem:$0x1FC90] =	vst v0;
	v0 =	vsel vm7, $0xFFFFFFFF, v60;
	v56 =	vmov s9  }
0x67: {  	[tilespmem:$0x1FCB0] =	vst v0;
	v0 =	vsel vm8, $0xFFFFFFFF, v61;
	vm11 =	veq.s32 v56, v15;
	vm13 =	veq.s32 v56, v18  }
0x68: {  	vm10 =	veq.s32 v56, v17;
	vm12 =	veq.s32 v56, v16;
	v57 =	vsel vm11, $0xF149F2CA, v43  }
0x69: {  	v59 =	vsel vm13, $0xF149F2CA, v45;
	v60 =	vsel vm10, $0xF149F2CA, v21;
	v61 =	vsel vm12, $0xF149F2CA, v22  }
0x6a: {  	v19 =	vmax.f32 v57, v59;
	v21 =	vmax.f32 v60, v61  }
0x6b: {  	v19 =	vmax.f32 v19, v21  }
0x6c: {  	(xrf0) =	vmax.scan.msk.f32 $0xffff, v19;
	_ =	sdelay $0x4  }
0x6d: {  	v62 =	vld [tilespmem:$0x180]  }
0x6e: {  	v24 =	vld [tilespmem:$0x1A0];
	v19, _, _ =	vpop (xrf0)  }
0x6f: {  	v25 =	vld [tilespmem:$0x1B0];
	v28 =	vbroadcast v19, $0xF  }
0x70: {  	v63 =	vld [tilespmem:$0x190]  }
0x71: {  	vm14 =	vge.f32 v61, v28  }
0x72: {  	vm15 =	vge.f32 v60, v28;
	v27 =	vnsel vm14, $0x7FFFFFC0, v9  }
0x73: {  	vm4 =	vge.f32 v59, v28;
	v29 =	vsel vm15, v11, v27  }
0x74: {  	vm5 =	vge.f32 v57, v28;
	v30 =	vsel vm4, v7, v29  }
0x75: {  	[tilespmem:$0x1FFB0] =	vst v32;
	v32 =	vmax.f32 v24, v25;
	v31 =	vmax.f32 v62, v63;
	v4 =	vsel vm5, v20, v30  }
0x76: {  	v33 =	vmax.f32 v31, v32;
	(xrf0) =	vmax.scan.msk.u32 $0xffff, v4  }
0x77: {  	(xrf0) =	vmax.scan.msk.f32 $0xffff, v33;
	_ =	sdelay $0x4  }
0x78: {  	v34, _, _ =	vpop (xrf0)  }
0x79: {  	v35, _, _ =	vpop (xrf0)  }
0x7a: {  	v37 =	vimm.s32 $0x0;
	[tilespmem:$0x1FFA0] =	vst v58;
	v19 =	vbroadcast v35, $0xF  }
0x7b: {  	v58 =	vimm.s32 $0x0;
	[tilespmem:$0x1FCD0] =	vst v0;
	v0 =	vsel vm2, $0xFFFFFFFF, v37  }
0x7c: {  	[tilespmem:$0x1FD70] =	vst v0;
	v0 =	vsel vm12, $0xFFFFFFFF, v58;
	vm12 =	vge.f32 v25, v19  }
0x7d: {  	vm14 =	vge.f32 v24, v19;
	v36 =	vnsel vm12, $0x7FFFFFC0, v9  }
0x7e: {  	vm15 =	vge.f32 v63, v19;
	v5 =	vsel vm14, v11, v36  }
0x7f: {  	vm4 =	vge.f32 v62, v19;
	v5 =	vsel vm15, v7, v5  }
0x80: {  	v5 =	vsel vm4, v20, v5  }
0x81: {  	(xrf0) =	vmax.scan.msk.u32 $0xffff, v5;
	_ =	sdelay $0x5  }
0x82: {  	(v2sf) =	vpush v34, $0xF;
	v37, _, _ =	vpop (xrf0)  }
0x83: {  	(v2sf) =	vpush v37, $0xF;
	_ =	sdelay $0xd  }
0x84: {  	s15 =	spop (v2sf)  }
0x85: {  	s10 =	spop (v2sf)  }
0x86: {  	s10 =	sxor.u32 $0x7FFFFFFF, s10  }
0x87: {  	s10 =	sadd.s32 $0x1, s10  }
0x88: {  	v38 =	vmov s10  }
0x89: {  	vm14 =	veq.s32 v38, v15;
	vm12 =	veq.s32 v38, v18  }
0x8a: {  	vm15 =	veq.s32 v38, v17;
	vm5 =	veq.s32 v38, v16;
	v39 =	vsel vm14, $0xF149F2CA, v62  }
0x8b: {  	v41 =	vsel vm12, $0xF149F2CA, v63;
	v42 =	vsel vm15, $0xF149F2CA, v24;
	v43 =	vsel vm5, $0xF149F2CA, v25  }
0x8c: {  	v22 =	vmax.f32 v39, v41;
	v24 =	vmax.f32 v42, v43  }
0x8d: {  	v22 =	vmax.f32 v22, v24  }
0x8e: {  	(xrf0) =	vmax.scan.msk.f32 $0xffff, v22;
	_ =	sdelay $0x4  }
0x8f: {  	v26 =	vld [tilespmem:$0x230]  }
0x90: {  	v44 =	vld [tilespmem:$0x200];
	v45, _, _ =	vpop (xrf0)  }
0x91: {  	v46 =	vld [tilespmem:$0x210];
	v31 =	vbroadcast v45, $0xF  }
0x92: {  	v47 =	vld [tilespmem:$0x220]  }
0x93: {  	vm0 =	vge.f32 v43, v31  }
0x94: {  	v40 =	vimm.s32 $0x0;
	vm4 =	vge.f32 v42, v31;
	v21 =	vnsel vm0, $0x7FFFFFC0, v9  }
0x95: {  	[tilespmem:$0x1FDA0] =	vst v0;
	v0 =	vsel vm5, $0xFFFFFFFF, v40;
	vm5 =	vge.f32 v41, v31;
	v8 =	vsel vm4, v11, v21  }
0x96: {  	vm4 =	vge.f32 v39, v31;
	v6 =	vsel vm5, v7, v8  }
0x97: {  	v48 =	vmax.f32 v44, v46;
	v49 =	vmax.f32 v47, v26;
	v5 =	vsel vm4, v20, v6  }
0x98: {  	v50 =	vmax.f32 v48, v49;
	(xrf0) =	vmax.scan.msk.u32 $0xffff, v5  }
0x99: {  	(xrf0) =	vmax.scan.msk.f32 $0xffff, v50;
	_ =	sdelay $0x4  }
0x9a: {  	v51, _, _ =	vpop (xrf0)  }
0x9b: {  	v52, _, _ =	vpop (xrf0)  }
0x9c: {  	v21 =	vbroadcast v52, $0xF;
	_ =	sdelay $0x1  }
0x9d: {  	vm5 =	vge.f32 v26, v21  }
0x9e: {  	vm4 =	vge.f32 v47, v21;
	v53 =	vnsel vm5, $0x7FFFFFC0, v9  }
0x9f: {  	vm5 =	vge.f32 v46, v21;
	v6 =	vsel vm4, v11, v53  }
0xa0: {  	vm4 =	vge.f32 v44, v21;
	v6 =	vsel vm5, v7, v6  }
0xa1: {  	v6 =	vsel vm4, v20, v6  }
0xa2: {  	(xrf0) =	vmax.scan.msk.u32 $0xffff, v6;
	_ =	sdelay $0x5  }
0xa3: {  	(v2sf) =	vpush v51, $0xF;
	v54, _, _ =	vpop (xrf0)  }
0xa4: {  	(v2sf) =	vpush v54, $0xF;
	_ =	sdelay $0xd  }
0xa5: {  	s16 =	spop (v2sf)  }
0xa6: {  	s11 =	spop (v2sf)  }
0xa7: {  	s11 =	sxor.u32 $0x7FFFFFFF, s11  }
0xa8: {  	s11 =	sadd.s32 $0x1, s11  }
0xa9: {  	[tilespmem:$0x1FFC0] =	vst v56;
	v56 =	vimm.s32 $0x0;
	v55 =	vmov s11  }
0xaa: {  	vm5 =	veq.s32 v55, v15;
	vm3 =	veq.s32 v55, v18;
	vm4 =	veq.s32 v55, v17  }
0xab: {  	[tilespmem:$0x1FD30] =	vst v1;
	v1 =	vsel vm5, $0xFFFFFFFF, v56;
	v57 =	vsel vm5, $0xF149F2CA, v44;
	vm5 =	veq.s32 v55, v16  }
0xac: {  	v60 =	vsel vm3, $0xF149F2CA, v46;
	v61 =	vsel vm4, $0xF149F2CA, v47;
	v62 =	vsel vm5, $0xF149F2CA, v26  }
0xad: {  	v25 =	vmax.f32 v57, v60;
	v26 =	vmax.f32 v61, v62  }
0xae: {  	v25 =	vmax.f32 v25, v26  }
0xaf: {  	(xrf0) =	vmax.scan.msk.f32 $0xffff, v25;
	_ =	sdelay $0x4  }
0xb0: {  	v27 =	vld [tilespmem:$0x290]  }
0xb1: {  	v29 =	vld [tilespmem:$0x2B0];
	v34, _, _ =	vpop (xrf0)  }
0xb2: {  	v35 =	vld [tilespmem:$0x2A0];
	v32 =	vbroadcast v34, $0xF  }
0xb3: {  	v63 =	vld [tilespmem:$0x280]  }
0xb4: {  	v58 =	vimm.s32 $0x0;
	v59 =	vimm.s32 $0x0;
	vm0 =	vge.f32 v62, v32  }
0xb5: {  	[tilespmem:$0x1FE80] =	vst v1;
	v1 =	vsel vm4, $0xFFFFFFFF, v58;
	vm4 =	vge.f32 v61, v32;
	v24 =	vnsel vm0, $0x7FFFFFC0, v9  }
0xb6: {  	[tilespmem:$0x1FE60] =	vst v0;
	v0 =	vsel vm5, $0xFFFFFFFF, v59;
	vm5 =	vge.f32 v60, v32;
	v22 =	vsel vm4, v11, v24  }
0xb7: {  	vm4 =	vge.f32 v57, v32;
	v8 =	vsel vm5, v7, v22  }
0xb8: {  	v37 =	vmax.f32 v35, v29;
	v36 =	vmax.f32 v63, v27;
	v6 =	vsel vm4, v20, v8  }
0xb9: {  	[tilespmem:$0x1FFD0] =	vst v38;
	v38 =	vmax.f32 v36, v37;
	(xrf0) =	vmax.scan.msk.u32 $0xffff, v6  }
0xba: {  	(xrf0) =	vmax.scan.msk.f32 $0xffff, v38;
	_ =	sdelay $0x4  }
0xbb: {  	v39, _, _ =	vpop (xrf0)  }
0xbc: {  	v40, _, _ =	vpop (xrf0)  }
0xbd: {  	v22 =	vbroadcast v40, $0xF;
	_ =	sdelay $0x1  }
0xbe: {  	vm5 =	vge.f32 v29, v22  }
0xbf: {  	vm4 =	vge.f32 v35, v22;
	v41 =	vnsel vm5, $0x7FFFFFC0, v9  }
0xc0: {  	vm5 =	vge.f32 v27, v22;
	v8 =	vsel vm4, v11, v41  }
0xc1: {  	vm4 =	vge.f32 v63, v22;
	v8 =	vsel vm5, v7, v8  }
0xc2: {  	v8 =	vsel vm4, v20, v8  }
0xc3: {  	(xrf0) =	vmax.scan.msk.u32 $0xffff, v8;
	_ =	sdelay $0x5  }
0xc4: {  	(v2sf) =	vpush v39, $0xF;
	v42, _, _ =	vpop (xrf0)  }
0xc5: {  	(v2sf) =	vpush v42, $0xF;
	_ =	sdelay $0xd  }
0xc6: {  	s17 =	spop (v2sf)  }
0xc7: {  	s12 =	spop (v2sf)  }
0xc8: {  	s12 =	sxor.u32 $0x7FFFFFFF, s12  }
0xc9: {  	s12 =	sadd.s32 $0x1, s12  }
0xca: {  	v44 =	vimm.s32 $0x0;
	v43 =	vmov s12  }
0xcb: {  	vm5 =	veq.s32 v43, v15;
	vm2 =	veq.s32 v43, v18;
	vm4 =	veq.s32 v43, v17  }
0xcc: {  	[tilespmem:$0x1FEC0] =	vst v1;
	v1 =	vsel vm5, $0xFFFFFFFF, v44;
	v45 =	vsel vm5, $0xF149F2CA, v63;
	vm5 =	veq.s32 v43, v16  }
0xcd: {  	v49 =	vsel vm2, $0xF149F2CA, v27;
	v26 =	vsel vm4, $0xF149F2CA, v35;
	v50 =	vsel vm5, $0xF149F2CA, v29  }
0xce: {  	v51 =	vmax.f32 v45, v49;
	v29 =	vmax.f32 v26, v50  }
0xcf: {  	v24 =	vmax.f32 v51, v29  }
0xd0: {  	(xrf0) =	vmax.scan.msk.f32 $0xffff, v24;
	_ =	sdelay $0x4  }
0xd1: {  	v30 =	vld [tilespmem:$0x310]  }
0xd2: {  	v33 =	vld [tilespmem:$0x320];
	v24, _, _ =	vpop (xrf0)  }
0xd3: {  	v52 =	vld [tilespmem:$0x300];
	v24 =	vbroadcast v24, $0xF  }
0xd4: {  	v48 =	vimm.s32 $0x0;
	v46 =	vimm.s32 $0x0;
	v34 =	vld [tilespmem:$0x330]  }
0xd5: {  	v47 =	vimm.s32 $0x0;
	[tilespmem:$0x1FEE0] =	vst v1;
	v1 =	vsel vm2, $0xFFFFFFFF, v46;
	vm0 =	vge.f32 v50, v24  }
0xd6: {  	[tilespmem:$0x1FEF0] =	vst v1;
	v1 =	vsel vm4, $0xFFFFFFFF, v47;
	vm4 =	vge.f32 v26, v24;
	v27 =	vnsel vm0, $0x7FFFFFC0, v9  }
0xd7: {  	[tilespmem:$0x1FED0] =	vst v0;
	v0 =	vsel vm5, $0xFFFFFFFF, v48;
	vm5 =	vge.f32 v49, v24;
	v26 =	vsel vm4, v11, v27  }
0xd8: {  	vm4 =	vge.f32 v45, v24;
	v25 =	vsel vm5, v7, v26  }
0xd9: {  	v53 =	vmax.f32 v52, v30;
	v54 =	vmax.f32 v33, v34;
	v8 =	vsel vm4, v20, v25  }
0xda: {  	[tilespmem:$0x1FFE0] =	vst v55;
	v55 =	vmax.f32 v53, v54;
	(xrf0) =	vmax.scan.msk.u32 $0xffff, v8  }
0xdb: {  	(xrf0) =	vmax.scan.msk.f32 $0xffff, v55;
	_ =	sdelay $0x4  }
0xdc: {  	v56, _, _ =	vpop (xrf0)  }
0xdd: {  	v57, _, _ =	vpop (xrf0)  }
0xde: {  	v25 =	vbroadcast v57, $0xF;
	_ =	sdelay $0x1  }
0xdf: {  	vm5 =	vge.f32 v34, v25  }
0xe0: {  	vm4 =	vge.f32 v33, v25;
	v58 =	vnsel vm5, $0x7FFFFFC0, v9  }
0xe1: {  	vm5 =	vge.f32 v30, v25;
	v26 =	vsel vm4, v11, v58  }
0xe2: {  	vm4 =	vge.f32 v52, v25;
	v26 =	vsel vm5, v7, v26  }
0xe3: {  	v26 =	vsel vm4, v20, v26  }
0xe4: {  	(xrf0) =	vmax.scan.msk.u32 $0xffff, v26;
	_ =	sdelay $0x5  }
0xe5: {  	(v2sf) =	vpush v56, $0xF;
	v59, _, _ =	vpop (xrf0)  }
0xe6: {  	(v2sf) =	vpush v59, $0xF;
	_ =	sdelay $0xd  }
0xe7: {  	s18 =	spop (v2sf)  }
0xe8: {  	s13 =	spop (v2sf)  }
0xe9: {  	s13 =	sxor.u32 $0x7FFFFFFF, s13  }
0xea: {  	s13 =	sadd.s32 $0x1, s13  }
0xeb: {  	v2 =	vimm.s32 $0x0;
	v8 =	vmov s13  }
0xec: {  	v2 =	vsel vm9, $0xFFFFFFFF, v2;
	vm4 =	veq.s32 v8, v15;
	vm2 =	veq.s32 v8, v18  }
0xed: {  	[tilespmem:$0x1FC70] =	vst v2;
	vm1 =	veq.s32 v8, v17;
	vm5 =	veq.s32 v8, v16;
	v60 =	vsel vm4, $0xF149F2CA, v52  }
0xee: {  	[tilespmem:$0x1FF00] =	vst v1;
	v1 =	vsel vm2, $0xF149F2CA, v30;
	v2 =	vsel vm1, $0xF149F2CA, v33;
	v3 =	vsel vm5, $0xF149F2CA, v34  }
0xef: {  	v29 =	vmax.f32 v60, v1;
	v34 =	vmax.f32 v2, v3  }
0xf0: {  	v29 =	vmax.f32 v29, v34  }
0xf1: {  	(xrf0) =	vmax.scan.msk.f32 $0xffff, v29;
	_ =	sdelay $0x4  }
0xf2: {  	v4 =	vld [tilespmem:$0x380]  }
0xf3: {  	v36 =	vld [tilespmem:$0x390];
	v29, _, _ =	vpop (xrf0)  }
0xf4: {  	v37 =	vld [tilespmem:$0x3A0];
	v61 =	vimm.s32 $0x0;
	v29 =	vbroadcast v29, $0xF  }
0xf5: {  	v62 =	vimm.s32 $0x0;
	v38 =	vld [tilespmem:$0x3B0];
	[tilespmem:$0x1FF10] =	vst v0;
	v0 =	vsel vm2, $0xFFFFFFFF, v61  }
0xf6: {  	v63 =	vimm.s32 $0x0;
	[tilespmem:$0x1FF30] =	vst v0;
	v0 =	vsel vm1, $0xFFFFFFFF, v62;
	vm0 =	vge.f32 v3, v29  }
0xf7: {  	[tilespmem:$0x1FF40] =	vst v0;
	v0 =	vsel vm5, $0xFFFFFFFF, v63;
	vm5 =	vge.f32 v2, v29;
	v33 =	vnsel vm0, $0x7FFFFFC0, v9  }
0xf8: {  	v30 =	vsel vm5, v11, v33;
	vm5 =	vge.f32 v1, v29  }
0xf9: {  	v27 =	vsel vm5, v7, v30;
	vm5 =	vge.f32 v60, v29  }
0xfa: {  	v5 =	vmax.f32 v4, v36;
	v6 =	vmax.f32 v37, v38;
	v26 =	vsel vm5, v20, v27  }
0xfb: {  	v33 =	vmax.f32 v5, v6;
	(xrf0) =	vmax.scan.msk.u32 $0xffff, v26  }
0xfc: {  	(xrf0) =	vmax.scan.msk.f32 $0xffff, v33;
	_ =	sdelay $0x4  }
0xfd: {  	v35, _, _ =	vpop (xrf0)  }
0xfe: {  	v26, _, _ =	vpop (xrf0)  }
0xff: {  	v26 =	vbroadcast v26, $0xF;
	_ =	sdelay $0x1  }
0x100: {  	vm5 =	vge.f32 v38, v26  }
0x101: {  	v39 =	vnsel vm5, $0x7FFFFFC0, v9;
	vm5 =	vge.f32 v37, v26  }
0x102: {  	v30 =	vsel vm5, v11, v39;
	vm5 =	vge.f32 v36, v26  }
0x103: {  	v30 =	vsel vm5, v7, v30;
	vm5 =	vge.f32 v4, v26  }
0x104: {  	v30 =	vsel vm5, v20, v30  }
0x105: {  	(xrf0) =	vmax.scan.msk.u32 $0xffff, v30;
	_ =	sdelay $0x5  }
0x106: {  	(v2sf) =	vpush v35, $0xF;
	v40, _, _ =	vpop (xrf0)  }
0x107: {  	(v2sf) =	vpush v40, $0xF;
	_ =	sdelay $0x9  }
0x108: {  	v12 =	vsub.f32 v12, v10;
	_ =	sdelay $0x1  }
0x109: {  	v12 =	vmul.f32 $1.442695020e+00, v12;
	_ =	sdelay $0x1  }
0x10a: {  	(erf) = vpow2.f32 v12;
	s19 =	spop (v2sf)  }
0x10b: {  	v13 =	vsub.f32 v23, v13;
	s14 =	spop (v2sf)  }
0x10c: {  	v19 =	vsub.f32 v31, v19;
	s14 =	sxor.u32 $0x7FFFFFFF, s14  }
0x10d: {  	v13 =	vmul.f32 $1.442695020e+00, v13;
	s14 =	sadd.s32 $0x1, s14  }
0x10e: {  	v14 =	vsub.f32 v28, v14;
	v19 =	vmul.f32 $1.442695020e+00, v19;
	v10 =	vmov s14  }
0x10f: {  	v21 =	vsub.f32 v32, v21;
	vm5 =	veq.s32 v10, v15;
	vm2 =	veq.s32 v10, v18  }
0x110: {  	vm1 =	veq.s32 v10, v17;
	vm0 =	veq.s32 v10, v16;
	v35 =	vsel vm5, $0xF149F2CA, v4  }
0x111: {  	v44 =	vsel vm2, $0xF149F2CA, v36;
	v45 =	vsel vm1, $0xF149F2CA, v37;
	v46 =	vsel vm0, $0xF149F2CA, v38  }
0x112: {  	v54 =	vimm.s32 $0x0;
	v47 =	vmax.f32 v35, v44;
	v48 =	vmax.f32 v45, v46  }
0x113: {  	v41 =	vimm.s32 $0x0;
	v42 =	vimm.s32 $0x0;
	[tilespmem:$0x1FFF0] =	vst v43;
	v49 =	vpop (erf);
	v12 =	vmax.f32 v47, v48  }
0x114: {  	v50 =	vadd.f32 $1.000000000e+00, v49;
	[tilespmem:$0x1FF50] =	vst v0;
	v0 =	vsel vm2, $0xFFFFFFFF, v41;
	(xrf0) =	vmax.scan.msk.f32 $0xffff, v12  }
0x115: {  	v43 =	vimm.s32 $0x0;
	v22 =	vsub.f32 v24, v22;
	[tilespmem:$0x1FF70] =	vst v0;
	v0 =	vsel vm1, $0xFFFFFFFF, v42  }
0x116: {  	(erf) = vrcp.f32 v50;
	v25 =	vsub.f32 v29, v25;
	[tilespmem:$0x1FF80] =	vst v0;
	v0 =	vsel vm0, $0xFFFFFFFF, v43;
	v43 =	vld [tilespmem:$0x1FD10]  }
0x117: {  	v22 =	vmul.f32 $1.442695020e+00, v22;
	(erf) = vpow2.f32 v13;
	v55 =	vimm.s32 $0x0  }
0x118: {  	v25 =	vmul.f32 $1.442695020e+00, v25;
	v60 =	vimm.s32 $0x0;
	v27 =	vimm.s32 $0x0  }
0x119: {  	s7 =	sxor.u32 $0x7FFFFFFF, s30;
	v51 =	vsel vm9, $0x3F800000, v27;
	v52 =	vsel vm6, $0x3F800000, v27;
	v53 =	vsel vm7, $0x3F800000, v27  }
0x11a: {  	s7 =	sadd.s32 $0x1, s7;
	v56 =	vsel vm8, $0x3F800000, v27;
	v40 =	vmul.f32 $1.442695020e+00, v14;
	v4 =	vimm.s32 $0x0;
	v12, _, _ =	vpop (xrf0)  }
0x11b: {  	s20 =	sxor.u32 $0x7FFFFFFF, s31;
	v41 =	vld [tilespmem:$0x1FCF0];
	vm9 =	vnez.u8 v43;
	v30 =	vbroadcast v12, $0xF;
	v12 =	vmov s7  }
0x11c: {  	v43 =	vmul.f32 $1.442695020e+00, v21;
	s7 =	sadd.s32 $0x1, s20;
	vm6 =	veq.s32 v12, v15;
	vm7 =	veq.s32 v12, v18  }
0x11d: {  	vm8 =	veq.s32 v12, v17;
	v14 =	vmov s7;
	vm0 =	vge.f32 v46, v30  }
0x11e: {  	[tilespmem:$0x1FF90] =	vst v0;
	v0 =	vsel vm6, $0xFFFFFFFF, v54;
	v57 =	vnsel vm6, $0x0, v51;
	v58 =	vnsel vm7, $0x0, v52  }
0x11f: {  	v48 =	vld [tilespmem:$0x1FD70];
	v59 =	vsel vm6, $0x3F800000, v27;
	v61 =	vnsel vm8, $0x0, v53;
	v62 =	vsel vm7, $0x3F800000, v27  }
0x120: {  	v63 =	vsel vm8, $0x3F800000, v27;
	vm6 =	vnez.u8 v41;
	v26 =	vsub.f32 v30, v26  }
0x121: {  	v9 =	vnsel vm0, $0x7FFFFFC0, v9;
	vm0 =	vge.f32 v45, v30;
	[tilespmem:$0x1FC80] =	vst v0;
	v0 =	vsel vm7, $0xFFFFFFFF, v55  }
0x122: {  	v33 =	vadd.f32 v58, v57;
	v34 =	vadd.f32 v59, v51;
	v50 =	vsel vm6, $0x3F800000, v27  }
0x123: {  	v51 =	vsel vm9, $0x3F800000, v27;
	v9 =	vsel vm0, v11, v9;
	vm0 =	vge.f32 v44, v30  }
0x124: {  	[tilespmem:$0x1FCA0] =	vst v0;
	v0 =	vsel vm8, $0xFFFFFFFF, v60;
	v11 =	vadd.f32 v63, v53;
	vm8 =	vnez.u8 v48  }
0x125: {  	v53 =	vimm.s32 $0x0;
	v26 =	vmul.f32 $1.442695020e+00, v26;
	v23 =	vsel vm0, v7, v9  }
0x126: {  	v9 =	vadd.f32 v62, v52;
	vm0 =	veq.s32 v12, v16;
	v33 =	vadd.f32 v33, v61  }
0x127: {  	v42 =	vnsel vm6, $0x0, v34;
	v34 =	vadd.f32 v50, v34;
	vm6 =	veq.s32 v14, v18  }
0x128: {  	v45 =	vld [tilespmem:$0x1FD30];
	v7 =	vpop (erf);
	v54 =	vsel vm8, $0x3F800000, v27;
	v61 =	vimm.s32 $0x0;
	v50 =	vimm.s32 $0x0  }
0x129: {  	[tilespmem:$0x1FCC0] =	vst v0;
	v0 =	vsel vm0, $0xFFFFFFFF, v4;
	v5 =	vnsel vm0, $0x0, v56;
	v6 =	vpop (erf);
	v44 =	vsel vm0, $0x3F800000, v27  }
0x12a: {  	v60 =	vsel vm6, $0x3F800000, v27;
	v37 =	vadd.f32 $1.000000000e+00, v6;
	v13 =	vadd.f32 v44, v56  }
0x12b: {  	v39 =	vnsel vm9, $0x0, v9;
	v28 =	vadd.f32 v33, v5;
	v9 =	vadd.f32 v51, v9  }
0x12c: {  	vm9 =	veq.s32 v14, v15;
	v56 =	vimm.s32 $0x0;
	v5 =	vimm.s32 $0x0  }
0x12d: {  	[tilespmem:$0x1FCE0] =	vst v0;
	v38 =	vadd.f32 v39, v42;
	vm7 =	vnez.u8 v45;
	v0 =	vsel vm9, $0xFFFFFFFF, v53  }
0x12e: {  	v55 =	vnsel vm9, $0x0, v34;
	v59 =	vsel vm9, $0x3F800000, v27;
	v45 =	vimm.s32 $0x0  }
0x12f: {  	v46 =	vnsel vm7, $0x0, v11;
	(erf) = vrcp.f32 v37;
	v49 =	vnsel vm8, $0x0, v13  }
0x130: {  	v52 =	vsel vm7, $0x3F800000, v27;
	[tilespmem:$0x1FD00] =	vst v0;
	v0 =	vsel vm6, $0xFFFFFFFF, v56;
	v57 =	vnsel vm6, $0x0, v9  }
0x131: {  	v13 =	vadd.f32 v54, v13;
	v37 =	vadd.f32 v59, v34;
	vm7 =	veq.s32 v14, v17  }
0x132: {  	v63 =	vadd.f32 v60, v9;
	vm8 =	veq.s32 v14, v16;
	v54 =	vsel vm11, $0x3F800000, v27  }
0x133: {  	v56 =	vsel vm10, $0x3F800000, v27;
	v47 =	vadd.f32 v38, v46;
	(erf) = vpow2.f32 v40  }
0x134: {  	v11 =	vadd.f32 v52, v11;
	[tilespmem:$0x1FD20] =	vst v0;
	v58 =	vadd.f32 v57, v55;
	v0 =	vsel vm7, $0xFFFFFFFF, v61  }
0x135: {  	v4 =	vsel vm7, $0x3F800000, v27;
	v48 =	vsel vm8, $0x3F800000, v27;
	v55 =	vsel vm13, $0x3F800000, v27  }
0x136: {  	v57 =	vimm.s32 $0x0;
	[tilespmem:$0x1FD40] =	vst v0;
	v0 =	vsel vm11, $0xFFFFFFFF, v5;
	v6 =	vnsel vm11, $0x0, v37  }
0x137: {  	v46 =	vnsel vm13, $0x0, v63;
	v33 =	vadd.f32 v47, v49;
	v62 =	vnsel vm7, $0x0, v11  }
0x138: {  	v11 =	vadd.f32 v4, v11;
	[tilespmem:$0x1FD50] =	vst v0;
	v0 =	vsel vm13, $0xFFFFFFFF, v45;
	v47 =	vimm.s32 $0x0  }
0x139: {  	v52 =	vld [tilespmem:$0x1FDA0];
	v34 =	vadd.f32 v46, v6;
	v49 =	vadd.f32 v48, v13;
	v13 =	vnsel vm8, $0x0, v13  }
0x13a: {  	v45 =	vimm.s32 $0x0;
	v48 =	vimm.s32 $0x0;
	v36 =	vadd.f32 v58, v62  }
0x13b: {  	[tilespmem:$0x1FD60] =	vst v0;
	v0 =	vsel vm8, $0xFFFFFFFF, v47;
	v58 =	vimm.s32 $0x0;
	v51 =	vnsel vm10, $0x0, v11  }
0x13c: {  	v62 =	vimm.s32 $0x0;
	[tilespmem:$0x1FD90] =	vst v0;
	v0 =	vsel vm10, $0xFFFFFFFF, v50;
	v34 =	vadd.f32 v34, v51  }
0x13d: {  	v50 =	vimm.s32 $0x0;
	v31 =	vadd.f32 v36, v13;
	v13 =	vadd.f32 v54, v37;
	v9 =	vpop (erf)  }
0x13e: {  	vm9 =	vnez.u8 v52;
	v36 =	vadd.f32 v55, v63;
	v37 =	vadd.f32 v56, v11;
	v44 =	vpop (erf)  }
0x13f: {  	v52 =	vsel vm14, $0x3F800000, v27;
	v54 =	vimm.s32 $0x0;
	v38 =	vadd.f32 $1.000000000e+00, v44  }
0x140: {  	s21 =	sxor.u32 $0x7FFFFFFF, s15;
	v56 =	vsel vm15, $0x3F800000, v27;
	v53 =	vnsel vm9, $0x0, v49;
	v61 =	vsel vm9, $0x3F800000, v27  }
0x141: {  	s7 =	sadd.s32 $0x1, s21;
	v34 =	vadd.f32 v34, v53;
	v63 =	vadd.f32 v61, v49;
	(erf) = vrcp.f32 v38  }
0x142: {  	s22 =	sxor.u32 $0x7FFFFFFF, s16;
	v53 =	vsel vm12, $0x3F800000, v27;
	(erf) = vpow2.f32 v19;
	v19 =	vmov s7  }
0x143: {  	s7 =	sadd.s32 $0x1, s22;
	vm6 =	veq.s32 v19, v15;
	vm7 =	veq.s32 v19, v18;
	vm8 =	veq.s32 v19, v17  }
0x144: {  	[tilespmem:$0x1FD80] =	vst v0;
	vm9 =	veq.s32 v19, v16;
	v21 =	vmov s7;
	v0 =	vsel vm6, $0xFFFFFFFF, v57  }
0x145: {  	v59 =	vnsel vm6, $0x0, v13;
	v60 =	vnsel vm7, $0x0, v36;
	v4 =	vnsel vm8, $0x0, v37  }
0x146: {  	v5 =	vsel vm6, $0x3F800000, v27;
	v6 =	vsel vm7, $0x3F800000, v27;
	v44 =	vsel vm8, $0x3F800000, v27  }
0x147: {  	v46 =	vsel vm9, $0x3F800000, v27;
	v32 =	vnsel vm9, $0x0, v63;
	vm10 =	veq.s32 v21, v15  }
0x148: {  	vm11 =	veq.s32 v21, v18;
	vm13 =	veq.s32 v21, v17;
	v11 =	vadd.f32 v60, v59  }
0x149: {  	vm6 =	vge.f32 v35, v30;
	v13 =	vadd.f32 v5, v13;
	v36 =	vadd.f32 v6, v36  }
0x14a: {  	s23 =	sxor.u32 $0x7FFFFFFF, s17;
	[tilespmem:$0x1FDC0] =	vst v0;
	v0 =	vsel vm7, $0xFFFFFFFF, v58;
	v37 =	vadd.f32 v44, v37;
	v38 =	vadd.f32 v46, v63  }
0x14b: {  	s7 =	sadd.s32 $0x1, s23;
	v58 =	vimm.s32 $0x0;
	v59 =	vimm.s32 $0x0;
	v5 =	vimm.s32 $0x0  }
0x14c: {  	v20 =	vsel vm6, v20, v23;
	v23 =	vmov s7;
	[tilespmem:$0x1FDD0] =	vst v0;
	v0 =	vsel vm8, $0xFFFFFFFF, v62  }
0x14d: {  	vm8 =	veq.s32 v23, v15;
	[tilespmem:$0x1FDE0] =	vst v0;
	v39 =	vadd.f32 v11, v4;
	v0 =	vsel vm9, $0xFFFFFFFF, v45  }
0x14e: {  	v49 =	vnsel vm14, $0x0, v13;
	v42 =	vnsel vm12, $0x0, v36;
	v55 =	vnsel vm15, $0x0, v37  }
0x14f: {  	v60 =	vld [tilespmem:$0x1FE60];
	v44 =	vadd.f32 v56, v37;
	v45 =	vimm.s32 $0x0;
	v3 =	vsel vm8, $0x3F800000, v27  }
0x150: {  	vm9 =	veq.s32 v23, v18;
	[tilespmem:$0x1FDF0] =	vst v0;
	v0 =	vsel vm14, $0xFFFFFFFF, v48;
	v51 =	vadd.f32 v42, v49  }
0x151: {  	v42 =	vadd.f32 v53, v36;
	vm14 =	veq.s32 v21, v16;
	v48 =	vsel vm11, $0x3F800000, v27  }
0x152: {  	v49 =	vsel vm13, $0x3F800000, v27;
	[tilespmem:$0x1FE00] =	vst v0;
	v0 =	vsel vm12, $0xFFFFFFFF, v50;
	v4 =	vnsel vm13, $0x0, v44  }
0x153: {  	v56 =	vld [tilespmem:$0x1FEC0];
	v37 =	vadd.f32 v39, v32;
	[tilespmem:$0x1FE20] =	vst v0;
	v0 =	vsel vm15, $0xFFFFFFFF, v54;
	v36 =	vnsel vm11, $0x0, v42  }
0x154: {  	v11 =	vpop (erf);
	vm12 =	vnez.u8 v60;
	v62 =	vadd.f32 v51, v55;
	v39 =	vadd.f32 v48, v42  }
0x155: {  	v51 =	vsel vm14, $0x3F800000, v27;
	v54 =	vimm.s32 $0x0;
	v41 =	vpop (erf);
	[tilespmem:$0x1FE40] =	vst v0;
	v0 =	vsel vm10, $0xFFFFFFFF, v58  }
0x156: {  	v61 =	vsel vm12, $0x3F800000, v27;
	v47 =	vadd.f32 $1.000000000e+00, v41;
	v41 =	vadd.f32 v52, v13  }
0x157: {  	[tilespmem:$0x1FE10] =	vst v0;
	v0 =	vsel vm11, $0xFFFFFFFF, v59;
	v63 =	vadd.f32 v61, v38;
	v38 =	vnsel vm12, $0x0, v38  }
0x158: {  	vm7 =	vnez.u8 v56;
	v59 =	vsel vm3, $0x3F800000, v27;
	[tilespmem:$0x1FE30] =	vst v0;
	v0 =	vsel vm13, $0xFFFFFFFF, v5  }
0x159: {  	v60 =	vsel vm7, $0x3F800000, v27;
	v5 =	vimm.s32 $0x0;
	vm13 =	veq.s32 v23, v16  }
0x15a: {  	(erf) = vrcp.f32 v47;
	v57 =	vnsel vm10, $0x0, v41;
	[tilespmem:$0x1FE50] =	vst v0;
	v0 =	vsel vm14, $0xFFFFFFFF, v45  }
0x15b: {  	v46 =	vnsel vm14, $0x0, v63;
	v47 =	vsel vm10, $0x3F800000, v27;
	v45 =	vnsel vm3, $0x0, v39  }
0x15c: {  	v52 =	vld [tilespmem:$0x1FE80];
	v35 =	vadd.f32 v51, v63;
	v39 =	vadd.f32 v59, v39;
	v63 =	vimm.s32 $0x0  }
0x15d: {  	v61 =	vld [tilespmem:$0x1FED0];
	vm14 =	veq.s32 v23, v17;
	v13 =	vadd.f32 v36, v57;
	v36 =	vadd.f32 v62, v38  }
0x15e: {  	(xrf0) =	vmax.scan.msk.u32 $0xffff, v20;
	(erf) = vpow2.f32 v43;
	v38 =	vadd.f32 v47, v41;
	v41 =	vadd.f32 v49, v44  }
0x15f: {  	v56 =	vld [tilespmem:$0x1FF00];
	[tilespmem:$0x1FE70] =	vst v0;
	v0 =	vsel vm3, $0xFFFFFFFF, v54;
	v49 =	vsel vm14, $0x3F800000, v27;
	v54 =	vsel vm13, $0x3F800000, v27  }
0x160: {  	[tilespmem:$0x1FEA0] =	vst v0;
	v0 =	vsel vm8, $0xFFFFFFFF, v63;
	v48 =	vnsel vm9, $0x0, v39;
	v6 =	vadd.f32 v13, v4  }
0x161: {  	vm15 =	vnez.u8 v52;
	v57 =	vnsel vm7, $0x0, v41;
	v41 =	vadd.f32 v60, v41  }
0x162: {  	vm6 =	vnez.u8 v61;
	[tilespmem:$0x1FE90] =	vst v0;
	v0 =	vsel vm9, $0xFFFFFFFF, v5;
	v58 =	vsel vm15, $0x3F800000, v27  }
0x163: {  	v53 =	vnsel vm15, $0x0, v38;
	v62 =	vsel vm6, $0x3F800000, v27;
	v38 =	vadd.f32 v58, v38;
	v58 =	vld [tilespmem:$0x1FF10]  }
0x164: {  	v52 =	vld [tilespmem:$0x1FEF0];
	vm15 =	vnez.u8 v56;
	v32 =	vadd.f32 v6, v46;
	v55 =	vadd.f32 v45, v53  }
0x165: {  	v6 =	vsel vm9, $0x3F800000, v27;
	v43 =	vadd.f32 v49, v41;
	v41 =	vnsel vm14, $0x0, v41  }
0x166: {  	v63 =	vsel vm15, $0x3F800000, v27;
	v45, _, _ =	vpop (xrf0);
	v49 =	vimm.s32 $0x0;
	v39 =	vadd.f32 v6, v39  }
0x167: {  	(v2sf) =	vpush v45, $0xF;
	v40 =	vadd.f32 v55, v57;
	v4 =	vnsel vm8, $0x0, v38;
	v13 =	vpop (erf)  }
0x168: {  	v38 =	vadd.f32 v3, v38;
	v24 =	vadd.f32 v48, v4;
	v50 =	vpop (erf);
	vm7 =	vnez.u8 v58;
	v58 =	vld [tilespmem:$0x1FF50]  }
0x169: {  	v57 =	vnsel vm15, $0x0, v43;
	vm11 =	vnez.u8 v52;
	v42 =	vadd.f32 $1.000000000e+00, v50;
	v50 =	vld [tilespmem:$0x1FEE0]  }
0x16a: {  	v53 =	vnsel vm11, $0x0, v39;
	v61 =	vsel vm11, $0x3F800000, v27;
	v24 =	vadd.f32 v24, v41  }
0x16b: {  	v2 =	vsel vm7, $0x3F800000, v27;
	(erf) = vrcp.f32 v42;
	v42 =	vadd.f32 v62, v35  }
0x16c: {  	v35 =	vnsel vm6, $0x0, v35;
	v62 =	vadd.f32 v61, v39;
	v39 =	vadd.f32 v63, v43  }
0x16d: {  	s24 =	sxor.u32 $0x7FFFFFFF, s18;
	(erf) = vpow2.f32 v22;
	v35 =	vadd.f32 v40, v35;
	v55 =	vadd.f32 v54, v42  }
0x16e: {  	s7 =	sadd.s32 $0x1, s24;
	v42 =	vnsel vm13, $0x0, v42;
	vm15 =	vnez.u8 v58;
	vm10 =	vnez.u8 v50  }
0x16f: {  	v40 =	vadd.f32 v24, v42;
	v24 =	vmov s7;
	v50 =	vsel vm4, $0x3F800000, v27  }
0x170: {  	v54 =	vld [tilespmem:$0x1FF40];
	v51 =	vnsel vm10, $0x0, v38;
	v59 =	vnsel vm7, $0x0, v55;
	v60 =	vsel vm10, $0x3F800000, v27  }
0x171: {  	vm11 =	veq.s32 v24, v15;
	vm12 =	veq.s32 v24, v18;
	v22 =	vadd.f32 v53, v51  }
0x172: {  	vm10 =	veq.s32 v24, v17;
	v41 =	vadd.f32 v2, v55;
	vm9 =	veq.s32 v24, v16;
	v51 =	vld [tilespmem:$0x1FF30]  }
0x173: {  	v1 =	vnsel vm12, $0x0, v62;
	v4 =	vnsel vm10, $0x0, v39;
	v22 =	vadd.f32 v22, v57  }
0x174: {  	v6 =	vsel vm11, $0x3F800000, v27;
	v46 =	vsel vm12, $0x3F800000, v27;
	v47 =	vsel vm10, $0x3F800000, v27  }
0x175: {  	vm7 =	vnez.u8 v54;
	v42 =	vadd.f32 v22, v59;
	v22 =	vadd.f32 v60, v38  }
0x176: {  	v48 =	vsel vm9, $0x3F800000, v27;
	v5 =	vnsel vm9, $0x0, v41;
	v55 =	vsel vm7, $0x3F800000, v27;
	v20 =	vpop (erf)  }
0x177: {  	[tilespmem:$0x1FEB0] =	vst v0;
	v38 =	vadd.f32 v48, v41;
	v3 =	vpop (erf);
	vm6 =	vnez.u8 v51;
	v0 =	vnsel vm11, $0x0, v22  }
0x178: {  	v29 =	vadd.f32 $1.000000000e+00, v3;
	v22 =	vadd.f32 v6, v22;
	v52 =	vsel vm6, $0x3F800000, v27  }
0x179: {  	v61 =	vnsel vm15, $0x0, v38;
	v43 =	vadd.f32 v1, v0;
	v0 =	vsel vm4, $0xFFFFFFFF, v49  }
0x17a: {  	(erf) = vrcp.f32 v29;
	v29 =	vadd.f32 v47, v39;
	v39 =	vadd.f32 v50, v22  }
0x17b: {  	v22 =	vnsel vm4, $0x0, v22;
	v47 =	vsel vm15, $0x3F800000, v27;
	v43 =	vadd.f32 v43, v4  }
0x17c: {  	s25 =	sxor.u32 $0x7FFFFFFF, s19;
	(erf) = vpow2.f32 v25;
	v25 =	vadd.f32 v46, v62;
	v59 =	vadd.f32 v47, v38  }
0x17d: {  	s7 =	sadd.s32 $0x1, s25;
	v57 =	vadd.f32 v55, v29;
	v29 =	vnsel vm7, $0x0, v29;
	v43 =	vadd.f32 v43, v5  }
0x17e: {  	v50 =	vld [tilespmem:$0x1FF80];
	v41 =	vadd.f32 v52, v25;
	v53 =	vnsel vm6, $0x0, v25;
	v25 =	vmov s7  }
0x17f: {  	v44 =	vadd.f32 v53, v22;
	vm8 =	veq.s32 v25, v15;
	vm6 =	veq.s32 v25, v18  }
0x180: {  	vm4 =	veq.s32 v25, v17;
	vm3 =	veq.s32 v25, v16;
	v56 =	vnsel vm8, $0x0, v39  }
0x181: {  	v46 =	vnsel vm6, $0x0, v41;
	v48 =	vnsel vm4, $0x0, v57;
	v62 =	vnsel vm3, $0x0, v59  }
0x182: {  	v55 =	vld [tilespmem:$0x1FF90];
	v5 =	vsel vm8, $0x3F800000, v27;
	v6 =	vsel vm6, $0x3F800000, v27;
	v38 =	vsel vm4, $0x3F800000, v27  }
0x183: {  	(xrf2) =	vadd.scan.msk.f32 $0xffff, v28;
	vm7 =	vnez.u8 v50;
	v45 =	vadd.f32 v46, v56;
	v29 =	vadd.f32 v44, v29  }
0x184: {  	(xrf2) =	vadd.scan.msk.f32 $0xffff, v33;
	v33 =	vadd.f32 v6, v41;
	v41 =	vimm.s32 $0x0;
	v44 =	vsel vm5, $0x3F800000, v27;
	v46 =	vld [tilespmem:$0x1FF70]  }
0x185: {  	[tilespmem:$0x1FF20] =	vst v0;
	v51 =	vsel vm7, $0x3F800000, v27;
	v0 =	vsel vm5, $0xFFFFFFFF, v41;
	v45 =	vadd.f32 v45, v48;
	v22 =	vpop (erf)  }
0x186: {  	(xrf2) =	vadd.scan.msk.f32 $0xffff, v31;
	v63 =	vadd.f32 v29, v61;
	v29 =	vadd.f32 v5, v39;
	v39 =	vsel vm3, $0x3F800000, v27;
	v60 =	vpop (erf)  }
0x187: {  	(xrf2) =	vadd.scan.msk.f32 $0xffff, v34;
	s26 =	spop (v2sf);
	vm15 =	vnez.u8 v55;
	v31 =	vadd.f32 v39, v59;
	v47 =	vadd.f32 $1.000000000e+00, v60  }
0x188: {  	s7 =	sxor.u32 $0x7FFFFFFF, s26;
	v56 =	vsel vm15, $0x3F800000, v27;
	v4 =	vadd.f32 v45, v62;
	v34 =	vadd.f32 v44, v29  }
0x189: {  	s7 =	sadd.s32 $0x1, s7;
	v45 =	vnsel vm5, $0x0, v29;
	vm5 =	vnez.u8 v46;
	(erf) = vrcp.f32 v47  }
0x18a: {  	(xrf2) =	vadd.scan.msk.f32 $0xffff, v37;
	v29 =	vmov s7;
	v47 =	vsel vm5, $0x3F800000, v27;
	(erf) = vpow2.f32 v26  }
0x18b: {  	(xrf2) =	vadd.scan.msk.f32 $0xffff, v36;
	vm1 =	veq.s32 v29, v15;
	v26 =	vadd.f32 v38, v57;
	v48 =	vadd.f32 v47, v33  }
0x18c: {  	(xrf2) =	vadd.scan.msk.f32 $0xffff, v32;
	vm2 =	veq.s32 v29, v18;
	v52 =	vnsel vm1, $0x0, v34;
	v33 =	vnsel vm5, $0x0, v33  }
0x18d: {  	(xrf2) =	vadd.scan.msk.f32 $0xffff, v35;
	v49 =	vadd.f32 v33, v45;
	v53 =	vnsel vm2, $0x0, v48;
	v54 =	vadd.f32 v51, v26  }
0x18e: {  	v37, _, _ =	vpop (xrf2);
	(xrf2) =	vadd.scan.msk.f32 $0xffff, v40;
	v26 =	vnsel vm7, $0x0, v26;
	vm7 =	veq.s32 v29, v17;
	v18 =	vadd.f32 v53, v52  }
0x18f: {  	(xrf2) =	vadd.scan.msk.f32 $0xffff, v42;
	v58 =	vadd.f32 v56, v31;
	v38, _, _ =	vpop (xrf2);
	v57 =	vadd.f32 v49, v26;
	v59 =	vnsel vm7, $0x0, v54  }
0x190: {  	(xrf2) =	vadd.scan.msk.f32 $0xffff, v43;
	v60 =	vnsel vm15, $0x0, v31;
	vm5 =	veq.s32 v29, v16;
	v32, _, _ =	vpop (xrf2);
	v18 =	vadd.f32 v18, v59  }
0x191: {  	[tilespmem:$0x1FF60] =	vst v0;
	(xrf2) =	vadd.scan.msk.f32 $0xffff, v63;
	v0 =	vnsel vm5, $0x0, v58;
	v39, _, _ =	vpop (xrf2);
	v62 =	vadd.f32 v57, v60  }
0x192: {  	(xrf2) =	vadd.scan.msk.f32 $0xffff, v4;
	v18 =	vadd.f32 v18, v0;
	v15 =	vpop (erf)  }
0x193: {  	(xrf2) =	vadd.scan.msk.f32 $0xffff, v62;
	v61 =	vpop (erf)  }
0x194: {  	v30, _, _ =	vpop (xrf2);
	(xrf2) =	vadd.scan.msk.f32 $0xffff, v18;
	v63 =	vadd.f32 $1.000000000e+00, v61  }
0x195: {  	v33, _, _ =	vpop (xrf2)  }
0x196: {  	v17, _, _ =	vpop (xrf2);
	(erf) = vrcp.f32 v63  }
0x197: {  	v31, _, _ =	vpop (xrf2)  }
0x198: {  	v1 =	vsel vm1, $0x3F800000, v27;
	v4 =	vsel vm7, $0x3F800000, v27;
	v18, _, _ =	vpop (xrf2)  }
0x199: {  	v2 =	vsel vm2, $0x3F800000, v27;
	v16 =	vadd.f32 v1, v34;
	v36 =	vadd.f32 v4, v54;
	v34, _, _ =	vpop (xrf2)  }
0x19a: {  	v3 =	vadd.f32 v2, v48;
	v26, _, _ =	vpop (xrf2)  }
0x19b: {  	v5 =	vsel vm5, $0x3F800000, v27;
	[tilespmem:$0x800] =	vst v16;
	v35, _, _ =	vpop (xrf2)  }
0x19c: {  	v40 =	vadd.f32 v5, v58;
	[tilespmem:$0x810] =	vst v3;
	v27, _, _ =	vpop (xrf2)  }
0x19d: {  	s28 =	sshll.u32 s5, $0x6;
	[tilespmem:$0x820] =	vst v36;
	v36, _, _ =	vpop (xrf2)  }
0x19e: {  	s29 =	simm.s32 $0x800;
	s7 =	sadd.s32 s28, s6;
	[tilespmem:$0x830] =	vst v40;
	v28, _, _ =	vpop (xrf2)  }
0x19f: {  	[spmem:s7] =	stream.linear.scatter [tilespmem:s29], [sflag:$0x1], $0x40, $0x38;
	v16 =	vpop (erf);
	[tilespmem:$0xCC0] =	vst v63  }
0x1a0: {  	_ =	swait.ge [sflag:s3], $0x40  }
0x1a1: {  	[sflag:s3] =	ssyncset.done $0x0  }
0x1a2: {  	[sflag:s3] =	ssyncadd.s32 $0xFFFFFFC0  }
0x1a3: {  	s30 =	simm.s32 $0x880;
	[bflag:$0x0] =	sbarrier.arrive $0xFFFF  }
0x1a4: {  	[tilespmem:s30], [sflag:$0x1] =	stream.linear.gather [spmem:s6], $0x400, $0x38;
	[tilespmem:$0xCC0] =	vst v63  }
0x1a5: {  	_ =	swait.ge [sflag:s3], $0x400  }
0x1a6: {  	[sflag:s3] =	ssyncset.done $0x0  }
0x1a7: {  	[sflag:s3] =	ssyncadd.s32 $0xFFFFFC00  }
0x1a8: {  	v6 =	vld [tilespmem:$0x880]  }
0x1a9: {  	v41 =	vld [tilespmem:$0x890]  }
0x1aa: {  	v42 =	vld [tilespmem:$0x8A0]  }
0x1ab: {  	v43 =	vld [tilespmem:$0x8B0]  }
0x1ac: {  	v44 =	vld [tilespmem:$0x8C0]  }
0x1ad: {  	v45 =	vld [tilespmem:$0x8D0]  }
0x1ae: {  	v46 =	vld [tilespmem:$0x8E0]  }
0x1af: {  	v47 =	vld [tilespmem:$0x8F0]  }
0x1b0: {  	v48 =	vld [tilespmem:$0x900]  }
0x1b1: {  	v49 =	vld [tilespmem:$0x910]  }
0x1b2: {  	v50 =	vld [tilespmem:$0x920]  }
0x1b3: {  	v51 =	vld [tilespmem:$0x930]  }
0x1b4: {  	v52 =	vld [tilespmem:$0x940]  }
0x1b5: {  	v53 =	vld [tilespmem:$0x950]  }
0x1b6: {  	v54 =	vld [tilespmem:$0x960]  }
0x1b7: {  	v55 =	vld [tilespmem:$0x970]  }
0x1b8: {  	v56 =	vld [tilespmem:$0x980]  }
0x1b9: {  	v57 =	vld [tilespmem:$0x990]  }
0x1ba: {  	v58 =	vld [tilespmem:$0x9A0]  }
0x1bb: {  	v59 =	vld [tilespmem:$0x9B0]  }
0x1bc: {  	v60 =	vld [tilespmem:$0x9C0]  }
0x1bd: {  	v61 =	vld [tilespmem:$0x9D0]  }
0x1be: {  	v62 =	vld [tilespmem:$0x9E0]  }
0x1bf: {  	v63 =	vld [tilespmem:$0x9F0]  }
0x1c0: {  	p0 =	sne.s32 s5, $0x0;
	s6 =	simm.f32 $1.000000000e+00;
	v2 =	vld [tilespmem:$0xA00]  }
0x1c1: {  	p1 =	sgt.u32 s5, $0x1;
	s7 =	simm.f32 $1.000000000e+00;
	s6 =	simm.s32 @!p0 $0x0;
	v4 =	vld [tilespmem:$0xA10]  }
0x1c2: {  	s7 =	simm.s32 @!p1 $0x0;
	v3 =	vld [tilespmem:$0xA20];
	v40 =	vmul.f32 s6, v6  }
0x1c3: {  	v5 =	vld [tilespmem:$0xA30];
	v41 =	vmul.f32 s6, v41;
	v44 =	vmul.f32 s7, v44  }
0x1c4: {  	v1 =	vld [tilespmem:$0xA60];
	v42 =	vmul.f32 s6, v42;
	v43 =	vmul.f32 s6, v43  }
0x1c5: {  	s8 =	simm.f32 $1.000000000e+00;
	p1 =	sgt.u32 s5, $0x2;
	v0 =	vld [tilespmem:$0xA70];
	v45 =	vmul.f32 s7, v45;
	v46 =	vmul.f32 s7, v46;
	v40 =	vadd.f32 $0.0e+00, v40  }
0x1c6: {  	s8 =	simm.s32 @!p1 $0x0;
	v6 =	vld [tilespmem:$0xA40];
	v47 =	vmul.f32 s7, v47;
	v41 =	vadd.f32 $0.0e+00, v41;
	v42 =	vadd.f32 $0.0e+00, v42  }
0x1c7: {  	p1 =	sgt.u32 s5, $0x3;
	v48 =	vmul.f32 s8, v48;
	s6 =	simm.f32 $1.000000000e+00;
	v43 =	vadd.f32 $0.0e+00, v43;
	v40 =	vadd.f32 v44, v40;
	v44 =	vld [tilespmem:$0xA50]  }
0x1c8: {  	s6 =	simm.s32 @!p1 $0x0;
	v41 =	vadd.f32 v45, v41;
	v42 =	vadd.f32 v46, v42;
	v45 =	vmul.f32 s8, v49;
	v46 =	vld [tilespmem:$0xA80]  }
0x1c9: {  	v55 =	vmul.f32 s6, v55;
	v43 =	vadd.f32 v47, v43;
	v47 =	vmul.f32 s8, v50;
	v50 =	vld [tilespmem:$0xAA0]  }
0x1ca: {  	s7 =	simm.f32 $1.000000000e+00;
	p1 =	sgt.u32 s5, $0x4;
	v49 =	vmul.f32 s6, v52;
	v52 =	vld [tilespmem:$0xAB0];
	v41 =	vadd.f32 v45, v41;
	v45 =	vmul.f32 s8, v51  }
0x1cb: {  	s7 =	simm.s32 @!p1 $0x0;
	v40 =	vadd.f32 v48, v40;
	v48 =	vld [tilespmem:$0xA90];
	v42 =	vadd.f32 v47, v42;
	v47 =	vmul.f32 s6, v53  }
0x1cc: {  	p1 =	sgt.u32 s5, $0x5;
	v51 =	vmul.f32 s6, v54;
	s6 =	simm.f32 $1.000000000e+00;
	v53 =	vmul.f32 s7, v58;
	v54 =	vld [tilespmem:$0xAE0];
	v43 =	vadd.f32 v45, v43  }
0x1cd: {  	s6 =	simm.s32 @!p1 $0x0;
	v40 =	vadd.f32 v49, v40;
	v49 =	vld [tilespmem:$0xAC0];
	v41 =	vadd.f32 v47, v41;
	v47 =	vmul.f32 s7, v56  }
0x1ce: {  	v42 =	vadd.f32 v51, v42;
	v51 =	vld [tilespmem:$0xAD0];
	v45 =	vmul.f32 s7, v57;
	v60 =	vmul.f32 s6, v60  }
0x1cf: {  	v56 =	vld [tilespmem:$0xAF0];
	v61 =	vmul.f32 s6, v61;
	v62 =	vmul.f32 s6, v62  }
0x1d0: {  	p1 =	sgt.u32 s5, $0x6;
	v57 =	vld [tilespmem:$0xB20];
	v43 =	vadd.f32 v55, v43;
	v40 =	vadd.f32 v47, v40;
	v47 =	vmul.f32 s7, v59;
	s7 =	simm.f32 $1.000000000e+00  }
0x1d1: {  	v63 =	vmul.f32 s6, v63;
	v41 =	vadd.f32 v45, v41;
	v42 =	vadd.f32 v53, v42;
	v53 =	vld [tilespmem:$0xB00];
	s7 =	simm.s32 @!p1 $0x0  }
0x1d2: {  	s6 =	simm.f32 $1.000000000e+00;
	v55 =	vld [tilespmem:$0xB10];
	p1 =	sgt.u32 s5, $0x7;
	v43 =	vadd.f32 v47, v43;
	v40 =	vadd.f32 v60, v40;
	v2 =	vmul.f32 s7, v2  }
0x1d3: {  	v45 =	vld [tilespmem:$0xBC0];
	v41 =	vadd.f32 v61, v41;
	v4 =	vmul.f32 s7, v4;
	v3 =	vmul.f32 s7, v3;
	s6 =	simm.s32 @!p1 $0x0  }
0x1d4: {  	v42 =	vadd.f32 v62, v42;
	v47 =	vld [tilespmem:$0xB30];
	v5 =	vmul.f32 s7, v5;
	v6 =	vmul.f32 s6, v6  }
0x1d5: {  	p1 =	sgt.u32 s5, $0x8;
	s7 =	simm.f32 $1.000000000e+00;
	v59 =	vmul.f32 s6, v44;
	v1 =	vmul.f32 s6, v1;
	v44 =	vld [tilespmem:$0xB70];
	v43 =	vadd.f32 v63, v43  }
0x1d6: {  	s7 =	simm.s32 @!p1 $0x0;
	v0 =	vmul.f32 s6, v0;
	v2 =	vadd.f32 v2, v40;
	v40 =	vld [tilespmem:$0xB40];
	v4 =	vadd.f32 v4, v41  }
0x1d7: {  	p1 =	sgt.u32 s5, $0x9;
	s6 =	simm.f32 $1.000000000e+00;
	v3 =	vadd.f32 v3, v42;
	v41 =	vld [tilespmem:$0xB50];
	v60 =	vmul.f32 s7, v46;
	v61 =	vmul.f32 s7, v48  }
0x1d8: {  	v42 =	vld [tilespmem:$0xB80];
	s6 =	simm.s32 @!p1 $0x0;
	v62 =	vmul.f32 s7, v50;
	v63 =	vmul.f32 s7, v52;
	v5 =	vadd.f32 v5, v43  }
0x1d9: {  	v46 =	vld [tilespmem:$0xBA0];
	v52 =	vmul.f32 s6, v49;
	v2 =	vadd.f32 v6, v2;
	v4 =	vadd.f32 v59, v4  }
0x1da: {  	p1 =	sgt.u32 s5, $0xA;
	s7 =	simm.f32 $1.000000000e+00;
	v48 =	vld [tilespmem:$0xBD0];
	v58 =	vmul.f32 s6, v51;
	v1 =	vadd.f32 v1, v3;
	v0 =	vadd.f32 v0, v5  }
0x1db: {  	s7 =	simm.s32 @!p1 $0x0;
	v43 =	vld [tilespmem:$0xB60];
	v59 =	vmul.f32 s6, v54;
	v2 =	vadd.f32 v60, v2;
	v3 =	vadd.f32 v61, v4  }
0x1dc: {  	v6 =	vld [tilespmem:$0xB90];
	v1 =	vadd.f32 v62, v1;
	v60 =	vmul.f32 s6, v56;
	v61 =	vmul.f32 s7, v53  }
0x1dd: {  	v49 =	vld [tilespmem:$0xBB0];
	p1 =	sgt.u32 s5, $0xB;
	s6 =	simm.f32 $1.000000000e+00;
	v62 =	vmul.f32 s7, v55;
	v55 =	vmul.f32 s7, v47;
	v0 =	vadd.f32 v63, v0  }
0x1de: {  	v54 =	vld [tilespmem:$0xBE0];
	s6 =	simm.s32 @!p1 $0x0;
	v2 =	vadd.f32 v52, v2;
	v3 =	vadd.f32 v58, v3;
	v63 =	vmul.f32 s7, v57  }
0x1df: {  	v47 =	vld [tilespmem:$0xBF0];
	p1 =	sgt.u32 s5, $0xC;
	v1 =	vadd.f32 v59, v1;
	v40 =	vmul.f32 s6, v40;
	s7 =	simm.f32 $1.000000000e+00;
	v56 =	vmul.f32 s6, v41  }
0x1e0: {  	v41 =	vld [tilespmem:$0xC00];
	v59 =	vmul.f32 s6, v44;
	s7 =	simm.s32 @!p1 $0x0;
	v57 =	vmul.f32 s6, v43;
	v0 =	vadd.f32 v60, v0  }
0x1e1: {  	v58 =	vld [tilespmem:$0xC10];
	p1 =	sgt.u32 s5, $0xD;
	s6 =	simm.f32 $1.000000000e+00;
	v2 =	vadd.f32 v61, v2;
	v42 =	vmul.f32 s7, v42;
	v61 =	vmul.f32 s7, v6  }
0x1e2: {  	v52 =	vld [tilespmem:$0xC50];
	v3 =	vadd.f32 v62, v3;
	v62 =	vmul.f32 s7, v46;
	s6 =	simm.s32 @!p1 $0x0;
	v46 =	vmul.f32 s7, v49  }
0x1e3: {  	v1 =	vadd.f32 v63, v1;
	v60 =	vld [tilespmem:$0xC20];
	v50 =	vmul.f32 s6, v45;
	v53 =	vmul.f32 s6, v48  }
0x1e4: {  	v63 =	vld [tilespmem:$0xC30];
	s7 =	simm.f32 $1.000000000e+00;
	p1 =	seq.s32 s5, $0xF;
	v54 =	vmul.f32 s6, v54;
	v0 =	vadd.f32 v55, v0;
	v2 =	vadd.f32 v40, v2  }
0x1e5: {  	v49 =	vld [tilespmem:$0xC40];
	s7 =	simm.s32 @!p1 $0x0;
	v3 =	vadd.f32 v56, v3;
	v1 =	vadd.f32 v57, v1;
	v56 =	vmul.f32 s6, v47  }
0x1e6: {  	v55 =	vld [tilespmem:$0xC60];
	v41 =	vmul.f32 s7, v41;
	v0 =	vadd.f32 v59, v0;
	v2 =	vadd.f32 v42, v2  }
0x1e7: {  	v57 =	vld [tilespmem:$0xC70];
	v58 =	vmul.f32 s7, v58;
	v3 =	vadd.f32 v61, v3;
	v1 =	vadd.f32 v62, v1  }
0x1e8: {  	v62 =	vmul.f32 $0.0e+00, v52;
	v0 =	vadd.f32 v46, v0;
	v2 =	vadd.f32 v50, v2;
	v46 =	vld [tilespmem:$0x1FC70]  }
0x1e9: {  	v47 =	vld [tilespmem:$0x1FC80];
	v59 =	vmul.f32 s7, v60;
	v60 =	vmul.f32 s7, v63;
	v3 =	vadd.f32 v53, v3  }
0x1ea: {  	v48 =	vld [tilespmem:$0x1FC90];
	v61 =	vmul.f32 $0.0e+00, v49;
	v1 =	vadd.f32 v54, v1;
	v2 =	vadd.f32 v41, v2  }
0x1eb: {  	v49 =	vld [tilespmem:$0x1FCA0];
	v63 =	vmul.f32 $0.0e+00, v55;
	v0 =	vadd.f32 v56, v0;
	v3 =	vadd.f32 v58, v3  }
0x1ec: {  	v50 =	vld [tilespmem:$0x1FCB0];
	v45 =	vmul.f32 $0.0e+00, v57;
	v1 =	vadd.f32 v59, v1;
	v4 =	vadd.f32 v61, v2  }
0x1ed: {  	v51 =	vld [tilespmem:$0x1FCC0];
	v0 =	vadd.f32 v60, v0;
	v43 =	vadd.f32 v62, v3;
	vm15 =	vnez.u8 v46  }
0x1ee: {  	v52 =	vld [tilespmem:$0x1FCD0];
	v41 =	vadd.f32 v63, v1;
	v1 =	vnsel vm15, $0x0, v4;
	vm15 =	vnez.u8 v47  }
0x1ef: {  	v53 =	vld [tilespmem:$0x1FCE0];
	v3 =	vnsel vm15, $0x0, v4;
	vm15 =	vnez.u8 v48  }
0x1f0: {  	v54 =	vld [tilespmem:$0x1FCF0];
	v40 =	vadd.f32 v45, v0;
	v0 =	vnsel vm15, $0x0, v43;
	vm15 =	vnez.u8 v49  }
0x1f1: {  	v55 =	vld [tilespmem:$0x1FD00];
	v2 =	vnsel vm15, $0x0, v43;
	vm15 =	vnez.u8 v50  }
0x1f2: {  	v56 =	vld [tilespmem:$0x1FD10];
	v5 =	vnsel vm15, $0x0, v41;
	vm15 =	vnez.u8 v51  }
0x1f3: {  	v57 =	vld [tilespmem:$0x1FD20];
	v6 =	vnsel vm15, $0x0, v41;
	vm15 =	vnez.u8 v52  }
0x1f4: {  	v58 =	vld [tilespmem:$0x1FD30];
	v42 =	vnsel vm15, $0x0, v40;
	vm15 =	vnez.u8 v53  }
0x1f5: {  	v59 =	vld [tilespmem:$0x1FD40];
	v0 =	vadd.f32 v0, v1;
	v44 =	vnsel vm15, $0x0, v40;
	vm15 =	vnez.u8 v54  }
0x1f6: {  	v60 =	vld [tilespmem:$0x1FD50];
	v2 =	vadd.f32 v2, v3;
	v45 =	vnsel vm15, $0x0, v4;
	vm15 =	vnez.u8 v55  }
0x1f7: {  	v61 =	vld [tilespmem:$0x1FD60];
	v0 =	vadd.f32 v5, v0;
	v46 =	vnsel vm15, $0x0, v4;
	vm15 =	vnez.u8 v56  }
0x1f8: {  	v63 =	vld [tilespmem:$0x1FD70];
	v2 =	vadd.f32 v6, v2;
	v1 =	vnsel vm15, $0x0, v43;
	vm15 =	vnez.u8 v57  }
0x1f9: {  	v0 =	vadd.f32 v42, v0;
	v47 =	vnsel vm15, $0x0, v43;
	vm15 =	vnez.u8 v58  }
0x1fa: {  	v3 =	vnsel vm15, $0x0, v41;
	vm15 =	vnez.u8 v59;
	v62 =	vadd.f32 v47, v46;
	v47 =	vld [tilespmem:$0x1FD80]  }
0x1fb: {  	v50 =	vld [tilespmem:$0x1FD90];
	v1 =	vadd.f32 v1, v45;
	v48 =	vnsel vm15, $0x0, v41;
	vm15 =	vnez.u8 v60  }
0x1fc: {  	v53 =	vld [tilespmem:$0x1FDA0];
	v2 =	vadd.f32 v44, v2;
	v5 =	vnsel vm15, $0x0, v4;
	vm15 =	vnez.u8 v61  }
0x1fd: {  	(xrf2) =	vadd.scan.msk.f32 $0xffff, v0;
	v1 =	vadd.f32 v3, v1;
	v6 =	vnsel vm15, $0x0, v43;
	vm15 =	vnez.u8 v63  }
0x1fe: {  	(xrf2) =	vadd.scan.msk.f32 $0xffff, v2;
	v45 =	vnsel vm15, $0x0, v40  }
0x1ff: {  	v46 =	vadd.f32 v6, v5;
	vm15 =	vnez.u8 v47;
	v51 =	vadd.f32 v45, v1  }
0x200: {  	v49 =	vadd.f32 v48, v62;
	v5 =	vnsel vm15, $0x0, v41;
	vm15 =	vnez.u8 v50  }
0x201: {  	v42 =	vnsel vm15, $0x0, v40;
	v52 =	vadd.f32 v5, v46;
	vm15 =	vnez.u8 v53;
	(xrf2) =	vadd.scan.msk.f32 $0xffff, v51  }
0x202: {  	v3 =	vnsel vm15, $0x0, v40;
	v54 =	vadd.f32 v42, v49  }
0x203: {  	v55 =	vadd.f32 v3, v52  }
0x204: {  	v57 =	vld [tilespmem:$0x1FDB0];
	(xrf2) =	vadd.scan.msk.f32 $0xffff, v54  }
0x205: {  	(xrf2) =	vadd.scan.msk.f32 $0xffff, v55;
	_ =	sdelay $0x1  }
0x206: {  	v56, _, _ =	vpop (xrf2)  }
0x207: {  	v58, _, _ =	vpop (xrf2)  }
0x208: {  	v44 =	vld [tilespmem:$0x1FDC0];
	v0 =	vadd.f32 v56, v57;
	v1 =	vadd.f32 v58, v37;
	_ =	sdelay $0x1  }
0x209: {  	v45 =	vld [tilespmem:$0x1FDD0];
	v0 =	vbroadcast v0, $0xF;
	v1 =	vbroadcast v1, $0xF;
	v59, _, _ =	vpop (xrf2)  }
0x20a: {  	v8 =	vcvt.s32.f32 v8;
	v46 =	vld [tilespmem:$0x1FDE0];
	v2 =	vadd.f32 v59, v38  }
0x20b: {  	v10 =	vcvt.s32.f32 v10;
	v47 =	vld [tilespmem:$0x1FDF0];
	vm0 =	vlt.f32 v0, $1.600000000e+01;
	vm15 =	vlt.f32 v1, $1.600000000e+01  }
0x20c: {  	v48 =	vld [tilespmem:$0x1FE00];
	v42, _, _ =	vpop (xrf2);
	v61 =	vbroadcast v2, $0xF;
	v2 =	vnsel vm15, $0x437F0000, v1;
	vm15 =	vnez.u8 v44  }
0x20d: {  	v12 =	vcvt.s32.f32 v12;
	v49 =	vld [tilespmem:$0x1FE10];
	v38 =	vnsel vm0, $0x437F0000, v0;
	v60, _, _ =	vpop (xrf2);
	v1 =	vnsel vm15, $0x0, v4  }
0x20e: {  	v50 =	vld [tilespmem:$0x1FE20];
	vm15 =	vnez.u8 v45;
	v62 =	vadd.f32 v60, v39;
	vm0 =	vlt.f32 v61, $1.600000000e+01  }
0x20f: {  	v51 =	vld [tilespmem:$0x1FE30];
	v3 =	vnsel vm15, $0x0, v43;
	vm15 =	vnez.u8 v46;
	v39 =	vnsel vm0, $0x437F0000, v61  }
0x210: {  	v53 =	vld [tilespmem:$0x1FE50];
	v5 =	vnsel vm15, $0x0, v41;
	vm15 =	vnez.u8 v47;
	v1 =	vadd.f32 v3, v1  }
0x211: {  	v52 =	vld [tilespmem:$0x1FE40];
	v63 =	vbroadcast v62, $0xF;
	v6 =	vnsel vm15, $0x0, v40;
	vm15 =	vnez.u8 v48  }
0x212: {  	v3 =	vnsel vm13, $0x0, v40;
	v62 =	vld [tilespmem:$0x1FEE0];
	v0 =	vnsel vm15, $0x0, v4;
	vm15 =	vnez.u8 v49  }
0x213: {  	v54 =	vld [tilespmem:$0x1FE60];
	v1 =	vadd.f32 v5, v1;
	v5 =	vnsel vm12, $0x0, v43;
	vm0 =	vlt.f32 v63, $1.600000000e+01  }
0x214: {  	v55 =	vld [tilespmem:$0x1FE70];
	v44 =	vnsel vm15, $0x0, v4;
	vm15 =	vnez.u8 v50;
	v37 =	vnsel vm0, $0x437F0000, v63  }
0x215: {  	v56 =	vld [tilespmem:$0x1FE80];
	v45 =	vnsel vm15, $0x0, v43;
	vm15 =	vnez.u8 v51;
	v1 =	vadd.f32 v6, v1  }
0x216: {  	v57 =	vld [tilespmem:$0x1FE90];
	v46 =	vnsel vm15, $0x0, v43;
	vm15 =	vnez.u8 v52;
	v0 =	vadd.f32 v45, v0  }
0x217: {  	v58 =	vld [tilespmem:$0x1FEA0];
	v47 =	vnsel vm15, $0x0, v41;
	vm15 =	vnez.u8 v53;
	vm13 =	vnez.u8 v62  }
0x218: {  	v59 =	vld [tilespmem:$0x1FEB0];
	v44 =	vadd.f32 v46, v44;
	v48 =	vnsel vm15, $0x0, v41;
	vm15 =	vnez.u8 v54  }
0x219: {  	v60 =	vld [tilespmem:$0x1FEC0];
	v46 =	vnsel vm10, $0x0, v41;
	v49 =	vnsel vm15, $0x0, v40;
	vm15 =	vnez.u8 v55  }
0x21a: {  	v61 =	vld [tilespmem:$0x1FED0];
	vm10 =	vmmov $0x1;
	v50 =	vnsel vm15, $0x0, v40;
	vm15 =	vnez.u8 v56  }
0x21b: {  	v0 =	vadd.f32 v47, v0;
	v51 =	vnsel vm15, $0x0, v4;
	vm15 =	vnez.u8 v57  }
0x21c: {  	v8 =	vnsel vm10, $0x0, v8;
	v52 =	vnsel vm15, $0x0, v4;
	vm15 =	vnez.u8 v58  }
0x21d: {  	v63 =	vld [tilespmem:$0x1FF00];
	v44 =	vadd.f32 v48, v44;
	v53 =	vnsel vm15, $0x0, v43;
	vm15 =	vnez.u8 v59  }
0x21e: {  	v48 =	vnsel vm9, $0x0, v40;
	v54 =	vnsel vm15, $0x0, v43;
	vm15 =	vnez.u8 v60;
	v60 =	vld [tilespmem:$0x1FEF0]  }
0x21f: {  	v62 =	vadd.f32 v53, v51;
	v55 =	vnsel vm15, $0x0, v41;
	vm15 =	vnez.u8 v61;
	v61 =	vld [tilespmem:$0x1FF10]  }
0x220: {  	v56 =	vnsel vm14, $0x0, v41;
	v0 =	vadd.f32 v49, v0;
	v44 =	vadd.f32 v50, v44  }
0x221: {  	v58 =	vnsel vm13, $0x0, v4;
	v59 =	vnsel vm11, $0x0, v4;
	v47 =	vadd.f32 v55, v62;
	v62 =	vld [tilespmem:$0x1FF40]  }
0x222: {  	v53 =	vnsel vm6, $0x0, v43;
	v5 =	vadd.f32 v5, v59;
	v57 =	vnsel vm15, $0x0, v40  }
0x223: {  	vm15 =	vnez.u8 v63;
	v63 =	vadd.f32 v54, v52;
	v54 =	vld [tilespmem:$0x1FF20];
	vm14 =	vnez.u8 v60  }
0x224: {  	v5 =	vadd.f32 v46, v5;
	v60 =	vnsel vm14, $0x0, v43;
	vm11 =	vnez.u8 v61;
	v61 =	vld [tilespmem:$0x1FF30]  }
0x225: {  	v52 =	vnsel vm8, $0x0, v4;
	v49 =	vadd.f32 v56, v63;
	v63 =	vadd.f32 v60, v58;
	v60 =	vld [tilespmem:$0x1FF50]  }
0x226: {  	v45 =	vnsel vm15, $0x0, v41;
	v47 =	vadd.f32 v57, v47;
	vm14 =	vnez.u8 v62;
	v62 =	vld [tilespmem:$0x1FF70]  }
0x227: {  	v56 =	vnsel vm4, $0x0, v41;
	v3 =	vadd.f32 v3, v49;
	v49 =	vnsel vm3, $0x0, v40;
	v58 =	vld [tilespmem:$0x1FF80]  }
0x228: {  	v6 =	vnsel vm11, $0x0, v40;
	vm12 =	vnez.u8 v54;
	vm11 =	vcmask $0x318  }
0x229: {  	v51 =	vnsel vm12, $0x0, v4;
	v45 =	vadd.f32 v45, v63;
	vm13 =	vnez.u8 v61  }
0x22a: {  	v54 =	vnsel vm14, $0x0, v41;
	v63 =	vadd.f32 v53, v52;
	v61 =	vld [tilespmem:$0x1FF60];
	v50 =	vnsel vm13, $0x0, v43  }
0x22b: {  	vm12 =	vcmask $0x718;
	v6 =	vadd.f32 v6, v45;
	v50 =	vadd.f32 v50, v51  }
0x22c: {  	(xrf2) =	vadd.scan.msk.f32 $0xffff, v1;
	vm15 =	vnez.u8 v60;
	vm6 =	vnez.u8 v62;
	vm8 =	vnez.u8 v58;
	v51 =	vld [tilespmem:$0x1FFC0]  }
0x22d: {  	(xrf2) =	vadd.scan.msk.f32 $0xffff, v0;
	v60 =	vadd.f32 v56, v63;
	v57 =	vnsel vm15, $0x0, v40;
	v59 =	vadd.f32 v54, v50;
	v50 =	vld [tilespmem:$0x1FFB0]  }
0x22e: {  	(xrf2) =	vadd.scan.msk.f32 $0xffff, v44;
	v46 =	vnsel vm6, $0x0, v43;
	v43 =	vnsel vm2, $0x0, v43;
	vm6 =	vcmask $0xB18;
	v54 =	vld [tilespmem:$0x1FFE0]  }
0x22f: {  	(xrf2) =	vadd.scan.msk.f32 $0xffff, v47;
	v63 =	vadd.f32 v49, v60;
	vm4 =	vnez.u8 v61;
	v61 =	vadd.f32 v48, v5;
	v48 =	vld [tilespmem:$0x1FF90]  }
0x230: {  	(xrf2) =	vadd.scan.msk.f32 $0xffff, v3;
	v60 =	vcvt.s32.f32 v14;
	v55 =	vnsel vm4, $0x0, v4;
	v4 =	vnsel vm1, $0x0, v4  }
0x231: {  	v56 =	vld [tilespmem:$0x1FFF0];
	(xrf2) =	vadd.scan.msk.f32 $0xffff, v6;
	v1 =	vadd.f32 v57, v59;
	v59 =	vnsel vm10, $0x0, v10;
	v55 =	vadd.f32 v46, v55  }
0x232: {  	v46 =	vnsel vm8, $0x0, v41;
	(xrf2) =	vadd.scan.msk.f32 $0xffff, v61;
	v4 =	vadd.f32 v43, v4;
	v3 =	vcvt.s32.f32 v50  }
0x233: {  	v49 =	vld [tilespmem:$0x1FFA0];
	(xrf2) =	vadd.scan.msk.f32 $0xffff, v1;
	v62 =	vadd.f32 v46, v55;
	v46 =	vcvt.s32.f32 v51;
	v47 =	vcvt.s32.f32 v54  }
0x234: {  	(xrf2) =	vadd.scan.msk.f32 $0xffff, v63;
	v63 =	vcvt.s32.f32 v21;
	v50 =	vcvt.s32.f32 v25;
	vm9 =	vnez.u8 v48  }
0x235: {  	v51 =	vcvt.s32.f32 v29;
	v48 =	vcvt.s32.f32 v24;
	v45 =	vnsel vm9, $0x0, v40  }
0x236: {  	v53 =	vld [tilespmem:$0x1FFD0];
	v55 =	vnsel vm10, $0x0, v3;
	v3 =	vcvt.s32.f32 v56;
	v57 =	vnsel vm10, $0x0, v46  }
0x237: {  	v58 =	vnsel vm10, $0x0, v47;
	v47 =	vcvt.s32.f32 v23;
	v8 =	vsel vm11, v8, v50  }
0x238: {  	v56 =	vnsel vm7, $0x0, v41;
	v5 =	vadd.f32 v45, v62;
	v45 =	vcvt.s32.f32 v49  }
0x239: {  	v62 =	vcvt.s32.f32 v19;
	v0 =	vsel vm11, v55, v60;
	v4 =	vadd.f32 v56, v4  }
0x23a: {  	v3 =	vnsel vm10, $0x0, v3;
	v21 =	vsel vm11, v58, v47;
	v0 =	vsel vm12, v0, v39  }
0x23b: {  	v61, _, _ =	vpop (xrf2);
	v47 =	vsub.f32 $1.000000000e+00, v11;
	v52 =	vnsel vm10, $0x0, v45;
	v45 =	vcvt.s32.f32 v53  }
0x23c: {  	v46, _, _ =	vpop (xrf2);
	v1 =	vsel vm11, v57, v62;
	v3 =	vsel vm11, v3, v48;
	v53 =	vadd.f32 v42, v32  }
0x23d: {  	(xrf2) =	vadd.scan.msk.f32 $0xffff, v5;
	v5 =	vsel vm11, v59, v51;
	v10 =	vadd.f32 v46, v33;
	v46 =	vsub.f32 $1.000000000e+00, v9  }
0x23e: {  	v59 =	vnsel vm5, $0x0, v40;
	v48 =	vsub.f32 $1.000000000e+00, v13;
	v51 =	vsub.f32 $1.000000000e+00, v20  }
0x23f: {  	v49, _, _ =	vpop (xrf2);
	v6 =	vsel vm11, v52, v12;
	v12 =	vadd.f32 v61, v30;
	v4 =	vadd.f32 v59, v4  }
0x240: {  	v39 =	vadd.f32 v49, v17;
	v45 =	vnsel vm10, $0x0, v45;
	v10 =	vbroadcast v10, $0xF  }
0x241: {  	v1 =	vsel vm12, v1, v37;
	v6 =	vsel vm12, v6, v38;
	v19 =	vsel vm11, v45, v63  }
0x242: {  	v52, _, _ =	vpop (xrf2);
	v37 =	vbroadcast v12, $0xF;
	v12 =	vbroadcast v39, $0xF;
	vm13 =	vlt.f32 v10, $1.600000000e+01  }
0x243: {  	v2 =	vsel vm6, v6, v2;
	v54, _, _ =	vpop (xrf2);
	v23 =	vadd.f32 v52, v31;
	v10 =	vnsel vm13, $0x437F0000, v10  }
0x244: {  	v55, _, _ =	vpop (xrf2);
	v40 =	vadd.f32 v54, v18;
	vm8 =	vlt.f32 v37, $1.600000000e+01;
	vm9 =	vlt.f32 v12, $1.600000000e+01  }
0x245: {  	v54 =	vsub.f32 $1.000000000e+00, v22;
	v57, _, _ =	vpop (xrf2);
	v29 =	vadd.f32 v55, v34;
	v23 =	vbroadcast v23, $0xF  }
0x246: {  	v10 =	vsel vm12, v19, v10;
	v12 =	vnsel vm9, $0x437F0000, v12;
	v41 =	vadd.f32 v57, v26  }
0x247: {  	v58, _, _ =	vpop (xrf2);
	v6 =	vbroadcast v40, $0xF;
	v10 =	vsel vm6, v10, v12;
	v57 =	vsub.f32 $1.000000000e+00, v15  }
0x248: {  	v60, _, _ =	vpop (xrf2);
	v31 =	vadd.f32 v58, v35;
	v29 =	vbroadcast v29, $0xF;
	vm14 =	vlt.f32 v23, $1.600000000e+01  }
0x249: {  	(xrf2) =	vadd.scan.msk.f32 $0xffff, v4;
	v23 =	vnsel vm14, $0x437F0000, v23;
	v42 =	vadd.f32 v60, v27;
	v14 =	vbroadcast v41, $0xF  }
0x24a: {  	vm10 =	vlt.f32 v6, $1.600000000e+01;
	vm14 =	vcmask $0xF18;
	v60 =	vsub.f32 $1.000000000e+00, v16  }
0x24b: {  	v62 =	vbroadcast v31, $0xF;
	vm15 =	vlt.f32 v29, $1.600000000e+01;
	v34 =	vsel vm12, v21, v23  }
0x24c: {  	v61, _, _ =	vpop (xrf2);
	v6 =	vnsel vm10, $0x437F0000, v6;
	v2 =	vsel vm14, v2, v7;
	v7 =	vsub.f32 $1.000000000e+00, v7  }
0x24d: {  	v50 =	vsel vm14, v10, v13;
	v32 =	vadd.f32 v61, v36;
	v29 =	vnsel vm15, $0x437F0000, v29  }
0x24e: {  	v36 =	vbroadcast v53, $0xF;
	vm11 =	vlt.f32 v14, $1.600000000e+01;
	v6 =	vsel vm6, v34, v6  }
0x24f: {  	vm15 =	vcmask $0x1318;
	vm4 =	vlt.f32 v62, $1.600000000e+01;
	v3 =	vsel vm12, v3, v29  }
0x250: {  	v44 =	vnsel vm11, $0x437F0000, v14;
	v2 =	vsel vm15, v2, v7;
	v52 =	vsel vm15, v50, v48  }
0x251: {  	v53 =	vsel vm14, v6, v20;
	v63 =	vbroadcast v32, $0xF;
	v4 =	vnsel vm4, $0x437F0000, v62  }
0x252: {  	vm7 =	vlt.f32 v36, $1.600000000e+01;
	v3 =	vsel vm6, v3, v44;
	v55 =	vsel vm15, v53, v51  }
0x253: {  	v43, _, _ =	vpop (xrf2);
	v4 =	vsel vm12, v8, v4;
	v38 =	vnsel vm7, $0x437F0000, v36;
	v8 =	vnsel vm8, $0x437F0000, v37  }
0x254: {  	v17 =	vadd.f32 v43, v28;
	v56 =	vsel vm14, v3, v22;
	vm5 =	vlt.f32 v63, $1.600000000e+01  }
0x255: {  	v0 =	vsel vm6, v0, v38;
	v1 =	vsel vm6, v1, v8;
	v8 =	vbroadcast v42, $0xF  }
0x256: {  	[tilespmem:$0x400] =	vst v2;
	v58 =	vsel vm15, v56, v54;
	v35 =	vnsel vm5, $0x437F0000, v63;
	v17 =	vbroadcast v17, $0xF  }
0x257: {  	[tilespmem:$0x580] =	vst v52;
	v0 =	vsel vm14, v0, v9;
	v5 =	vsel vm12, v5, v35;
	vm12 =	vlt.f32 v8, $1.600000000e+01  }
0x258: {  	[tilespmem:$0x600] =	vst v55;
	v1 =	vsel vm14, v1, v11;
	v8 =	vnsel vm12, $0x437F0000, v8;
	vm13 =	vlt.f32 v17, $1.600000000e+01  }
0x259: {  	[tilespmem:$0x680] =	vst v58;
	v0 =	vsel vm15, v0, v46;
	v45 =	vnsel vm13, $0x437F0000, v17;
	v4 =	vsel vm6, v4, v8  }
0x25a: {  	v49 =	vsel vm15, v1, v47;
	[tilespmem:$0x480] =	vst v0;
	v5 =	vsel vm6, v5, v45;
	v59 =	vsel vm14, v4, v15  }
0x25b: {  	[tilespmem:$0x500] =	vst v49;
	v61 =	vsel vm14, v5, v16;
	v62 =	vsel vm15, v59, v57  }
0x25c: {  	s2 =	sadd.s32 s4, s2;
	v63 =	vsel vm15, v61, v60;
	[tilespmem:$0x700] =	vst v62  }
0x25d: {  	s2 =	sadd.s32 $0x800, s2;
	s31 =	simm.s32 $0x400;
	[tilespmem:$0x780] =	vst v63  }
0x25e: {  	[hbm4b:s2+s1] =	stream.linear.scatter [tilespmem:s31], [sflag:$0x1], $0x400, $0x38;
	[tilespmem:$0xCC0] =	vst v63  }
0x25f: {  	_ =	swait.ge [sflag:s3], $0x400  }
0x260: {  	[sflag:s3] =	ssyncset.done $0x0  }
0x261: {  	[sflag:s3] =	ssyncadd.s32 $0xFFFFFC00  }
0x262: {  	_ =	sfence.sel $0x180000  }
0x263: {  	[bflag:$0x0] =	sbarrier.arrive $0xFFFF  }
0x264: {  	_ =	strace $0x90000047  }
0x265: {  	s0 =	sadd.s32 @!p0 $0x100000, s0;
	[bflag:$0x2] =	sbarrier.arrive $0xFFFF  }
0x266: {  	[sflag:s0] =	ssyncadd.tile.s32 @!p0 $0x1;
	_ =	shalt  }
.Lfunc_end2:
_tile_overlayer_lowered:
.L_overlay_start_2:
0x267: {  	(tag) =	ssettag $0x2  }
0x268: {  	s0 =	rddreg [dreg:$0x0];
	s2 =	stileid.u32  }
0x269: {  	s1 =	rddreg [dreg:$0x1];
	p0 =	sne.s32 s2, $0x0  }
0x26a: {  	s3 =	rddreg [dreg:$0x2];
	[bflag:$0x3] =	sbarrier.arrive $0xFFFF;
	s2 =	simm.s32 @!p0 $0x1C01  }
0x26b: {  	[timem:s3], [sflag:s2] =	dma.local @!p0 [hbm:s0], s1  }
0x26c: {  	s0 =	simm.s32 @!p0 $0x1  }
0x26d: {  	_ =	swait.ge @!p0 [sflag:s0], s1  }
0x26e: {  	s1 =	ssub.s32 @!p0 $0x0, s1;
	[sflag:s0] =	ssyncset.done @!p0 $0x0  }
0x26f: {  	[sflag:s0] =	ssyncadd.s32 @!p0 s1  }
0x270: {  	[bflag:$0x3] =	sbarrier.arrive $0xFFFF  }
0x271: {  	_ =	shalt  }

</sc_bundles>
